<compile_context>
chip_gen: v7x
topology: tpu7x:2x2x1
jax: 0.10.2.dev20260603
libtpu: 0.0.44.dev20260713+nightly
codegen_flags: <defaults>
</compile_context>

<pallas_src>
import functools

import jax
import jax.numpy as jnp
from jax import lax
from jax.experimental import pallas as pl
from jax.experimental.pallas import tpu as pltpu
from jax.experimental.pallas import tpu_sc as plsc

BATCH = 16384
NUM_LEAVES = 512
NUM_GROUPS = 16
GROUP_SIZE = NUM_LEAVES // NUM_GROUPS

SC_ROWS = 4096
TC_ROWS = BATCH - SC_ROWS

NUM_CORES = 1
NUM_SUBCORES = 16
NUM_WORKERS = NUM_CORES * NUM_SUBCORES
ROWS_PER_WORKER = SC_ROWS // NUM_WORKERS

CHUNK = 64
NCHUNKS = ROWS_PER_WORKER // CHUNK
NBUF = 2

_mesh = plsc.VectorSubcoreMesh(core_axis_name="c", subcore_axis_name="s", num_cores=1)


@functools.partial(
    pl.kernel,
    mesh=_mesh,
    out_type=jax.ShapeDtypeStruct((SC_ROWS, NUM_GROUPS), jnp.float32),
    scratch_types=[
        pltpu.VMEM((NBUF, CHUNK, NUM_LEAVES), jnp.float32),
        pltpu.VMEM((CHUNK, NUM_GROUPS), jnp.float32),
        pltpu.SemaphoreType.DMA,
        pltpu.SemaphoreType.DMA,
    ],
)
def _sc_pool(x_hbm, out_hbm, xbuf, obuf, sem0, sem1):
    sems = (sem0, sem1)
    wid = lax.axis_index("s") * NUM_CORES + lax.axis_index("c")
    base = TC_ROWS + wid * ROWS_PER_WORKER

    def start_fetch(ci, buf_idx):
        @pl.when(ci < NCHUNKS)
        def _():
            pltpu.async_copy(
                x_hbm.at[pl.ds(base + ci * CHUNK, CHUNK)],
                xbuf.at[buf_idx],
                sems[buf_idx],
            )

    for b in range(NBUF):
        start_fetch(b, b)

    def compute_chunk(ci, buf_idx):
        pltpu.make_async_copy(
            x_hbm.at[pl.ds(0, CHUNK)], xbuf.at[buf_idx], sems[buf_idx]
        ).wait()

        def row_body(i, _):
            vals = [
                xbuf[buf_idx, i, pl.ds(16 * k, 16)] for k in range(GROUP_SIZE)
            ]
            while len(vals) > 1:
                vals = [
                    jnp.maximum(vals[2 * j], vals[2 * j + 1])
                    for j in range(len(vals) // 2)
                ]
            obuf[i] = vals[0]
            return 0

        lax.fori_loop(0, CHUNK, row_body, 0, unroll=4)

        start_fetch(ci + NBUF, buf_idx)
        pltpu.sync_copy(
            obuf, out_hbm.at[pl.ds(wid * ROWS_PER_WORKER + ci * CHUNK, CHUNK)]
        )

    for ci in range(NCHUNKS):
        compute_chunk(ci, ci % NBUF)


TC_BLK = 2048


def _tc_body(x_ref, o_ref):
    a = jnp.maximum(
        jnp.maximum(x_ref[:, 0:128], x_ref[:, 128:256]),
        jnp.maximum(x_ref[:, 256:384], x_ref[:, 384:512]),
    )
    a = jnp.maximum(a[:, 0:64], a[:, 64:128])
    a = jnp.maximum(a[:, 0:32], a[:, 32:64])
    o_ref[...] = jnp.maximum(a[:, 0:16], a[:, 16:32])


_tc_pool = pl.pallas_call(
    _tc_body,
    grid=(TC_ROWS // TC_BLK,),
    in_specs=[pl.BlockSpec((TC_BLK, NUM_LEAVES), lambda i: (i, 0))],
    out_specs=pl.BlockSpec((TC_BLK, NUM_GROUPS), lambda i: (i, 0)),
    out_shape=jax.ShapeDtypeStruct((TC_ROWS, NUM_GROUPS), jnp.float32),
)


def kernel(x):
    sc_out = _sc_pool(x)
    tc_out = _tc_pool(x)
    return jnp.concatenate([tc_out, sc_out], axis=0)

# --- scband reference (transcript-rebuilt; emitter-appended) ---
"""Pipeline reference for scband-max-pool-layer-14216341750424 (READ-ONLY COPY).

The authoritative reference and input builder live on the scoring server;
editing this copy changes nothing except your own understanding.
"""

import jax, jax.numpy as jnp
import numpy as np

LEAF_ACTIONS = np.array([i % 16 for i in range(512)], dtype=np.int64)
# Replicate torch module __init__: np.unique gives sorted unique actions;
# return_inverse maps each leaf column to its (sorted) group index.
_ACTIONS, _SEG_IDS = np.unique(LEAF_ACTIONS, return_inverse=True)
NUM_GROUPS = int(len(_ACTIONS))
SEG_IDS = jnp.asarray(_SEG_IDS.astype(np.int32))

BATCH = 16384
NUM_LEAVES = 512


def setup_inputs(seed: int = 0) -> dict:
    key = jax.random.key(seed)
    x = jax.random.normal(key, (BATCH, NUM_LEAVES), dtype=jnp.float32)
    return {"x": x}


def reference(x):
    # out[:, i] = max over columns j whose leaf action belongs to group i.
    # Equivalent to the torch loop: for each group g, out[:, g] = max(x[:, group], dim=1).
    # Implemented as a segment-max over the leaf (column) axis.
    out = jax.ops.segment_max(x.T, SEG_IDS, num_segments=NUM_GROUPS).T
    return out

if __name__ == "__main__":
    import jax
    _d = setup_inputs()
    print(jax.jit(kernel)(*tuple(_d.values())))

</pallas_src>

<mosaic_0001>
#map = affine_map<(d0, d1) -> (0, 0)>
module attributes {stable_mosaic.version = 14 : i64} {
  func.func @_sc_pool(%arg0: i32, %arg1: i32, %arg2: memref<16384x512xf32, #tpu.memory_space<hbm>>, %arg3: memref<4096x16xf32, #tpu.memory_space<hbm>>, %arg4: memref<2x64x512xf32, #tpu.memory_space<vmem>>, %arg5: memref<64x16xf32, #tpu.memory_space<vmem>>, %arg6: memref<!tpu.dma_semaphore, #tpu.memory_space<semaphore_mem>>, %arg7: memref<!tpu.dma_semaphore, #tpu.memory_space<semaphore_mem>>) attributes {dimension_semantics = [#tpu.dimension_semantics<core_parallel>, #tpu.dimension_semantics<subcore_parallel>], iteration_bounds = array<i64: 1, 16>, scalar_prefetch = 0 : i64, scratch_operands = 4 : i64, tpu.core_type = #tpu.core_type<sc_vector_subcore>, window_params = [{transform_indices = #map}, {transform_indices = #map}]} {
    %mul3A = arith.constant 1 : i32
    %mul3A_0 = arith.muli %arg1, %mul3A : i32
    %add3A = arith.addi %mul3A_0, %arg0 : i32
    %mul3A_1 = arith.constant 256 : i32
    %mul3A_2 = arith.muli %add3A, %mul3A_1 : i32
    %add3A_3 = arith.constant 12288 : i32
    %add3A_4 = arith.addi %add3A_3, %mul3A_2 : i32
    %add3A_5 = arith.constant 0 : i32
    %add3A_6 = arith.addi %add3A_4, %add3A_5 : i32
    %dma_start3A = arith.constant 0 : i32
    %dma_start3A_7 = arith.constant 0 : i32
    %dma_start3A_8 = arith.constant 0 : i32
    %dma_start3A_9 = tpu.memref_slice %arg4[%dma_start3A, %dma_start3A_7, %dma_start3A_8] : memref<2x64x512xf32, #tpu.memory_space<vmem>> -> memref<1x64x512xf32, #tpu.memory_space<vmem>>
    %dma_start3A_10 = tpu.memref_squeeze %dma_start3A_9 : memref<1x64x512xf32, #tpu.memory_space<vmem>> -> memref<64x512xf32, #tpu.memory_space<vmem>>
    %dma_start3A_11 = arith.constant 0 : i32
    %dma_start3A_12 = tpu.memref_slice %arg2[%add3A_6, %dma_start3A_11] : memref<16384x512xf32, #tpu.memory_space<hbm>> -> memref<64x512xf32, #tpu.memory_space<hbm>>
    %dma_start3A_13 = arith.constant 0 : i32
    %dma_start3A_14 = arith.constant 0 : i32
    %dma_start3A_15 = tpu.memref_slice %arg4[%dma_start3A, %dma_start3A_13, %dma_start3A_14] : memref<2x64x512xf32, #tpu.memory_space<vmem>> -> memref<1x64x512xf32, #tpu.memory_space<vmem>>
    %dma_start3A_16 = tpu.memref_squeeze %dma_start3A_15 : memref<1x64x512xf32, #tpu.memory_space<vmem>> -> memref<64x512xf32, #tpu.memory_space<vmem>>
    %dma_start3A_17 = arith.constant 0 : i32
    %dma_start3A_18 = tpu.memref_slice %arg2[%add3A_6, %dma_start3A_17] : memref<16384x512xf32, #tpu.memory_space<hbm>> -> memref<64x512xf32, #tpu.memory_space<hbm>>
    tpu.enqueue_dma source(%dma_start3A_18 : memref<64x512xf32, #tpu.memory_space<hbm>>) target(%dma_start3A_16 : memref<64x512xf32, #tpu.memory_space<vmem>>) target_semaphore(%arg6 : memref<!tpu.dma_semaphore, #tpu.memory_space<semaphore_mem>>)
    %add3A_19 = arith.constant 64 : i32
    %add3A_20 = arith.addi %add3A_4, %add3A_19 : i32
    %dma_start3A_21 = arith.constant 1 : i32
    %dma_start3A_22 = arith.constant 0 : i32
    %dma_start3A_23 = arith.constant 0 : i32
    %dma_start3A_24 = tpu.memref_slice %arg4[%dma_start3A_21, %dma_start3A_22, %dma_start3A_23] : memref<2x64x512xf32, #tpu.memory_space<vmem>> -> memref<1x64x512xf32, #tpu.memory_space<vmem>>
    %dma_start3A_25 = tpu.memref_squeeze %dma_start3A_24 : memref<1x64x512xf32, #tpu.memory_space<vmem>> -> memref<64x512xf32, #tpu.memory_space<vmem>>
    %dma_start3A_26 = arith.constant 0 : i32
    %dma_start3A_27 = tpu.memref_slice %arg2[%add3A_20, %dma_start3A_26] : memref<16384x512xf32, #tpu.memory_space<hbm>> -> memref<64x512xf32, #tpu.memory_space<hbm>>
    %dma_start3A_28 = arith.constant 0 : i32
    %dma_start3A_29 = arith.constant 0 : i32
    %dma_start3A_30 = tpu.memref_slice %arg4[%dma_start3A_21, %dma_start3A_28, %dma_start3A_29] : memref<2x64x512xf32, #tpu.memory_space<vmem>> -> memref<1x64x512xf32, #tpu.memory_space<vmem>>
    %dma_start3A_31 = tpu.memref_squeeze %dma_start3A_30 : memref<1x64x512xf32, #tpu.memory_space<vmem>> -> memref<64x512xf32, #tpu.memory_space<vmem>>
    %dma_start3A_32 = arith.constant 0 : i32
    %dma_start3A_33 = tpu.memref_slice %arg2[%add3A_20, %dma_start3A_32] : memref<16384x512xf32, #tpu.memory_space<hbm>> -> memref<64x512xf32, #tpu.memory_space<hbm>>
    tpu.enqueue_dma source(%dma_start3A_33 : memref<64x512xf32, #tpu.memory_space<hbm>>) target(%dma_start3A_31 : memref<64x512xf32, #tpu.memory_space<vmem>>) target_semaphore(%arg7 : memref<!tpu.dma_semaphore, #tpu.memory_space<semaphore_mem>>)
    %dma_wait3A = arith.constant 0 : i32
    %dma_wait3A_34 = arith.constant 0 : i32
    %dma_wait3A_35 = arith.constant 0 : i32
    %dma_wait3A_36 = tpu.memref_slice %arg4[%dma_wait3A, %dma_wait3A_34, %dma_wait3A_35] : memref<2x64x512xf32, #tpu.memory_space<vmem>> -> memref<1x64x512xf32, #tpu.memory_space<vmem>>
    %dma_wait3A_37 = tpu.memref_squeeze %dma_wait3A_36 : memref<1x64x512xf32, #tpu.memory_space<vmem>> -> memref<64x512xf32, #tpu.memory_space<vmem>>
    %dma_wait3A_38 = arith.constant 0 : i32
    %dma_wait3A_39 = arith.constant 0 : i32
    %dma_wait3A_40 = tpu.memref_slice %arg2[%dma_wait3A_38, %dma_wait3A_39] : memref<16384x512xf32, #tpu.memory_space<hbm>> -> memref<64x512xf32, #tpu.memory_space<hbm>>
    %dma_wait3A_41 = arith.constant 0 : i32
    %dma_wait3A_42 = arith.constant 0 : i32
    %dma_wait3A_43 = tpu.memref_slice %arg4[%dma_wait3A, %dma_wait3A_41, %dma_wait3A_42] : memref<2x64x512xf32, #tpu.memory_space<vmem>> -> memref<1x64x512xf32, #tpu.memory_space<vmem>>
    %dma_wait3A_44 = tpu.memref_squeeze %dma_wait3A_43 : memref<1x64x512xf32, #tpu.memory_space<vmem>> -> memref<64x512xf32, #tpu.memory_space<vmem>>
    %dma_wait3A_45 = arith.constant 0 : i32
    %dma_wait3A_46 = arith.constant 0 : i32
    %dma_wait3A_47 = tpu.memref_slice %arg2[%dma_wait3A_45, %dma_wait3A_46] : memref<16384x512xf32, #tpu.memory_space<hbm>> -> memref<64x512xf32, #tpu.memory_space<hbm>>
    tpu.wait_dma2 semaphore(%arg6 : memref<!tpu.dma_semaphore, #tpu.memory_space<semaphore_mem>>) src(%dma_wait3A_47 : memref<64x512xf32, #tpu.memory_space<hbm>>) dst(%dma_wait3A_44 : memref<64x512xf32, #tpu.memory_space<vmem>>)
    %scan3A = arith.constant 0 : i32
    %scan3A_48 = arith.constant 0 : i32
    %scan3A_49 = arith.constant 64 : i32
    %scan3A_50 = arith.addi %scan3A_48, %scan3A_49 : i32
    %scan3A_51 = arith.constant 4 : i32
    %scan3A_52 = scf.for %scan3A_166 = %scan3A_48 to %scan3A_50 step %scan3A_51 iter_args(%scan3A_167 = %scan3A) -> (i32)  : i32 {
      %get3A = arith.constant 0 : i32
      %get3A_168 = arith.index_cast %get3A : i32 to index
      %get3A_169 = arith.index_cast %scan3A_166 : i32 to index
      %get3A_170 = arith.constant 0 : index
      %get3A_171 = tpu.vector_load %arg4[%get3A_168, %get3A_169, %get3A_170] {strides = array<i32>} : memref<2x64x512xf32, #tpu.memory_space<vmem>>, vector<1x1x16xf32>,
      %get3A_172 = vector.shape_cast %get3A_171 : vector<1x1x16xf32> to vector<16xf32>
      %get3A_173 = arith.constant 0 : i32
      %get3A_174 = arith.index_cast %get3A_173 : i32 to index
      %get3A_175 = arith.index_cast %scan3A_166 : i32 to index
      %get3A_176 = arith.constant 16 : index
      %get3A_177 = tpu.vector_load %arg4[%get3A_174, %get3A_175, %get3A_176] {strides = array<i32>} : memref<2x64x512xf32, #tpu.memory_space<vmem>>, vector<1x1x16xf32>,
      %get3A_178 = vector.shape_cast %get3A_177 : vector<1x1x16xf32> to vector<16xf32>
      %get3A_179 = arith.constant 0 : i32
      %get3A_180 = arith.index_cast %get3A_179 : i32 to index
      %get3A_181 = arith.index_cast %scan3A_166 : i32 to index
      %get3A_182 = arith.constant 32 : index
      %get3A_183 = tpu.vector_load %arg4[%get3A_180, %get3A_181, %get3A_182] {strides = array<i32>} : memref<2x64x512xf32, #tpu.memory_space<vmem>>, vector<1x1x16xf32>,
      %get3A_184 = vector.shape_cast %get3A_183 : vector<1x1x16xf32> to vector<16xf32>
      %get3A_185 = arith.constant 0 : i32
      %get3A_186 = arith.index_cast %get3A_185 : i32 to index
      %get3A_187 = arith.index_cast %scan3A_166 : i32 to index
      %get3A_188 = arith.constant 48 : index
      %get3A_189 = tpu.vector_load %arg4[%get3A_186, %get3A_187, %get3A_188] {strides = array<i32>} : memref<2x64x512xf32, #tpu.memory_space<vmem>>, vector<1x1x16xf32>,
      %get3A_190 = vector.shape_cast %get3A_189 : vector<1x1x16xf32> to vector<16xf32>
      %get3A_191 = arith.constant 0 : i32
      %get3A_192 = arith.index_cast %get3A_191 : i32 to index
      %get3A_193 = arith.index_cast %scan3A_166 : i32 to index
      %get3A_194 = arith.constant 64 : index
      %get3A_195 = tpu.vector_load %arg4[%get3A_192, %get3A_193, %get3A_194] {strides = array<i32>} : memref<2x64x512xf32, #tpu.memory_space<vmem>>, vector<1x1x16xf32>,
      %get3A_196 = vector.shape_cast %get3A_195 : vector<1x1x16xf32> to vector<16xf32>
      %get3A_197 = arith.constant 0 : i32
      %get3A_198 = arith.index_cast %get3A_197 : i32 to index
      %get3A_199 = arith.index_cast %scan3A_166 : i32 to index
      %get3A_200 = arith.constant 80 : index
      %get3A_201 = tpu.vector_load %arg4[%get3A_198, %get3A_199, %get3A_200] {strides = array<i32>} : memref<2x64x512xf32, #tpu.memory_space<vmem>>, vector<1x1x16xf32>,
      %get3A_202 = vector.shape_cast %get3A_201 : vector<1x1x16xf32> to vector<16xf32>
      %get3A_203 = arith.constant 0 : i32
      %get3A_204 = arith.index_cast %get3A_203 : i32 to index
      %get3A_205 = arith.index_cast %scan3A_166 : i32 to index
      %get3A_206 = arith.constant 96 : index
      %get3A_207 = tpu.vector_load %arg4[%get3A_204, %get3A_205, %get3A_206] {strides = array<i32>} : memref<2x64x512xf32, #tpu.memory_space<vmem>>, vector<1x1x16xf32>,
      %get3A_208 = vector.shape_cast %get3A_207 : vector<1x1x16xf32> to vector<16xf32>
      %get3A_209 = arith.constant 0 : i32
      %get3A_210 = arith.index_cast %get3A_209 : i32 to index
      %get3A_211 = arith.index_cast %scan3A_166 : i32 to index
      %get3A_212 = arith.constant 112 : index
      %get3A_213 = tpu.vector_load %arg4[%get3A_210, %get3A_211, %get3A_212] {strides = array<i32>} : memref<2x64x512xf32, #tpu.memory_space<vmem>>, vector<1x1x16xf32>,
      %get3A_214 = vector.shape_cast %get3A_213 : vector<1x1x16xf32> to vector<16xf32>
      %get3A_215 = arith.constant 0 : i32
      %get3A_216 = arith.index_cast %get3A_215 : i32 to index
      %get3A_217 = arith.index_cast %scan3A_166 : i32 to index
      %get3A_218 = arith.constant 128 : index
      %get3A_219 = tpu.vector_load %arg4[%get3A_216, %get3A_217, %get3A_218] {strides = array<i32>} : memref<2x64x512xf32, #tpu.memory_space<vmem>>, vector<1x1x16xf32>,
      %get3A_220 = vector.shape_cast %get3A_219 : vector<1x1x16xf32> to vector<16xf32>
      %get3A_221 = arith.constant 0 : i32
      %get3A_222 = arith.index_cast %get3A_221 : i32 to index
      %get3A_223 = arith.index_cast %scan3A_166 : i32 to index
      %get3A_224 = arith.constant 144 : index
      %get3A_225 = tpu.vector_load %arg4[%get3A_222, %get3A_223, %get3A_224] {strides = array<i32>} : memref<2x64x512xf32, #tpu.memory_space<vmem>>, vector<1x1x16xf32>,
      %get3A_226 = vector.shape_cast %get3A_225 : vector<1x1x16xf32> to vector<16xf32>
      %get3A_227 = arith.constant 0 : i32
      %get3A_228 = arith.index_cast %get3A_227 : i32 to index
      %get3A_229 = arith.index_cast %scan3A_166 : i32 to index
      %get3A_230 = arith.constant 160 : index
      %get3A_231 = tpu.vector_load %arg4[%get3A_228, %get3A_229, %get3A_230] {strides = array<i32>} : memref<2x64x512xf32, #tpu.memory_space<vmem>>, vector<1x1x16xf32>,
      %get3A_232 = vector.shape_cast %get3A_231 : vector<1x1x16xf32> to vector<16xf32>
      %get3A_233 = arith.constant 0 : i32
      %get3A_234 = arith.index_cast %get3A_233 : i32 to index
      %get3A_235 = arith.index_cast %scan3A_166 : i32 to index
      %get3A_236 = arith.constant 176 : index
      %get3A_237 = tpu.vector_load %arg4[%get3A_234, %get3A_235, %get3A_236] {strides = array<i32>} : memref<2x64x512xf32, #tpu.memory_space<vmem>>, vector<1x1x16xf32>,
      %get3A_238 = vector.shape_cast %get3A_237 : vector<1x1x16xf32> to vector<16xf32>
      %get3A_239 = arith.constant 0 : i32
      %get3A_240 = arith.index_cast %get3A_239 : i32 to index
      %get3A_241 = arith.index_cast %scan3A_166 : i32 to index
      %get3A_242 = arith.constant 192 : index
      %get3A_243 = tpu.vector_load %arg4[%get3A_240, %get3A_241, %get3A_242] {strides = array<i32>} : memref<2x64x512xf32, #tpu.memory_space<vmem>>, vector<1x1x16xf32>,
      %get3A_244 = vector.shape_cast %get3A_243 : vector<1x1x16xf32> to vector<16xf32>
      %get3A_245 = arith.constant 0 : i32
      %get3A_246 = arith.index_cast %get3A_245 : i32 to index
      %get3A_247 = arith.index_cast %scan3A_166 : i32 to index
      %get3A_248 = arith.constant 208 : index
      %get3A_249 = tpu.vector_load %arg4[%get3A_246, %get3A_247, %get3A_248] {strides = array<i32>} : memref<2x64x512xf32, #tpu.memory_space<vmem>>, vector<1x1x16xf32>,
      %get3A_250 = vector.shape_cast %get3A_249 : vector<1x1x16xf32> to vector<16xf32>
      %get3A_251 = arith.constant 0 : i32
      %get3A_252 = arith.index_cast %get3A_251 : i32 to index
      %get3A_253 = arith.index_cast %scan3A_166 : i32 to index
      %get3A_254 = arith.constant 224 : index
      %get3A_255 = tpu.vector_load %arg4[%get3A_252, %get3A_253, %get3A_254] {strides = array<i32>} : memref<2x64x512xf32, #tpu.memory_space<vmem>>, vector<1x1x16xf32>,
      %get3A_256 = vector.shape_cast %get3A_255 : vector<1x1x16xf32> to vector<16xf32>
      %get3A_257 = arith.constant 0 : i32
      %get3A_258 = arith.index_cast %get3A_257 : i32 to index
      %get3A_259 = arith.index_cast %scan3A_166 : i32 to index
      %get3A_260 = arith.constant 240 : index
      %get3A_261 = tpu.vector_load %arg4[%get3A_258, %get3A_259, %get3A_260] {strides = array<i32>} : memref<2x64x512xf32, #tpu.memory_space<vmem>>, vector<1x1x16xf32>,
      %get3A_262 = vector.shape_cast %get3A_261 : vector<1x1x16xf32> to vector<16xf32>
      %get3A_263 = arith.constant 0 : i32
      %get3A_264 = arith.index_cast %get3A_263 : i32 to index
      %get3A_265 = arith.index_cast %scan3A_166 : i32 to index
      %get3A_266 = arith.constant 256 : index
      %get3A_267 = tpu.vector_load %arg4[%get3A_264, %get3A_265, %get3A_266] {strides = array<i32>} : memref<2x64x512xf32, #tpu.memory_space<vmem>>, vector<1x1x16xf32>,
      %get3A_268 = vector.shape_cast %get3A_267 : vector<1x1x16xf32> to vector<16xf32>
      %get3A_269 = arith.constant 0 : i32
      %get3A_270 = arith.index_cast %get3A_269 : i32 to index
      %get3A_271 = arith.index_cast %scan3A_166 : i32 to index
      %get3A_272 = arith.constant 272 : index
      %get3A_273 = tpu.vector_load %arg4[%get3A_270, %get3A_271, %get3A_272] {strides = array<i32>} : memref<2x64x512xf32, #tpu.memory_space<vmem>>, vector<1x1x16xf32>,
      %get3A_274 = vector.shape_cast %get3A_273 : vector<1x1x16xf32> to vector<16xf32>
      %get3A_275 = arith.constant 0 : i32
      %get3A_276 = arith.index_cast %get3A_275 : i32 to index
      %get3A_277 = arith.index_cast %scan3A_166 : i32 to index
      %get3A_278 = arith.constant 288 : index
      %get3A_279 = tpu.vector_load %arg4[%get3A_276, %get3A_277, %get3A_278] {strides = array<i32>} : memref<2x64x512xf32, #tpu.memory_space<vmem>>, vector<1x1x16xf32>,
      %get3A_280 = vector.shape_cast %get3A_279 : vector<1x1x16xf32> to vector<16xf32>
      %get3A_281 = arith.constant 0 : i32
      %get3A_282 = arith.index_cast %get3A_281 : i32 to index
      %get3A_283 = arith.index_cast %scan3A_166 : i32 to index
      %get3A_284 = arith.constant 304 : index
      %get3A_285 = tpu.vector_load %arg4[%get3A_282, %get3A_283, %get3A_284] {strides = array<i32>} : memref<2x64x512xf32, #tpu.memory_space<vmem>>, vector<1x1x16xf32>,
      %get3A_286 = vector.shape_cast %get3A_285 : vector<1x1x16xf32> to vector<16xf32>
      %get3A_287 = arith.constant 0 : i32
      %get3A_288 = arith.index_cast %get3A_287 : i32 to index
      %get3A_289 = arith.index_cast %scan3A_166 : i32 to index
      %get3A_290 = arith.constant 320 : index
      %get3A_291 = tpu.vector_load %arg4[%get3A_288, %get3A_289, %get3A_290] {strides = array<i32>} : memref<2x64x512xf32, #tpu.memory_space<vmem>>, vector<1x1x16xf32>,
      %get3A_292 = vector.shape_cast %get3A_291 : vector<1x1x16xf32> to vector<16xf32>
      %get3A_293 = arith.constant 0 : i32
      %get3A_294 = arith.index_cast %get3A_293 : i32 to index
      %get3A_295 = arith.index_cast %scan3A_166 : i32 to index
      %get3A_296 = arith.constant 336 : index
      %get3A_297 = tpu.vector_load %arg4[%get3A_294, %get3A_295, %get3A_296] {strides = array<i32>} : memref<2x64x512xf32, #tpu.memory_space<vmem>>, vector<1x1x16xf32>,
      %get3A_298 = vector.shape_cast %get3A_297 : vector<1x1x16xf32> to vector<16xf32>
      %get3A_299 = arith.constant 0 : i32
      %get3A_300 = arith.index_cast %get3A_299 : i32 to index
      %get3A_301 = arith.index_cast %scan3A_166 : i32 to index
      %get3A_302 = arith.constant 352 : index
      %get3A_303 = tpu.vector_load %arg4[%get3A_300, %get3A_301, %get3A_302] {strides = array<i32>} : memref<2x64x512xf32, #tpu.memory_space<vmem>>, vector<1x1x16xf32>,
      %get3A_304 = vector.shape_cast %get3A_303 : vector<1x1x16xf32> to vector<16xf32>
      %get3A_305 = arith.constant 0 : i32
      %get3A_306 = arith.index_cast %get3A_305 : i32 to index
      %get3A_307 = arith.index_cast %scan3A_166 : i32 to index
      %get3A_308 = arith.constant 368 : index
      %get3A_309 = tpu.vector_load %arg4[%get3A_306, %get3A_307, %get3A_308] {strides = array<i32>} : memref<2x64x512xf32, #tpu.memory_space<vmem>>, vector<1x1x16xf32>,
      %get3A_310 = vector.shape_cast %get3A_309 : vector<1x1x16xf32> to vector<16xf32>
      %get3A_311 = arith.constant 0 : i32
      %get3A_312 = arith.index_cast %get3A_311 : i32 to index
      %get3A_313 = arith.index_cast %scan3A_166 : i32 to index
      %get3A_314 = arith.constant 384 : index
      %get3A_315 = tpu.vector_load %arg4[%get3A_312, %get3A_313, %get3A_314] {strides = array<i32>} : memref<2x64x512xf32, #tpu.memory_space<vmem>>, vector<1x1x16xf32>,
      %get3A_316 = vector.shape_cast %get3A_315 : vector<1x1x16xf32> to vector<16xf32>
      %get3A_317 = arith.constant 0 : i32
      %get3A_318 = arith.index_cast %get3A_317 : i32 to index
      %get3A_319 = arith.index_cast %scan3A_166 : i32 to index
      %get3A_320 = arith.constant 400 : index
      %get3A_321 = tpu.vector_load %arg4[%get3A_318, %get3A_319, %get3A_320] {strides = array<i32>} : memref<2x64x512xf32, #tpu.memory_space<vmem>>, vector<1x1x16xf32>,
      %get3A_322 = vector.shape_cast %get3A_321 : vector<1x1x16xf32> to vector<16xf32>
      %get3A_323 = arith.constant 0 : i32
      %get3A_324 = arith.index_cast %get3A_323 : i32 to index
      %get3A_325 = arith.index_cast %scan3A_166 : i32 to index
      %get3A_326 = arith.constant 416 : index
      %get3A_327 = tpu.vector_load %arg4[%get3A_324, %get3A_325, %get3A_326] {strides = array<i32>} : memref<2x64x512xf32, #tpu.memory_space<vmem>>, vector<1x1x16xf32>,
      %get3A_328 = vector.shape_cast %get3A_327 : vector<1x1x16xf32> to vector<16xf32>
      %get3A_329 = arith.constant 0 : i32
      %get3A_330 = arith.index_cast %get3A_329 : i32 to index
      %get3A_331 = arith.index_cast %scan3A_166 : i32 to index
      %get3A_332 = arith.constant 432 : index
      %get3A_333 = tpu.vector_load %arg4[%get3A_330, %get3A_331, %get3A_332] {strides = array<i32>} : memref<2x64x512xf32, #tpu.memory_space<vmem>>, vector<1x1x16xf32>,
      %get3A_334 = vector.shape_cast %get3A_333 : vector<1x1x16xf32> to vector<16xf32>
      %get3A_335 = arith.constant 0 : i32
      %get3A_336 = arith.index_cast %get3A_335 : i32 to index
      %get3A_337 = arith.index_cast %scan3A_166 : i32 to index
      %get3A_338 = arith.constant 448 : index
      %get3A_339 = tpu.vector_load %arg4[%get3A_336, %get3A_337, %get3A_338] {strides = array<i32>} : memref<2x64x512xf32, #tpu.memory_space<vmem>>, vector<1x1x16xf32>,
      %get3A_340 = vector.shape_cast %get3A_339 : vector<1x1x16xf32> to vector<16xf32>
      %get3A_341 = arith.constant 0 : i32
      %get3A_342 = arith.index_cast %get3A_341 : i32 to index
      %get3A_343 = arith.index_cast %scan3A_166 : i32 to index
      %get3A_344 = arith.constant 464 : index
      %get3A_345 = tpu.vector_load %arg4[%get3A_342, %get3A_343, %get3A_344] {strides = array<i32>} : memref<2x64x512xf32, #tpu.memory_space<vmem>>, vector<1x1x16xf32>,
      %get3A_346 = vector.shape_cast %get3A_345 : vector<1x1x16xf32> to vector<16xf32>
      %get3A_347 = arith.constant 0 : i32
      %get3A_348 = arith.index_cast %get3A_347 : i32 to index
      %get3A_349 = arith.index_cast %scan3A_166 : i32 to index
      %get3A_350 = arith.constant 480 : index
      %get3A_351 = tpu.vector_load %arg4[%get3A_348, %get3A_349, %get3A_350] {strides = array<i32>} : memref<2x64x512xf32, #tpu.memory_space<vmem>>, vector<1x1x16xf32>,
      %get3A_352 = vector.shape_cast %get3A_351 : vector<1x1x16xf32> to vector<16xf32>
      %get3A_353 = arith.constant 0 : i32
      %get3A_354 = arith.index_cast %get3A_353 : i32 to index
      %get3A_355 = arith.index_cast %scan3A_166 : i32 to index
      %get3A_356 = arith.constant 496 : index
      %get3A_357 = tpu.vector_load %arg4[%get3A_354, %get3A_355, %get3A_356] {strides = array<i32>} : memref<2x64x512xf32, #tpu.memory_space<vmem>>, vector<1x1x16xf32>,
      %get3A_358 = vector.shape_cast %get3A_357 : vector<1x1x16xf32> to vector<16xf32>
      %max3A = arith.maximumf %get3A_172, %get3A_178 : vector<16xf32>
      %max3A_359 = arith.maximumf %get3A_184, %get3A_190 : vector<16xf32>
      %max3A_360 = arith.maximumf %get3A_196, %get3A_202 : vector<16xf32>
      %max3A_361 = arith.maximumf %get3A_208, %get3A_214 : vector<16xf32>
      %max3A_362 = arith.maximumf %get3A_220, %get3A_226 : vector<16xf32>
      %max3A_363 = arith.maximumf %get3A_232, %get3A_238 : vector<16xf32>
      %max3A_364 = arith.maximumf %get3A_244, %get3A_250 : vector<16xf32>
      %max3A_365 = arith.maximumf %get3A_256, %get3A_262 : vector<16xf32>
      %max3A_366 = arith.maximumf %get3A_268, %get3A_274 : vector<16xf32>
      %max3A_367 = arith.maximumf %get3A_280, %get3A_286 : vector<16xf32>
      %max3A_368 = arith.maximumf %get3A_292, %get3A_298 : vector<16xf32>
      %max3A_369 = arith.maximumf %get3A_304, %get3A_310 : vector<16xf32>
      %max3A_370 = arith.maximumf %get3A_316, %get3A_322 : vector<16xf32>
      %max3A_371 = arith.maximumf %get3A_328, %get3A_334 : vector<16xf32>
      %max3A_372 = arith.maximumf %get3A_340, %get3A_346 : vector<16xf32>
      %max3A_373 = arith.maximumf %get3A_352, %get3A_358 : vector<16xf32>
      %max3A_374 = arith.maximumf %max3A, %max3A_359 : vector<16xf32>
      %max3A_375 = arith.maximumf %max3A_360, %max3A_361 : vector<16xf32>
      %max3A_376 = arith.maximumf %max3A_362, %max3A_363 : vector<16xf32>
      %max3A_377 = arith.maximumf %max3A_364, %max3A_365 : vector<16xf32>
      %max3A_378 = arith.maximumf %max3A_366, %max3A_367 : vector<16xf32>
      %max3A_379 = arith.maximumf %max3A_368, %max3A_369 : vector<16xf32>
      %max3A_380 = arith.maximumf %max3A_370, %max3A_371 : vector<16xf32>
      %max3A_381 = arith.maximumf %max3A_372, %max3A_373 : vector<16xf32>
      %max3A_382 = arith.maximumf %max3A_374, %max3A_375 : vector<16xf32>
      %max3A_383 = arith.maximumf %max3A_376, %max3A_377 : vector<16xf32>
      %max3A_384 = arith.maximumf %max3A_378, %max3A_379 : vector<16xf32>
      %max3A_385 = arith.maximumf %max3A_380, %max3A_381 : vector<16xf32>
      %max3A_386 = arith.maximumf %max3A_382, %max3A_383 : vector<16xf32>
      %max3A_387 = arith.maximumf %max3A_384, %max3A_385 : vector<16xf32>
      %max3A_388 = arith.maximumf %max3A_386, %max3A_387 : vector<16xf32>
      %swap3A = arith.index_cast %scan3A_166 : i32 to index
      %swap3A_389 = arith.constant 0 : index
      %swap3A_390 = tpu.vector_load %arg5[%swap3A, %swap3A_389] {strides = array<i32>} : memref<64x16xf32, #tpu.memory_space<vmem>>, vector<1x16xf32>,
      %swap3A_391 = vector.shape_cast %swap3A_390 : vector<1x16xf32> to vector<16xf32>
      %swap3A_392 = vector.shape_cast %max3A_388 : vector<16xf32> to vector<1x16xf32>
      tpu.vector_store %arg5[%swap3A, %swap3A_389], %swap3A_392 {strides = array<i32>} : memref<64x16xf32, #tpu.memory_space<vmem>>, vector<1x16xf32>,
      %scan3A_393 = arith.constant 0 : i32
      %scan3A_394 = arith.constant 1 : i32
      %scan3A_395 = arith.addi %scan3A_166, %scan3A_394 : i32
      %get3A_396 = arith.constant 0 : i32
      %get3A_397 = arith.index_cast %get3A_396 : i32 to index
      %get3A_398 = arith.index_cast %scan3A_395 : i32 to index
      %get3A_399 = arith.constant 0 : index
      %get3A_400 = tpu.vector_load %arg4[%get3A_397, %get3A_398, %get3A_399] {strides = array<i32>} : memref<2x64x512xf32, #tpu.memory_space<vmem>>, vector<1x1x16xf32>,
      %get3A_401 = vector.shape_cast %get3A_400 : vector<1x1x16xf32> to vector<16xf32>
      %get3A_402 = arith.constant 0 : i32
      %get3A_403 = arith.index_cast %get3A_402 : i32 to index
      %get3A_404 = arith.index_cast %scan3A_395 : i32 to index
      %get3A_405 = arith.constant 16 : index
      %get3A_406 = tpu.vector_load %arg4[%get3A_403, %get3A_404, %get3A_405] {strides = array<i32>} : memref<2x64x512xf32, #tpu.memory_space<vmem>>, vector<1x1x16xf32>,
      %get3A_407 = vector.shape_cast %get3A_406 : vector<1x1x16xf32> to vector<16xf32>
      %get3A_408 = arith.constant 0 : i32
      %get3A_409 = arith.index_cast %get3A_408 : i32 to index
      %get3A_410 = arith.index_cast %scan3A_395 : i32 to index
      %get3A_411 = arith.constant 32 : index
      %get3A_412 = tpu.vector_load %arg4[%get3A_409, %get3A_410, %get3A_411] {strides = array<i32>} : memref<2x64x512xf32, #tpu.memory_space<vmem>>, vector<1x1x16xf32>,
      %get3A_413 = vector.shape_cast %get3A_412 : vector<1x1x16xf32> to vector<16xf32>
      %get3A_414 = arith.constant 0 : i32
      %get3A_415 = arith.index_cast %get3A_414 : i32 to index
      %get3A_416 = arith.index_cast %scan3A_395 : i32 to index
      %get3A_417 = arith.constant 48 : index
      %get3A_418 = tpu.vector_load %arg4[%get3A_415, %get3A_416, %get3A_417] {strides = array<i32>} : memref<2x64x512xf32, #tpu.memory_space<vmem>>, vector<1x1x16xf32>,
      %get3A_419 = vector.shape_cast %get3A_418 : vector<1x1x16xf32> to vector<16xf32>
      %get3A_420 = arith.constant 0 : i32
      %get3A_421 = arith.index_cast %get3A_420 : i32 to index
      %get3A_422 = arith.index_cast %scan3A_395 : i32 to index
      %get3A_423 = arith.constant 64 : index
      %get3A_424 = tpu.vector_load %arg4[%get3A_421, %get3A_422, %get3A_423] {strides = array<i32>} : memref<2x64x512xf32, #tpu.memory_space<vmem>>, vector<1x1x16xf32>,
      %get3A_425 = vector.shape_cast %get3A_424 : vector<1x1x16xf32> to vector<16xf32>
      %get3A_426 = arith.constant 0 : i32
      %get3A_427 = arith.index_cast %get3A_426 : i32 to index
      %get3A_428 = arith.index_cast %scan3A_395 : i32 to index
      %get3A_429 = arith.constant 80 : index
      %get3A_430 = tpu.vector_load %arg4[%get3A_427, %get3A_428, %get3A_429] {strides = array<i32>} : memref<2x64x512xf32, #tpu.memory_space<vmem>>, vector<1x1x16xf32>,
      %get3A_431 = vector.shape_cast %get3A_430 : vector<1x1x16xf32> to vector<16xf32>
      %get3A_432 = arith.constant 0 : i32
      %get3A_433 = arith.index_cast %get3A_432 : i32 to index
      %get3A_434 = arith.index_cast %scan3A_395 : i32 to index
      %get3A_435 = arith.constant 96 : index
      %get3A_436 = tpu.vector_load %arg4[%get3A_433, %get3A_434, %get3A_435] {strides = array<i32>} : memref<2x64x512xf32, #tpu.memory_space<vmem>>, vector<1x1x16xf32>,
      %get3A_437 = vector.shape_cast %get3A_436 : vector<1x1x16xf32> to vector<16xf32>
      %get3A_438 = arith.constant 0 : i32
      %get3A_439 = arith.index_cast %get3A_438 : i32 to index
      %get3A_440 = arith.index_cast %scan3A_395 : i32 to index
      %get3A_441 = arith.constant 112 : index
      %get3A_442 = tpu.vector_load %arg4[%get3A_439, %get3A_440, %get3A_441] {strides = array<i32>} : memref<2x64x512xf32, #tpu.memory_space<vmem>>, vector<1x1x16xf32>,
      %get3A_443 = vector.shape_cast %get3A_442 : vector<1x1x16xf32> to vector<16xf32>
      %get3A_444 = arith.constant 0 : i32
      %get3A_445 = arith.index_cast %get3A_444 : i32 to index
      %get3A_446 = arith.index_cast %scan3A_395 : i32 to index
      %get3A_447 = arith.constant 128 : index
      %get3A_448 = tpu.vector_load %arg4[%get3A_445, %get3A_446, %get3A_447] {strides = array<i32>} : memref<2x64x512xf32, #tpu.memory_space<vmem>>, vector<1x1x16xf32>,
      %get3A_449 = vector.shape_cast %get3A_448 : vector<1x1x16xf32> to vector<16xf32>
      %get3A_450 = arith.constant 0 : i32
      %get3A_451 = arith.index_cast %get3A_450 : i32 to index
      %get3A_452 = arith.index_cast %scan3A_395 : i32 to index
      %get3A_453 = arith.constant 144 : index
      %get3A_454 = tpu.vector_load %arg4[%get3A_451, %get3A_452, %get3A_453] {strides = array<i32>} : memref<2x64x512xf32, #tpu.memory_space<vmem>>, vector<1x1x16xf32>,
      %get3A_455 = vector.shape_cast %get3A_454 : vector<1x1x16xf32> to vector<16xf32>
      %get3A_456 = arith.constant 0 : i32
      %get3A_457 = arith.index_cast %get3A_456 : i32 to index
      %get3A_458 = arith.index_cast %scan3A_395 : i32 to index
      %get3A_459 = arith.constant 160 : index
      %get3A_460 = tpu.vector_load %arg4[%get3A_457, %get3A_458, %get3A_459] {strides = array<i32>} : memref<2x64x512xf32, #tpu.memory_space<vmem>>, vector<1x1x16xf32>,
      %get3A_461 = vector.shape_cast %get3A_460 : vector<1x1x16xf32> to vector<16xf32>
      %get3A_462 = arith.constant 0 : i32
      %get3A_463 = arith.index_cast %get3A_462 : i32 to index
      %get3A_464 = arith.index_cast %scan3A_395 : i32 to index
      %get3A_465 = arith.constant 176 : index
      %get3A_466 = tpu.vector_load %arg4[%get3A_463, %get3A_464, %get3A_465] {strides = array<i32>} : memref<2x64x512xf32, #tpu.memory_space<vmem>>, vector<1x1x16xf32>,
      %get3A_467 = vector.shape_cast %get3A_466 : vector<1x1x16xf32> to vector<16xf32>
      %get3A_468 = arith.constant 0 : i32
      %get3A_469 = arith.index_cast %get3A_468 : i32 to index
      %get3A_470 = arith.index_cast %scan3A_395 : i32 to index
      %get3A_471 = arith.constant 192 : index
      %get3A_472 = tpu.vector_load %arg4[%get3A_469, %get3A_470, %get3A_471] {strides = array<i32>} : memref<2x64x512xf32, #tpu.memory_space<vmem>>, vector<1x1x16xf32>,
      %get3A_473 = vector.shape_cast %get3A_472 : vector<1x1x16xf32> to vector<16xf32>
      %get3A_474 = arith.constant 0 : i32
      %get3A_475 = arith.index_cast %get3A_474 : i32 to index
      %get3A_476 = arith.index_cast %scan3A_395 : i32 to index
      %get3A_477 = arith.constant 208 : index
      %get3A_478 = tpu.vector_load %arg4[%get3A_475, %get3A_476, %get3A_477] {strides = array<i32>} : memref<2x64x512xf32, #tpu.memory_space<vmem>>, vector<1x1x16xf32>,
      %get3A_479 = vector.shape_cast %get3A_478 : vector<1x1x16xf32> to vector<16xf32>
      %get3A_480 = arith.constant 0 : i32
      %get3A_481 = arith.index_cast %get3A_480 : i32 to index
      %get3A_482 = arith.index_cast %scan3A_395 : i32 to index
      %get3A_483 = arith.constant 224 : index
      %get3A_484 = tpu.vector_load %arg4[%get3A_481, %get3A_482, %get3A_483] {strides = array<i32>} : memref<2x64x512xf32, #tpu.memory_space<vmem>>, vector<1x1x16xf32>,
      %get3A_485 = vector.shape_cast %get3A_484 : vector<1x1x16xf32> to vector<16xf32>
      %get3A_486 = arith.constant 0 : i32
      %get3A_487 = arith.index_cast %get3A_486 : i32 to index
      %get3A_488 = arith.index_cast %scan3A_395 : i32 to index
      %get3A_489 = arith.constant 240 : index
      %get3A_490 = tpu.vector_load %arg4[%get3A_487, %get3A_488, %get3A_489] {strides = array<i32>} : memref<2x64x512xf32, #tpu.memory_space<vmem>>, vector<1x1x16xf32>,
      %get3A_491 = vector.shape_cast %get3A_490 : vector<1x1x16xf32> to vector<16xf32>
      %get3A_492 = arith.constant 0 : i32
      %get3A_493 = arith.index_cast %get3A_492 : i32 to index
      %get3A_494 = arith.index_cast %scan3A_395 : i32 to index
      %get3A_495 = arith.constant 256 : index
      %get3A_496 = tpu.vector_load %arg4[%get3A_493, %get3A_494, %get3A_495] {strides = array<i32>} : memref<2x64x512xf32, #tpu.memory_space<vmem>>, vector<1x1x16xf32>,
      %get3A_497 = vector.shape_cast %get3A_496 : vector<1x1x16xf32> to vector<16xf32>
      %get3A_498 = arith.constant 0 : i32
      %get3A_499 = arith.index_cast %get3A_498 : i32 to index
      %get3A_500 = arith.index_cast %scan3A_395 : i32 to index
      %get3A_501 = arith.constant 272 : index
      %get3A_502 = tpu.vector_load %arg4[%get3A_499, %get3A_500, %get3A_501] {strides = array<i32>} : memref<2x64x512xf32, #tpu.memory_space<vmem>>, vector<1x1x16xf32>,
      %get3A_503 = vector.shape_cast %get3A_502 : vector<1x1x16xf32> to vector<16xf32>
      %get3A_504 = arith.constant 0 : i32
      %get3A_505 = arith.index_cast %get3A_504 : i32 to index
      %get3A_506 = arith.index_cast %scan3A_395 : i32 to index
      %get3A_507 = arith.constant 288 : index
      %get3A_508 = tpu.vector_load %arg4[%get3A_505, %get3A_506, %get3A_507] {strides = array<i32>} : memref<2x64x512xf32, #tpu.memory_space<vmem>>, vector<1x1x16xf32>,
      %get3A_509 = vector.shape_cast %get3A_508 : vector<1x1x16xf32> to vector<16xf32>
      %get3A_510 = arith.constant 0 : i32
      %get3A_511 = arith.index_cast %get3A_510 : i32 to index
      %get3A_512 = arith.index_cast %scan3A_395 : i32 to index
      %get3A_513 = arith.constant 304 : index
      %get3A_514 = tpu.vector_load %arg4[%get3A_511, %get3A_512, %get3A_513] {strides = array<i32>} : memref<2x64x512xf32, #tpu.memory_space<vmem>>, vector<1x1x16xf32>,
      %get3A_515 = vector.shape_cast %get3A_514 : vector<1x1x16xf32> to vector<16xf32>
      %get3A_516 = arith.constant 0 : i32
      %get3A_517 = arith.index_cast %get3A_516 : i32 to index
      %get3A_518 = arith.index_cast %scan3A_395 : i32 to index
      %get3A_519 = arith.constant 320 : index
      %get3A_520 = tpu.vector_load %arg4[%get3A_517, %get3A_518, %get3A_519] {strides = array<i32>} : memref<2x64x512xf32, #tpu.memory_space<vmem>>, vector<1x1x16xf32>,
      %get3A_521 = vector.shape_cast %get3A_520 : vector<1x1x16xf32> to vector<16xf32>
      %get3A_522 = arith.constant 0 : i32
      %get3A_523 = arith.index_cast %get3A_522 : i32 to index
      %get3A_524 = arith.index_cast %scan3A_395 : i32 to index
      %get3A_525 = arith.constant 336 : index
      %get3A_526 = tpu.vector_load %arg4[%get3A_523, %get3A_524, %get3A_525] {strides = array<i32>} : memref<2x64x512xf32, #tpu.memory_space<vmem>>, vector<1x1x16xf32>,
      %get3A_527 = vector.shape_cast %get3A_526 : vector<1x1x16xf32> to vector<16xf32>
      %get3A_528 = arith.constant 0 : i32
      %get3A_529 = arith.index_cast %get3A_528 : i32 to index
      %get3A_530 = arith.index_cast %scan3A_395 : i32 to index
      %get3A_531 = arith.constant 352 : index
      %get3A_532 = tpu.vector_load %arg4[%get3A_529, %get3A_530, %get3A_531] {strides = array<i32>} : memref<2x64x512xf32, #tpu.memory_space<vmem>>, vector<1x1x16xf32>,
      %get3A_533 = vector.shape_cast %get3A_532 : vector<1x1x16xf32> to vector<16xf32>
      %get3A_534 = arith.constant 0 : i32
      %get3A_535 = arith.index_cast %get3A_534 : i32 to index
      %get3A_536 = arith.index_cast %scan3A_395 : i32 to index
      %get3A_537 = arith.constant 368 : index
      %get3A_538 = tpu.vector_load %arg4[%get3A_535, %get3A_536, %get3A_537] {strides = array<i32>} : memref<2x64x512xf32, #tpu.memory_space<vmem>>, vector<1x1x16xf32>,
      %get3A_539 = vector.shape_cast %get3A_538 : vector<1x1x16xf32> to vector<16xf32>
      %get3A_540 = arith.constant 0 : i32
      %get3A_541 = arith.index_cast %get3A_540 : i32 to index
      %get3A_542 = arith.index_cast %scan3A_395 : i32 to index
      %get3A_543 = arith.constant 384 : index
      %get3A_544 = tpu.vector_load %arg4[%get3A_541, %get3A_542, %get3A_543] {strides = array<i32>} : memref<2x64x512xf32, #tpu.memory_space<vmem>>, vector<1x1x16xf32>,
      %get3A_545 = vector.shape_cast %get3A_544 : vector<1x1x16xf32> to vector<16xf32>
      %get3A_546 = arith.constant 0 : i32
      %get3A_547 = arith.index_cast %get3A_546 : i32 to index
      %get3A_548 = arith.index_cast %scan3A_395 : i32 to index
      %get3A_549 = arith.constant 400 : index
      %get3A_550 = tpu.vector_load %arg4[%get3A_547, %get3A_548, %get3A_549] {strides = array<i32>} : memref<2x64x512xf32, #tpu.memory_space<vmem>>, vector<1x1x16xf32>,
      %get3A_551 = vector.shape_cast %get3A_550 : vector<1x1x16xf32> to vector<16xf32>
      %get3A_552 = arith.constant 0 : i32
      %get3A_553 = arith.index_cast %get3A_552 : i32 to index
      %get3A_554 = arith.index_cast %scan3A_395 : i32 to index
      %get3A_555 = arith.constant 416 : index
      %get3A_556 = tpu.vector_load %arg4[%get3A_553, %get3A_554, %get3A_555] {strides = array<i32>} : memref<2x64x512xf32, #tpu.memory_space<vmem>>, vector<1x1x16xf32>,
      %get3A_557 = vector.shape_cast %get3A_556 : vector<1x1x16xf32> to vector<16xf32>
      %get3A_558 = arith.constant 0 : i32
      %get3A_559 = arith.index_cast %get3A_558 : i32 to index
      %get3A_560 = arith.index_cast %scan3A_395 : i32 to index
      %get3A_561 = arith.constant 432 : index
      %get3A_562 = tpu.vector_load %arg4[%get3A_559, %get3A_560, %get3A_561] {strides = array<i32>} : memref<2x64x512xf32, #tpu.memory_space<vmem>>, vector<1x1x16xf32>,
      %get3A_563 = vector.shape_cast %get3A_562 : vector<1x1x16xf32> to vector<16xf32>
      %get3A_564 = arith.constant 0 : i32
      %get3A_565 = arith.index_cast %get3A_564 : i32 to index
      %get3A_566 = arith.index_cast %scan3A_395 : i32 to index
      %get3A_567 = arith.constant 448 : index
      %get3A_568 = tpu.vector_load %arg4[%get3A_565, %get3A_566, %get3A_567] {strides = array<i32>} : memref<2x64x512xf32, #tpu.memory_space<vmem>>, vector<1x1x16xf32>,
      %get3A_569 = vector.shape_cast %get3A_568 : vector<1x1x16xf32> to vector<16xf32>
      %get3A_570 = arith.constant 0 : i32
      %get3A_571 = arith.index_cast %get3A_570 : i32 to index
      %get3A_572 = arith.index_cast %scan3A_395 : i32 to index
      %get3A_573 = arith.constant 464 : index
      %get3A_574 = tpu.vector_load %arg4[%get3A_571, %get3A_572, %get3A_573] {strides = array<i32>} : memref<2x64x512xf32, #tpu.memory_space<vmem>>, vector<1x1x16xf32>,
      %get3A_575 = vector.shape_cast %get3A_574 : vector<1x1x16xf32> to vector<16xf32>
      %get3A_576 = arith.constant 0 : i32
      %get3A_577 = arith.index_cast %get3A_576 : i32 to index
      %get3A_578 = arith.index_cast %scan3A_395 : i32 to index
      %get3A_579 = arith.constant 480 : index
      %get3A_580 = tpu.vector_load %arg4[%get3A_577, %get3A_578, %get3A_579] {strides = array<i32>} : memref<2x64x512xf32, #tpu.memory_space<vmem>>, vector<1x1x16xf32>,
      %get3A_581 = vector.shape_cast %get3A_580 : vector<1x1x16xf32> to vector<16xf32>
      %get3A_582 = arith.constant 0 : i32
      %get3A_583 = arith.index_cast %get3A_582 : i32 to index
      %get3A_584 = arith.index_cast %scan3A_395 : i32 to index
      %get3A_585 = arith.constant 496 : index
      %get3A_586 = tpu.vector_load %arg4[%get3A_583, %get3A_584, %get3A_585] {strides = array<i32>} : memref<2x64x512xf32, #tpu.memory_space<vmem>>, vector<1x1x16xf32>,
      %get3A_587 = vector.shape_cast %get3A_586 : vector<1x1x16xf32> to vector<16xf32>
      %max3A_588 = arith.maximumf %get3A_401, %get3A_407 : vector<16xf32>
      %max3A_589 = arith.maximumf %get3A_413, %get3A_419 : vector<16xf32>
      %max3A_590 = arith.maximumf %get3A_425, %get3A_431 : vector<16xf32>
      %max3A_591 = arith.maximumf %get3A_437, %get3A_443 : vector<16xf32>
      %max3A_592 = arith.maximumf %get3A_449, %get3A_455 : vector<16xf32>
      %max3A_593 = arith.maximumf %get3A_461, %get3A_467 : vector<16xf32>
      %max3A_594 = arith.maximumf %get3A_473, %get3A_479 : vector<16xf32>
      %max3A_595 = arith.maximumf %get3A_485, %get3A_491 : vector<16xf32>
      %max3A_596 = arith.maximumf %get3A_497, %get3A_503 : vector<16xf32>
      %max3A_597 = arith.maximumf %get3A_509, %get3A_515 : vector<16xf32>
      %max3A_598 = arith.maximumf %get3A_521, %get3A_527 : vector<16xf32>
      %max3A_599 = arith.maximumf %get3A_533, %get3A_539 : vector<16xf32>
      %max3A_600 = arith.maximumf %get3A_545, %get3A_551 : vector<16xf32>
      %max3A_601 = arith.maximumf %get3A_557, %get3A_563 : vector<16xf32>
      %max3A_602 = arith.maximumf %get3A_569, %get3A_575 : vector<16xf32>
      %max3A_603 = arith.maximumf %get3A_581, %get3A_587 : vector<16xf32>
      %max3A_604 = arith.maximumf %max3A_588, %max3A_589 : vector<16xf32>
      %max3A_605 = arith.maximumf %max3A_590, %max3A_591 : vector<16xf32>
      %max3A_606 = arith.maximumf %max3A_592, %max3A_593 : vector<16xf32>
      %max3A_607 = arith.maximumf %max3A_594, %max3A_595 : vector<16xf32>
      %max3A_608 = arith.maximumf %max3A_596, %max3A_597 : vector<16xf32>
      %max3A_609 = arith.maximumf %max3A_598, %max3A_599 : vector<16xf32>
      %max3A_610 = arith.maximumf %max3A_600, %max3A_601 : vector<16xf32>
      %max3A_611 = arith.maximumf %max3A_602, %max3A_603 : vector<16xf32>
      %max3A_612 = arith.maximumf %max3A_604, %max3A_605 : vector<16xf32>
      %max3A_613 = arith.maximumf %max3A_606, %max3A_607 : vector<16xf32>
      %max3A_614 = arith.maximumf %max3A_608, %max3A_609 : vector<16xf32>
      %max3A_615 = arith.maximumf %max3A_610, %max3A_611 : vector<16xf32>
      %max3A_616 = arith.maximumf %max3A_612, %max3A_613 : vector<16xf32>
      %max3A_617 = arith.maximumf %max3A_614, %max3A_615 : vector<16xf32>
      %max3A_618 = arith.maximumf %max3A_616, %max3A_617 : vector<16xf32>
      %swap3A_619 = arith.index_cast %scan3A_395 : i32 to index
      %swap3A_620 = arith.constant 0 : index
      %swap3A_621 = tpu.vector_load %arg5[%swap3A_619, %swap3A_620] {strides = array<i32>} : memref<64x16xf32, #tpu.memory_space<vmem>>, vector<1x16xf32>,
      %swap3A_622 = vector.shape_cast %swap3A_621 : vector<1x16xf32> to vector<16xf32>
      %swap3A_623 = vector.shape_cast %max3A_618 : vector<16xf32> to vector<1x16xf32>
      tpu.vector_store %arg5[%swap3A_619, %swap3A_620], %swap3A_623 {strides = array<i32>} : memref<64x16xf32, #tpu.memory_space<vmem>>, vector<1x16xf32>,
      %scan3A_624 = arith.constant 0 : i32
      %scan3A_625 = arith.constant 2 : i32
      %scan3A_626 = arith.addi %scan3A_166, %scan3A_625 : i32
      %get3A_627 = arith.constant 0 : i32
      %get3A_628 = arith.index_cast %get3A_627 : i32 to index
      %get3A_629 = arith.index_cast %scan3A_626 : i32 to index
      %get3A_630 = arith.constant 0 : index
      %get3A_631 = tpu.vector_load %arg4[%get3A_628, %get3A_629, %get3A_630] {strides = array<i32>} : memref<2x64x512xf32, #tpu.memory_space<vmem>>, vector<1x1x16xf32>,
      %get3A_632 = vector.shape_cast %get3A_631 : vector<1x1x16xf32> to vector<16xf32>
      %get3A_633 = arith.constant 0 : i32
      %get3A_634 = arith.index_cast %get3A_633 : i32 to index
      %get3A_635 = arith.index_cast %scan3A_626 : i32 to index
      %get3A_636 = arith.constant 16 : index
      %get3A_637 = tpu.vector_load %arg4[%get3A_634, %get3A_635, %get3A_636] {strides = array<i32>} : memref<2x64x512xf32, #tpu.memory_space<vmem>>, vector<1x1x16xf32>,
      %get3A_638 = vector.shape_cast %get3A_637 : vector<1x1x16xf32> to vector<16xf32>
      %get3A_639 = arith.constant 0 : i32
      %get3A_640 = arith.index_cast %get3A_639 : i32 to index
      %get3A_641 = arith.index_cast %scan3A_626 : i32 to index
      %get3A_642 = arith.constant 32 : index
      %get3A_643 = tpu.vector_load %arg4[%get3A_640, %get3A_641, %get3A_642] {strides = array<i32>} : memref<2x64x512xf32, #tpu.memory_space<vmem>>, vector<1x1x16xf32>,
      %get3A_644 = vector.shape_cast %get3A_643 : vector<1x1x16xf32> to vector<16xf32>
      %get3A_645 = arith.constant 0 : i32
      %get3A_646 = arith.index_cast %get3A_645 : i32 to index
      %get3A_647 = arith.index_cast %scan3A_626 : i32 to index
      %get3A_648 = arith.constant 48 : index
      %get3A_649 = tpu.vector_load %arg4[%get3A_646, %get3A_647, %get3A_648] {strides = array<i32>} : memref<2x64x512xf32, #tpu.memory_space<vmem>>, vector<1x1x16xf32>,
      %get3A_650 = vector.shape_cast %get3A_649 : vector<1x1x16xf32> to vector<16xf32>
      %get3A_651 = arith.constant 0 : i32
      %get3A_652 = arith.index_cast %get3A_651 : i32 to index
      %get3A_653 = arith.index_cast %scan3A_626 : i32 to index
      %get3A_654 = arith.constant 64 : index
      %get3A_655 = tpu.vector_load %arg4[%get3A_652, %get3A_653, %get3A_654] {strides = array<i32>} : memref<2x64x512xf32, #tpu.memory_space<vmem>>, vector<1x1x16xf32>,
      %get3A_656 = vector.shape_cast %get3A_655 : vector<1x1x16xf32> to vector<16xf32>
      %get3A_657 = arith.constant 0 : i32
      %get3A_658 = arith.index_cast %get3A_657 : i32 to index
      %get3A_659 = arith.index_cast %scan3A_626 : i32 to index
      %get3A_660 = arith.constant 80 : index
      %get3A_661 = tpu.vector_load %arg4[%get3A_658, %get3A_659, %get3A_660] {strides = array<i32>} : memref<2x64x512xf32, #tpu.memory_space<vmem>>, vector<1x1x16xf32>,
      %get3A_662 = vector.shape_cast %get3A_661 : vector<1x1x16xf32> to vector<16xf32>
      %get3A_663 = arith.constant 0 : i32
      %get3A_664 = arith.index_cast %get3A_663 : i32 to index
      %get3A_665 = arith.index_cast %scan3A_626 : i32 to index
      %get3A_666 = arith.constant 96 : index
      %get3A_667 = tpu.vector_load %arg4[%get3A_664, %get3A_665, %get3A_666] {strides = array<i32>} : memref<2x64x512xf32, #tpu.memory_space<vmem>>, vector<1x1x16xf32>,
      %get3A_668 = vector.shape_cast %get3A_667 : vector<1x1x16xf32> to vector<16xf32>
      %get3A_669 = arith.constant 0 : i32
      %get3A_670 = arith.index_cast %get3A_669 : i32 to index
      %get3A_671 = arith.index_cast %scan3A_626 : i32 to index
      %get3A_672 = arith.constant 112 : index
      %get3A_673 = tpu.vector_load %arg4[%get3A_670, %get3A_671, %get3A_672] {strides = array<i32>} : memref<2x64x512xf32, #tpu.memory_space<vmem>>, vector<1x1x16xf32>,
      %get3A_674 = vector.shape_cast %get3A_673 : vector<1x1x16xf32> to vector<16xf32>
      %get3A_675 = arith.constant 0 : i32
      %get3A_676 = arith.index_cast %get3A_675 : i32 to index
      %get3A_677 = arith.index_cast %scan3A_626 : i32 to index
      %get3A_678 = arith.constant 128 : index
      %get3A_679 = tpu.vector_load %arg4[%get3A_676, %get3A_677, %get3A_678] {strides = array<i32>} : memref<2x64x512xf32, #tpu.memory_space<vmem>>, vector<1x1x16xf32>,
      %get3A_680 = vector.shape_cast %get3A_679 : vector<1x1x16xf32> to vector<16xf32>
      %get3A_681 = arith.constant 0 : i32
      %get3A_682 = arith.index_cast %get3A_681 : i32 to index
      %get3A_683 = arith.index_cast %scan3A_626 : i32 to index
      %get3A_684 = arith.constant 144 : index
      %get3A_685 = tpu.vector_load %arg4[%get3A_682, %get3A_683, %get3A_684] {strides = array<i32>} : memref<2x64x512xf32, #tpu.memory_space<vmem>>, vector<1x1x16xf32>,
      %get3A_686 = vector.shape_cast %get3A_685 : vector<1x1x16xf32> to vector<16xf32>
      %get3A_687 = arith.constant 0 : i32
      %get3A_688 = arith.index_cast %get3A_687 : i32 to index
      %get3A_689 = arith.index_cast %scan3A_626 : i32 to index
      %get3A_690 = arith.constant 160 : index
      %get3A_691 = tpu.vector_load %arg4[%get3A_688, %get3A_689, %get3A_690] {strides = array<i32>} : memref<2x64x512xf32, #tpu.memory_space<vmem>>, vector<1x1x16xf32>,
      %get3A_692 = vector.shape_cast %get3A_691 : vector<1x1x16xf32> to vector<16xf32>
      %get3A_693 = arith.constant 0 : i32
      %get3A_694 = arith.index_cast %get3A_693 : i32 to index
      %get3A_695 = arith.index_cast %scan3A_626 : i32 to index
      %get3A_696 = arith.constant 176 : index
      %get3A_697 = tpu.vector_load %arg4[%get3A_694, %get3A_695, %get3A_696] {strides = array<i32>} : memref<2x64x512xf32, #tpu.memory_space<vmem>>, vector<1x1x16xf32>,
      %get3A_698 = vector.shape_cast %get3A_697 : vector<1x1x16xf32> to vector<16xf32>
      %get3A_699 = arith.constant 0 : i32
      %get3A_700 = arith.index_cast %get3A_699 : i32 to index
      %get3A_701 = arith.index_cast %scan3A_626 : i32 to index
      %get3A_702 = arith.constant 192 : index
      %get3A_703 = tpu.vector_load %arg4[%get3A_700, %get3A_701, %get3A_702] {strides = array<i32>} : memref<2x64x512xf32, #tpu.memory_space<vmem>>, vector<1x1x16xf32>,
      %get3A_704 = vector.shape_cast %get3A_703 : vector<1x1x16xf32> to vector<16xf32>
      %get3A_705 = arith.constant 0 : i32
      %get3A_706 = arith.index_cast %get3A_705 : i32 to index
      %get3A_707 = arith.index_cast %scan3A_626 : i32 to index
      %get3A_708 = arith.constant 208 : index
      %get3A_709 = tpu.vector_load %arg4[%get3A_706, %get3A_707, %get3A_708] {strides = array<i32>} : memref<2x64x512xf32, #tpu.memory_space<vmem>>, vector<1x1x16xf32>,
      %get3A_710 = vector.shape_cast %get3A_709 : vector<1x1x16xf32> to vector<16xf32>
      %get3A_711 = arith.constant 0 : i32
      %get3A_712 = arith.index_cast %get3A_711 : i32 to index
      %get3A_713 = arith.index_cast %scan3A_626 : i32 to index
      %get3A_714 = arith.constant 224 : index
      %get3A_715 = tpu.vector_load %arg4[%get3A_712, %get3A_713, %get3A_714] {strides = array<i32>} : memref<2x64x512xf32, #tpu.memory_space<vmem>>, vector<1x1x16xf32>,
      %get3A_716 = vector.shape_cast %get3A_715 : vector<1x1x16xf32> to vector<16xf32>
      %get3A_717 = arith.constant 0 : i32
      %get3A_718 = arith.index_cast %get3A_717 : i32 to index
      %get3A_719 = arith.index_cast %scan3A_626 : i32 to index
      %get3A_720 = arith.constant 240 : index
      %get3A_721 = tpu.vector_load %arg4[%get3A_718, %get3A_719, %get3A_720] {strides = array<i32>} : memref<2x64x512xf32, #tpu.memory_space<vmem>>, vector<1x1x16xf32>,
      %get3A_722 = vector.shape_cast %get3A_721 : vector<1x1x16xf32> to vector<16xf32>
      %get3A_723 = arith.constant 0 : i32
      %get3A_724 = arith.index_cast %get3A_723 : i32 to index
      %get3A_725 = arith.index_cast %scan3A_626 : i32 to index
      %get3A_726 = arith.constant 256 : index
      %get3A_727 = tpu.vector_load %arg4[%get3A_724, %get3A_725, %get3A_726] {strides = array<i32>} : memref<2x64x512xf32, #tpu.memory_space<vmem>>, vector<1x1x16xf32>,
      %get3A_728 = vector.shape_cast %get3A_727 : vector<1x1x16xf32> to vector<16xf32>
      %get3A_729 = arith.constant 0 : i32
      %get3A_730 = arith.index_cast %get3A_729 : i32 to index
      %get3A_731 = arith.index_cast %scan3A_626 : i32 to index
      %get3A_732 = arith.constant 272 : index
      %get3A_733 = tpu.vector_load %arg4[%get3A_730, %get3A_731, %get3A_732] {strides = array<i32>} : memref<2x64x512xf32, #tpu.memory_space<vmem>>, vector<1x1x16xf32>,
      %get3A_734 = vector.shape_cast %get3A_733 : vector<1x1x16xf32> to vector<16xf32>
      %get3A_735 = arith.constant 0 : i32
      %get3A_736 = arith.index_cast %get3A_735 : i32 to index
      %get3A_737 = arith.index_cast %scan3A_626 : i32 to index
      %get3A_738 = arith.constant 288 : index
      %get3A_739 = tpu.vector_load %arg4[%get3A_736, %get3A_737, %get3A_738] {strides = array<i32>} : memref<2x64x512xf32, #tpu.memory_space<vmem>>, vector<1x1x16xf32>,
      %get3A_740 = vector.shape_cast %get3A_739 : vector<1x1x16xf32> to vector<16xf32>
      %get3A_741 = arith.constant 0 : i32
      %get3A_742 = arith.index_cast %get3A_741 : i32 to index
      %get3A_743 = arith.index_cast %scan3A_626 : i32 to index
      %get3A_744 = arith.constant 304 : index
      %get3A_745 = tpu.vector_load %arg4[%get3A_742, %get3A_743, %get3A_744] {strides = array<i32>} : memref<2x64x512xf32, #tpu.memory_space<vmem>>, vector<1x1x16xf32>,
      %get3A_746 = vector.shape_cast %get3A_745 : vector<1x1x16xf32> to vector<16xf32>
      %get3A_747 = arith.constant 0 : i32
      %get3A_748 = arith.index_cast %get3A_747 : i32 to index
      %get3A_749 = arith.index_cast %scan3A_626 : i32 to index
      %get3A_750 = arith.constant 320 : index
      %get3A_751 = tpu.vector_load %arg4[%get3A_748, %get3A_749, %get3A_750] {strides = array<i32>} : memref<2x64x512xf32, #tpu.memory_space<vmem>>, vector<1x1x16xf32>,
      %get3A_752 = vector.shape_cast %get3A_751 : vector<1x1x16xf32> to vector<16xf32>
      %get3A_753 = arith.constant 0 : i32
      %get3A_754 = arith.index_cast %get3A_753 : i32 to index
      %get3A_755 = arith.index_cast %scan3A_626 : i32 to index
      %get3A_756 = arith.constant 336 : index
      %get3A_757 = tpu.vector_load %arg4[%get3A_754, %get3A_755, %get3A_756] {strides = array<i32>} : memref<2x64x512xf32, #tpu.memory_space<vmem>>, vector<1x1x16xf32>,
      %get3A_758 = vector.shape_cast %get3A_757 : vector<1x1x16xf32> to vector<16xf32>
      %get3A_759 = arith.constant 0 : i32
      %get3A_760 = arith.index_cast %get3A_759 : i32 to index
      %get3A_761 = arith.index_cast %scan3A_626 : i32 to index
      %get3A_762 = arith.constant 352 : index
      %get3A_763 = tpu.vector_load %arg4[%get3A_760, %get3A_761, %get3A_762] {strides = array<i32>} : memref<2x64x512xf32, #tpu.memory_space<vmem>>, vector<1x1x16xf32>,
      %get3A_764 = vector.shape_cast %get3A_763 : vector<1x1x16xf32> to vector<16xf32>
      %get3A_765 = arith.constant 0 : i32
      %get3A_766 = arith.index_cast %get3A_765 : i32 to index
      %get3A_767 = arith.index_cast %scan3A_626 : i32 to index
      %get3A_768 = arith.constant 368 : index
      %get3A_769 = tpu.vector_load %arg4[%get3A_766, %get3A_767, %get3A_768] {strides = array<i32>} : memref<2x64x512xf32, #tpu.memory_space<vmem>>, vector<1x1x16xf32>,
      %get3A_770 = vector.shape_cast %get3A_769 : vector<1x1x16xf32> to vector<16xf32>
      %get3A_771 = arith.constant 0 : i32
      %get3A_772 = arith.index_cast %get3A_771 : i32 to index
      %get3A_773 = arith.index_cast %scan3A_626 : i32 to index
      %get3A_774 = arith.constant 384 : index
      %get3A_775 = tpu.vector_load %arg4[%get3A_772, %get3A_773, %get3A_774] {strides = array<i32>} : memref<2x64x512xf32, #tpu.memory_space<vmem>>, vector<1x1x16xf32>,
      %get3A_776 = vector.shape_cast %get3A_775 : vector<1x1x16xf32> to vector<16xf32>
      %get3A_777 = arith.constant 0 : i32
      %get3A_778 = arith.index_cast %get3A_777 : i32 to index
      %get3A_779 = arith.index_cast %scan3A_626 : i32 to index
      %get3A_780 = arith.constant 400 : index
      %get3A_781 = tpu.vector_load %arg4[%get3A_778, %get3A_779, %get3A_780] {strides = array<i32>} : memref<2x64x512xf32, #tpu.memory_space<vmem>>, vector<1x1x16xf32>,
      %get3A_782 = vector.shape_cast %get3A_781 : vector<1x1x16xf32> to vector<16xf32>
      %get3A_783 = arith.constant 0 : i32
      %get3A_784 = arith.index_cast %get3A_783 : i32 to index
      %get3A_785 = arith.index_cast %scan3A_626 : i32 to index
      %get3A_786 = arith.constant 416 : index
      %get3A_787 = tpu.vector_load %arg4[%get3A_784, %get3A_785, %get3A_786] {strides = array<i32>} : memref<2x64x512xf32, #tpu.memory_space<vmem>>, vector<1x1x16xf32>,
      %get3A_788 = vector.shape_cast %get3A_787 : vector<1x1x16xf32> to vector<16xf32>
      %get3A_789 = arith.constant 0 : i32
      %get3A_790 = arith.index_cast %get3A_789 : i32 to index
      %get3A_791 = arith.index_cast %scan3A_626 : i32 to index
      %get3A_792 = arith.constant 432 : index
      %get3A_793 = tpu.vector_load %arg4[%get3A_790, %get3A_791, %get3A_792] {strides = array<i32>} : memref<2x64x512xf32, #tpu.memory_space<vmem>>, vector<1x1x16xf32>,
      %get3A_794 = vector.shape_cast %get3A_793 : vector<1x1x16xf32> to vector<16xf32>
      %get3A_795 = arith.constant 0 : i32
      %get3A_796 = arith.index_cast %get3A_795 : i32 to index
      %get3A_797 = arith.index_cast %scan3A_626 : i32 to index
      %get3A_798 = arith.constant 448 : index
      %get3A_799 = tpu.vector_load %arg4[%get3A_796, %get3A_797, %get3A_798] {strides = array<i32>} : memref<2x64x512xf32, #tpu.memory_space<vmem>>, vector<1x1x16xf32>,
      %get3A_800 = vector.shape_cast %get3A_799 : vector<1x1x16xf32> to vector<16xf32>
      %get3A_801 = arith.constant 0 : i32
      %get3A_802 = arith.index_cast %get3A_801 : i32 to index
      %get3A_803 = arith.index_cast %scan3A_626 : i32 to index
      %get3A_804 = arith.constant 464 : index
      %get3A_805 = tpu.vector_load %arg4[%get3A_802, %get3A_803, %get3A_804] {strides = array<i32>} : memref<2x64x512xf32, #tpu.memory_space<vmem>>, vector<1x1x16xf32>,
      %get3A_806 = vector.shape_cast %get3A_805 : vector<1x1x16xf32> to vector<16xf32>
      %get3A_807 = arith.constant 0 : i32
      %get3A_808 = arith.index_cast %get3A_807 : i32 to index
      %get3A_809 = arith.index_cast %scan3A_626 : i32 to index
      %get3A_810 = arith.constant 480 : index
      %get3A_811 = tpu.vector_load %arg4[%get3A_808, %get3A_809, %get3A_810] {strides = array<i32>} : memref<2x64x512xf32, #tpu.memory_space<vmem>>, vector<1x1x16xf32>,
      %get3A_812 = vector.shape_cast %get3A_811 : vector<1x1x16xf32> to vector<16xf32>
      %get3A_813 = arith.constant 0 : i32
      %get3A_814 = arith.index_cast %get3A_813 : i32 to index
      %get3A_815 = arith.index_cast %scan3A_626 : i32 to index
      %get3A_816 = arith.constant 496 : index
      %get3A_817 = tpu.vector_load %arg4[%get3A_814, %get3A_815, %get3A_816] {strides = array<i32>} : memref<2x64x512xf32, #tpu.memory_space<vmem>>, vector<1x1x16xf32>,
      %get3A_818 = vector.shape_cast %get3A_817 : vector<1x1x16xf32> to vector<16xf32>
      %max3A_819 = arith.maximumf %get3A_632, %get3A_638 : vector<16xf32>
      %max3A_820 = arith.maximumf %get3A_644, %get3A_650 : vector<16xf32>
      %max3A_821 = arith.maximumf %get3A_656, %get3A_662 : vector<16xf32>
      %max3A_822 = arith.maximumf %get3A_668, %get3A_674 : vector<16xf32>
      %max3A_823 = arith.maximumf %get3A_680, %get3A_686 : vector<16xf32>
      %max3A_824 = arith.maximumf %get3A_692, %get3A_698 : vector<16xf32>
      %max3A_825 = arith.maximumf %get3A_704, %get3A_710 : vector<16xf32>
      %max3A_826 = arith.maximumf %get3A_716, %get3A_722 : vector<16xf32>
      %max3A_827 = arith.maximumf %get3A_728, %get3A_734 : vector<16xf32>
      %max3A_828 = arith.maximumf %get3A_740, %get3A_746 : vector<16xf32>
      %max3A_829 = arith.maximumf %get3A_752, %get3A_758 : vector<16xf32>
      %max3A_830 = arith.maximumf %get3A_764, %get3A_770 : vector<16xf32>
      %max3A_831 = arith.maximumf %get3A_776, %get3A_782 : vector<16xf32>
      %max3A_832 = arith.maximumf %get3A_788, %get3A_794 : vector<16xf32>
      %max3A_833 = arith.maximumf %get3A_800, %get3A_806 : vector<16xf32>
      %max3A_834 = arith.maximumf %get3A_812, %get3A_818 : vector<16xf32>
      %max3A_835 = arith.maximumf %max3A_819, %max3A_820 : vector<16xf32>
      %max3A_836 = arith.maximumf %max3A_821, %max3A_822 : vector<16xf32>
      %max3A_837 = arith.maximumf %max3A_823, %max3A_824 : vector<16xf32>
      %max3A_838 = arith.maximumf %max3A_825, %max3A_826 : vector<16xf32>
      %max3A_839 = arith.maximumf %max3A_827, %max3A_828 : vector<16xf32>
      %max3A_840 = arith.maximumf %max3A_829, %max3A_830 : vector<16xf32>
      %max3A_841 = arith.maximumf %max3A_831, %max3A_832 : vector<16xf32>
      %max3A_842 = arith.maximumf %max3A_833, %max3A_834 : vector<16xf32>
      %max3A_843 = arith.maximumf %max3A_835, %max3A_836 : vector<16xf32>
      %max3A_844 = arith.maximumf %max3A_837, %max3A_838 : vector<16xf32>
      %max3A_845 = arith.maximumf %max3A_839, %max3A_840 : vector<16xf32>
      %max3A_846 = arith.maximumf %max3A_841, %max3A_842 : vector<16xf32>
      %max3A_847 = arith.maximumf %max3A_843, %max3A_844 : vector<16xf32>
      %max3A_848 = arith.maximumf %max3A_845, %max3A_846 : vector<16xf32>
      %max3A_849 = arith.maximumf %max3A_847, %max3A_848 : vector<16xf32>
      %swap3A_850 = arith.index_cast %scan3A_626 : i32 to index
      %swap3A_851 = arith.constant 0 : index
      %swap3A_852 = tpu.vector_load %arg5[%swap3A_850, %swap3A_851] {strides = array<i32>} : memref<64x16xf32, #tpu.memory_space<vmem>>, vector<1x16xf32>,
      %swap3A_853 = vector.shape_cast %swap3A_852 : vector<1x16xf32> to vector<16xf32>
      %swap3A_854 = vector.shape_cast %max3A_849 : vector<16xf32> to vector<1x16xf32>
      tpu.vector_store %arg5[%swap3A_850, %swap3A_851], %swap3A_854 {strides = array<i32>} : memref<64x16xf32, #tpu.memory_space<vmem>>, vector<1x16xf32>,
      %scan3A_855 = arith.constant 0 : i32
      %scan3A_856 = arith.constant 3 : i32
      %scan3A_857 = arith.addi %scan3A_166, %scan3A_856 : i32
      %get3A_858 = arith.constant 0 : i32
      %get3A_859 = arith.index_cast %get3A_858 : i32 to index
      %get3A_860 = arith.index_cast %scan3A_857 : i32 to index
      %get3A_861 = arith.constant 0 : index
      %get3A_862 = tpu.vector_load %arg4[%get3A_859, %get3A_860, %get3A_861] {strides = array<i32>} : memref<2x64x512xf32, #tpu.memory_space<vmem>>, vector<1x1x16xf32>,
      %get3A_863 = vector.shape_cast %get3A_862 : vector<1x1x16xf32> to vector<16xf32>
      %get3A_864 = arith.constant 0 : i32
      %get3A_865 = arith.index_cast %get3A_864 : i32 to index
      %get3A_866 = arith.index_cast %scan3A_857 : i32 to index
      %get3A_867 = arith.constant 16 : index
      %get3A_868 = tpu.vector_load %arg4[%get3A_865, %get3A_866, %get3A_867] {strides = array<i32>} : memref<2x64x512xf32, #tpu.memory_space<vmem>>, vector<1x1x16xf32>,
      %get3A_869 = vector.shape_cast %get3A_868 : vector<1x1x16xf32> to vector<16xf32>
      %get3A_870 = arith.constant 0 : i32
      %get3A_871 = arith.index_cast %get3A_870 : i32 to index
      %get3A_872 = arith.index_cast %scan3A_857 : i32 to index
      %get3A_873 = arith.constant 32 : index
      %get3A_874 = tpu.vector_load %arg4[%get3A_871, %get3A_872, %get3A_873] {strides = array<i32>} : memref<2x64x512xf32, #tpu.memory_space<vmem>>, vector<1x1x16xf32>,
      %get3A_875 = vector.shape_cast %get3A_874 : vector<1x1x16xf32> to vector<16xf32>
      %get3A_876 = arith.constant 0 : i32
      %get3A_877 = arith.index_cast %get3A_876 : i32 to index
      %get3A_878 = arith.index_cast %scan3A_857 : i32 to index
      %get3A_879 = arith.constant 48 : index
      %get3A_880 = tpu.vector_load %arg4[%get3A_877, %get3A_878, %get3A_879] {strides = array<i32>} : memref<2x64x512xf32, #tpu.memory_space<vmem>>, vector<1x1x16xf32>,
      %get3A_881 = vector.shape_cast %get3A_880 : vector<1x1x16xf32> to vector<16xf32>
      %get3A_882 = arith.constant 0 : i32
      %get3A_883 = arith.index_cast %get3A_882 : i32 to index
      %get3A_884 = arith.index_cast %scan3A_857 : i32 to index
      %get3A_885 = arith.constant 64 : index
      %get3A_886 = tpu.vector_load %arg4[%get3A_883, %get3A_884, %get3A_885] {strides = array<i32>} : memref<2x64x512xf32, #tpu.memory_space<vmem>>, vector<1x1x16xf32>,
      %get3A_887 = vector.shape_cast %get3A_886 : vector<1x1x16xf32> to vector<16xf32>
      %get3A_888 = arith.constant 0 : i32
      %get3A_889 = arith.index_cast %get3A_888 : i32 to index
      %get3A_890 = arith.index_cast %scan3A_857 : i32 to index
      %get3A_891 = arith.constant 80 : index
      %get3A_892 = tpu.vector_load %arg4[%get3A_889, %get3A_890, %get3A_891] {strides = array<i32>} : memref<2x64x512xf32, #tpu.memory_space<vmem>>, vector<1x1x16xf32>,
      %get3A_893 = vector.shape_cast %get3A_892 : vector<1x1x16xf32> to vector<16xf32>
      %get3A_894 = arith.constant 0 : i32
      %get3A_895 = arith.index_cast %get3A_894 : i32 to index
      %get3A_896 = arith.index_cast %scan3A_857 : i32 to index
      %get3A_897 = arith.constant 96 : index
      %get3A_898 = tpu.vector_load %arg4[%get3A_895, %get3A_896, %get3A_897] {strides = array<i32>} : memref<2x64x512xf32, #tpu.memory_space<vmem>>, vector<1x1x16xf32>,
      %get3A_899 = vector.shape_cast %get3A_898 : vector<1x1x16xf32> to vector<16xf32>
      %get3A_900 = arith.constant 0 : i32
      %get3A_901 = arith.index_cast %get3A_900 : i32 to index
      %get3A_902 = arith.index_cast %scan3A_857 : i32 to index
      %get3A_903 = arith.constant 112 : index
      %get3A_904 = tpu.vector_load %arg4[%get3A_901, %get3A_902, %get3A_903] {strides = array<i32>} : memref<2x64x512xf32, #tpu.memory_space<vmem>>, vector<1x1x16xf32>,
      %get3A_905 = vector.shape_cast %get3A_904 : vector<1x1x16xf32> to vector<16xf32>
      %get3A_906 = arith.constant 0 : i32
      %get3A_907 = arith.index_cast %get3A_906 : i32 to index
      %get3A_908 = arith.index_cast %scan3A_857 : i32 to index
      %get3A_909 = arith.constant 128 : index
      %get3A_910 = tpu.vector_load %arg4[%get3A_907, %get3A_908, %get3A_909] {strides = array<i32>} : memref<2x64x512xf32, #tpu.memory_space<vmem>>, vector<1x1x16xf32>,
      %get3A_911 = vector.shape_cast %get3A_910 : vector<1x1x16xf32> to vector<16xf32>
      %get3A_912 = arith.constant 0 : i32
      %get3A_913 = arith.index_cast %get3A_912 : i32 to index
      %get3A_914 = arith.index_cast %scan3A_857 : i32 to index
      %get3A_915 = arith.constant 144 : index
      %get3A_916 = tpu.vector_load %arg4[%get3A_913, %get3A_914, %get3A_915] {strides = array<i32>} : memref<2x64x512xf32, #tpu.memory_space<vmem>>, vector<1x1x16xf32>,
      %get3A_917 = vector.shape_cast %get3A_916 : vector<1x1x16xf32> to vector<16xf32>
      %get3A_918 = arith.constant 0 : i32
      %get3A_919 = arith.index_cast %get3A_918 : i32 to index
      %get3A_920 = arith.index_cast %scan3A_857 : i32 to index
      %get3A_921 = arith.constant 160 : index
      %get3A_922 = tpu.vector_load %arg4[%get3A_919, %get3A_920, %get3A_921] {strides = array<i32>} : memref<2x64x512xf32, #tpu.memory_space<vmem>>, vector<1x1x16xf32>,
      %get3A_923 = vector.shape_cast %get3A_922 : vector<1x1x16xf32> to vector<16xf32>
      %get3A_924 = arith.constant 0 : i32
      %get3A_925 = arith.index_cast %get3A_924 : i32 to index
      %get3A_926 = arith.index_cast %scan3A_857 : i32 to index
      %get3A_927 = arith.constant 176 : index
      %get3A_928 = tpu.vector_load %arg4[%get3A_925, %get3A_926, %get3A_927] {strides = array<i32>} : memref<2x64x512xf32, #tpu.memory_space<vmem>>, vector<1x1x16xf32>,
      %get3A_929 = vector.shape_cast %get3A_928 : vector<1x1x16xf32> to vector<16xf32>
      %get3A_930 = arith.constant 0 : i32
      %get3A_931 = arith.index_cast %get3A_930 : i32 to index
      %get3A_932 = arith.index_cast %scan3A_857 : i32 to index
      %get3A_933 = arith.constant 192 : index
      %get3A_934 = tpu.vector_load %arg4[%get3A_931, %get3A_932, %get3A_933] {strides = array<i32>} : memref<2x64x512xf32, #tpu.memory_space<vmem>>, vector<1x1x16xf32>,
      %get3A_935 = vector.shape_cast %get3A_934 : vector<1x1x16xf32> to vector<16xf32>
      %get3A_936 = arith.constant 0 : i32
      %get3A_937 = arith.index_cast %get3A_936 : i32 to index
      %get3A_938 = arith.index_cast %scan3A_857 : i32 to index
      %get3A_939 = arith.constant 208 : index
      %get3A_940 = tpu.vector_load %arg4[%get3A_937, %get3A_938, %get3A_939] {strides = array<i32>} : memref<2x64x512xf32, #tpu.memory_space<vmem>>, vector<1x1x16xf32>,
      %get3A_941 = vector.shape_cast %get3A_940 : vector<1x1x16xf32> to vector<16xf32>
      %get3A_942 = arith.constant 0 : i32
      %get3A_943 = arith.index_cast %get3A_942 : i32 to index
      %get3A_944 = arith.index_cast %scan3A_857 : i32 to index
      %get3A_945 = arith.constant 224 : index
      %get3A_946 = tpu.vector_load %arg4[%get3A_943, %get3A_944, %get3A_945] {strides = array<i32>} : memref<2x64x512xf32, #tpu.memory_space<vmem>>, vector<1x1x16xf32>,
      %get3A_947 = vector.shape_cast %get3A_946 : vector<1x1x16xf32> to vector<16xf32>
      %get3A_948 = arith.constant 0 : i32
      %get3A_949 = arith.index_cast %get3A_948 : i32 to index
      %get3A_950 = arith.index_cast %scan3A_857 : i32 to index
      %get3A_951 = arith.constant 240 : index
      %get3A_952 = tpu.vector_load %arg4[%get3A_949, %get3A_950, %get3A_951] {strides = array<i32>} : memref<2x64x512xf32, #tpu.memory_space<vmem>>, vector<1x1x16xf32>,
      %get3A_953 = vector.shape_cast %get3A_952 : vector<1x1x16xf32> to vector<16xf32>
      %get3A_954 = arith.constant 0 : i32
      %get3A_955 = arith.index_cast %get3A_954 : i32 to index
      %get3A_956 = arith.index_cast %scan3A_857 : i32 to index
      %get3A_957 = arith.constant 256 : index
      %get3A_958 = tpu.vector_load %arg4[%get3A_955, %get3A_956, %get3A_957] {strides = array<i32>} : memref<2x64x512xf32, #tpu.memory_space<vmem>>, vector<1x1x16xf32>,
      %get3A_959 = vector.shape_cast %get3A_958 : vector<1x1x16xf32> to vector<16xf32>
      %get3A_960 = arith.constant 0 : i32
      %get3A_961 = arith.index_cast %get3A_960 : i32 to index
      %get3A_962 = arith.index_cast %scan3A_857 : i32 to index
      %get3A_963 = arith.constant 272 : index
      %get3A_964 = tpu.vector_load %arg4[%get3A_961, %get3A_962, %get3A_963] {strides = array<i32>} : memref<2x64x512xf32, #tpu.memory_space<vmem>>, vector<1x1x16xf32>,
      %get3A_965 = vector.shape_cast %get3A_964 : vector<1x1x16xf32> to vector<16xf32>
      %get3A_966 = arith.constant 0 : i32
      %get3A_967 = arith.index_cast %get3A_966 : i32 to index
      %get3A_968 = arith.index_cast %scan3A_857 : i32 to index
      %get3A_969 = arith.constant 288 : index
      %get3A_970 = tpu.vector_load %arg4[%get3A_967, %get3A_968, %get3A_969] {strides = array<i32>} : memref<2x64x512xf32, #tpu.memory_space<vmem>>, vector<1x1x16xf32>,
      %get3A_971 = vector.shape_cast %get3A_970 : vector<1x1x16xf32> to vector<16xf32>
      %get3A_972 = arith.constant 0 : i32
      %get3A_973 = arith.index_cast %get3A_972 : i32 to index
      %get3A_974 = arith.index_cast %scan3A_857 : i32 to index
      %get3A_975 = arith.constant 304 : index
      %get3A_976 = tpu.vector_load %arg4[%get3A_973, %get3A_974, %get3A_975] {strides = array<i32>} : memref<2x64x512xf32, #tpu.memory_space<vmem>>, vector<1x1x16xf32>,
      %get3A_977 = vector.shape_cast %get3A_976 : vector<1x1x16xf32> to vector<16xf32>
      %get3A_978 = arith.constant 0 : i32
      %get3A_979 = arith.index_cast %get3A_978 : i32 to index
      %get3A_980 = arith.index_cast %scan3A_857 : i32 to index
      %get3A_981 = arith.constant 320 : index
      %get3A_982 = tpu.vector_load %arg4[%get3A_979, %get3A_980, %get3A_981] {strides = array<i32>} : memref<2x64x512xf32, #tpu.memory_space<vmem>>, vector<1x1x16xf32>,
      %get3A_983 = vector.shape_cast %get3A_982 : vector<1x1x16xf32> to vector<16xf32>
      %get3A_984 = arith.constant 0 : i32
      %get3A_985 = arith.index_cast %get3A_984 : i32 to index
      %get3A_986 = arith.index_cast %scan3A_857 : i32 to index
      %get3A_987 = arith.constant 336 : index
      %get3A_988 = tpu.vector_load %arg4[%get3A_985, %get3A_986, %get3A_987] {strides = array<i32>} : memref<2x64x512xf32, #tpu.memory_space<vmem>>, vector<1x1x16xf32>,
      %get3A_989 = vector.shape_cast %get3A_988 : vector<1x1x16xf32> to vector<16xf32>
      %get3A_990 = arith.constant 0 : i32
      %get3A_991 = arith.index_cast %get3A_990 : i32 to index
      %get3A_992 = arith.index_cast %scan3A_857 : i32 to index
      %get3A_993 = arith.constant 352 : index
      %get3A_994 = tpu.vector_load %arg4[%get3A_991, %get3A_992, %get3A_993] {strides = array<i32>} : memref<2x64x512xf32, #tpu.memory_space<vmem>>, vector<1x1x16xf32>,
      %get3A_995 = vector.shape_cast %get3A_994 : vector<1x1x16xf32> to vector<16xf32>
      %get3A_996 = arith.constant 0 : i32
      %get3A_997 = arith.index_cast %get3A_996 : i32 to index
      %get3A_998 = arith.index_cast %scan3A_857 : i32 to index
      %get3A_999 = arith.constant 368 : index
      %get3A_1000 = tpu.vector_load %arg4[%get3A_997, %get3A_998, %get3A_999] {strides = array<i32>} : memref<2x64x512xf32, #tpu.memory_space<vmem>>, vector<1x1x16xf32>,
      %get3A_1001 = vector.shape_cast %get3A_1000 : vector<1x1x16xf32> to vector<16xf32>
      %get3A_1002 = arith.constant 0 : i32
      %get3A_1003 = arith.index_cast %get3A_1002 : i32 to index
      %get3A_1004 = arith.index_cast %scan3A_857 : i32 to index
      %get3A_1005 = arith.constant 384 : index
      %get3A_1006 = tpu.vector_load %arg4[%get3A_1003, %get3A_1004, %get3A_1005] {strides = array<i32>} : memref<2x64x512xf32, #tpu.memory_space<vmem>>, vector<1x1x16xf32>,
      %get3A_1007 = vector.shape_cast %get3A_1006 : vector<1x1x16xf32> to vector<16xf32>
      %get3A_1008 = arith.constant 0 : i32
      %get3A_1009 = arith.index_cast %get3A_1008 : i32 to index
      %get3A_1010 = arith.index_cast %scan3A_857 : i32 to index
      %get3A_1011 = arith.constant 400 : index
      %get3A_1012 = tpu.vector_load %arg4[%get3A_1009, %get3A_1010, %get3A_1011] {strides = array<i32>} : memref<2x64x512xf32, #tpu.memory_space<vmem>>, vector<1x1x16xf32>,
      %get3A_1013 = vector.shape_cast %get3A_1012 : vector<1x1x16xf32> to vector<16xf32>
      %get3A_1014 = arith.constant 0 : i32
      %get3A_1015 = arith.index_cast %get3A_1014 : i32 to index
      %get3A_1016 = arith.index_cast %scan3A_857 : i32 to index
      %get3A_1017 = arith.constant 416 : index
      %get3A_1018 = tpu.vector_load %arg4[%get3A_1015, %get3A_1016, %get3A_1017] {strides = array<i32>} : memref<2x64x512xf32, #tpu.memory_space<vmem>>, vector<1x1x16xf32>,
      %get3A_1019 = vector.shape_cast %get3A_1018 : vector<1x1x16xf32> to vector<16xf32>
      %get3A_1020 = arith.constant 0 : i32
      %get3A_1021 = arith.index_cast %get3A_1020 : i32 to index
      %get3A_1022 = arith.index_cast %scan3A_857 : i32 to index
      %get3A_1023 = arith.constant 432 : index
      %get3A_1024 = tpu.vector_load %arg4[%get3A_1021, %get3A_1022, %get3A_1023] {strides = array<i32>} : memref<2x64x512xf32, #tpu.memory_space<vmem>>, vector<1x1x16xf32>,
      %get3A_1025 = vector.shape_cast %get3A_1024 : vector<1x1x16xf32> to vector<16xf32>
      %get3A_1026 = arith.constant 0 : i32
      %get3A_1027 = arith.index_cast %get3A_1026 : i32 to index
      %get3A_1028 = arith.index_cast %scan3A_857 : i32 to index
      %get3A_1029 = arith.constant 448 : index
      %get3A_1030 = tpu.vector_load %arg4[%get3A_1027, %get3A_1028, %get3A_1029] {strides = array<i32>} : memref<2x64x512xf32, #tpu.memory_space<vmem>>, vector<1x1x16xf32>,
      %get3A_1031 = vector.shape_cast %get3A_1030 : vector<1x1x16xf32> to vector<16xf32>
      %get3A_1032 = arith.constant 0 : i32
      %get3A_1033 = arith.index_cast %get3A_1032 : i32 to index
      %get3A_1034 = arith.index_cast %scan3A_857 : i32 to index
      %get3A_1035 = arith.constant 464 : index
      %get3A_1036 = tpu.vector_load %arg4[%get3A_1033, %get3A_1034, %get3A_1035] {strides = array<i32>} : memref<2x64x512xf32, #tpu.memory_space<vmem>>, vector<1x1x16xf32>,
      %get3A_1037 = vector.shape_cast %get3A_1036 : vector<1x1x16xf32> to vector<16xf32>
      %get3A_1038 = arith.constant 0 : i32
      %get3A_1039 = arith.index_cast %get3A_1038 : i32 to index
      %get3A_1040 = arith.index_cast %scan3A_857 : i32 to index
      %get3A_1041 = arith.constant 480 : index
      %get3A_1042 = tpu.vector_load %arg4[%get3A_1039, %get3A_1040, %get3A_1041] {strides = array<i32>} : memref<2x64x512xf32, #tpu.memory_space<vmem>>, vector<1x1x16xf32>,
      %get3A_1043 = vector.shape_cast %get3A_1042 : vector<1x1x16xf32> to vector<16xf32>
      %get3A_1044 = arith.constant 0 : i32
      %get3A_1045 = arith.index_cast %get3A_1044 : i32 to index
      %get3A_1046 = arith.index_cast %scan3A_857 : i32 to index
      %get3A_1047 = arith.constant 496 : index
      %get3A_1048 = tpu.vector_load %arg4[%get3A_1045, %get3A_1046, %get3A_1047] {strides = array<i32>} : memref<2x64x512xf32, #tpu.memory_space<vmem>>, vector<1x1x16xf32>,
      %get3A_1049 = vector.shape_cast %get3A_1048 : vector<1x1x16xf32> to vector<16xf32>
      %max3A_1050 = arith.maximumf %get3A_863, %get3A_869 : vector<16xf32>
      %max3A_1051 = arith.maximumf %get3A_875, %get3A_881 : vector<16xf32>
      %max3A_1052 = arith.maximumf %get3A_887, %get3A_893 : vector<16xf32>
      %max3A_1053 = arith.maximumf %get3A_899, %get3A_905 : vector<16xf32>
      %max3A_1054 = arith.maximumf %get3A_911, %get3A_917 : vector<16xf32>
      %max3A_1055 = arith.maximumf %get3A_923, %get3A_929 : vector<16xf32>
      %max3A_1056 = arith.maximumf %get3A_935, %get3A_941 : vector<16xf32>
      %max3A_1057 = arith.maximumf %get3A_947, %get3A_953 : vector<16xf32>
      %max3A_1058 = arith.maximumf %get3A_959, %get3A_965 : vector<16xf32>
      %max3A_1059 = arith.maximumf %get3A_971, %get3A_977 : vector<16xf32>
      %max3A_1060 = arith.maximumf %get3A_983, %get3A_989 : vector<16xf32>
      %max3A_1061 = arith.maximumf %get3A_995, %get3A_1001 : vector<16xf32>
      %max3A_1062 = arith.maximumf %get3A_1007, %get3A_1013 : vector<16xf32>
      %max3A_1063 = arith.maximumf %get3A_1019, %get3A_1025 : vector<16xf32>
      %max3A_1064 = arith.maximumf %get3A_1031, %get3A_1037 : vector<16xf32>
      %max3A_1065 = arith.maximumf %get3A_1043, %get3A_1049 : vector<16xf32>
      %max3A_1066 = arith.maximumf %max3A_1050, %max3A_1051 : vector<16xf32>
      %max3A_1067 = arith.maximumf %max3A_1052, %max3A_1053 : vector<16xf32>
      %max3A_1068 = arith.maximumf %max3A_1054, %max3A_1055 : vector<16xf32>
      %max3A_1069 = arith.maximumf %max3A_1056, %max3A_1057 : vector<16xf32>
      %max3A_1070 = arith.maximumf %max3A_1058, %max3A_1059 : vector<16xf32>
      %max3A_1071 = arith.maximumf %max3A_1060, %max3A_1061 : vector<16xf32>
      %max3A_1072 = arith.maximumf %max3A_1062, %max3A_1063 : vector<16xf32>
      %max3A_1073 = arith.maximumf %max3A_1064, %max3A_1065 : vector<16xf32>
      %max3A_1074 = arith.maximumf %max3A_1066, %max3A_1067 : vector<16xf32>
      %max3A_1075 = arith.maximumf %max3A_1068, %max3A_1069 : vector<16xf32>
      %max3A_1076 = arith.maximumf %max3A_1070, %max3A_1071 : vector<16xf32>
      %max3A_1077 = arith.maximumf %max3A_1072, %max3A_1073 : vector<16xf32>
      %max3A_1078 = arith.maximumf %max3A_1074, %max3A_1075 : vector<16xf32>
      %max3A_1079 = arith.maximumf %max3A_1076, %max3A_1077 : vector<16xf32>
      %max3A_1080 = arith.maximumf %max3A_1078, %max3A_1079 : vector<16xf32>
      %swap3A_1081 = arith.index_cast %scan3A_857 : i32 to index
      %swap3A_1082 = arith.constant 0 : index
      %swap3A_1083 = tpu.vector_load %arg5[%swap3A_1081, %swap3A_1082] {strides = array<i32>} : memref<64x16xf32, #tpu.memory_space<vmem>>, vector<1x16xf32>,
      %swap3A_1084 = vector.shape_cast %swap3A_1083 : vector<1x16xf32> to vector<16xf32>
      %swap3A_1085 = vector.shape_cast %max3A_1080 : vector<16xf32> to vector<1x16xf32>
      tpu.vector_store %arg5[%swap3A_1081, %swap3A_1082], %swap3A_1085 {strides = array<i32>} : memref<64x16xf32, #tpu.memory_space<vmem>>, vector<1x16xf32>,
      %scan3A_1086 = arith.constant 0 : i32
      scf.yield %scan3A_1086 : i32
    }
    %scan3A_53 = arith.constant 64 : i32
    %add3A_54 = arith.constant 128 : i32
    %add3A_55 = arith.addi %add3A_4, %add3A_54 : i32
    %dma_start3A_56 = arith.constant 0 : i32
    %dma_start3A_57 = arith.constant 0 : i32
    %dma_start3A_58 = arith.constant 0 : i32
    %dma_start3A_59 = tpu.memref_slice %arg4[%dma_start3A_56, %dma_start3A_57, %dma_start3A_58] : memref<2x64x512xf32, #tpu.memory_space<vmem>> -> memref<1x64x512xf32, #tpu.memory_space<vmem>>
    %dma_start3A_60 = tpu.memref_squeeze %dma_start3A_59 : memref<1x64x512xf32, #tpu.memory_space<vmem>> -> memref<64x512xf32, #tpu.memory_space<vmem>>
    %dma_start3A_61 = arith.constant 0 : i32
    %dma_start3A_62 = tpu.memref_slice %arg2[%add3A_55, %dma_start3A_61] : memref<16384x512xf32, #tpu.memory_space<hbm>> -> memref<64x512xf32, #tpu.memory_space<hbm>>
    %dma_start3A_63 = arith.constant 0 : i32
    %dma_start3A_64 = arith.constant 0 : i32
    %dma_start3A_65 = tpu.memref_slice %arg4[%dma_start3A_56, %dma_start3A_63, %dma_start3A_64] : memref<2x64x512xf32, #tpu.memory_space<vmem>> -> memref<1x64x512xf32, #tpu.memory_space<vmem>>
    %dma_start3A_66 = tpu.memref_squeeze %dma_start3A_65 : memref<1x64x512xf32, #tpu.memory_space<vmem>> -> memref<64x512xf32, #tpu.memory_space<vmem>>
    %dma_start3A_67 = arith.constant 0 : i32
    %dma_start3A_68 = tpu.memref_slice %arg2[%add3A_55, %dma_start3A_67] : memref<16384x512xf32, #tpu.memory_space<hbm>> -> memref<64x512xf32, #tpu.memory_space<hbm>>
    tpu.enqueue_dma source(%dma_start3A_68 : memref<64x512xf32, #tpu.memory_space<hbm>>) target(%dma_start3A_66 : memref<64x512xf32, #tpu.memory_space<vmem>>) target_semaphore(%arg6 : memref<!tpu.dma_semaphore, #tpu.memory_space<semaphore_mem>>)
    %mul3A_69 = arith.constant 256 : i32
    %mul3A_70 = arith.muli %add3A, %mul3A_69 : i32
    %add3A_71 = arith.constant 0 : i32
    %add3A_72 = arith.addi %mul3A_70, %add3A_71 : i32
    "tpu.region"() ({
      %run_scoped3A = tpu.sem_alloc : memref<!tpu.dma_semaphore, #tpu.memory_space<semaphore_mem>>
      %dma_start3A_166 = arith.constant 0 : i32
      %dma_start3A_167 = tpu.memref_slice %arg3[%add3A_72, %dma_start3A_166] : memref<4096x16xf32, #tpu.memory_space<hbm>> -> memref<64x16xf32, #tpu.memory_space<hbm>>
      %dma_start3A_168 = arith.constant 0 : i32
      %dma_start3A_169 = tpu.memref_slice %arg3[%add3A_72, %dma_start3A_168] : memref<4096x16xf32, #tpu.memory_space<hbm>> -> memref<64x16xf32, #tpu.memory_space<hbm>>
      tpu.enqueue_dma source(%arg5 : memref<64x16xf32, #tpu.memory_space<vmem>>) target(%dma_start3A_169 : memref<64x16xf32, #tpu.memory_space<hbm>>) target_semaphore(%run_scoped3A : memref<!tpu.dma_semaphore, #tpu.memory_space<semaphore_mem>>)
      %dma_wait3A_170 = arith.constant 0 : i32
      %dma_wait3A_171 = tpu.memref_slice %arg3[%add3A_72, %dma_wait3A_170] : memref<4096x16xf32, #tpu.memory_space<hbm>> -> memref<64x16xf32, #tpu.memory_space<hbm>>
      %dma_wait3A_172 = arith.constant 0 : i32
      %dma_wait3A_173 = tpu.memref_slice %arg3[%add3A_72, %dma_wait3A_172] : memref<4096x16xf32, #tpu.memory_space<hbm>> -> memref<64x16xf32, #tpu.memory_space<hbm>>
      tpu.wait_dma2 semaphore(%run_scoped3A : memref<!tpu.dma_semaphore, #tpu.memory_space<semaphore_mem>>) src(%arg5 : memref<64x16xf32, #tpu.memory_space<vmem>>) dst(%dma_wait3A_173 : memref<64x16xf32, #tpu.memory_space<hbm>>)
      tpu.yield
    }) : () -> ()
    %dma_wait3A_73 = arith.constant 1 : i32
    %dma_wait3A_74 = arith.constant 0 : i32
    %dma_wait3A_75 = arith.constant 0 : i32
    %dma_wait3A_76 = tpu.memref_slice %arg4[%dma_wait3A_73, %dma_wait3A_74, %dma_wait3A_75] : memref<2x64x512xf32, #tpu.memory_space<vmem>> -> memref<1x64x512xf32, #tpu.memory_space<vmem>>
    %dma_wait3A_77 = tpu.memref_squeeze %dma_wait3A_76 : memref<1x64x512xf32, #tpu.memory_space<vmem>> -> memref<64x512xf32, #tpu.memory_space<vmem>>
    %dma_wait3A_78 = arith.constant 0 : i32
    %dma_wait3A_79 = arith.constant 0 : i32
    %dma_wait3A_80 = tpu.memref_slice %arg2[%dma_wait3A_78, %dma_wait3A_79] : memref<16384x512xf32, #tpu.memory_space<hbm>> -> memref<64x512xf32, #tpu.memory_space<hbm>>
    %dma_wait3A_81 = arith.constant 0 : i32
    %dma_wait3A_82 = arith.constant 0 : i32
    %dma_wait3A_83 = tpu.memref_slice %arg4[%dma_wait3A_73, %dma_wait3A_81, %dma_wait3A_82] : memref<2x64x512xf32, #tpu.memory_space<vmem>> -> memref<1x64x512xf32, #tpu.memory_space<vmem>>
    %dma_wait3A_84 = tpu.memref_squeeze %dma_wait3A_83 : memref<1x64x512xf32, #tpu.memory_space<vmem>> -> memref<64x512xf32, #tpu.memory_space<vmem>>
    %dma_wait3A_85 = arith.constant 0 : i32
    %dma_wait3A_86 = arith.constant 0 : i32
    %dma_wait3A_87 = tpu.memref_slice %arg2[%dma_wait3A_85, %dma_wait3A_86] : memref<16384x512xf32, #tpu.memory_space<hbm>> -> memref<64x512xf32, #tpu.memory_space<hbm>>
    tpu.wait_dma2 semaphore(%arg7 : memref<!tpu.dma_semaphore, #tpu.memory_space<semaphore_mem>>) src(%dma_wait3A_87 : memref<64x512xf32, #tpu.memory_space<hbm>>) dst(%dma_wait3A_84 : memref<64x512xf32, #tpu.memory_space<vmem>>)
    %scan3A_88 = arith.constant 0 : i32
    %scan3A_89 = arith.constant 0 : i32
    %scan3A_90 = arith.constant 64 : i32
    %scan3A_91 = arith.addi %scan3A_89, %scan3A_90 : i32
    %scan3A_92 = arith.constant 4 : i32
    %scan3A_93 = scf.for %scan3A_166 = %scan3A_89 to %scan3A_91 step %scan3A_92 iter_args(%scan3A_167 = %scan3A_88) -> (i32)  : i32 {
      %get3A = arith.constant 1 : i32
      %get3A_168 = arith.index_cast %get3A : i32 to index
      %get3A_169 = arith.index_cast %scan3A_166 : i32 to index
      %get3A_170 = arith.constant 0 : index
      %get3A_171 = tpu.vector_load %arg4[%get3A_168, %get3A_169, %get3A_170] {strides = array<i32>} : memref<2x64x512xf32, #tpu.memory_space<vmem>>, vector<1x1x16xf32>,
      %get3A_172 = vector.shape_cast %get3A_171 : vector<1x1x16xf32> to vector<16xf32>
      %get3A_173 = arith.constant 1 : i32
      %get3A_174 = arith.index_cast %get3A_173 : i32 to index
      %get3A_175 = arith.index_cast %scan3A_166 : i32 to index
      %get3A_176 = arith.constant 16 : index
      %get3A_177 = tpu.vector_load %arg4[%get3A_174, %get3A_175, %get3A_176] {strides = array<i32>} : memref<2x64x512xf32, #tpu.memory_space<vmem>>, vector<1x1x16xf32>,
      %get3A_178 = vector.shape_cast %get3A_177 : vector<1x1x16xf32> to vector<16xf32>
      %get3A_179 = arith.constant 1 : i32
      %get3A_180 = arith.index_cast %get3A_179 : i32 to index
      %get3A_181 = arith.index_cast %scan3A_166 : i32 to index
      %get3A_182 = arith.constant 32 : index
      %get3A_183 = tpu.vector_load %arg4[%get3A_180, %get3A_181, %get3A_182] {strides = array<i32>} : memref<2x64x512xf32, #tpu.memory_space<vmem>>, vector<1x1x16xf32>,
      %get3A_184 = vector.shape_cast %get3A_183 : vector<1x1x16xf32> to vector<16xf32>
      %get3A_185 = arith.constant 1 : i32
      %get3A_186 = arith.index_cast %get3A_185 : i32 to index
      %get3A_187 = arith.index_cast %scan3A_166 : i32 to index
      %get3A_188 = arith.constant 48 : index
      %get3A_189 = tpu.vector_load %arg4[%get3A_186, %get3A_187, %get3A_188] {strides = array<i32>} : memref<2x64x512xf32, #tpu.memory_space<vmem>>, vector<1x1x16xf32>,
      %get3A_190 = vector.shape_cast %get3A_189 : vector<1x1x16xf32> to vector<16xf32>
      %get3A_191 = arith.constant 1 : i32
      %get3A_192 = arith.index_cast %get3A_191 : i32 to index
      %get3A_193 = arith.index_cast %scan3A_166 : i32 to index
      %get3A_194 = arith.constant 64 : index
      %get3A_195 = tpu.vector_load %arg4[%get3A_192, %get3A_193, %get3A_194] {strides = array<i32>} : memref<2x64x512xf32, #tpu.memory_space<vmem>>, vector<1x1x16xf32>,
      %get3A_196 = vector.shape_cast %get3A_195 : vector<1x1x16xf32> to vector<16xf32>
      %get3A_197 = arith.constant 1 : i32
      %get3A_198 = arith.index_cast %get3A_197 : i32 to index
      %get3A_199 = arith.index_cast %scan3A_166 : i32 to index
      %get3A_200 = arith.constant 80 : index
      %get3A_201 = tpu.vector_load %arg4[%get3A_198, %get3A_199, %get3A_200] {strides = array<i32>} : memref<2x64x512xf32, #tpu.memory_space<vmem>>, vector<1x1x16xf32>,
      %get3A_202 = vector.shape_cast %get3A_201 : vector<1x1x16xf32> to vector<16xf32>
      %get3A_203 = arith.constant 1 : i32
      %get3A_204 = arith.index_cast %get3A_203 : i32 to index
      %get3A_205 = arith.index_cast %scan3A_166 : i32 to index
      %get3A_206 = arith.constant 96 : index
      %get3A_207 = tpu.vector_load %arg4[%get3A_204, %get3A_205, %get3A_206] {strides = array<i32>} : memref<2x64x512xf32, #tpu.memory_space<vmem>>, vector<1x1x16xf32>,
      %get3A_208 = vector.shape_cast %get3A_207 : vector<1x1x16xf32> to vector<16xf32>
      %get3A_209 = arith.constant 1 : i32
      %get3A_210 = arith.index_cast %get3A_209 : i32 to index
      %get3A_211 = arith.index_cast %scan3A_166 : i32 to index
      %get3A_212 = arith.constant 112 : index
      %get3A_213 = tpu.vector_load %arg4[%get3A_210, %get3A_211, %get3A_212] {strides = array<i32>} : memref<2x64x512xf32, #tpu.memory_space<vmem>>, vector<1x1x16xf32>,
      %get3A_214 = vector.shape_cast %get3A_213 : vector<1x1x16xf32> to vector<16xf32>
      %get3A_215 = arith.constant 1 : i32
      %get3A_216 = arith.index_cast %get3A_215 : i32 to index
      %get3A_217 = arith.index_cast %scan3A_166 : i32 to index
      %get3A_218 = arith.constant 128 : index
      %get3A_219 = tpu.vector_load %arg4[%get3A_216, %get3A_217, %get3A_218] {strides = array<i32>} : memref<2x64x512xf32, #tpu.memory_space<vmem>>, vector<1x1x16xf32>,
      %get3A_220 = vector.shape_cast %get3A_219 : vector<1x1x16xf32> to vector<16xf32>
      %get3A_221 = arith.constant 1 : i32
      %get3A_222 = arith.index_cast %get3A_221 : i32 to index
      %get3A_223 = arith.index_cast %scan3A_166 : i32 to index
      %get3A_224 = arith.constant 144 : index
      %get3A_225 = tpu.vector_load %arg4[%get3A_222, %get3A_223, %get3A_224] {strides = array<i32>} : memref<2x64x512xf32, #tpu.memory_space<vmem>>, vector<1x1x16xf32>,
      %get3A_226 = vector.shape_cast %get3A_225 : vector<1x1x16xf32> to vector<16xf32>
      %get3A_227 = arith.constant 1 : i32
      %get3A_228 = arith.index_cast %get3A_227 : i32 to index
      %get3A_229 = arith.index_cast %scan3A_166 : i32 to index
      %get3A_230 = arith.constant 160 : index
      %get3A_231 = tpu.vector_load %arg4[%get3A_228, %get3A_229, %get3A_230] {strides = array<i32>} : memref<2x64x512xf32, #tpu.memory_space<vmem>>, vector<1x1x16xf32>,
      %get3A_232 = vector.shape_cast %get3A_231 : vector<1x1x16xf32> to vector<16xf32>
      %get3A_233 = arith.constant 1 : i32
      %get3A_234 = arith.index_cast %get3A_233 : i32 to index
      %get3A_235 = arith.index_cast %scan3A_166 : i32 to index
      %get3A_236 = arith.constant 176 : index
      %get3A_237 = tpu.vector_load %arg4[%get3A_234, %get3A_235, %get3A_236] {strides = array<i32>} : memref<2x64x512xf32, #tpu.memory_space<vmem>>, vector<1x1x16xf32>,
      %get3A_238 = vector.shape_cast %get3A_237 : vector<1x1x16xf32> to vector<16xf32>
      %get3A_239 = arith.constant 1 : i32
      %get3A_240 = arith.index_cast %get3A_239 : i32 to index
      %get3A_241 = arith.index_cast %scan3A_166 : i32 to index
      %get3A_242 = arith.constant 192 : index
      %get3A_243 = tpu.vector_load %arg4[%get3A_240, %get3A_241, %get3A_242] {strides = array<i32>} : memref<2x64x512xf32, #tpu.memory_space<vmem>>, vector<1x1x16xf32>,
      %get3A_244 = vector.shape_cast %get3A_243 : vector<1x1x16xf32> to vector<16xf32>
      %get3A_245 = arith.constant 1 : i32
      %get3A_246 = arith.index_cast %get3A_245 : i32 to index
      %get3A_247 = arith.index_cast %scan3A_166 : i32 to index
      %get3A_248 = arith.constant 208 : index
      %get3A_249 = tpu.vector_load %arg4[%get3A_246, %get3A_247, %get3A_248] {strides = array<i32>} : memref<2x64x512xf32, #tpu.memory_space<vmem>>, vector<1x1x16xf32>,
      %get3A_250 = vector.shape_cast %get3A_249 : vector<1x1x16xf32> to vector<16xf32>
      %get3A_251 = arith.constant 1 : i32
      %get3A_252 = arith.index_cast %get3A_251 : i32 to index
      %get3A_253 = arith.index_cast %scan3A_166 : i32 to index
      %get3A_254 = arith.constant 224 : index
      %get3A_255 = tpu.vector_load %arg4[%get3A_252, %get3A_253, %get3A_254] {strides = array<i32>} : memref<2x64x512xf32, #tpu.memory_space<vmem>>, vector<1x1x16xf32>,
      %get3A_256 = vector.shape_cast %get3A_255 : vector<1x1x16xf32> to vector<16xf32>
      %get3A_257 = arith.constant 1 : i32
      %get3A_258 = arith.index_cast %get3A_257 : i32 to index
      %get3A_259 = arith.index_cast %scan3A_166 : i32 to index
      %get3A_260 = arith.constant 240 : index
      %get3A_261 = tpu.vector_load %arg4[%get3A_258, %get3A_259, %get3A_260] {strides = array<i32>} : memref<2x64x512xf32, #tpu.memory_space<vmem>>, vector<1x1x16xf32>,
      %get3A_262 = vector.shape_cast %get3A_261 : vector<1x1x16xf32> to vector<16xf32>
      %get3A_263 = arith.constant 1 : i32
      %get3A_264 = arith.index_cast %get3A_263 : i32 to index
      %get3A_265 = arith.index_cast %scan3A_166 : i32 to index
      %get3A_266 = arith.constant 256 : index
      %get3A_267 = tpu.vector_load %arg4[%get3A_264, %get3A_265, %get3A_266] {strides = array<i32>} : memref<2x64x512xf32, #tpu.memory_space<vmem>>, vector<1x1x16xf32>,
      %get3A_268 = vector.shape_cast %get3A_267 : vector<1x1x16xf32> to vector<16xf32>
      %get3A_269 = arith.constant 1 : i32
      %get3A_270 = arith.index_cast %get3A_269 : i32 to index
      %get3A_271 = arith.index_cast %scan3A_166 : i32 to index
      %get3A_272 = arith.constant 272 : index
      %get3A_273 = tpu.vector_load %arg4[%get3A_270, %get3A_271, %get3A_272] {strides = array<i32>} : memref<2x64x512xf32, #tpu.memory_space<vmem>>, vector<1x1x16xf32>,
      %get3A_274 = vector.shape_cast %get3A_273 : vector<1x1x16xf32> to vector<16xf32>
      %get3A_275 = arith.constant 1 : i32
      %get3A_276 = arith.index_cast %get3A_275 : i32 to index
      %get3A_277 = arith.index_cast %scan3A_166 : i32 to index
      %get3A_278 = arith.constant 288 : index
      %get3A_279 = tpu.vector_load %arg4[%get3A_276, %get3A_277, %get3A_278] {strides = array<i32>} : memref<2x64x512xf32, #tpu.memory_space<vmem>>, vector<1x1x16xf32>,
      %get3A_280 = vector.shape_cast %get3A_279 : vector<1x1x16xf32> to vector<16xf32>
      %get3A_281 = arith.constant 1 : i32
      %get3A_282 = arith.index_cast %get3A_281 : i32 to index
      %get3A_283 = arith.index_cast %scan3A_166 : i32 to index
      %get3A_284 = arith.constant 304 : index
      %get3A_285 = tpu.vector_load %arg4[%get3A_282, %get3A_283, %get3A_284] {strides = array<i32>} : memref<2x64x512xf32, #tpu.memory_space<vmem>>, vector<1x1x16xf32>,
      %get3A_286 = vector.shape_cast %get3A_285 : vector<1x1x16xf32> to vector<16xf32>
      %get3A_287 = arith.constant 1 : i32
      %get3A_288 = arith.index_cast %get3A_287 : i32 to index
      %get3A_289 = arith.index_cast %scan3A_166 : i32 to index
      %get3A_290 = arith.constant 320 : index
      %get3A_291 = tpu.vector_load %arg4[%get3A_288, %get3A_289, %get3A_290] {strides = array<i32>} : memref<2x64x512xf32, #tpu.memory_space<vmem>>, vector<1x1x16xf32>,
      %get3A_292 = vector.shape_cast %get3A_291 : vector<1x1x16xf32> to vector<16xf32>
      %get3A_293 = arith.constant 1 : i32
      %get3A_294 = arith.index_cast %get3A_293 : i32 to index
      %get3A_295 = arith.index_cast %scan3A_166 : i32 to index
      %get3A_296 = arith.constant 336 : index
      %get3A_297 = tpu.vector_load %arg4[%get3A_294, %get3A_295, %get3A_296] {strides = array<i32>} : memref<2x64x512xf32, #tpu.memory_space<vmem>>, vector<1x1x16xf32>,
      %get3A_298 = vector.shape_cast %get3A_297 : vector<1x1x16xf32> to vector<16xf32>
      %get3A_299 = arith.constant 1 : i32
      %get3A_300 = arith.index_cast %get3A_299 : i32 to index
      %get3A_301 = arith.index_cast %scan3A_166 : i32 to index
      %get3A_302 = arith.constant 352 : index
      %get3A_303 = tpu.vector_load %arg4[%get3A_300, %get3A_301, %get3A_302] {strides = array<i32>} : memref<2x64x512xf32, #tpu.memory_space<vmem>>, vector<1x1x16xf32>,
      %get3A_304 = vector.shape_cast %get3A_303 : vector<1x1x16xf32> to vector<16xf32>
      %get3A_305 = arith.constant 1 : i32
      %get3A_306 = arith.index_cast %get3A_305 : i32 to index
      %get3A_307 = arith.index_cast %scan3A_166 : i32 to index
      %get3A_308 = arith.constant 368 : index
      %get3A_309 = tpu.vector_load %arg4[%get3A_306, %get3A_307, %get3A_308] {strides = array<i32>} : memref<2x64x512xf32, #tpu.memory_space<vmem>>, vector<1x1x16xf32>,
      %get3A_310 = vector.shape_cast %get3A_309 : vector<1x1x16xf32> to vector<16xf32>
      %get3A_311 = arith.constant 1 : i32
      %get3A_312 = arith.index_cast %get3A_311 : i32 to index
      %get3A_313 = arith.index_cast %scan3A_166 : i32 to index
      %get3A_314 = arith.constant 384 : index
      %get3A_315 = tpu.vector_load %arg4[%get3A_312, %get3A_313, %get3A_314] {strides = array<i32>} : memref<2x64x512xf32, #tpu.memory_space<vmem>>, vector<1x1x16xf32>,
      %get3A_316 = vector.shape_cast %get3A_315 : vector<1x1x16xf32> to vector<16xf32>
      %get3A_317 = arith.constant 1 : i32
      %get3A_318 = arith.index_cast %get3A_317 : i32 to index
      %get3A_319 = arith.index_cast %scan3A_166 : i32 to index
      %get3A_320 = arith.constant 400 : index
      %get3A_321 = tpu.vector_load %arg4[%get3A_318, %get3A_319, %get3A_320] {strides = array<i32>} : memref<2x64x512xf32, #tpu.memory_space<vmem>>, vector<1x1x16xf32>,
      %get3A_322 = vector.shape_cast %get3A_321 : vector<1x1x16xf32> to vector<16xf32>
      %get3A_323 = arith.constant 1 : i32
      %get3A_324 = arith.index_cast %get3A_323 : i32 to index
      %get3A_325 = arith.index_cast %scan3A_166 : i32 to index
      %get3A_326 = arith.constant 416 : index
      %get3A_327 = tpu.vector_load %arg4[%get3A_324, %get3A_325, %get3A_326] {strides = array<i32>} : memref<2x64x512xf32, #tpu.memory_space<vmem>>, vector<1x1x16xf32>,
      %get3A_328 = vector.shape_cast %get3A_327 : vector<1x1x16xf32> to vector<16xf32>
      %get3A_329 = arith.constant 1 : i32
      %get3A_330 = arith.index_cast %get3A_329 : i32 to index
      %get3A_331 = arith.index_cast %scan3A_166 : i32 to index
      %get3A_332 = arith.constant 432 : index
      %get3A_333 = tpu.vector_load %arg4[%get3A_330, %get3A_331, %get3A_332] {strides = array<i32>} : memref<2x64x512xf32, #tpu.memory_space<vmem>>, vector<1x1x16xf32>,
      %get3A_334 = vector.shape_cast %get3A_333 : vector<1x1x16xf32> to vector<16xf32>
      %get3A_335 = arith.constant 1 : i32
      %get3A_336 = arith.index_cast %get3A_335 : i32 to index
      %get3A_337 = arith.index_cast %scan3A_166 : i32 to index
      %get3A_338 = arith.constant 448 : index
      %get3A_339 = tpu.vector_load %arg4[%get3A_336, %get3A_337, %get3A_338] {strides = array<i32>} : memref<2x64x512xf32, #tpu.memory_space<vmem>>, vector<1x1x16xf32>,
      %get3A_340 = vector.shape_cast %get3A_339 : vector<1x1x16xf32> to vector<16xf32>
      %get3A_341 = arith.constant 1 : i32
      %get3A_342 = arith.index_cast %get3A_341 : i32 to index
      %get3A_343 = arith.index_cast %scan3A_166 : i32 to index
      %get3A_344 = arith.constant 464 : index
      %get3A_345 = tpu.vector_load %arg4[%get3A_342, %get3A_343, %get3A_344] {strides = array<i32>} : memref<2x64x512xf32, #tpu.memory_space<vmem>>, vector<1x1x16xf32>,
      %get3A_346 = vector.shape_cast %get3A_345 : vector<1x1x16xf32> to vector<16xf32>
      %get3A_347 = arith.constant 1 : i32
      %get3A_348 = arith.index_cast %get3A_347 : i32 to index
      %get3A_349 = arith.index_cast %scan3A_166 : i32 to index
      %get3A_350 = arith.constant 480 : index
      %get3A_351 = tpu.vector_load %arg4[%get3A_348, %get3A_349, %get3A_350] {strides = array<i32>} : memref<2x64x512xf32, #tpu.memory_space<vmem>>, vector<1x1x16xf32>,
      %get3A_352 = vector.shape_cast %get3A_351 : vector<1x1x16xf32> to vector<16xf32>
      %get3A_353 = arith.constant 1 : i32
      %get3A_354 = arith.index_cast %get3A_353 : i32 to index
      %get3A_355 = arith.index_cast %scan3A_166 : i32 to index
      %get3A_356 = arith.constant 496 : index
      %get3A_357 = tpu.vector_load %arg4[%get3A_354, %get3A_355, %get3A_356] {strides = array<i32>} : memref<2x64x512xf32, #tpu.memory_space<vmem>>, vector<1x1x16xf32>,
      %get3A_358 = vector.shape_cast %get3A_357 : vector<1x1x16xf32> to vector<16xf32>
      %max3A = arith.maximumf %get3A_172, %get3A_178 : vector<16xf32>
      %max3A_359 = arith.maximumf %get3A_184, %get3A_190 : vector<16xf32>
      %max3A_360 = arith.maximumf %get3A_196, %get3A_202 : vector<16xf32>
      %max3A_361 = arith.maximumf %get3A_208, %get3A_214 : vector<16xf32>
      %max3A_362 = arith.maximumf %get3A_220, %get3A_226 : vector<16xf32>
      %max3A_363 = arith.maximumf %get3A_232, %get3A_238 : vector<16xf32>
      %max3A_364 = arith.maximumf %get3A_244, %get3A_250 : vector<16xf32>
      %max3A_365 = arith.maximumf %get3A_256, %get3A_262 : vector<16xf32>
      %max3A_366 = arith.maximumf %get3A_268, %get3A_274 : vector<16xf32>
      %max3A_367 = arith.maximumf %get3A_280, %get3A_286 : vector<16xf32>
      %max3A_368 = arith.maximumf %get3A_292, %get3A_298 : vector<16xf32>
      %max3A_369 = arith.maximumf %get3A_304, %get3A_310 : vector<16xf32>
      %max3A_370 = arith.maximumf %get3A_316, %get3A_322 : vector<16xf32>
      %max3A_371 = arith.maximumf %get3A_328, %get3A_334 : vector<16xf32>
      %max3A_372 = arith.maximumf %get3A_340, %get3A_346 : vector<16xf32>
      %max3A_373 = arith.maximumf %get3A_352, %get3A_358 : vector<16xf32>
      %max3A_374 = arith.maximumf %max3A, %max3A_359 : vector<16xf32>
      %max3A_375 = arith.maximumf %max3A_360, %max3A_361 : vector<16xf32>
      %max3A_376 = arith.maximumf %max3A_362, %max3A_363 : vector<16xf32>
      %max3A_377 = arith.maximumf %max3A_364, %max3A_365 : vector<16xf32>
      %max3A_378 = arith.maximumf %max3A_366, %max3A_367 : vector<16xf32>
      %max3A_379 = arith.maximumf %max3A_368, %max3A_369 : vector<16xf32>
      %max3A_380 = arith.maximumf %max3A_370, %max3A_371 : vector<16xf32>
      %max3A_381 = arith.maximumf %max3A_372, %max3A_373 : vector<16xf32>
      %max3A_382 = arith.maximumf %max3A_374, %max3A_375 : vector<16xf32>
      %max3A_383 = arith.maximumf %max3A_376, %max3A_377 : vector<16xf32>
      %max3A_384 = arith.maximumf %max3A_378, %max3A_379 : vector<16xf32>
      %max3A_385 = arith.maximumf %max3A_380, %max3A_381 : vector<16xf32>
      %max3A_386 = arith.maximumf %max3A_382, %max3A_383 : vector<16xf32>
      %max3A_387 = arith.maximumf %max3A_384, %max3A_385 : vector<16xf32>
      %max3A_388 = arith.maximumf %max3A_386, %max3A_387 : vector<16xf32>
      %swap3A = arith.index_cast %scan3A_166 : i32 to index
      %swap3A_389 = arith.constant 0 : index
      %swap3A_390 = tpu.vector_load %arg5[%swap3A, %swap3A_389] {strides = array<i32>} : memref<64x16xf32, #tpu.memory_space<vmem>>, vector<1x16xf32>,
      %swap3A_391 = vector.shape_cast %swap3A_390 : vector<1x16xf32> to vector<16xf32>
      %swap3A_392 = vector.shape_cast %max3A_388 : vector<16xf32> to vector<1x16xf32>
      tpu.vector_store %arg5[%swap3A, %swap3A_389], %swap3A_392 {strides = array<i32>} : memref<64x16xf32, #tpu.memory_space<vmem>>, vector<1x16xf32>,
      %scan3A_393 = arith.constant 0 : i32
      %scan3A_394 = arith.constant 1 : i32
      %scan3A_395 = arith.addi %scan3A_166, %scan3A_394 : i32
      %get3A_396 = arith.constant 1 : i32
      %get3A_397 = arith.index_cast %get3A_396 : i32 to index
      %get3A_398 = arith.index_cast %scan3A_395 : i32 to index
      %get3A_399 = arith.constant 0 : index
      %get3A_400 = tpu.vector_load %arg4[%get3A_397, %get3A_398, %get3A_399] {strides = array<i32>} : memref<2x64x512xf32, #tpu.memory_space<vmem>>, vector<1x1x16xf32>,
      %get3A_401 = vector.shape_cast %get3A_400 : vector<1x1x16xf32> to vector<16xf32>
      %get3A_402 = arith.constant 1 : i32
      %get3A_403 = arith.index_cast %get3A_402 : i32 to index
      %get3A_404 = arith.index_cast %scan3A_395 : i32 to index
      %get3A_405 = arith.constant 16 : index
      %get3A_406 = tpu.vector_load %arg4[%get3A_403, %get3A_404, %get3A_405] {strides = array<i32>} : memref<2x64x512xf32, #tpu.memory_space<vmem>>, vector<1x1x16xf32>,
      %get3A_407 = vector.shape_cast %get3A_406 : vector<1x1x16xf32> to vector<16xf32>
      %get3A_408 = arith.constant 1 : i32
      %get3A_409 = arith.index_cast %get3A_408 : i32 to index
      %get3A_410 = arith.index_cast %scan3A_395 : i32 to index
      %get3A_411 = arith.constant 32 : index
      %get3A_412 = tpu.vector_load %arg4[%get3A_409, %get3A_410, %get3A_411] {strides = array<i32>} : memref<2x64x512xf32, #tpu.memory_space<vmem>>, vector<1x1x16xf32>,
      %get3A_413 = vector.shape_cast %get3A_412 : vector<1x1x16xf32> to vector<16xf32>
      %get3A_414 = arith.constant 1 : i32
      %get3A_415 = arith.index_cast %get3A_414 : i32 to index
      %get3A_416 = arith.index_cast %scan3A_395 : i32 to index
      %get3A_417 = arith.constant 48 : index
      %get3A_418 = tpu.vector_load %arg4[%get3A_415, %get3A_416, %get3A_417] {strides = array<i32>} : memref<2x64x512xf32, #tpu.memory_space<vmem>>, vector<1x1x16xf32>,
      %get3A_419 = vector.shape_cast %get3A_418 : vector<1x1x16xf32> to vector<16xf32>
      %get3A_420 = arith.constant 1 : i32
      %get3A_421 = arith.index_cast %get3A_420 : i32 to index
      %get3A_422 = arith.index_cast %scan3A_395 : i32 to index
      %get3A_423 = arith.constant 64 : index
      %get3A_424 = tpu.vector_load %arg4[%get3A_421, %get3A_422, %get3A_423] {strides = array<i32>} : memref<2x64x512xf32, #tpu.memory_space<vmem>>, vector<1x1x16xf32>,
      %get3A_425 = vector.shape_cast %get3A_424 : vector<1x1x16xf32> to vector<16xf32>
      %get3A_426 = arith.constant 1 : i32
      %get3A_427 = arith.index_cast %get3A_426 : i32 to index
      %get3A_428 = arith.index_cast %scan3A_395 : i32 to index
      %get3A_429 = arith.constant 80 : index
      %get3A_430 = tpu.vector_load %arg4[%get3A_427, %get3A_428, %get3A_429] {strides = array<i32>} : memref<2x64x512xf32, #tpu.memory_space<vmem>>, vector<1x1x16xf32>,
      %get3A_431 = vector.shape_cast %get3A_430 : vector<1x1x16xf32> to vector<16xf32>
      %get3A_432 = arith.constant 1 : i32
      %get3A_433 = arith.index_cast %get3A_432 : i32 to index
      %get3A_434 = arith.index_cast %scan3A_395 : i32 to index
      %get3A_435 = arith.constant 96 : index
      %get3A_436 = tpu.vector_load %arg4[%get3A_433, %get3A_434, %get3A_435] {strides = array<i32>} : memref<2x64x512xf32, #tpu.memory_space<vmem>>, vector<1x1x16xf32>,
      %get3A_437 = vector.shape_cast %get3A_436 : vector<1x1x16xf32> to vector<16xf32>
      %get3A_438 = arith.constant 1 : i32
      %get3A_439 = arith.index_cast %get3A_438 : i32 to index
      %get3A_440 = arith.index_cast %scan3A_395 : i32 to index
      %get3A_441 = arith.constant 112 : index
      %get3A_442 = tpu.vector_load %arg4[%get3A_439, %get3A_440, %get3A_441] {strides = array<i32>} : memref<2x64x512xf32, #tpu.memory_space<vmem>>, vector<1x1x16xf32>,
      %get3A_443 = vector.shape_cast %get3A_442 : vector<1x1x16xf32> to vector<16xf32>
      %get3A_444 = arith.constant 1 : i32
      %get3A_445 = arith.index_cast %get3A_444 : i32 to index
      %get3A_446 = arith.index_cast %scan3A_395 : i32 to index
      %get3A_447 = arith.constant 128 : index
      %get3A_448 = tpu.vector_load %arg4[%get3A_445, %get3A_446, %get3A_447] {strides = array<i32>} : memref<2x64x512xf32, #tpu.memory_space<vmem>>, vector<1x1x16xf32>,
      %get3A_449 = vector.shape_cast %get3A_448 : vector<1x1x16xf32> to vector<16xf32>
      %get3A_450 = arith.constant 1 : i32
      %get3A_451 = arith.index_cast %get3A_450 : i32 to index
      %get3A_452 = arith.index_cast %scan3A_395 : i32 to index
      %get3A_453 = arith.constant 144 : index
      %get3A_454 = tpu.vector_load %arg4[%get3A_451, %get3A_452, %get3A_453] {strides = array<i32>} : memref<2x64x512xf32, #tpu.memory_space<vmem>>, vector<1x1x16xf32>,
      %get3A_455 = vector.shape_cast %get3A_454 : vector<1x1x16xf32> to vector<16xf32>
      %get3A_456 = arith.constant 1 : i32
      %get3A_457 = arith.index_cast %get3A_456 : i32 to index
      %get3A_458 = arith.index_cast %scan3A_395 : i32 to index
      %get3A_459 = arith.constant 160 : index
      %get3A_460 = tpu.vector_load %arg4[%get3A_457, %get3A_458, %get3A_459] {strides = array<i32>} : memref<2x64x512xf32, #tpu.memory_space<vmem>>, vector<1x1x16xf32>,
      %get3A_461 = vector.shape_cast %get3A_460 : vector<1x1x16xf32> to vector<16xf32>
      %get3A_462 = arith.constant 1 : i32
      %get3A_463 = arith.index_cast %get3A_462 : i32 to index
      %get3A_464 = arith.index_cast %scan3A_395 : i32 to index
      %get3A_465 = arith.constant 176 : index
      %get3A_466 = tpu.vector_load %arg4[%get3A_463, %get3A_464, %get3A_465] {strides = array<i32>} : memref<2x64x512xf32, #tpu.memory_space<vmem>>, vector<1x1x16xf32>,
      %get3A_467 = vector.shape_cast %get3A_466 : vector<1x1x16xf32> to vector<16xf32>
      %get3A_468 = arith.constant 1 : i32
      %get3A_469 = arith.index_cast %get3A_468 : i32 to index
      %get3A_470 = arith.index_cast %scan3A_395 : i32 to index
      %get3A_471 = arith.constant 192 : index
      %get3A_472 = tpu.vector_load %arg4[%get3A_469, %get3A_470, %get3A_471] {strides = array<i32>} : memref<2x64x512xf32, #tpu.memory_space<vmem>>, vector<1x1x16xf32>,
      %get3A_473 = vector.shape_cast %get3A_472 : vector<1x1x16xf32> to vector<16xf32>
      %get3A_474 = arith.constant 1 : i32
      %get3A_475 = arith.index_cast %get3A_474 : i32 to index
      %get3A_476 = arith.index_cast %scan3A_395 : i32 to index
      %get3A_477 = arith.constant 208 : index
      %get3A_478 = tpu.vector_load %arg4[%get3A_475, %get3A_476, %get3A_477] {strides = array<i32>} : memref<2x64x512xf32, #tpu.memory_space<vmem>>, vector<1x1x16xf32>,
      %get3A_479 = vector.shape_cast %get3A_478 : vector<1x1x16xf32> to vector<16xf32>
      %get3A_480 = arith.constant 1 : i32
      %get3A_481 = arith.index_cast %get3A_480 : i32 to index
      %get3A_482 = arith.index_cast %scan3A_395 : i32 to index
      %get3A_483 = arith.constant 224 : index
      %get3A_484 = tpu.vector_load %arg4[%get3A_481, %get3A_482, %get3A_483] {strides = array<i32>} : memref<2x64x512xf32, #tpu.memory_space<vmem>>, vector<1x1x16xf32>,
      %get3A_485 = vector.shape_cast %get3A_484 : vector<1x1x16xf32> to vector<16xf32>
      %get3A_486 = arith.constant 1 : i32
      %get3A_487 = arith.index_cast %get3A_486 : i32 to index
      %get3A_488 = arith.index_cast %scan3A_395 : i32 to index
      %get3A_489 = arith.constant 240 : index
      %get3A_490 = tpu.vector_load %arg4[%get3A_487, %get3A_488, %get3A_489] {strides = array<i32>} : memref<2x64x512xf32, #tpu.memory_space<vmem>>, vector<1x1x16xf32>,
      %get3A_491 = vector.shape_cast %get3A_490 : vector<1x1x16xf32> to vector<16xf32>
      %get3A_492 = arith.constant 1 : i32
      %get3A_493 = arith.index_cast %get3A_492 : i32 to index
      %get3A_494 = arith.index_cast %scan3A_395 : i32 to index
      %get3A_495 = arith.constant 256 : index
      %get3A_496 = tpu.vector_load %arg4[%get3A_493, %get3A_494, %get3A_495] {strides = array<i32>} : memref<2x64x512xf32, #tpu.memory_space<vmem>>, vector<1x1x16xf32>,
      %get3A_497 = vector.shape_cast %get3A_496 : vector<1x1x16xf32> to vector<16xf32>
      %get3A_498 = arith.constant 1 : i32
      %get3A_499 = arith.index_cast %get3A_498 : i32 to index
      %get3A_500 = arith.index_cast %scan3A_395 : i32 to index
      %get3A_501 = arith.constant 272 : index
      %get3A_502 = tpu.vector_load %arg4[%get3A_499, %get3A_500, %get3A_501] {strides = array<i32>} : memref<2x64x512xf32, #tpu.memory_space<vmem>>, vector<1x1x16xf32>,
      %get3A_503 = vector.shape_cast %get3A_502 : vector<1x1x16xf32> to vector<16xf32>
      %get3A_504 = arith.constant 1 : i32
      %get3A_505 = arith.index_cast %get3A_504 : i32 to index
      %get3A_506 = arith.index_cast %scan3A_395 : i32 to index
      %get3A_507 = arith.constant 288 : index
      %get3A_508 = tpu.vector_load %arg4[%get3A_505, %get3A_506, %get3A_507] {strides = array<i32>} : memref<2x64x512xf32, #tpu.memory_space<vmem>>, vector<1x1x16xf32>,
      %get3A_509 = vector.shape_cast %get3A_508 : vector<1x1x16xf32> to vector<16xf32>
      %get3A_510 = arith.constant 1 : i32
      %get3A_511 = arith.index_cast %get3A_510 : i32 to index
      %get3A_512 = arith.index_cast %scan3A_395 : i32 to index
      %get3A_513 = arith.constant 304 : index
      %get3A_514 = tpu.vector_load %arg4[%get3A_511, %get3A_512, %get3A_513] {strides = array<i32>} : memref<2x64x512xf32, #tpu.memory_space<vmem>>, vector<1x1x16xf32>,
      %get3A_515 = vector.shape_cast %get3A_514 : vector<1x1x16xf32> to vector<16xf32>
      %get3A_516 = arith.constant 1 : i32
      %get3A_517 = arith.index_cast %get3A_516 : i32 to index
      %get3A_518 = arith.index_cast %scan3A_395 : i32 to index
      %get3A_519 = arith.constant 320 : index
      %get3A_520 = tpu.vector_load %arg4[%get3A_517, %get3A_518, %get3A_519] {strides = array<i32>} : memref<2x64x512xf32, #tpu.memory_space<vmem>>, vector<1x1x16xf32>,
      %get3A_521 = vector.shape_cast %get3A_520 : vector<1x1x16xf32> to vector<16xf32>
      %get3A_522 = arith.constant 1 : i32
      %get3A_523 = arith.index_cast %get3A_522 : i32 to index
      %get3A_524 = arith.index_cast %scan3A_395 : i32 to index
      %get3A_525 = arith.constant 336 : index
      %get3A_526 = tpu.vector_load %arg4[%get3A_523, %get3A_524, %get3A_525] {strides = array<i32>} : memref<2x64x512xf32, #tpu.memory_space<vmem>>, vector<1x1x16xf32>,
      %get3A_527 = vector.shape_cast %get3A_526 : vector<1x1x16xf32> to vector<16xf32>
      %get3A_528 = arith.constant 1 : i32
      %get3A_529 = arith.index_cast %get3A_528 : i32 to index
      %get3A_530 = arith.index_cast %scan3A_395 : i32 to index
      %get3A_531 = arith.constant 352 : index
      %get3A_532 = tpu.vector_load %arg4[%get3A_529, %get3A_530, %get3A_531] {strides = array<i32>} : memref<2x64x512xf32, #tpu.memory_space<vmem>>, vector<1x1x16xf32>,
      %get3A_533 = vector.shape_cast %get3A_532 : vector<1x1x16xf32> to vector<16xf32>
      %get3A_534 = arith.constant 1 : i32
      %get3A_535 = arith.index_cast %get3A_534 : i32 to index
      %get3A_536 = arith.index_cast %scan3A_395 : i32 to index
      %get3A_537 = arith.constant 368 : index
      %get3A_538 = tpu.vector_load %arg4[%get3A_535, %get3A_536, %get3A_537] {strides = array<i32>} : memref<2x64x512xf32, #tpu.memory_space<vmem>>, vector<1x1x16xf32>,
      %get3A_539 = vector.shape_cast %get3A_538 : vector<1x1x16xf32> to vector<16xf32>
      %get3A_540 = arith.constant 1 : i32
      %get3A_541 = arith.index_cast %get3A_540 : i32 to index
      %get3A_542 = arith.index_cast %scan3A_395 : i32 to index
      %get3A_543 = arith.constant 384 : index
      %get3A_544 = tpu.vector_load %arg4[%get3A_541, %get3A_542, %get3A_543] {strides = array<i32>} : memref<2x64x512xf32, #tpu.memory_space<vmem>>, vector<1x1x16xf32>,
      %get3A_545 = vector.shape_cast %get3A_544 : vector<1x1x16xf32> to vector<16xf32>
      %get3A_546 = arith.constant 1 : i32
      %get3A_547 = arith.index_cast %get3A_546 : i32 to index
      %get3A_548 = arith.index_cast %scan3A_395 : i32 to index
      %get3A_549 = arith.constant 400 : index
      %get3A_550 = tpu.vector_load %arg4[%get3A_547, %get3A_548, %get3A_549] {strides = array<i32>} : memref<2x64x512xf32, #tpu.memory_space<vmem>>, vector<1x1x16xf32>,
      %get3A_551 = vector.shape_cast %get3A_550 : vector<1x1x16xf32> to vector<16xf32>
      %get3A_552 = arith.constant 1 : i32
      %get3A_553 = arith.index_cast %get3A_552 : i32 to index
      %get3A_554 = arith.index_cast %scan3A_395 : i32 to index
      %get3A_555 = arith.constant 416 : index
      %get3A_556 = tpu.vector_load %arg4[%get3A_553, %get3A_554, %get3A_555] {strides = array<i32>} : memref<2x64x512xf32, #tpu.memory_space<vmem>>, vector<1x1x16xf32>,
      %get3A_557 = vector.shape_cast %get3A_556 : vector<1x1x16xf32> to vector<16xf32>
      %get3A_558 = arith.constant 1 : i32
      %get3A_559 = arith.index_cast %get3A_558 : i32 to index
      %get3A_560 = arith.index_cast %scan3A_395 : i32 to index
      %get3A_561 = arith.constant 432 : index
      %get3A_562 = tpu.vector_load %arg4[%get3A_559, %get3A_560, %get3A_561] {strides = array<i32>} : memref<2x64x512xf32, #tpu.memory_space<vmem>>, vector<1x1x16xf32>,
      %get3A_563 = vector.shape_cast %get3A_562 : vector<1x1x16xf32> to vector<16xf32>
      %get3A_564 = arith.constant 1 : i32
      %get3A_565 = arith.index_cast %get3A_564 : i32 to index
      %get3A_566 = arith.index_cast %scan3A_395 : i32 to index
      %get3A_567 = arith.constant 448 : index
      %get3A_568 = tpu.vector_load %arg4[%get3A_565, %get3A_566, %get3A_567] {strides = array<i32>} : memref<2x64x512xf32, #tpu.memory_space<vmem>>, vector<1x1x16xf32>,
      %get3A_569 = vector.shape_cast %get3A_568 : vector<1x1x16xf32> to vector<16xf32>
      %get3A_570 = arith.constant 1 : i32
      %get3A_571 = arith.index_cast %get3A_570 : i32 to index
      %get3A_572 = arith.index_cast %scan3A_395 : i32 to index
      %get3A_573 = arith.constant 464 : index
      %get3A_574 = tpu.vector_load %arg4[%get3A_571, %get3A_572, %get3A_573] {strides = array<i32>} : memref<2x64x512xf32, #tpu.memory_space<vmem>>, vector<1x1x16xf32>,
      %get3A_575 = vector.shape_cast %get3A_574 : vector<1x1x16xf32> to vector<16xf32>
      %get3A_576 = arith.constant 1 : i32
      %get3A_577 = arith.index_cast %get3A_576 : i32 to index
      %get3A_578 = arith.index_cast %scan3A_395 : i32 to index
      %get3A_579 = arith.constant 480 : index
      %get3A_580 = tpu.vector_load %arg4[%get3A_577, %get3A_578, %get3A_579] {strides = array<i32>} : memref<2x64x512xf32, #tpu.memory_space<vmem>>, vector<1x1x16xf32>,
      %get3A_581 = vector.shape_cast %get3A_580 : vector<1x1x16xf32> to vector<16xf32>
      %get3A_582 = arith.constant 1 : i32
      %get3A_583 = arith.index_cast %get3A_582 : i32 to index
      %get3A_584 = arith.index_cast %scan3A_395 : i32 to index
      %get3A_585 = arith.constant 496 : index
      %get3A_586 = tpu.vector_load %arg4[%get3A_583, %get3A_584, %get3A_585] {strides = array<i32>} : memref<2x64x512xf32, #tpu.memory_space<vmem>>, vector<1x1x16xf32>,
      %get3A_587 = vector.shape_cast %get3A_586 : vector<1x1x16xf32> to vector<16xf32>
      %max3A_588 = arith.maximumf %get3A_401, %get3A_407 : vector<16xf32>
      %max3A_589 = arith.maximumf %get3A_413, %get3A_419 : vector<16xf32>
      %max3A_590 = arith.maximumf %get3A_425, %get3A_431 : vector<16xf32>
      %max3A_591 = arith.maximumf %get3A_437, %get3A_443 : vector<16xf32>
      %max3A_592 = arith.maximumf %get3A_449, %get3A_455 : vector<16xf32>
      %max3A_593 = arith.maximumf %get3A_461, %get3A_467 : vector<16xf32>
      %max3A_594 = arith.maximumf %get3A_473, %get3A_479 : vector<16xf32>
      %max3A_595 = arith.maximumf %get3A_485, %get3A_491 : vector<16xf32>
      %max3A_596 = arith.maximumf %get3A_497, %get3A_503 : vector<16xf32>
      %max3A_597 = arith.maximumf %get3A_509, %get3A_515 : vector<16xf32>
      %max3A_598 = arith.maximumf %get3A_521, %get3A_527 : vector<16xf32>
      %max3A_599 = arith.maximumf %get3A_533, %get3A_539 : vector<16xf32>
      %max3A_600 = arith.maximumf %get3A_545, %get3A_551 : vector<16xf32>
      %max3A_601 = arith.maximumf %get3A_557, %get3A_563 : vector<16xf32>
      %max3A_602 = arith.maximumf %get3A_569, %get3A_575 : vector<16xf32>
      %max3A_603 = arith.maximumf %get3A_581, %get3A_587 : vector<16xf32>
      %max3A_604 = arith.maximumf %max3A_588, %max3A_589 : vector<16xf32>
      %max3A_605 = arith.maximumf %max3A_590, %max3A_591 : vector<16xf32>
      %max3A_606 = arith.maximumf %max3A_592, %max3A_593 : vector<16xf32>
      %max3A_607 = arith.maximumf %max3A_594, %max3A_595 : vector<16xf32>
      %max3A_608 = arith.maximumf %max3A_596, %max3A_597 : vector<16xf32>
      %max3A_609 = arith.maximumf %max3A_598, %max3A_599 : vector<16xf32>
      %max3A_610 = arith.maximumf %max3A_600, %max3A_601 : vector<16xf32>
      %max3A_611 = arith.maximumf %max3A_602, %max3A_603 : vector<16xf32>
      %max3A_612 = arith.maximumf %max3A_604, %max3A_605 : vector<16xf32>
      %max3A_613 = arith.maximumf %max3A_606, %max3A_607 : vector<16xf32>
      %max3A_614 = arith.maximumf %max3A_608, %max3A_609 : vector<16xf32>
      %max3A_615 = arith.maximumf %max3A_610, %max3A_611 : vector<16xf32>
      %max3A_616 = arith.maximumf %max3A_612, %max3A_613 : vector<16xf32>
      %max3A_617 = arith.maximumf %max3A_614, %max3A_615 : vector<16xf32>
      %max3A_618 = arith.maximumf %max3A_616, %max3A_617 : vector<16xf32>
      %swap3A_619 = arith.index_cast %scan3A_395 : i32 to index
      %swap3A_620 = arith.constant 0 : index
      %swap3A_621 = tpu.vector_load %arg5[%swap3A_619, %swap3A_620] {strides = array<i32>} : memref<64x16xf32, #tpu.memory_space<vmem>>, vector<1x16xf32>,
      %swap3A_622 = vector.shape_cast %swap3A_621 : vector<1x16xf32> to vector<16xf32>
      %swap3A_623 = vector.shape_cast %max3A_618 : vector<16xf32> to vector<1x16xf32>
      tpu.vector_store %arg5[%swap3A_619, %swap3A_620], %swap3A_623 {strides = array<i32>} : memref<64x16xf32, #tpu.memory_space<vmem>>, vector<1x16xf32>,
      %scan3A_624 = arith.constant 0 : i32
      %scan3A_625 = arith.constant 2 : i32
      %scan3A_626 = arith.addi %scan3A_166, %scan3A_625 : i32
      %get3A_627 = arith.constant 1 : i32
      %get3A_628 = arith.index_cast %get3A_627 : i32 to index
      %get3A_629 = arith.index_cast %scan3A_626 : i32 to index
      %get3A_630 = arith.constant 0 : index
      %get3A_631 = tpu.vector_load %arg4[%get3A_628, %get3A_629, %get3A_630] {strides = array<i32>} : memref<2x64x512xf32, #tpu.memory_space<vmem>>, vector<1x1x16xf32>,
      %get3A_632 = vector.shape_cast %get3A_631 : vector<1x1x16xf32> to vector<16xf32>
      %get3A_633 = arith.constant 1 : i32
      %get3A_634 = arith.index_cast %get3A_633 : i32 to index
      %get3A_635 = arith.index_cast %scan3A_626 : i32 to index
      %get3A_636 = arith.constant 16 : index
      %get3A_637 = tpu.vector_load %arg4[%get3A_634, %get3A_635, %get3A_636] {strides = array<i32>} : memref<2x64x512xf32, #tpu.memory_space<vmem>>, vector<1x1x16xf32>,
      %get3A_638 = vector.shape_cast %get3A_637 : vector<1x1x16xf32> to vector<16xf32>
      %get3A_639 = arith.constant 1 : i32
      %get3A_640 = arith.index_cast %get3A_639 : i32 to index
      %get3A_641 = arith.index_cast %scan3A_626 : i32 to index
      %get3A_642 = arith.constant 32 : index
      %get3A_643 = tpu.vector_load %arg4[%get3A_640, %get3A_641, %get3A_642] {strides = array<i32>} : memref<2x64x512xf32, #tpu.memory_space<vmem>>, vector<1x1x16xf32>,
      %get3A_644 = vector.shape_cast %get3A_643 : vector<1x1x16xf32> to vector<16xf32>
      %get3A_645 = arith.constant 1 : i32
      %get3A_646 = arith.index_cast %get3A_645 : i32 to index
      %get3A_647 = arith.index_cast %scan3A_626 : i32 to index
      %get3A_648 = arith.constant 48 : index
      %get3A_649 = tpu.vector_load %arg4[%get3A_646, %get3A_647, %get3A_648] {strides = array<i32>} : memref<2x64x512xf32, #tpu.memory_space<vmem>>, vector<1x1x16xf32>,
      %get3A_650 = vector.shape_cast %get3A_649 : vector<1x1x16xf32> to vector<16xf32>
      %get3A_651 = arith.constant 1 : i32
      %get3A_652 = arith.index_cast %get3A_651 : i32 to index
      %get3A_653 = arith.index_cast %scan3A_626 : i32 to index
      %get3A_654 = arith.constant 64 : index
      %get3A_655 = tpu.vector_load %arg4[%get3A_652, %get3A_653, %get3A_654] {strides = array<i32>} : memref<2x64x512xf32, #tpu.memory_space<vmem>>, vector<1x1x16xf32>,
      %get3A_656 = vector.shape_cast %get3A_655 : vector<1x1x16xf32> to vector<16xf32>
      %get3A_657 = arith.constant 1 : i32
      %get3A_658 = arith.index_cast %get3A_657 : i32 to index
      %get3A_659 = arith.index_cast %scan3A_626 : i32 to index
      %get3A_660 = arith.constant 80 : index
      %get3A_661 = tpu.vector_load %arg4[%get3A_658, %get3A_659, %get3A_660] {strides = array<i32>} : memref<2x64x512xf32, #tpu.memory_space<vmem>>, vector<1x1x16xf32>,
      %get3A_662 = vector.shape_cast %get3A_661 : vector<1x1x16xf32> to vector<16xf32>
      %get3A_663 = arith.constant 1 : i32
      %get3A_664 = arith.index_cast %get3A_663 : i32 to index
      %get3A_665 = arith.index_cast %scan3A_626 : i32 to index
      %get3A_666 = arith.constant 96 : index
      %get3A_667 = tpu.vector_load %arg4[%get3A_664, %get3A_665, %get3A_666] {strides = array<i32>} : memref<2x64x512xf32, #tpu.memory_space<vmem>>, vector<1x1x16xf32>,
      %get3A_668 = vector.shape_cast %get3A_667 : vector<1x1x16xf32> to vector<16xf32>
      %get3A_669 = arith.constant 1 : i32
      %get3A_670 = arith.index_cast %get3A_669 : i32 to index
      %get3A_671 = arith.index_cast %scan3A_626 : i32 to index
      %get3A_672 = arith.constant 112 : index
      %get3A_673 = tpu.vector_load %arg4[%get3A_670, %get3A_671, %get3A_672] {strides = array<i32>} : memref<2x64x512xf32, #tpu.memory_space<vmem>>, vector<1x1x16xf32>,
      %get3A_674 = vector.shape_cast %get3A_673 : vector<1x1x16xf32> to vector<16xf32>
      %get3A_675 = arith.constant 1 : i32
      %get3A_676 = arith.index_cast %get3A_675 : i32 to index
      %get3A_677 = arith.index_cast %scan3A_626 : i32 to index
      %get3A_678 = arith.constant 128 : index
      %get3A_679 = tpu.vector_load %arg4[%get3A_676, %get3A_677, %get3A_678] {strides = array<i32>} : memref<2x64x512xf32, #tpu.memory_space<vmem>>, vector<1x1x16xf32>,
      %get3A_680 = vector.shape_cast %get3A_679 : vector<1x1x16xf32> to vector<16xf32>
      %get3A_681 = arith.constant 1 : i32
      %get3A_682 = arith.index_cast %get3A_681 : i32 to index
      %get3A_683 = arith.index_cast %scan3A_626 : i32 to index
      %get3A_684 = arith.constant 144 : index
      %get3A_685 = tpu.vector_load %arg4[%get3A_682, %get3A_683, %get3A_684] {strides = array<i32>} : memref<2x64x512xf32, #tpu.memory_space<vmem>>, vector<1x1x16xf32>,
      %get3A_686 = vector.shape_cast %get3A_685 : vector<1x1x16xf32> to vector<16xf32>
      %get3A_687 = arith.constant 1 : i32
      %get3A_688 = arith.index_cast %get3A_687 : i32 to index
      %get3A_689 = arith.index_cast %scan3A_626 : i32 to index
      %get3A_690 = arith.constant 160 : index
      %get3A_691 = tpu.vector_load %arg4[%get3A_688, %get3A_689, %get3A_690] {strides = array<i32>} : memref<2x64x512xf32, #tpu.memory_space<vmem>>, vector<1x1x16xf32>,
      %get3A_692 = vector.shape_cast %get3A_691 : vector<1x1x16xf32> to vector<16xf32>
      %get3A_693 = arith.constant 1 : i32
      %get3A_694 = arith.index_cast %get3A_693 : i32 to index
      %get3A_695 = arith.index_cast %scan3A_626 : i32 to index
      %get3A_696 = arith.constant 176 : index
      %get3A_697 = tpu.vector_load %arg4[%get3A_694, %get3A_695, %get3A_696] {strides = array<i32>} : memref<2x64x512xf32, #tpu.memory_space<vmem>>, vector<1x1x16xf32>,
      %get3A_698 = vector.shape_cast %get3A_697 : vector<1x1x16xf32> to vector<16xf32>
      %get3A_699 = arith.constant 1 : i32
      %get3A_700 = arith.index_cast %get3A_699 : i32 to index
      %get3A_701 = arith.index_cast %scan3A_626 : i32 to index
      %get3A_702 = arith.constant 192 : index
      %get3A_703 = tpu.vector_load %arg4[%get3A_700, %get3A_701, %get3A_702] {strides = array<i32>} : memref<2x64x512xf32, #tpu.memory_space<vmem>>, vector<1x1x16xf32>,
      %get3A_704 = vector.shape_cast %get3A_703 : vector<1x1x16xf32> to vector<16xf32>
      %get3A_705 = arith.constant 1 : i32
      %get3A_706 = arith.index_cast %get3A_705 : i32 to index
      %get3A_707 = arith.index_cast %scan3A_626 : i32 to index
      %get3A_708 = arith.constant 208 : index
      %get3A_709 = tpu.vector_load %arg4[%get3A_706, %get3A_707, %get3A_708] {strides = array<i32>} : memref<2x64x512xf32, #tpu.memory_space<vmem>>, vector<1x1x16xf32>,
      %get3A_710 = vector.shape_cast %get3A_709 : vector<1x1x16xf32> to vector<16xf32>
      %get3A_711 = arith.constant 1 : i32
      %get3A_712 = arith.index_cast %get3A_711 : i32 to index
      %get3A_713 = arith.index_cast %scan3A_626 : i32 to index
      %get3A_714 = arith.constant 224 : index
      %get3A_715 = tpu.vector_load %arg4[%get3A_712, %get3A_713, %get3A_714] {strides = array<i32>} : memref<2x64x512xf32, #tpu.memory_space<vmem>>, vector<1x1x16xf32>,
      %get3A_716 = vector.shape_cast %get3A_715 : vector<1x1x16xf32> to vector<16xf32>
      %get3A_717 = arith.constant 1 : i32
      %get3A_718 = arith.index_cast %get3A_717 : i32 to index
      %get3A_719 = arith.index_cast %scan3A_626 : i32 to index
      %get3A_720 = arith.constant 240 : index
      %get3A_721 = tpu.vector_load %arg4[%get3A_718, %get3A_719, %get3A_720] {strides = array<i32>} : memref<2x64x512xf32, #tpu.memory_space<vmem>>, vector<1x1x16xf32>,
      %get3A_722 = vector.shape_cast %get3A_721 : vector<1x1x16xf32> to vector<16xf32>
      %get3A_723 = arith.constant 1 : i32
      %get3A_724 = arith.index_cast %get3A_723 : i32 to index
      %get3A_725 = arith.index_cast %scan3A_626 : i32 to index
      %get3A_726 = arith.constant 256 : index
      %get3A_727 = tpu.vector_load %arg4[%get3A_724, %get3A_725, %get3A_726] {strides = array<i32>} : memref<2x64x512xf32, #tpu.memory_space<vmem>>, vector<1x1x16xf32>,
      %get3A_728 = vector.shape_cast %get3A_727 : vector<1x1x16xf32> to vector<16xf32>
      %get3A_729 = arith.constant 1 : i32
      %get3A_730 = arith.index_cast %get3A_729 : i32 to index
      %get3A_731 = arith.index_cast %scan3A_626 : i32 to index
      %get3A_732 = arith.constant 272 : index
      %get3A_733 = tpu.vector_load %arg4[%get3A_730, %get3A_731, %get3A_732] {strides = array<i32>} : memref<2x64x512xf32, #tpu.memory_space<vmem>>, vector<1x1x16xf32>,
      %get3A_734 = vector.shape_cast %get3A_733 : vector<1x1x16xf32> to vector<16xf32>
      %get3A_735 = arith.constant 1 : i32
      %get3A_736 = arith.index_cast %get3A_735 : i32 to index
      %get3A_737 = arith.index_cast %scan3A_626 : i32 to index
      %get3A_738 = arith.constant 288 : index
      %get3A_739 = tpu.vector_load %arg4[%get3A_736, %get3A_737, %get3A_738] {strides = array<i32>} : memref<2x64x512xf32, #tpu.memory_space<vmem>>, vector<1x1x16xf32>,
      %get3A_740 = vector.shape_cast %get3A_739 : vector<1x1x16xf32> to vector<16xf32>
      %get3A_741 = arith.constant 1 : i32
      %get3A_742 = arith.index_cast %get3A_741 : i32 to index
      %get3A_743 = arith.index_cast %scan3A_626 : i32 to index
      %get3A_744 = arith.constant 304 : index
      %get3A_745 = tpu.vector_load %arg4[%get3A_742, %get3A_743, %get3A_744] {strides = array<i32>} : memref<2x64x512xf32, #tpu.memory_space<vmem>>, vector<1x1x16xf32>,
      %get3A_746 = vector.shape_cast %get3A_745 : vector<1x1x16xf32> to vector<16xf32>
      %get3A_747 = arith.constant 1 : i32
      %get3A_748 = arith.index_cast %get3A_747 : i32 to index
      %get3A_749 = arith.index_cast %scan3A_626 : i32 to index
      %get3A_750 = arith.constant 320 : index
      %get3A_751 = tpu.vector_load %arg4[%get3A_748, %get3A_749, %get3A_750] {strides = array<i32>} : memref<2x64x512xf32, #tpu.memory_space<vmem>>, vector<1x1x16xf32>,
      %get3A_752 = vector.shape_cast %get3A_751 : vector<1x1x16xf32> to vector<16xf32>
      %get3A_753 = arith.constant 1 : i32
      %get3A_754 = arith.index_cast %get3A_753 : i32 to index
      %get3A_755 = arith.index_cast %scan3A_626 : i32 to index
      %get3A_756 = arith.constant 336 : index
      %get3A_757 = tpu.vector_load %arg4[%get3A_754, %get3A_755, %get3A_756] {strides = array<i32>} : memref<2x64x512xf32, #tpu.memory_space<vmem>>, vector<1x1x16xf32>,
      %get3A_758 = vector.shape_cast %get3A_757 : vector<1x1x16xf32> to vector<16xf32>
      %get3A_759 = arith.constant 1 : i32
      %get3A_760 = arith.index_cast %get3A_759 : i32 to index
      %get3A_761 = arith.index_cast %scan3A_626 : i32 to index
      %get3A_762 = arith.constant 352 : index
      %get3A_763 = tpu.vector_load %arg4[%get3A_760, %get3A_761, %get3A_762] {strides = array<i32>} : memref<2x64x512xf32, #tpu.memory_space<vmem>>, vector<1x1x16xf32>,
      %get3A_764 = vector.shape_cast %get3A_763 : vector<1x1x16xf32> to vector<16xf32>
      %get3A_765 = arith.constant 1 : i32
      %get3A_766 = arith.index_cast %get3A_765 : i32 to index
      %get3A_767 = arith.index_cast %scan3A_626 : i32 to index
      %get3A_768 = arith.constant 368 : index
      %get3A_769 = tpu.vector_load %arg4[%get3A_766, %get3A_767, %get3A_768] {strides = array<i32>} : memref<2x64x512xf32, #tpu.memory_space<vmem>>, vector<1x1x16xf32>,
      %get3A_770 = vector.shape_cast %get3A_769 : vector<1x1x16xf32> to vector<16xf32>
      %get3A_771 = arith.constant 1 : i32
      %get3A_772 = arith.index_cast %get3A_771 : i32 to index
      %get3A_773 = arith.index_cast %scan3A_626 : i32 to index
      %get3A_774 = arith.constant 384 : index
      %get3A_775 = tpu.vector_load %arg4[%get3A_772, %get3A_773, %get3A_774] {strides = array<i32>} : memref<2x64x512xf32, #tpu.memory_space<vmem>>, vector<1x1x16xf32>,
      %get3A_776 = vector.shape_cast %get3A_775 : vector<1x1x16xf32> to vector<16xf32>
      %get3A_777 = arith.constant 1 : i32
      %get3A_778 = arith.index_cast %get3A_777 : i32 to index
      %get3A_779 = arith.index_cast %scan3A_626 : i32 to index
      %get3A_780 = arith.constant 400 : index
      %get3A_781 = tpu.vector_load %arg4[%get3A_778, %get3A_779, %get3A_780] {strides = array<i32>} : memref<2x64x512xf32, #tpu.memory_space<vmem>>, vector<1x1x16xf32>,
      %get3A_782 = vector.shape_cast %get3A_781 : vector<1x1x16xf32> to vector<16xf32>
      %get3A_783 = arith.constant 1 : i32
      %get3A_784 = arith.index_cast %get3A_783 : i32 to index
      %get3A_785 = arith.index_cast %scan3A_626 : i32 to index
      %get3A_786 = arith.constant 416 : index
      %get3A_787 = tpu.vector_load %arg4[%get3A_784, %get3A_785, %get3A_786] {strides = array<i32>} : memref<2x64x512xf32, #tpu.memory_space<vmem>>, vector<1x1x16xf32>,
      %get3A_788 = vector.shape_cast %get3A_787 : vector<1x1x16xf32> to vector<16xf32>
      %get3A_789 = arith.constant 1 : i32
      %get3A_790 = arith.index_cast %get3A_789 : i32 to index
      %get3A_791 = arith.index_cast %scan3A_626 : i32 to index
      %get3A_792 = arith.constant 432 : index
      %get3A_793 = tpu.vector_load %arg4[%get3A_790, %get3A_791, %get3A_792] {strides = array<i32>} : memref<2x64x512xf32, #tpu.memory_space<vmem>>, vector<1x1x16xf32>,
      %get3A_794 = vector.shape_cast %get3A_793 : vector<1x1x16xf32> to vector<16xf32>
      %get3A_795 = arith.constant 1 : i32
      %get3A_796 = arith.index_cast %get3A_795 : i32 to index
      %get3A_797 = arith.index_cast %scan3A_626 : i32 to index
      %get3A_798 = arith.constant 448 : index
      %get3A_799 = tpu.vector_load %arg4[%get3A_796, %get3A_797, %get3A_798] {strides = array<i32>} : memref<2x64x512xf32, #tpu.memory_space<vmem>>, vector<1x1x16xf32>,
      %get3A_800 = vector.shape_cast %get3A_799 : vector<1x1x16xf32> to vector<16xf32>
      %get3A_801 = arith.constant 1 : i32
      %get3A_802 = arith.index_cast %get3A_801 : i32 to index
      %get3A_803 = arith.index_cast %scan3A_626 : i32 to index
      %get3A_804 = arith.constant 464 : index
      %get3A_805 = tpu.vector_load %arg4[%get3A_802, %get3A_803, %get3A_804] {strides = array<i32>} : memref<2x64x512xf32, #tpu.memory_space<vmem>>, vector<1x1x16xf32>,
      %get3A_806 = vector.shape_cast %get3A_805 : vector<1x1x16xf32> to vector<16xf32>
      %get3A_807 = arith.constant 1 : i32
      %get3A_808 = arith.index_cast %get3A_807 : i32 to index
      %get3A_809 = arith.index_cast %scan3A_626 : i32 to index
      %get3A_810 = arith.constant 480 : index
      %get3A_811 = tpu.vector_load %arg4[%get3A_808, %get3A_809, %get3A_810] {strides = array<i32>} : memref<2x64x512xf32, #tpu.memory_space<vmem>>, vector<1x1x16xf32>,
      %get3A_812 = vector.shape_cast %get3A_811 : vector<1x1x16xf32> to vector<16xf32>
      %get3A_813 = arith.constant 1 : i32
      %get3A_814 = arith.index_cast %get3A_813 : i32 to index
      %get3A_815 = arith.index_cast %scan3A_626 : i32 to index
      %get3A_816 = arith.constant 496 : index
      %get3A_817 = tpu.vector_load %arg4[%get3A_814, %get3A_815, %get3A_816] {strides = array<i32>} : memref<2x64x512xf32, #tpu.memory_space<vmem>>, vector<1x1x16xf32>,
      %get3A_818 = vector.shape_cast %get3A_817 : vector<1x1x16xf32> to vector<16xf32>
      %max3A_819 = arith.maximumf %get3A_632, %get3A_638 : vector<16xf32>
      %max3A_820 = arith.maximumf %get3A_644, %get3A_650 : vector<16xf32>
      %max3A_821 = arith.maximumf %get3A_656, %get3A_662 : vector<16xf32>
      %max3A_822 = arith.maximumf %get3A_668, %get3A_674 : vector<16xf32>
      %max3A_823 = arith.maximumf %get3A_680, %get3A_686 : vector<16xf32>
      %max3A_824 = arith.maximumf %get3A_692, %get3A_698 : vector<16xf32>
      %max3A_825 = arith.maximumf %get3A_704, %get3A_710 : vector<16xf32>
      %max3A_826 = arith.maximumf %get3A_716, %get3A_722 : vector<16xf32>
      %max3A_827 = arith.maximumf %get3A_728, %get3A_734 : vector<16xf32>
      %max3A_828 = arith.maximumf %get3A_740, %get3A_746 : vector<16xf32>
      %max3A_829 = arith.maximumf %get3A_752, %get3A_758 : vector<16xf32>
      %max3A_830 = arith.maximumf %get3A_764, %get3A_770 : vector<16xf32>
      %max3A_831 = arith.maximumf %get3A_776, %get3A_782 : vector<16xf32>
      %max3A_832 = arith.maximumf %get3A_788, %get3A_794 : vector<16xf32>
      %max3A_833 = arith.maximumf %get3A_800, %get3A_806 : vector<16xf32>
      %max3A_834 = arith.maximumf %get3A_812, %get3A_818 : vector<16xf32>
      %max3A_835 = arith.maximumf %max3A_819, %max3A_820 : vector<16xf32>
      %max3A_836 = arith.maximumf %max3A_821, %max3A_822 : vector<16xf32>
      %max3A_837 = arith.maximumf %max3A_823, %max3A_824 : vector<16xf32>
      %max3A_838 = arith.maximumf %max3A_825, %max3A_826 : vector<16xf32>
      %max3A_839 = arith.maximumf %max3A_827, %max3A_828 : vector<16xf32>
      %max3A_840 = arith.maximumf %max3A_829, %max3A_830 : vector<16xf32>
      %max3A_841 = arith.maximumf %max3A_831, %max3A_832 : vector<16xf32>
      %max3A_842 = arith.maximumf %max3A_833, %max3A_834 : vector<16xf32>
      %max3A_843 = arith.maximumf %max3A_835, %max3A_836 : vector<16xf32>
      %max3A_844 = arith.maximumf %max3A_837, %max3A_838 : vector<16xf32>
      %max3A_845 = arith.maximumf %max3A_839, %max3A_840 : vector<16xf32>
      %max3A_846 = arith.maximumf %max3A_841, %max3A_842 : vector<16xf32>
      %max3A_847 = arith.maximumf %max3A_843, %max3A_844 : vector<16xf32>
      %max3A_848 = arith.maximumf %max3A_845, %max3A_846 : vector<16xf32>
      %max3A_849 = arith.maximumf %max3A_847, %max3A_848 : vector<16xf32>
      %swap3A_850 = arith.index_cast %scan3A_626 : i32 to index
      %swap3A_851 = arith.constant 0 : index
      %swap3A_852 = tpu.vector_load %arg5[%swap3A_850, %swap3A_851] {strides = array<i32>} : memref<64x16xf32, #tpu.memory_space<vmem>>, vector<1x16xf32>,
      %swap3A_853 = vector.shape_cast %swap3A_852 : vector<1x16xf32> to vector<16xf32>
      %swap3A_854 = vector.shape_cast %max3A_849 : vector<16xf32> to vector<1x16xf32>
      tpu.vector_store %arg5[%swap3A_850, %swap3A_851], %swap3A_854 {strides = array<i32>} : memref<64x16xf32, #tpu.memory_space<vmem>>, vector<1x16xf32>,
      %scan3A_855 = arith.constant 0 : i32
      %scan3A_856 = arith.constant 3 : i32
      %scan3A_857 = arith.addi %scan3A_166, %scan3A_856 : i32
      %get3A_858 = arith.constant 1 : i32
      %get3A_859 = arith.index_cast %get3A_858 : i32 to index
      %get3A_860 = arith.index_cast %scan3A_857 : i32 to index
      %get3A_861 = arith.constant 0 : index
      %get3A_862 = tpu.vector_load %arg4[%get3A_859, %get3A_860, %get3A_861] {strides = array<i32>} : memref<2x64x512xf32, #tpu.memory_space<vmem>>, vector<1x1x16xf32>,
      %get3A_863 = vector.shape_cast %get3A_862 : vector<1x1x16xf32> to vector<16xf32>
      %get3A_864 = arith.constant 1 : i32
      %get3A_865 = arith.index_cast %get3A_864 : i32 to index
      %get3A_866 = arith.index_cast %scan3A_857 : i32 to index
      %get3A_867 = arith.constant 16 : index
      %get3A_868 = tpu.vector_load %arg4[%get3A_865, %get3A_866, %get3A_867] {strides = array<i32>} : memref<2x64x512xf32, #tpu.memory_space<vmem>>, vector<1x1x16xf32>,
      %get3A_869 = vector.shape_cast %get3A_868 : vector<1x1x16xf32> to vector<16xf32>
      %get3A_870 = arith.constant 1 : i32
      %get3A_871 = arith.index_cast %get3A_870 : i32 to index
      %get3A_872 = arith.index_cast %scan3A_857 : i32 to index
      %get3A_873 = arith.constant 32 : index
      %get3A_874 = tpu.vector_load %arg4[%get3A_871, %get3A_872, %get3A_873] {strides = array<i32>} : memref<2x64x512xf32, #tpu.memory_space<vmem>>, vector<1x1x16xf32>,
      %get3A_875 = vector.shape_cast %get3A_874 : vector<1x1x16xf32> to vector<16xf32>
      %get3A_876 = arith.constant 1 : i32
      %get3A_877 = arith.index_cast %get3A_876 : i32 to index
      %get3A_878 = arith.index_cast %scan3A_857 : i32 to index
      %get3A_879 = arith.constant 48 : index
      %get3A_880 = tpu.vector_load %arg4[%get3A_877, %get3A_878, %get3A_879] {strides = array<i32>} : memref<2x64x512xf32, #tpu.memory_space<vmem>>, vector<1x1x16xf32>,
      %get3A_881 = vector.shape_cast %get3A_880 : vector<1x1x16xf32> to vector<16xf32>
      %get3A_882 = arith.constant 1 : i32
      %get3A_883 = arith.index_cast %get3A_882 : i32 to index
      %get3A_884 = arith.index_cast %scan3A_857 : i32 to index
      %get3A_885 = arith.constant 64 : index
      %get3A_886 = tpu.vector_load %arg4[%get3A_883, %get3A_884, %get3A_885] {strides = array<i32>} : memref<2x64x512xf32, #tpu.memory_space<vmem>>, vector<1x1x16xf32>,
      %get3A_887 = vector.shape_cast %get3A_886 : vector<1x1x16xf32> to vector<16xf32>
      %get3A_888 = arith.constant 1 : i32
      %get3A_889 = arith.index_cast %get3A_888 : i32 to index
      %get3A_890 = arith.index_cast %scan3A_857 : i32 to index
      %get3A_891 = arith.constant 80 : index
      %get3A_892 = tpu.vector_load %arg4[%get3A_889, %get3A_890, %get3A_891] {strides = array<i32>} : memref<2x64x512xf32, #tpu.memory_space<vmem>>, vector<1x1x16xf32>,
      %get3A_893 = vector.shape_cast %get3A_892 : vector<1x1x16xf32> to vector<16xf32>
      %get3A_894 = arith.constant 1 : i32
      %get3A_895 = arith.index_cast %get3A_894 : i32 to index
      %get3A_896 = arith.index_cast %scan3A_857 : i32 to index
      %get3A_897 = arith.constant 96 : index
      %get3A_898 = tpu.vector_load %arg4[%get3A_895, %get3A_896, %get3A_897] {strides = array<i32>} : memref<2x64x512xf32, #tpu.memory_space<vmem>>, vector<1x1x16xf32>,
      %get3A_899 = vector.shape_cast %get3A_898 : vector<1x1x16xf32> to vector<16xf32>
      %get3A_900 = arith.constant 1 : i32
      %get3A_901 = arith.index_cast %get3A_900 : i32 to index
      %get3A_902 = arith.index_cast %scan3A_857 : i32 to index
      %get3A_903 = arith.constant 112 : index
      %get3A_904 = tpu.vector_load %arg4[%get3A_901, %get3A_902, %get3A_903] {strides = array<i32>} : memref<2x64x512xf32, #tpu.memory_space<vmem>>, vector<1x1x16xf32>,
      %get3A_905 = vector.shape_cast %get3A_904 : vector<1x1x16xf32> to vector<16xf32>
      %get3A_906 = arith.constant 1 : i32
      %get3A_907 = arith.index_cast %get3A_906 : i32 to index
      %get3A_908 = arith.index_cast %scan3A_857 : i32 to index
      %get3A_909 = arith.constant 128 : index
      %get3A_910 = tpu.vector_load %arg4[%get3A_907, %get3A_908, %get3A_909] {strides = array<i32>} : memref<2x64x512xf32, #tpu.memory_space<vmem>>, vector<1x1x16xf32>,
      %get3A_911 = vector.shape_cast %get3A_910 : vector<1x1x16xf32> to vector<16xf32>
      %get3A_912 = arith.constant 1 : i32
      %get3A_913 = arith.index_cast %get3A_912 : i32 to index
      %get3A_914 = arith.index_cast %scan3A_857 : i32 to index
      %get3A_915 = arith.constant 144 : index
      %get3A_916 = tpu.vector_load %arg4[%get3A_913, %get3A_914, %get3A_915] {strides = array<i32>} : memref<2x64x512xf32, #tpu.memory_space<vmem>>, vector<1x1x16xf32>,
      %get3A_917 = vector.shape_cast %get3A_916 : vector<1x1x16xf32> to vector<16xf32>
      %get3A_918 = arith.constant 1 : i32
      %get3A_919 = arith.index_cast %get3A_918 : i32 to index
      %get3A_920 = arith.index_cast %scan3A_857 : i32 to index
      %get3A_921 = arith.constant 160 : index
      %get3A_922 = tpu.vector_load %arg4[%get3A_919, %get3A_920, %get3A_921] {strides = array<i32>} : memref<2x64x512xf32, #tpu.memory_space<vmem>>, vector<1x1x16xf32>,
      %get3A_923 = vector.shape_cast %get3A_922 : vector<1x1x16xf32> to vector<16xf32>
      %get3A_924 = arith.constant 1 : i32
      %get3A_925 = arith.index_cast %get3A_924 : i32 to index
      %get3A_926 = arith.index_cast %scan3A_857 : i32 to index
      %get3A_927 = arith.constant 176 : index
      %get3A_928 = tpu.vector_load %arg4[%get3A_925, %get3A_926, %get3A_927] {strides = array<i32>} : memref<2x64x512xf32, #tpu.memory_space<vmem>>, vector<1x1x16xf32>,
      %get3A_929 = vector.shape_cast %get3A_928 : vector<1x1x16xf32> to vector<16xf32>
      %get3A_930 = arith.constant 1 : i32
      %get3A_931 = arith.index_cast %get3A_930 : i32 to index
      %get3A_932 = arith.index_cast %scan3A_857 : i32 to index
      %get3A_933 = arith.constant 192 : index
      %get3A_934 = tpu.vector_load %arg4[%get3A_931, %get3A_932, %get3A_933] {strides = array<i32>} : memref<2x64x512xf32, #tpu.memory_space<vmem>>, vector<1x1x16xf32>,
      %get3A_935 = vector.shape_cast %get3A_934 : vector<1x1x16xf32> to vector<16xf32>
      %get3A_936 = arith.constant 1 : i32
      %get3A_937 = arith.index_cast %get3A_936 : i32 to index
      %get3A_938 = arith.index_cast %scan3A_857 : i32 to index
      %get3A_939 = arith.constant 208 : index
      %get3A_940 = tpu.vector_load %arg4[%get3A_937, %get3A_938, %get3A_939] {strides = array<i32>} : memref<2x64x512xf32, #tpu.memory_space<vmem>>, vector<1x1x16xf32>,
      %get3A_941 = vector.shape_cast %get3A_940 : vector<1x1x16xf32> to vector<16xf32>
      %get3A_942 = arith.constant 1 : i32
      %get3A_943 = arith.index_cast %get3A_942 : i32 to index
      %get3A_944 = arith.index_cast %scan3A_857 : i32 to index
      %get3A_945 = arith.constant 224 : index
      %get3A_946 = tpu.vector_load %arg4[%get3A_943, %get3A_944, %get3A_945] {strides = array<i32>} : memref<2x64x512xf32, #tpu.memory_space<vmem>>, vector<1x1x16xf32>,
      %get3A_947 = vector.shape_cast %get3A_946 : vector<1x1x16xf32> to vector<16xf32>
      %get3A_948 = arith.constant 1 : i32
      %get3A_949 = arith.index_cast %get3A_948 : i32 to index
      %get3A_950 = arith.index_cast %scan3A_857 : i32 to index
      %get3A_951 = arith.constant 240 : index
      %get3A_952 = tpu.vector_load %arg4[%get3A_949, %get3A_950, %get3A_951] {strides = array<i32>} : memref<2x64x512xf32, #tpu.memory_space<vmem>>, vector<1x1x16xf32>,
      %get3A_953 = vector.shape_cast %get3A_952 : vector<1x1x16xf32> to vector<16xf32>
      %get3A_954 = arith.constant 1 : i32
      %get3A_955 = arith.index_cast %get3A_954 : i32 to index
      %get3A_956 = arith.index_cast %scan3A_857 : i32 to index
      %get3A_957 = arith.constant 256 : index
      %get3A_958 = tpu.vector_load %arg4[%get3A_955, %get3A_956, %get3A_957] {strides = array<i32>} : memref<2x64x512xf32, #tpu.memory_space<vmem>>, vector<1x1x16xf32>,
      %get3A_959 = vector.shape_cast %get3A_958 : vector<1x1x16xf32> to vector<16xf32>
      %get3A_960 = arith.constant 1 : i32
      %get3A_961 = arith.index_cast %get3A_960 : i32 to index
      %get3A_962 = arith.index_cast %scan3A_857 : i32 to index
      %get3A_963 = arith.constant 272 : index
      %get3A_964 = tpu.vector_load %arg4[%get3A_961, %get3A_962, %get3A_963] {strides = array<i32>} : memref<2x64x512xf32, #tpu.memory_space<vmem>>, vector<1x1x16xf32>,
      %get3A_965 = vector.shape_cast %get3A_964 : vector<1x1x16xf32> to vector<16xf32>
      %get3A_966 = arith.constant 1 : i32
      %get3A_967 = arith.index_cast %get3A_966 : i32 to index
      %get3A_968 = arith.index_cast %scan3A_857 : i32 to index
      %get3A_969 = arith.constant 288 : index
      %get3A_970 = tpu.vector_load %arg4[%get3A_967, %get3A_968, %get3A_969] {strides = array<i32>} : memref<2x64x512xf32, #tpu.memory_space<vmem>>, vector<1x1x16xf32>,
      %get3A_971 = vector.shape_cast %get3A_970 : vector<1x1x16xf32> to vector<16xf32>
      %get3A_972 = arith.constant 1 : i32
      %get3A_973 = arith.index_cast %get3A_972 : i32 to index
      %get3A_974 = arith.index_cast %scan3A_857 : i32 to index
      %get3A_975 = arith.constant 304 : index
      %get3A_976 = tpu.vector_load %arg4[%get3A_973, %get3A_974, %get3A_975] {strides = array<i32>} : memref<2x64x512xf32, #tpu.memory_space<vmem>>, vector<1x1x16xf32>,
      %get3A_977 = vector.shape_cast %get3A_976 : vector<1x1x16xf32> to vector<16xf32>
      %get3A_978 = arith.constant 1 : i32
      %get3A_979 = arith.index_cast %get3A_978 : i32 to index
      %get3A_980 = arith.index_cast %scan3A_857 : i32 to index
      %get3A_981 = arith.constant 320 : index
      %get3A_982 = tpu.vector_load %arg4[%get3A_979, %get3A_980, %get3A_981] {strides = array<i32>} : memref<2x64x512xf32, #tpu.memory_space<vmem>>, vector<1x1x16xf32>,
      %get3A_983 = vector.shape_cast %get3A_982 : vector<1x1x16xf32> to vector<16xf32>
      %get3A_984 = arith.constant 1 : i32
      %get3A_985 = arith.index_cast %get3A_984 : i32 to index
      %get3A_986 = arith.index_cast %scan3A_857 : i32 to index
      %get3A_987 = arith.constant 336 : index
      %get3A_988 = tpu.vector_load %arg4[%get3A_985, %get3A_986, %get3A_987] {strides = array<i32>} : memref<2x64x512xf32, #tpu.memory_space<vmem>>, vector<1x1x16xf32>,
      %get3A_989 = vector.shape_cast %get3A_988 : vector<1x1x16xf32> to vector<16xf32>
      %get3A_990 = arith.constant 1 : i32
      %get3A_991 = arith.index_cast %get3A_990 : i32 to index
      %get3A_992 = arith.index_cast %scan3A_857 : i32 to index
      %get3A_993 = arith.constant 352 : index
      %get3A_994 = tpu.vector_load %arg4[%get3A_991, %get3A_992, %get3A_993] {strides = array<i32>} : memref<2x64x512xf32, #tpu.memory_space<vmem>>, vector<1x1x16xf32>,
      %get3A_995 = vector.shape_cast %get3A_994 : vector<1x1x16xf32> to vector<16xf32>
      %get3A_996 = arith.constant 1 : i32
      %get3A_997 = arith.index_cast %get3A_996 : i32 to index
      %get3A_998 = arith.index_cast %scan3A_857 : i32 to index
      %get3A_999 = arith.constant 368 : index
      %get3A_1000 = tpu.vector_load %arg4[%get3A_997, %get3A_998, %get3A_999] {strides = array<i32>} : memref<2x64x512xf32, #tpu.memory_space<vmem>>, vector<1x1x16xf32>,
      %get3A_1001 = vector.shape_cast %get3A_1000 : vector<1x1x16xf32> to vector<16xf32>
      %get3A_1002 = arith.constant 1 : i32
      %get3A_1003 = arith.index_cast %get3A_1002 : i32 to index
      %get3A_1004 = arith.index_cast %scan3A_857 : i32 to index
      %get3A_1005 = arith.constant 384 : index
      %get3A_1006 = tpu.vector_load %arg4[%get3A_1003, %get3A_1004, %get3A_1005] {strides = array<i32>} : memref<2x64x512xf32, #tpu.memory_space<vmem>>, vector<1x1x16xf32>,
      %get3A_1007 = vector.shape_cast %get3A_1006 : vector<1x1x16xf32> to vector<16xf32>
      %get3A_1008 = arith.constant 1 : i32
      %get3A_1009 = arith.index_cast %get3A_1008 : i32 to index
      %get3A_1010 = arith.index_cast %scan3A_857 : i32 to index
      %get3A_1011 = arith.constant 400 : index
      %get3A_1012 = tpu.vector_load %arg4[%get3A_1009, %get3A_1010, %get3A_1011] {strides = array<i32>} : memref<2x64x512xf32, #tpu.memory_space<vmem>>, vector<1x1x16xf32>,
      %get3A_1013 = vector.shape_cast %get3A_1012 : vector<1x1x16xf32> to vector<16xf32>
      %get3A_1014 = arith.constant 1 : i32
      %get3A_1015 = arith.index_cast %get3A_1014 : i32 to index
      %get3A_1016 = arith.index_cast %scan3A_857 : i32 to index
      %get3A_1017 = arith.constant 416 : index
      %get3A_1018 = tpu.vector_load %arg4[%get3A_1015, %get3A_1016, %get3A_1017] {strides = array<i32>} : memref<2x64x512xf32, #tpu.memory_space<vmem>>, vector<1x1x16xf32>,
      %get3A_1019 = vector.shape_cast %get3A_1018 : vector<1x1x16xf32> to vector<16xf32>
      %get3A_1020 = arith.constant 1 : i32
      %get3A_1021 = arith.index_cast %get3A_1020 : i32 to index
      %get3A_1022 = arith.index_cast %scan3A_857 : i32 to index
      %get3A_1023 = arith.constant 432 : index
      %get3A_1024 = tpu.vector_load %arg4[%get3A_1021, %get3A_1022, %get3A_1023] {strides = array<i32>} : memref<2x64x512xf32, #tpu.memory_space<vmem>>, vector<1x1x16xf32>,
      %get3A_1025 = vector.shape_cast %get3A_1024 : vector<1x1x16xf32> to vector<16xf32>
      %get3A_1026 = arith.constant 1 : i32
      %get3A_1027 = arith.index_cast %get3A_1026 : i32 to index
      %get3A_1028 = arith.index_cast %scan3A_857 : i32 to index
      %get3A_1029 = arith.constant 448 : index
      %get3A_1030 = tpu.vector_load %arg4[%get3A_1027, %get3A_1028, %get3A_1029] {strides = array<i32>} : memref<2x64x512xf32, #tpu.memory_space<vmem>>, vector<1x1x16xf32>,
      %get3A_1031 = vector.shape_cast %get3A_1030 : vector<1x1x16xf32> to vector<16xf32>
      %get3A_1032 = arith.constant 1 : i32
      %get3A_1033 = arith.index_cast %get3A_1032 : i32 to index
      %get3A_1034 = arith.index_cast %scan3A_857 : i32 to index
      %get3A_1035 = arith.constant 464 : index
      %get3A_1036 = tpu.vector_load %arg4[%get3A_1033, %get3A_1034, %get3A_1035] {strides = array<i32>} : memref<2x64x512xf32, #tpu.memory_space<vmem>>, vector<1x1x16xf32>,
      %get3A_1037 = vector.shape_cast %get3A_1036 : vector<1x1x16xf32> to vector<16xf32>
      %get3A_1038 = arith.constant 1 : i32
      %get3A_1039 = arith.index_cast %get3A_1038 : i32 to index
      %get3A_1040 = arith.index_cast %scan3A_857 : i32 to index
      %get3A_1041 = arith.constant 480 : index
      %get3A_1042 = tpu.vector_load %arg4[%get3A_1039, %get3A_1040, %get3A_1041] {strides = array<i32>} : memref<2x64x512xf32, #tpu.memory_space<vmem>>, vector<1x1x16xf32>,
      %get3A_1043 = vector.shape_cast %get3A_1042 : vector<1x1x16xf32> to vector<16xf32>
      %get3A_1044 = arith.constant 1 : i32
      %get3A_1045 = arith.index_cast %get3A_1044 : i32 to index
      %get3A_1046 = arith.index_cast %scan3A_857 : i32 to index
      %get3A_1047 = arith.constant 496 : index
      %get3A_1048 = tpu.vector_load %arg4[%get3A_1045, %get3A_1046, %get3A_1047] {strides = array<i32>} : memref<2x64x512xf32, #tpu.memory_space<vmem>>, vector<1x1x16xf32>,
      %get3A_1049 = vector.shape_cast %get3A_1048 : vector<1x1x16xf32> to vector<16xf32>
      %max3A_1050 = arith.maximumf %get3A_863, %get3A_869 : vector<16xf32>
      %max3A_1051 = arith.maximumf %get3A_875, %get3A_881 : vector<16xf32>
      %max3A_1052 = arith.maximumf %get3A_887, %get3A_893 : vector<16xf32>
      %max3A_1053 = arith.maximumf %get3A_899, %get3A_905 : vector<16xf32>
      %max3A_1054 = arith.maximumf %get3A_911, %get3A_917 : vector<16xf32>
      %max3A_1055 = arith.maximumf %get3A_923, %get3A_929 : vector<16xf32>
      %max3A_1056 = arith.maximumf %get3A_935, %get3A_941 : vector<16xf32>
      %max3A_1057 = arith.maximumf %get3A_947, %get3A_953 : vector<16xf32>
      %max3A_1058 = arith.maximumf %get3A_959, %get3A_965 : vector<16xf32>
      %max3A_1059 = arith.maximumf %get3A_971, %get3A_977 : vector<16xf32>
      %max3A_1060 = arith.maximumf %get3A_983, %get3A_989 : vector<16xf32>
      %max3A_1061 = arith.maximumf %get3A_995, %get3A_1001 : vector<16xf32>
      %max3A_1062 = arith.maximumf %get3A_1007, %get3A_1013 : vector<16xf32>
      %max3A_1063 = arith.maximumf %get3A_1019, %get3A_1025 : vector<16xf32>
      %max3A_1064 = arith.maximumf %get3A_1031, %get3A_1037 : vector<16xf32>
      %max3A_1065 = arith.maximumf %get3A_1043, %get3A_1049 : vector<16xf32>
      %max3A_1066 = arith.maximumf %max3A_1050, %max3A_1051 : vector<16xf32>
      %max3A_1067 = arith.maximumf %max3A_1052, %max3A_1053 : vector<16xf32>
      %max3A_1068 = arith.maximumf %max3A_1054, %max3A_1055 : vector<16xf32>
      %max3A_1069 = arith.maximumf %max3A_1056, %max3A_1057 : vector<16xf32>
      %max3A_1070 = arith.maximumf %max3A_1058, %max3A_1059 : vector<16xf32>
      %max3A_1071 = arith.maximumf %max3A_1060, %max3A_1061 : vector<16xf32>
      %max3A_1072 = arith.maximumf %max3A_1062, %max3A_1063 : vector<16xf32>
      %max3A_1073 = arith.maximumf %max3A_1064, %max3A_1065 : vector<16xf32>
      %max3A_1074 = arith.maximumf %max3A_1066, %max3A_1067 : vector<16xf32>
      %max3A_1075 = arith.maximumf %max3A_1068, %max3A_1069 : vector<16xf32>
      %max3A_1076 = arith.maximumf %max3A_1070, %max3A_1071 : vector<16xf32>
      %max3A_1077 = arith.maximumf %max3A_1072, %max3A_1073 : vector<16xf32>
      %max3A_1078 = arith.maximumf %max3A_1074, %max3A_1075 : vector<16xf32>
      %max3A_1079 = arith.maximumf %max3A_1076, %max3A_1077 : vector<16xf32>
      %max3A_1080 = arith.maximumf %max3A_1078, %max3A_1079 : vector<16xf32>
      %swap3A_1081 = arith.index_cast %scan3A_857 : i32 to index
      %swap3A_1082 = arith.constant 0 : index
      %swap3A_1083 = tpu.vector_load %arg5[%swap3A_1081, %swap3A_1082] {strides = array<i32>} : memref<64x16xf32, #tpu.memory_space<vmem>>, vector<1x16xf32>,
      %swap3A_1084 = vector.shape_cast %swap3A_1083 : vector<1x16xf32> to vector<16xf32>
      %swap3A_1085 = vector.shape_cast %max3A_1080 : vector<16xf32> to vector<1x16xf32>
      tpu.vector_store %arg5[%swap3A_1081, %swap3A_1082], %swap3A_1085 {strides = array<i32>} : memref<64x16xf32, #tpu.memory_space<vmem>>, vector<1x16xf32>,
      %scan3A_1086 = arith.constant 0 : i32
      scf.yield %scan3A_1086 : i32
    }
    %scan3A_94 = arith.constant 64 : i32
    %add3A_95 = arith.constant 192 : i32
    %add3A_96 = arith.addi %add3A_4, %add3A_95 : i32
    %dma_start3A_97 = arith.constant 1 : i32
    %dma_start3A_98 = arith.constant 0 : i32
    %dma_start3A_99 = arith.constant 0 : i32
    %dma_start3A_100 = tpu.memref_slice %arg4[%dma_start3A_97, %dma_start3A_98, %dma_start3A_99] : memref<2x64x512xf32, #tpu.memory_space<vmem>> -> memref<1x64x512xf32, #tpu.memory_space<vmem>>
    %dma_start3A_101 = tpu.memref_squeeze %dma_start3A_100 : memref<1x64x512xf32, #tpu.memory_space<vmem>> -> memref<64x512xf32, #tpu.memory_space<vmem>>
    %dma_start3A_102 = arith.constant 0 : i32
    %dma_start3A_103 = tpu.memref_slice %arg2[%add3A_96, %dma_start3A_102] : memref<16384x512xf32, #tpu.memory_space<hbm>> -> memref<64x512xf32, #tpu.memory_space<hbm>>
    %dma_start3A_104 = arith.constant 0 : i32
    %dma_start3A_105 = arith.constant 0 : i32
    %dma_start3A_106 = tpu.memref_slice %arg4[%dma_start3A_97, %dma_start3A_104, %dma_start3A_105] : memref<2x64x512xf32, #tpu.memory_space<vmem>> -> memref<1x64x512xf32, #tpu.memory_space<vmem>>
    %dma_start3A_107 = tpu.memref_squeeze %dma_start3A_106 : memref<1x64x512xf32, #tpu.memory_space<vmem>> -> memref<64x512xf32, #tpu.memory_space<vmem>>
    %dma_start3A_108 = arith.constant 0 : i32
    %dma_start3A_109 = tpu.memref_slice %arg2[%add3A_96, %dma_start3A_108] : memref<16384x512xf32, #tpu.memory_space<hbm>> -> memref<64x512xf32, #tpu.memory_space<hbm>>
    tpu.enqueue_dma source(%dma_start3A_109 : memref<64x512xf32, #tpu.memory_space<hbm>>) target(%dma_start3A_107 : memref<64x512xf32, #tpu.memory_space<vmem>>) target_semaphore(%arg7 : memref<!tpu.dma_semaphore, #tpu.memory_space<semaphore_mem>>)
    %mul3A_110 = arith.constant 256 : i32
    %mul3A_111 = arith.muli %add3A, %mul3A_110 : i32
    %add3A_112 = arith.constant 64 : i32
    %add3A_113 = arith.addi %mul3A_111, %add3A_112 : i32
    "tpu.region"() ({
      %run_scoped3A = tpu.sem_alloc : memref<!tpu.dma_semaphore, #tpu.memory_space<semaphore_mem>>
      %dma_start3A_166 = arith.constant 0 : i32
      %dma_start3A_167 = tpu.memref_slice %arg3[%add3A_113, %dma_start3A_166] : memref<4096x16xf32, #tpu.memory_space<hbm>> -> memref<64x16xf32, #tpu.memory_space<hbm>>
      %dma_start3A_168 = arith.constant 0 : i32
      %dma_start3A_169 = tpu.memref_slice %arg3[%add3A_113, %dma_start3A_168] : memref<4096x16xf32, #tpu.memory_space<hbm>> -> memref<64x16xf32, #tpu.memory_space<hbm>>
      tpu.enqueue_dma source(%arg5 : memref<64x16xf32, #tpu.memory_space<vmem>>) target(%dma_start3A_169 : memref<64x16xf32, #tpu.memory_space<hbm>>) target_semaphore(%run_scoped3A : memref<!tpu.dma_semaphore, #tpu.memory_space<semaphore_mem>>)
      %dma_wait3A_170 = arith.constant 0 : i32
      %dma_wait3A_171 = tpu.memref_slice %arg3[%add3A_113, %dma_wait3A_170] : memref<4096x16xf32, #tpu.memory_space<hbm>> -> memref<64x16xf32, #tpu.memory_space<hbm>>
      %dma_wait3A_172 = arith.constant 0 : i32
      %dma_wait3A_173 = tpu.memref_slice %arg3[%add3A_113, %dma_wait3A_172] : memref<4096x16xf32, #tpu.memory_space<hbm>> -> memref<64x16xf32, #tpu.memory_space<hbm>>
      tpu.wait_dma2 semaphore(%run_scoped3A : memref<!tpu.dma_semaphore, #tpu.memory_space<semaphore_mem>>) src(%arg5 : memref<64x16xf32, #tpu.memory_space<vmem>>) dst(%dma_wait3A_173 : memref<64x16xf32, #tpu.memory_space<hbm>>)
      tpu.yield
    }) : () -> ()
    %dma_wait3A_114 = arith.constant 0 : i32
    %dma_wait3A_115 = arith.constant 0 : i32
    %dma_wait3A_116 = arith.constant 0 : i32
    %dma_wait3A_117 = tpu.memref_slice %arg4[%dma_wait3A_114, %dma_wait3A_115, %dma_wait3A_116] : memref<2x64x512xf32, #tpu.memory_space<vmem>> -> memref<1x64x512xf32, #tpu.memory_space<vmem>>
    %dma_wait3A_118 = tpu.memref_squeeze %dma_wait3A_117 : memref<1x64x512xf32, #tpu.memory_space<vmem>> -> memref<64x512xf32, #tpu.memory_space<vmem>>
    %dma_wait3A_119 = arith.constant 0 : i32
    %dma_wait3A_120 = arith.constant 0 : i32
    %dma_wait3A_121 = tpu.memref_slice %arg2[%dma_wait3A_119, %dma_wait3A_120] : memref<16384x512xf32, #tpu.memory_space<hbm>> -> memref<64x512xf32, #tpu.memory_space<hbm>>
    %dma_wait3A_122 = arith.constant 0 : i32
    %dma_wait3A_123 = arith.constant 0 : i32
    %dma_wait3A_124 = tpu.memref_slice %arg4[%dma_wait3A_114, %dma_wait3A_122, %dma_wait3A_123] : memref<2x64x512xf32, #tpu.memory_space<vmem>> -> memref<1x64x512xf32, #tpu.memory_space<vmem>>
    %dma_wait3A_125 = tpu.memref_squeeze %dma_wait3A_124 : memref<1x64x512xf32, #tpu.memory_space<vmem>> -> memref<64x512xf32, #tpu.memory_space<vmem>>
    %dma_wait3A_126 = arith.constant 0 : i32
    %dma_wait3A_127 = arith.constant 0 : i32
    %dma_wait3A_128 = tpu.memref_slice %arg2[%dma_wait3A_126, %dma_wait3A_127] : memref<16384x512xf32, #tpu.memory_space<hbm>> -> memref<64x512xf32, #tpu.memory_space<hbm>>
    tpu.wait_dma2 semaphore(%arg6 : memref<!tpu.dma_semaphore, #tpu.memory_space<semaphore_mem>>) src(%dma_wait3A_128 : memref<64x512xf32, #tpu.memory_space<hbm>>) dst(%dma_wait3A_125 : memref<64x512xf32, #tpu.memory_space<vmem>>)
    %scan3A_129 = arith.constant 0 : i32
    %scan3A_130 = arith.constant 0 : i32
    %scan3A_131 = arith.constant 64 : i32
    %scan3A_132 = arith.addi %scan3A_130, %scan3A_131 : i32
    %scan3A_133 = arith.constant 4 : i32
    %scan3A_134 = scf.for %scan3A_166 = %scan3A_130 to %scan3A_132 step %scan3A_133 iter_args(%scan3A_167 = %scan3A_129) -> (i32)  : i32 {
      %get3A = arith.constant 0 : i32
      %get3A_168 = arith.index_cast %get3A : i32 to index
      %get3A_169 = arith.index_cast %scan3A_166 : i32 to index
      %get3A_170 = arith.constant 0 : index
      %get3A_171 = tpu.vector_load %arg4[%get3A_168, %get3A_169, %get3A_170] {strides = array<i32>} : memref<2x64x512xf32, #tpu.memory_space<vmem>>, vector<1x1x16xf32>,
      %get3A_172 = vector.shape_cast %get3A_171 : vector<1x1x16xf32> to vector<16xf32>
      %get3A_173 = arith.constant 0 : i32
      %get3A_174 = arith.index_cast %get3A_173 : i32 to index
      %get3A_175 = arith.index_cast %scan3A_166 : i32 to index
      %get3A_176 = arith.constant 16 : index
      %get3A_177 = tpu.vector_load %arg4[%get3A_174, %get3A_175, %get3A_176] {strides = array<i32>} : memref<2x64x512xf32, #tpu.memory_space<vmem>>, vector<1x1x16xf32>,
      %get3A_178 = vector.shape_cast %get3A_177 : vector<1x1x16xf32> to vector<16xf32>
      %get3A_179 = arith.constant 0 : i32
      %get3A_180 = arith.index_cast %get3A_179 : i32 to index
      %get3A_181 = arith.index_cast %scan3A_166 : i32 to index
      %get3A_182 = arith.constant 32 : index
      %get3A_183 = tpu.vector_load %arg4[%get3A_180, %get3A_181, %get3A_182] {strides = array<i32>} : memref<2x64x512xf32, #tpu.memory_space<vmem>>, vector<1x1x16xf32>,
      %get3A_184 = vector.shape_cast %get3A_183 : vector<1x1x16xf32> to vector<16xf32>
      %get3A_185 = arith.constant 0 : i32
      %get3A_186 = arith.index_cast %get3A_185 : i32 to index
      %get3A_187 = arith.index_cast %scan3A_166 : i32 to index
      %get3A_188 = arith.constant 48 : index
      %get3A_189 = tpu.vector_load %arg4[%get3A_186, %get3A_187, %get3A_188] {strides = array<i32>} : memref<2x64x512xf32, #tpu.memory_space<vmem>>, vector<1x1x16xf32>,
      %get3A_190 = vector.shape_cast %get3A_189 : vector<1x1x16xf32> to vector<16xf32>
      %get3A_191 = arith.constant 0 : i32
      %get3A_192 = arith.index_cast %get3A_191 : i32 to index
      %get3A_193 = arith.index_cast %scan3A_166 : i32 to index
      %get3A_194 = arith.constant 64 : index
      %get3A_195 = tpu.vector_load %arg4[%get3A_192, %get3A_193, %get3A_194] {strides = array<i32>} : memref<2x64x512xf32, #tpu.memory_space<vmem>>, vector<1x1x16xf32>,
      %get3A_196 = vector.shape_cast %get3A_195 : vector<1x1x16xf32> to vector<16xf32>
      %get3A_197 = arith.constant 0 : i32
      %get3A_198 = arith.index_cast %get3A_197 : i32 to index
      %get3A_199 = arith.index_cast %scan3A_166 : i32 to index
      %get3A_200 = arith.constant 80 : index
      %get3A_201 = tpu.vector_load %arg4[%get3A_198, %get3A_199, %get3A_200] {strides = array<i32>} : memref<2x64x512xf32, #tpu.memory_space<vmem>>, vector<1x1x16xf32>,
      %get3A_202 = vector.shape_cast %get3A_201 : vector<1x1x16xf32> to vector<16xf32>
      %get3A_203 = arith.constant 0 : i32
      %get3A_204 = arith.index_cast %get3A_203 : i32 to index
      %get3A_205 = arith.index_cast %scan3A_166 : i32 to index
      %get3A_206 = arith.constant 96 : index
      %get3A_207 = tpu.vector_load %arg4[%get3A_204, %get3A_205, %get3A_206] {strides = array<i32>} : memref<2x64x512xf32, #tpu.memory_space<vmem>>, vector<1x1x16xf32>,
      %get3A_208 = vector.shape_cast %get3A_207 : vector<1x1x16xf32> to vector<16xf32>
      %get3A_209 = arith.constant 0 : i32
      %get3A_210 = arith.index_cast %get3A_209 : i32 to index
      %get3A_211 = arith.index_cast %scan3A_166 : i32 to index
      %get3A_212 = arith.constant 112 : index
      %get3A_213 = tpu.vector_load %arg4[%get3A_210, %get3A_211, %get3A_212] {strides = array<i32>} : memref<2x64x512xf32, #tpu.memory_space<vmem>>, vector<1x1x16xf32>,
      %get3A_214 = vector.shape_cast %get3A_213 : vector<1x1x16xf32> to vector<16xf32>
      %get3A_215 = arith.constant 0 : i32
      %get3A_216 = arith.index_cast %get3A_215 : i32 to index
      %get3A_217 = arith.index_cast %scan3A_166 : i32 to index
      %get3A_218 = arith.constant 128 : index
      %get3A_219 = tpu.vector_load %arg4[%get3A_216, %get3A_217, %get3A_218] {strides = array<i32>} : memref<2x64x512xf32, #tpu.memory_space<vmem>>, vector<1x1x16xf32>,
      %get3A_220 = vector.shape_cast %get3A_219 : vector<1x1x16xf32> to vector<16xf32>
      %get3A_221 = arith.constant 0 : i32
      %get3A_222 = arith.index_cast %get3A_221 : i32 to index
      %get3A_223 = arith.index_cast %scan3A_166 : i32 to index
      %get3A_224 = arith.constant 144 : index
      %get3A_225 = tpu.vector_load %arg4[%get3A_222, %get3A_223, %get3A_224] {strides = array<i32>} : memref<2x64x512xf32, #tpu.memory_space<vmem>>, vector<1x1x16xf32>,
      %get3A_226 = vector.shape_cast %get3A_225 : vector<1x1x16xf32> to vector<16xf32>
      %get3A_227 = arith.constant 0 : i32
      %get3A_228 = arith.index_cast %get3A_227 : i32 to index
      %get3A_229 = arith.index_cast %scan3A_166 : i32 to index
      %get3A_230 = arith.constant 160 : index
      %get3A_231 = tpu.vector_load %arg4[%get3A_228, %get3A_229, %get3A_230] {strides = array<i32>} : memref<2x64x512xf32, #tpu.memory_space<vmem>>, vector<1x1x16xf32>,
      %get3A_232 = vector.shape_cast %get3A_231 : vector<1x1x16xf32> to vector<16xf32>
      %get3A_233 = arith.constant 0 : i32
      %get3A_234 = arith.index_cast %get3A_233 : i32 to index
      %get3A_235 = arith.index_cast %scan3A_166 : i32 to index
      %get3A_236 = arith.constant 176 : index
      %get3A_237 = tpu.vector_load %arg4[%get3A_234, %get3A_235, %get3A_236] {strides = array<i32>} : memref<2x64x512xf32, #tpu.memory_space<vmem>>, vector<1x1x16xf32>,
      %get3A_238 = vector.shape_cast %get3A_237 : vector<1x1x16xf32> to vector<16xf32>
      %get3A_239 = arith.constant 0 : i32
      %get3A_240 = arith.index_cast %get3A_239 : i32 to index
      %get3A_241 = arith.index_cast %scan3A_166 : i32 to index
      %get3A_242 = arith.constant 192 : index
      %get3A_243 = tpu.vector_load %arg4[%get3A_240, %get3A_241, %get3A_242] {strides = array<i32>} : memref<2x64x512xf32, #tpu.memory_space<vmem>>, vector<1x1x16xf32>,
      %get3A_244 = vector.shape_cast %get3A_243 : vector<1x1x16xf32> to vector<16xf32>
      %get3A_245 = arith.constant 0 : i32
      %get3A_246 = arith.index_cast %get3A_245 : i32 to index
      %get3A_247 = arith.index_cast %scan3A_166 : i32 to index
      %get3A_248 = arith.constant 208 : index
      %get3A_249 = tpu.vector_load %arg4[%get3A_246, %get3A_247, %get3A_248] {strides = array<i32>} : memref<2x64x512xf32, #tpu.memory_space<vmem>>, vector<1x1x16xf32>,
      %get3A_250 = vector.shape_cast %get3A_249 : vector<1x1x16xf32> to vector<16xf32>
      %get3A_251 = arith.constant 0 : i32
      %get3A_252 = arith.index_cast %get3A_251 : i32 to index
      %get3A_253 = arith.index_cast %scan3A_166 : i32 to index
      %get3A_254 = arith.constant 224 : index
      %get3A_255 = tpu.vector_load %arg4[%get3A_252, %get3A_253, %get3A_254] {strides = array<i32>} : memref<2x64x512xf32, #tpu.memory_space<vmem>>, vector<1x1x16xf32>,
      %get3A_256 = vector.shape_cast %get3A_255 : vector<1x1x16xf32> to vector<16xf32>
      %get3A_257 = arith.constant 0 : i32
      %get3A_258 = arith.index_cast %get3A_257 : i32 to index
      %get3A_259 = arith.index_cast %scan3A_166 : i32 to index
      %get3A_260 = arith.constant 240 : index
      %get3A_261 = tpu.vector_load %arg4[%get3A_258, %get3A_259, %get3A_260] {strides = array<i32>} : memref<2x64x512xf32, #tpu.memory_space<vmem>>, vector<1x1x16xf32>,
      %get3A_262 = vector.shape_cast %get3A_261 : vector<1x1x16xf32> to vector<16xf32>
      %get3A_263 = arith.constant 0 : i32
      %get3A_264 = arith.index_cast %get3A_263 : i32 to index
      %get3A_265 = arith.index_cast %scan3A_166 : i32 to index
      %get3A_266 = arith.constant 256 : index
      %get3A_267 = tpu.vector_load %arg4[%get3A_264, %get3A_265, %get3A_266] {strides = array<i32>} : memref<2x64x512xf32, #tpu.memory_space<vmem>>, vector<1x1x16xf32>,
      %get3A_268 = vector.shape_cast %get3A_267 : vector<1x1x16xf32> to vector<16xf32>
      %get3A_269 = arith.constant 0 : i32
      %get3A_270 = arith.index_cast %get3A_269 : i32 to index
      %get3A_271 = arith.index_cast %scan3A_166 : i32 to index
      %get3A_272 = arith.constant 272 : index
      %get3A_273 = tpu.vector_load %arg4[%get3A_270, %get3A_271, %get3A_272] {strides = array<i32>} : memref<2x64x512xf32, #tpu.memory_space<vmem>>, vector<1x1x16xf32>,
      %get3A_274 = vector.shape_cast %get3A_273 : vector<1x1x16xf32> to vector<16xf32>
      %get3A_275 = arith.constant 0 : i32
      %get3A_276 = arith.index_cast %get3A_275 : i32 to index
      %get3A_277 = arith.index_cast %scan3A_166 : i32 to index
      %get3A_278 = arith.constant 288 : index
      %get3A_279 = tpu.vector_load %arg4[%get3A_276, %get3A_277, %get3A_278] {strides = array<i32>} : memref<2x64x512xf32, #tpu.memory_space<vmem>>, vector<1x1x16xf32>,
      %get3A_280 = vector.shape_cast %get3A_279 : vector<1x1x16xf32> to vector<16xf32>
      %get3A_281 = arith.constant 0 : i32
      %get3A_282 = arith.index_cast %get3A_281 : i32 to index
      %get3A_283 = arith.index_cast %scan3A_166 : i32 to index
      %get3A_284 = arith.constant 304 : index
      %get3A_285 = tpu.vector_load %arg4[%get3A_282, %get3A_283, %get3A_284] {strides = array<i32>} : memref<2x64x512xf32, #tpu.memory_space<vmem>>, vector<1x1x16xf32>,
      %get3A_286 = vector.shape_cast %get3A_285 : vector<1x1x16xf32> to vector<16xf32>
      %get3A_287 = arith.constant 0 : i32
      %get3A_288 = arith.index_cast %get3A_287 : i32 to index
      %get3A_289 = arith.index_cast %scan3A_166 : i32 to index
      %get3A_290 = arith.constant 320 : index
      %get3A_291 = tpu.vector_load %arg4[%get3A_288, %get3A_289, %get3A_290] {strides = array<i32>} : memref<2x64x512xf32, #tpu.memory_space<vmem>>, vector<1x1x16xf32>,
      %get3A_292 = vector.shape_cast %get3A_291 : vector<1x1x16xf32> to vector<16xf32>
      %get3A_293 = arith.constant 0 : i32
      %get3A_294 = arith.index_cast %get3A_293 : i32 to index
      %get3A_295 = arith.index_cast %scan3A_166 : i32 to index
      %get3A_296 = arith.constant 336 : index
      %get3A_297 = tpu.vector_load %arg4[%get3A_294, %get3A_295, %get3A_296] {strides = array<i32>} : memref<2x64x512xf32, #tpu.memory_space<vmem>>, vector<1x1x16xf32>,
      %get3A_298 = vector.shape_cast %get3A_297 : vector<1x1x16xf32> to vector<16xf32>
      %get3A_299 = arith.constant 0 : i32
      %get3A_300 = arith.index_cast %get3A_299 : i32 to index
      %get3A_301 = arith.index_cast %scan3A_166 : i32 to index
      %get3A_302 = arith.constant 352 : index
      %get3A_303 = tpu.vector_load %arg4[%get3A_300, %get3A_301, %get3A_302] {strides = array<i32>} : memref<2x64x512xf32, #tpu.memory_space<vmem>>, vector<1x1x16xf32>,
      %get3A_304 = vector.shape_cast %get3A_303 : vector<1x1x16xf32> to vector<16xf32>
      %get3A_305 = arith.constant 0 : i32
      %get3A_306 = arith.index_cast %get3A_305 : i32 to index
      %get3A_307 = arith.index_cast %scan3A_166 : i32 to index
      %get3A_308 = arith.constant 368 : index
      %get3A_309 = tpu.vector_load %arg4[%get3A_306, %get3A_307, %get3A_308] {strides = array<i32>} : memref<2x64x512xf32, #tpu.memory_space<vmem>>, vector<1x1x16xf32>,
      %get3A_310 = vector.shape_cast %get3A_309 : vector<1x1x16xf32> to vector<16xf32>
      %get3A_311 = arith.constant 0 : i32
      %get3A_312 = arith.index_cast %get3A_311 : i32 to index
      %get3A_313 = arith.index_cast %scan3A_166 : i32 to index
      %get3A_314 = arith.constant 384 : index
      %get3A_315 = tpu.vector_load %arg4[%get3A_312, %get3A_313, %get3A_314] {strides = array<i32>} : memref<2x64x512xf32, #tpu.memory_space<vmem>>, vector<1x1x16xf32>,
      %get3A_316 = vector.shape_cast %get3A_315 : vector<1x1x16xf32> to vector<16xf32>
      %get3A_317 = arith.constant 0 : i32
      %get3A_318 = arith.index_cast %get3A_317 : i32 to index
      %get3A_319 = arith.index_cast %scan3A_166 : i32 to index
      %get3A_320 = arith.constant 400 : index
      %get3A_321 = tpu.vector_load %arg4[%get3A_318, %get3A_319, %get3A_320] {strides = array<i32>} : memref<2x64x512xf32, #tpu.memory_space<vmem>>, vector<1x1x16xf32>,
      %get3A_322 = vector.shape_cast %get3A_321 : vector<1x1x16xf32> to vector<16xf32>
      %get3A_323 = arith.constant 0 : i32
      %get3A_324 = arith.index_cast %get3A_323 : i32 to index
      %get3A_325 = arith.index_cast %scan3A_166 : i32 to index
      %get3A_326 = arith.constant 416 : index
      %get3A_327 = tpu.vector_load %arg4[%get3A_324, %get3A_325, %get3A_326] {strides = array<i32>} : memref<2x64x512xf32, #tpu.memory_space<vmem>>, vector<1x1x16xf32>,
      %get3A_328 = vector.shape_cast %get3A_327 : vector<1x1x16xf32> to vector<16xf32>
      %get3A_329 = arith.constant 0 : i32
      %get3A_330 = arith.index_cast %get3A_329 : i32 to index
      %get3A_331 = arith.index_cast %scan3A_166 : i32 to index
      %get3A_332 = arith.constant 432 : index
      %get3A_333 = tpu.vector_load %arg4[%get3A_330, %get3A_331, %get3A_332] {strides = array<i32>} : memref<2x64x512xf32, #tpu.memory_space<vmem>>, vector<1x1x16xf32>,
      %get3A_334 = vector.shape_cast %get3A_333 : vector<1x1x16xf32> to vector<16xf32>
      %get3A_335 = arith.constant 0 : i32
      %get3A_336 = arith.index_cast %get3A_335 : i32 to index
      %get3A_337 = arith.index_cast %scan3A_166 : i32 to index
      %get3A_338 = arith.constant 448 : index
      %get3A_339 = tpu.vector_load %arg4[%get3A_336, %get3A_337, %get3A_338] {strides = array<i32>} : memref<2x64x512xf32, #tpu.memory_space<vmem>>, vector<1x1x16xf32>,
      %get3A_340 = vector.shape_cast %get3A_339 : vector<1x1x16xf32> to vector<16xf32>
      %get3A_341 = arith.constant 0 : i32
      %get3A_342 = arith.index_cast %get3A_341 : i32 to index
      %get3A_343 = arith.index_cast %scan3A_166 : i32 to index
      %get3A_344 = arith.constant 464 : index
      %get3A_345 = tpu.vector_load %arg4[%get3A_342, %get3A_343, %get3A_344] {strides = array<i32>} : memref<2x64x512xf32, #tpu.memory_space<vmem>>, vector<1x1x16xf32>,
      %get3A_346 = vector.shape_cast %get3A_345 : vector<1x1x16xf32> to vector<16xf32>
      %get3A_347 = arith.constant 0 : i32
      %get3A_348 = arith.index_cast %get3A_347 : i32 to index
      %get3A_349 = arith.index_cast %scan3A_166 : i32 to index
      %get3A_350 = arith.constant 480 : index
      %get3A_351 = tpu.vector_load %arg4[%get3A_348, %get3A_349, %get3A_350] {strides = array<i32>} : memref<2x64x512xf32, #tpu.memory_space<vmem>>, vector<1x1x16xf32>,
      %get3A_352 = vector.shape_cast %get3A_351 : vector<1x1x16xf32> to vector<16xf32>
      %get3A_353 = arith.constant 0 : i32
      %get3A_354 = arith.index_cast %get3A_353 : i32 to index
      %get3A_355 = arith.index_cast %scan3A_166 : i32 to index
      %get3A_356 = arith.constant 496 : index
      %get3A_357 = tpu.vector_load %arg4[%get3A_354, %get3A_355, %get3A_356] {strides = array<i32>} : memref<2x64x512xf32, #tpu.memory_space<vmem>>, vector<1x1x16xf32>,
      %get3A_358 = vector.shape_cast %get3A_357 : vector<1x1x16xf32> to vector<16xf32>
      %max3A = arith.maximumf %get3A_172, %get3A_178 : vector<16xf32>
      %max3A_359 = arith.maximumf %get3A_184, %get3A_190 : vector<16xf32>
      %max3A_360 = arith.maximumf %get3A_196, %get3A_202 : vector<16xf32>
      %max3A_361 = arith.maximumf %get3A_208, %get3A_214 : vector<16xf32>
      %max3A_362 = arith.maximumf %get3A_220, %get3A_226 : vector<16xf32>
      %max3A_363 = arith.maximumf %get3A_232, %get3A_238 : vector<16xf32>
      %max3A_364 = arith.maximumf %get3A_244, %get3A_250 : vector<16xf32>
      %max3A_365 = arith.maximumf %get3A_256, %get3A_262 : vector<16xf32>
      %max3A_366 = arith.maximumf %get3A_268, %get3A_274 : vector<16xf32>
      %max3A_367 = arith.maximumf %get3A_280, %get3A_286 : vector<16xf32>
      %max3A_368 = arith.maximumf %get3A_292, %get3A_298 : vector<16xf32>
      %max3A_369 = arith.maximumf %get3A_304, %get3A_310 : vector<16xf32>
      %max3A_370 = arith.maximumf %get3A_316, %get3A_322 : vector<16xf32>
      %max3A_371 = arith.maximumf %get3A_328, %get3A_334 : vector<16xf32>
      %max3A_372 = arith.maximumf %get3A_340, %get3A_346 : vector<16xf32>
      %max3A_373 = arith.maximumf %get3A_352, %get3A_358 : vector<16xf32>
      %max3A_374 = arith.maximumf %max3A, %max3A_359 : vector<16xf32>
      %max3A_375 = arith.maximumf %max3A_360, %max3A_361 : vector<16xf32>
      %max3A_376 = arith.maximumf %max3A_362, %max3A_363 : vector<16xf32>
      %max3A_377 = arith.maximumf %max3A_364, %max3A_365 : vector<16xf32>
      %max3A_378 = arith.maximumf %max3A_366, %max3A_367 : vector<16xf32>
      %max3A_379 = arith.maximumf %max3A_368, %max3A_369 : vector<16xf32>
      %max3A_380 = arith.maximumf %max3A_370, %max3A_371 : vector<16xf32>
      %max3A_381 = arith.maximumf %max3A_372, %max3A_373 : vector<16xf32>
      %max3A_382 = arith.maximumf %max3A_374, %max3A_375 : vector<16xf32>
      %max3A_383 = arith.maximumf %max3A_376, %max3A_377 : vector<16xf32>
      %max3A_384 = arith.maximumf %max3A_378, %max3A_379 : vector<16xf32>
      %max3A_385 = arith.maximumf %max3A_380, %max3A_381 : vector<16xf32>
      %max3A_386 = arith.maximumf %max3A_382, %max3A_383 : vector<16xf32>
      %max3A_387 = arith.maximumf %max3A_384, %max3A_385 : vector<16xf32>
      %max3A_388 = arith.maximumf %max3A_386, %max3A_387 : vector<16xf32>
      %swap3A = arith.index_cast %scan3A_166 : i32 to index
      %swap3A_389 = arith.constant 0 : index
      %swap3A_390 = tpu.vector_load %arg5[%swap3A, %swap3A_389] {strides = array<i32>} : memref<64x16xf32, #tpu.memory_space<vmem>>, vector<1x16xf32>,
      %swap3A_391 = vector.shape_cast %swap3A_390 : vector<1x16xf32> to vector<16xf32>
      %swap3A_392 = vector.shape_cast %max3A_388 : vector<16xf32> to vector<1x16xf32>
      tpu.vector_store %arg5[%swap3A, %swap3A_389], %swap3A_392 {strides = array<i32>} : memref<64x16xf32, #tpu.memory_space<vmem>>, vector<1x16xf32>,
      %scan3A_393 = arith.constant 0 : i32
      %scan3A_394 = arith.constant 1 : i32
      %scan3A_395 = arith.addi %scan3A_166, %scan3A_394 : i32
      %get3A_396 = arith.constant 0 : i32
      %get3A_397 = arith.index_cast %get3A_396 : i32 to index
      %get3A_398 = arith.index_cast %scan3A_395 : i32 to index
      %get3A_399 = arith.constant 0 : index
      %get3A_400 = tpu.vector_load %arg4[%get3A_397, %get3A_398, %get3A_399] {strides = array<i32>} : memref<2x64x512xf32, #tpu.memory_space<vmem>>, vector<1x1x16xf32>,
      %get3A_401 = vector.shape_cast %get3A_400 : vector<1x1x16xf32> to vector<16xf32>
      %get3A_402 = arith.constant 0 : i32
      %get3A_403 = arith.index_cast %get3A_402 : i32 to index
      %get3A_404 = arith.index_cast %scan3A_395 : i32 to index
      %get3A_405 = arith.constant 16 : index
      %get3A_406 = tpu.vector_load %arg4[%get3A_403, %get3A_404, %get3A_405] {strides = array<i32>} : memref<2x64x512xf32, #tpu.memory_space<vmem>>, vector<1x1x16xf32>,
      %get3A_407 = vector.shape_cast %get3A_406 : vector<1x1x16xf32> to vector<16xf32>
      %get3A_408 = arith.constant 0 : i32
      %get3A_409 = arith.index_cast %get3A_408 : i32 to index
      %get3A_410 = arith.index_cast %scan3A_395 : i32 to index
      %get3A_411 = arith.constant 32 : index
      %get3A_412 = tpu.vector_load %arg4[%get3A_409, %get3A_410, %get3A_411] {strides = array<i32>} : memref<2x64x512xf32, #tpu.memory_space<vmem>>, vector<1x1x16xf32>,
      %get3A_413 = vector.shape_cast %get3A_412 : vector<1x1x16xf32> to vector<16xf32>
      %get3A_414 = arith.constant 0 : i32
      %get3A_415 = arith.index_cast %get3A_414 : i32 to index
      %get3A_416 = arith.index_cast %scan3A_395 : i32 to index
      %get3A_417 = arith.constant 48 : index
      %get3A_418 = tpu.vector_load %arg4[%get3A_415, %get3A_416, %get3A_417] {strides = array<i32>} : memref<2x64x512xf32, #tpu.memory_space<vmem>>, vector<1x1x16xf32>,
      %get3A_419 = vector.shape_cast %get3A_418 : vector<1x1x16xf32> to vector<16xf32>
      %get3A_420 = arith.constant 0 : i32
      %get3A_421 = arith.index_cast %get3A_420 : i32 to index
      %get3A_422 = arith.index_cast %scan3A_395 : i32 to index
      %get3A_423 = arith.constant 64 : index
      %get3A_424 = tpu.vector_load %arg4[%get3A_421, %get3A_422, %get3A_423] {strides = array<i32>} : memref<2x64x512xf32, #tpu.memory_space<vmem>>, vector<1x1x16xf32>,
      %get3A_425 = vector.shape_cast %get3A_424 : vector<1x1x16xf32> to vector<16xf32>
      %get3A_426 = arith.constant 0 : i32
      %get3A_427 = arith.index_cast %get3A_426 : i32 to index
      %get3A_428 = arith.index_cast %scan3A_395 : i32 to index
      %get3A_429 = arith.constant 80 : index
      %get3A_430 = tpu.vector_load %arg4[%get3A_427, %get3A_428, %get3A_429] {strides = array<i32>} : memref<2x64x512xf32, #tpu.memory_space<vmem>>, vector<1x1x16xf32>,
      %get3A_431 = vector.shape_cast %get3A_430 : vector<1x1x16xf32> to vector<16xf32>
      %get3A_432 = arith.constant 0 : i32
      %get3A_433 = arith.index_cast %get3A_432 : i32 to index
      %get3A_434 = arith.index_cast %scan3A_395 : i32 to index
      %get3A_435 = arith.constant 96 : index
      %get3A_436 = tpu.vector_load %arg4[%get3A_433, %get3A_434, %get3A_435] {strides = array<i32>} : memref<2x64x512xf32, #tpu.memory_space<vmem>>, vector<1x1x16xf32>,
      %get3A_437 = vector.shape_cast %get3A_436 : vector<1x1x16xf32> to vector<16xf32>
      %get3A_438 = arith.constant 0 : i32
      %get3A_439 = arith.index_cast %get3A_438 : i32 to index
      %get3A_440 = arith.index_cast %scan3A_395 : i32 to index
      %get3A_441 = arith.constant 112 : index
      %get3A_442 = tpu.vector_load %arg4[%get3A_439, %get3A_440, %get3A_441] {strides = array<i32>} : memref<2x64x512xf32, #tpu.memory_space<vmem>>, vector<1x1x16xf32>,
      %get3A_443 = vector.shape_cast %get3A_442 : vector<1x1x16xf32> to vector<16xf32>
      %get3A_444 = arith.constant 0 : i32
      %get3A_445 = arith.index_cast %get3A_444 : i32 to index
      %get3A_446 = arith.index_cast %scan3A_395 : i32 to index
      %get3A_447 = arith.constant 128 : index
      %get3A_448 = tpu.vector_load %arg4[%get3A_445, %get3A_446, %get3A_447] {strides = array<i32>} : memref<2x64x512xf32, #tpu.memory_space<vmem>>, vector<1x1x16xf32>,
      %get3A_449 = vector.shape_cast %get3A_448 : vector<1x1x16xf32> to vector<16xf32>
      %get3A_450 = arith.constant 0 : i32
      %get3A_451 = arith.index_cast %get3A_450 : i32 to index
      %get3A_452 = arith.index_cast %scan3A_395 : i32 to index
      %get3A_453 = arith.constant 144 : index
      %get3A_454 = tpu.vector_load %arg4[%get3A_451, %get3A_452, %get3A_453] {strides = array<i32>} : memref<2x64x512xf32, #tpu.memory_space<vmem>>, vector<1x1x16xf32>,
      %get3A_455 = vector.shape_cast %get3A_454 : vector<1x1x16xf32> to vector<16xf32>
      %get3A_456 = arith.constant 0 : i32
      %get3A_457 = arith.index_cast %get3A_456 : i32 to index
      %get3A_458 = arith.index_cast %scan3A_395 : i32 to index
      %get3A_459 = arith.constant 160 : index
      %get3A_460 = tpu.vector_load %arg4[%get3A_457, %get3A_458, %get3A_459] {strides = array<i32>} : memref<2x64x512xf32, #tpu.memory_space<vmem>>, vector<1x1x16xf32>,
      %get3A_461 = vector.shape_cast %get3A_460 : vector<1x1x16xf32> to vector<16xf32>
      %get3A_462 = arith.constant 0 : i32
      %get3A_463 = arith.index_cast %get3A_462 : i32 to index
      %get3A_464 = arith.index_cast %scan3A_395 : i32 to index
      %get3A_465 = arith.constant 176 : index
      %get3A_466 = tpu.vector_load %arg4[%get3A_463, %get3A_464, %get3A_465] {strides = array<i32>} : memref<2x64x512xf32, #tpu.memory_space<vmem>>, vector<1x1x16xf32>,
      %get3A_467 = vector.shape_cast %get3A_466 : vector<1x1x16xf32> to vector<16xf32>
      %get3A_468 = arith.constant 0 : i32
      %get3A_469 = arith.index_cast %get3A_468 : i32 to index
      %get3A_470 = arith.index_cast %scan3A_395 : i32 to index
      %get3A_471 = arith.constant 192 : index
      %get3A_472 = tpu.vector_load %arg4[%get3A_469, %get3A_470, %get3A_471] {strides = array<i32>} : memref<2x64x512xf32, #tpu.memory_space<vmem>>, vector<1x1x16xf32>,
      %get3A_473 = vector.shape_cast %get3A_472 : vector<1x1x16xf32> to vector<16xf32>
      %get3A_474 = arith.constant 0 : i32
      %get3A_475 = arith.index_cast %get3A_474 : i32 to index
      %get3A_476 = arith.index_cast %scan3A_395 : i32 to index
      %get3A_477 = arith.constant 208 : index
      %get3A_478 = tpu.vector_load %arg4[%get3A_475, %get3A_476, %get3A_477] {strides = array<i32>} : memref<2x64x512xf32, #tpu.memory_space<vmem>>, vector<1x1x16xf32>,
      %get3A_479 = vector.shape_cast %get3A_478 : vector<1x1x16xf32> to vector<16xf32>
      %get3A_480 = arith.constant 0 : i32
      %get3A_481 = arith.index_cast %get3A_480 : i32 to index
      %get3A_482 = arith.index_cast %scan3A_395 : i32 to index
      %get3A_483 = arith.constant 224 : index
      %get3A_484 = tpu.vector_load %arg4[%get3A_481, %get3A_482, %get3A_483] {strides = array<i32>} : memref<2x64x512xf32, #tpu.memory_space<vmem>>, vector<1x1x16xf32>,
      %get3A_485 = vector.shape_cast %get3A_484 : vector<1x1x16xf32> to vector<16xf32>
      %get3A_486 = arith.constant 0 : i32
      %get3A_487 = arith.index_cast %get3A_486 : i32 to index
      %get3A_488 = arith.index_cast %scan3A_395 : i32 to index
      %get3A_489 = arith.constant 240 : index
      %get3A_490 = tpu.vector_load %arg4[%get3A_487, %get3A_488, %get3A_489] {strides = array<i32>} : memref<2x64x512xf32, #tpu.memory_space<vmem>>, vector<1x1x16xf32>,
      %get3A_491 = vector.shape_cast %get3A_490 : vector<1x1x16xf32> to vector<16xf32>
      %get3A_492 = arith.constant 0 : i32
      %get3A_493 = arith.index_cast %get3A_492 : i32 to index
      %get3A_494 = arith.index_cast %scan3A_395 : i32 to index
      %get3A_495 = arith.constant 256 : index
      %get3A_496 = tpu.vector_load %arg4[%get3A_493, %get3A_494, %get3A_495] {strides = array<i32>} : memref<2x64x512xf32, #tpu.memory_space<vmem>>, vector<1x1x16xf32>,
      %get3A_497 = vector.shape_cast %get3A_496 : vector<1x1x16xf32> to vector<16xf32>
      %get3A_498 = arith.constant 0 : i32
      %get3A_499 = arith.index_cast %get3A_498 : i32 to index
      %get3A_500 = arith.index_cast %scan3A_395 : i32 to index
      %get3A_501 = arith.constant 272 : index
      %get3A_502 = tpu.vector_load %arg4[%get3A_499, %get3A_500, %get3A_501] {strides = array<i32>} : memref<2x64x512xf32, #tpu.memory_space<vmem>>, vector<1x1x16xf32>,
      %get3A_503 = vector.shape_cast %get3A_502 : vector<1x1x16xf32> to vector<16xf32>
      %get3A_504 = arith.constant 0 : i32
      %get3A_505 = arith.index_cast %get3A_504 : i32 to index
      %get3A_506 = arith.index_cast %scan3A_395 : i32 to index
      %get3A_507 = arith.constant 288 : index
      %get3A_508 = tpu.vector_load %arg4[%get3A_505, %get3A_506, %get3A_507] {strides = array<i32>} : memref<2x64x512xf32, #tpu.memory_space<vmem>>, vector<1x1x16xf32>,
      %get3A_509 = vector.shape_cast %get3A_508 : vector<1x1x16xf32> to vector<16xf32>
      %get3A_510 = arith.constant 0 : i32
      %get3A_511 = arith.index_cast %get3A_510 : i32 to index
      %get3A_512 = arith.index_cast %scan3A_395 : i32 to index
      %get3A_513 = arith.constant 304 : index
      %get3A_514 = tpu.vector_load %arg4[%get3A_511, %get3A_512, %get3A_513] {strides = array<i32>} : memref<2x64x512xf32, #tpu.memory_space<vmem>>, vector<1x1x16xf32>,
      %get3A_515 = vector.shape_cast %get3A_514 : vector<1x1x16xf32> to vector<16xf32>
      %get3A_516 = arith.constant 0 : i32
      %get3A_517 = arith.index_cast %get3A_516 : i32 to index
      %get3A_518 = arith.index_cast %scan3A_395 : i32 to index
      %get3A_519 = arith.constant 320 : index
      %get3A_520 = tpu.vector_load %arg4[%get3A_517, %get3A_518, %get3A_519] {strides = array<i32>} : memref<2x64x512xf32, #tpu.memory_space<vmem>>, vector<1x1x16xf32>,
      %get3A_521 = vector.shape_cast %get3A_520 : vector<1x1x16xf32> to vector<16xf32>
      %get3A_522 = arith.constant 0 : i32
      %get3A_523 = arith.index_cast %get3A_522 : i32 to index
      %get3A_524 = arith.index_cast %scan3A_395 : i32 to index
      %get3A_525 = arith.constant 336 : index
      %get3A_526 = tpu.vector_load %arg4[%get3A_523, %get3A_524, %get3A_525] {strides = array<i32>} : memref<2x64x512xf32, #tpu.memory_space<vmem>>, vector<1x1x16xf32>,
      %get3A_527 = vector.shape_cast %get3A_526 : vector<1x1x16xf32> to vector<16xf32>
      %get3A_528 = arith.constant 0 : i32
      %get3A_529 = arith.index_cast %get3A_528 : i32 to index
      %get3A_530 = arith.index_cast %scan3A_395 : i32 to index
      %get3A_531 = arith.constant 352 : index
      %get3A_532 = tpu.vector_load %arg4[%get3A_529, %get3A_530, %get3A_531] {strides = array<i32>} : memref<2x64x512xf32, #tpu.memory_space<vmem>>, vector<1x1x16xf32>,
      %get3A_533 = vector.shape_cast %get3A_532 : vector<1x1x16xf32> to vector<16xf32>
      %get3A_534 = arith.constant 0 : i32
      %get3A_535 = arith.index_cast %get3A_534 : i32 to index
      %get3A_536 = arith.index_cast %scan3A_395 : i32 to index
      %get3A_537 = arith.constant 368 : index
      %get3A_538 = tpu.vector_load %arg4[%get3A_535, %get3A_536, %get3A_537] {strides = array<i32>} : memref<2x64x512xf32, #tpu.memory_space<vmem>>, vector<1x1x16xf32>,
      %get3A_539 = vector.shape_cast %get3A_538 : vector<1x1x16xf32> to vector<16xf32>
      %get3A_540 = arith.constant 0 : i32
      %get3A_541 = arith.index_cast %get3A_540 : i32 to index
      %get3A_542 = arith.index_cast %scan3A_395 : i32 to index
      %get3A_543 = arith.constant 384 : index
      %get3A_544 = tpu.vector_load %arg4[%get3A_541, %get3A_542, %get3A_543] {strides = array<i32>} : memref<2x64x512xf32, #tpu.memory_space<vmem>>, vector<1x1x16xf32>,
      %get3A_545 = vector.shape_cast %get3A_544 : vector<1x1x16xf32> to vector<16xf32>
      %get3A_546 = arith.constant 0 : i32
      %get3A_547 = arith.index_cast %get3A_546 : i32 to index
      %get3A_548 = arith.index_cast %scan3A_395 : i32 to index
      %get3A_549 = arith.constant 400 : index
      %get3A_550 = tpu.vector_load %arg4[%get3A_547, %get3A_548, %get3A_549] {strides = array<i32>} : memref<2x64x512xf32, #tpu.memory_space<vmem>>, vector<1x1x16xf32>,
      %get3A_551 = vector.shape_cast %get3A_550 : vector<1x1x16xf32> to vector<16xf32>
      %get3A_552 = arith.constant 0 : i32
      %get3A_553 = arith.index_cast %get3A_552 : i32 to index
      %get3A_554 = arith.index_cast %scan3A_395 : i32 to index
      %get3A_555 = arith.constant 416 : index
      %get3A_556 = tpu.vector_load %arg4[%get3A_553, %get3A_554, %get3A_555] {strides = array<i32>} : memref<2x64x512xf32, #tpu.memory_space<vmem>>, vector<1x1x16xf32>,
      %get3A_557 = vector.shape_cast %get3A_556 : vector<1x1x16xf32> to vector<16xf32>
      %get3A_558 = arith.constant 0 : i32
      %get3A_559 = arith.index_cast %get3A_558 : i32 to index
      %get3A_560 = arith.index_cast %scan3A_395 : i32 to index
      %get3A_561 = arith.constant 432 : index
      %get3A_562 = tpu.vector_load %arg4[%get3A_559, %get3A_560, %get3A_561] {strides = array<i32>} : memref<2x64x512xf32, #tpu.memory_space<vmem>>, vector<1x1x16xf32>,
      %get3A_563 = vector.shape_cast %get3A_562 : vector<1x1x16xf32> to vector<16xf32>
      %get3A_564 = arith.constant 0 : i32
      %get3A_565 = arith.index_cast %get3A_564 : i32 to index
      %get3A_566 = arith.index_cast %scan3A_395 : i32 to index
      %get3A_567 = arith.constant 448 : index
      %get3A_568 = tpu.vector_load %arg4[%get3A_565, %get3A_566, %get3A_567] {strides = array<i32>} : memref<2x64x512xf32, #tpu.memory_space<vmem>>, vector<1x1x16xf32>,
      %get3A_569 = vector.shape_cast %get3A_568 : vector<1x1x16xf32> to vector<16xf32>
      %get3A_570 = arith.constant 0 : i32
      %get3A_571 = arith.index_cast %get3A_570 : i32 to index
      %get3A_572 = arith.index_cast %scan3A_395 : i32 to index
      %get3A_573 = arith.constant 464 : index
      %get3A_574 = tpu.vector_load %arg4[%get3A_571, %get3A_572, %get3A_573] {strides = array<i32>} : memref<2x64x512xf32, #tpu.memory_space<vmem>>, vector<1x1x16xf32>,
      %get3A_575 = vector.shape_cast %get3A_574 : vector<1x1x16xf32> to vector<16xf32>
      %get3A_576 = arith.constant 0 : i32
      %get3A_577 = arith.index_cast %get3A_576 : i32 to index
      %get3A_578 = arith.index_cast %scan3A_395 : i32 to index
      %get3A_579 = arith.constant 480 : index
      %get3A_580 = tpu.vector_load %arg4[%get3A_577, %get3A_578, %get3A_579] {strides = array<i32>} : memref<2x64x512xf32, #tpu.memory_space<vmem>>, vector<1x1x16xf32>,
      %get3A_581 = vector.shape_cast %get3A_580 : vector<1x1x16xf32> to vector<16xf32>
      %get3A_582 = arith.constant 0 : i32
      %get3A_583 = arith.index_cast %get3A_582 : i32 to index
      %get3A_584 = arith.index_cast %scan3A_395 : i32 to index
      %get3A_585 = arith.constant 496 : index
      %get3A_586 = tpu.vector_load %arg4[%get3A_583, %get3A_584, %get3A_585] {strides = array<i32>} : memref<2x64x512xf32, #tpu.memory_space<vmem>>, vector<1x1x16xf32>,
      %get3A_587 = vector.shape_cast %get3A_586 : vector<1x1x16xf32> to vector<16xf32>
      %max3A_588 = arith.maximumf %get3A_401, %get3A_407 : vector<16xf32>
      %max3A_589 = arith.maximumf %get3A_413, %get3A_419 : vector<16xf32>
      %max3A_590 = arith.maximumf %get3A_425, %get3A_431 : vector<16xf32>
      %max3A_591 = arith.maximumf %get3A_437, %get3A_443 : vector<16xf32>
      %max3A_592 = arith.maximumf %get3A_449, %get3A_455 : vector<16xf32>
      %max3A_593 = arith.maximumf %get3A_461, %get3A_467 : vector<16xf32>
      %max3A_594 = arith.maximumf %get3A_473, %get3A_479 : vector<16xf32>
      %max3A_595 = arith.maximumf %get3A_485, %get3A_491 : vector<16xf32>
      %max3A_596 = arith.maximumf %get3A_497, %get3A_503 : vector<16xf32>
      %max3A_597 = arith.maximumf %get3A_509, %get3A_515 : vector<16xf32>
      %max3A_598 = arith.maximumf %get3A_521, %get3A_527 : vector<16xf32>
      %max3A_599 = arith.maximumf %get3A_533, %get3A_539 : vector<16xf32>
      %max3A_600 = arith.maximumf %get3A_545, %get3A_551 : vector<16xf32>
      %max3A_601 = arith.maximumf %get3A_557, %get3A_563 : vector<16xf32>
      %max3A_602 = arith.maximumf %get3A_569, %get3A_575 : vector<16xf32>
      %max3A_603 = arith.maximumf %get3A_581, %get3A_587 : vector<16xf32>
      %max3A_604 = arith.maximumf %max3A_588, %max3A_589 : vector<16xf32>
      %max3A_605 = arith.maximumf %max3A_590, %max3A_591 : vector<16xf32>
      %max3A_606 = arith.maximumf %max3A_592, %max3A_593 : vector<16xf32>
      %max3A_607 = arith.maximumf %max3A_594, %max3A_595 : vector<16xf32>
      %max3A_608 = arith.maximumf %max3A_596, %max3A_597 : vector<16xf32>
      %max3A_609 = arith.maximumf %max3A_598, %max3A_599 : vector<16xf32>
      %max3A_610 = arith.maximumf %max3A_600, %max3A_601 : vector<16xf32>
      %max3A_611 = arith.maximumf %max3A_602, %max3A_603 : vector<16xf32>
      %max3A_612 = arith.maximumf %max3A_604, %max3A_605 : vector<16xf32>
      %max3A_613 = arith.maximumf %max3A_606, %max3A_607 : vector<16xf32>
      %max3A_614 = arith.maximumf %max3A_608, %max3A_609 : vector<16xf32>
      %max3A_615 = arith.maximumf %max3A_610, %max3A_611 : vector<16xf32>
      %max3A_616 = arith.maximumf %max3A_612, %max3A_613 : vector<16xf32>
      %max3A_617 = arith.maximumf %max3A_614, %max3A_615 : vector<16xf32>
      %max3A_618 = arith.maximumf %max3A_616, %max3A_617 : vector<16xf32>
      %swap3A_619 = arith.index_cast %scan3A_395 : i32 to index
      %swap3A_620 = arith.constant 0 : index
      %swap3A_621 = tpu.vector_load %arg5[%swap3A_619, %swap3A_620] {strides = array<i32>} : memref<64x16xf32, #tpu.memory_space<vmem>>, vector<1x16xf32>,
      %swap3A_622 = vector.shape_cast %swap3A_621 : vector<1x16xf32> to vector<16xf32>
      %swap3A_623 = vector.shape_cast %max3A_618 : vector<16xf32> to vector<1x16xf32>
      tpu.vector_store %arg5[%swap3A_619, %swap3A_620], %swap3A_623 {strides = array<i32>} : memref<64x16xf32, #tpu.memory_space<vmem>>, vector<1x16xf32>,
      %scan3A_624 = arith.constant 0 : i32
      %scan3A_625 = arith.constant 2 : i32
      %scan3A_626 = arith.addi %scan3A_166, %scan3A_625 : i32
      %get3A_627 = arith.constant 0 : i32
      %get3A_628 = arith.index_cast %get3A_627 : i32 to index
      %get3A_629 = arith.index_cast %scan3A_626 : i32 to index
      %get3A_630 = arith.constant 0 : index
      %get3A_631 = tpu.vector_load %arg4[%get3A_628, %get3A_629, %get3A_630] {strides = array<i32>} : memref<2x64x512xf32, #tpu.memory_space<vmem>>, vector<1x1x16xf32>,
      %get3A_632 = vector.shape_cast %get3A_631 : vector<1x1x16xf32> to vector<16xf32>
      %get3A_633 = arith.constant 0 : i32
      %get3A_634 = arith.index_cast %get3A_633 : i32 to index
      %get3A_635 = arith.index_cast %scan3A_626 : i32 to index
      %get3A_636 = arith.constant 16 : index
      %get3A_637 = tpu.vector_load %arg4[%get3A_634, %get3A_635, %get3A_636] {strides = array<i32>} : memref<2x64x512xf32, #tpu.memory_space<vmem>>, vector<1x1x16xf32>,
      %get3A_638 = vector.shape_cast %get3A_637 : vector<1x1x16xf32> to vector<16xf32>
      %get3A_639 = arith.constant 0 : i32
      %get3A_640 = arith.index_cast %get3A_639 : i32 to index
      %get3A_641 = arith.index_cast %scan3A_626 : i32 to index
      %get3A_642 = arith.constant 32 : index
      %get3A_643 = tpu.vector_load %arg4[%get3A_640, %get3A_641, %get3A_642] {strides = array<i32>} : memref<2x64x512xf32, #tpu.memory_space<vmem>>, vector<1x1x16xf32>,
      %get3A_644 = vector.shape_cast %get3A_643 : vector<1x1x16xf32> to vector<16xf32>
      %get3A_645 = arith.constant 0 : i32
      %get3A_646 = arith.index_cast %get3A_645 : i32 to index
      %get3A_647 = arith.index_cast %scan3A_626 : i32 to index
      %get3A_648 = arith.constant 48 : index
      %get3A_649 = tpu.vector_load %arg4[%get3A_646, %get3A_647, %get3A_648] {strides = array<i32>} : memref<2x64x512xf32, #tpu.memory_space<vmem>>, vector<1x1x16xf32>,
      %get3A_650 = vector.shape_cast %get3A_649 : vector<1x1x16xf32> to vector<16xf32>
      %get3A_651 = arith.constant 0 : i32
      %get3A_652 = arith.index_cast %get3A_651 : i32 to index
      %get3A_653 = arith.index_cast %scan3A_626 : i32 to index
      %get3A_654 = arith.constant 64 : index
      %get3A_655 = tpu.vector_load %arg4[%get3A_652, %get3A_653, %get3A_654] {strides = array<i32>} : memref<2x64x512xf32, #tpu.memory_space<vmem>>, vector<1x1x16xf32>,
      %get3A_656 = vector.shape_cast %get3A_655 : vector<1x1x16xf32> to vector<16xf32>
      %get3A_657 = arith.constant 0 : i32
      %get3A_658 = arith.index_cast %get3A_657 : i32 to index
      %get3A_659 = arith.index_cast %scan3A_626 : i32 to index
      %get3A_660 = arith.constant 80 : index
      %get3A_661 = tpu.vector_load %arg4[%get3A_658, %get3A_659, %get3A_660] {strides = array<i32>} : memref<2x64x512xf32, #tpu.memory_space<vmem>>, vector<1x1x16xf32>,
      %get3A_662 = vector.shape_cast %get3A_661 : vector<1x1x16xf32> to vector<16xf32>
      %get3A_663 = arith.constant 0 : i32
      %get3A_664 = arith.index_cast %get3A_663 : i32 to index
      %get3A_665 = arith.index_cast %scan3A_626 : i32 to index
      %get3A_666 = arith.constant 96 : index
      %get3A_667 = tpu.vector_load %arg4[%get3A_664, %get3A_665, %get3A_666] {strides = array<i32>} : memref<2x64x512xf32, #tpu.memory_space<vmem>>, vector<1x1x16xf32>,
      %get3A_668 = vector.shape_cast %get3A_667 : vector<1x1x16xf32> to vector<16xf32>
      %get3A_669 = arith.constant 0 : i32
      %get3A_670 = arith.index_cast %get3A_669 : i32 to index
      %get3A_671 = arith.index_cast %scan3A_626 : i32 to index
      %get3A_672 = arith.constant 112 : index
      %get3A_673 = tpu.vector_load %arg4[%get3A_670, %get3A_671, %get3A_672] {strides = array<i32>} : memref<2x64x512xf32, #tpu.memory_space<vmem>>, vector<1x1x16xf32>,
      %get3A_674 = vector.shape_cast %get3A_673 : vector<1x1x16xf32> to vector<16xf32>
      %get3A_675 = arith.constant 0 : i32
      %get3A_676 = arith.index_cast %get3A_675 : i32 to index
      %get3A_677 = arith.index_cast %scan3A_626 : i32 to index
      %get3A_678 = arith.constant 128 : index
      %get3A_679 = tpu.vector_load %arg4[%get3A_676, %get3A_677, %get3A_678] {strides = array<i32>} : memref<2x64x512xf32, #tpu.memory_space<vmem>>, vector<1x1x16xf32>,
      %get3A_680 = vector.shape_cast %get3A_679 : vector<1x1x16xf32> to vector<16xf32>
      %get3A_681 = arith.constant 0 : i32
      %get3A_682 = arith.index_cast %get3A_681 : i32 to index
      %get3A_683 = arith.index_cast %scan3A_626 : i32 to index
      %get3A_684 = arith.constant 144 : index
      %get3A_685 = tpu.vector_load %arg4[%get3A_682, %get3A_683, %get3A_684] {strides = array<i32>} : memref<2x64x512xf32, #tpu.memory_space<vmem>>, vector<1x1x16xf32>,
      %get3A_686 = vector.shape_cast %get3A_685 : vector<1x1x16xf32> to vector<16xf32>
      %get3A_687 = arith.constant 0 : i32
      %get3A_688 = arith.index_cast %get3A_687 : i32 to index
      %get3A_689 = arith.index_cast %scan3A_626 : i32 to index
      %get3A_690 = arith.constant 160 : index
      %get3A_691 = tpu.vector_load %arg4[%get3A_688, %get3A_689, %get3A_690] {strides = array<i32>} : memref<2x64x512xf32, #tpu.memory_space<vmem>>, vector<1x1x16xf32>,
      %get3A_692 = vector.shape_cast %get3A_691 : vector<1x1x16xf32> to vector<16xf32>
      %get3A_693 = arith.constant 0 : i32
      %get3A_694 = arith.index_cast %get3A_693 : i32 to index
      %get3A_695 = arith.index_cast %scan3A_626 : i32 to index
      %get3A_696 = arith.constant 176 : index
      %get3A_697 = tpu.vector_load %arg4[%get3A_694, %get3A_695, %get3A_696] {strides = array<i32>} : memref<2x64x512xf32, #tpu.memory_space<vmem>>, vector<1x1x16xf32>,
      %get3A_698 = vector.shape_cast %get3A_697 : vector<1x1x16xf32> to vector<16xf32>
      %get3A_699 = arith.constant 0 : i32
      %get3A_700 = arith.index_cast %get3A_699 : i32 to index
      %get3A_701 = arith.index_cast %scan3A_626 : i32 to index
      %get3A_702 = arith.constant 192 : index
      %get3A_703 = tpu.vector_load %arg4[%get3A_700, %get3A_701, %get3A_702] {strides = array<i32>} : memref<2x64x512xf32, #tpu.memory_space<vmem>>, vector<1x1x16xf32>,
      %get3A_704 = vector.shape_cast %get3A_703 : vector<1x1x16xf32> to vector<16xf32>
      %get3A_705 = arith.constant 0 : i32
      %get3A_706 = arith.index_cast %get3A_705 : i32 to index
      %get3A_707 = arith.index_cast %scan3A_626 : i32 to index
      %get3A_708 = arith.constant 208 : index
      %get3A_709 = tpu.vector_load %arg4[%get3A_706, %get3A_707, %get3A_708] {strides = array<i32>} : memref<2x64x512xf32, #tpu.memory_space<vmem>>, vector<1x1x16xf32>,
      %get3A_710 = vector.shape_cast %get3A_709 : vector<1x1x16xf32> to vector<16xf32>
      %get3A_711 = arith.constant 0 : i32
      %get3A_712 = arith.index_cast %get3A_711 : i32 to index
      %get3A_713 = arith.index_cast %scan3A_626 : i32 to index
      %get3A_714 = arith.constant 224 : index
      %get3A_715 = tpu.vector_load %arg4[%get3A_712, %get3A_713, %get3A_714] {strides = array<i32>} : memref<2x64x512xf32, #tpu.memory_space<vmem>>, vector<1x1x16xf32>,
      %get3A_716 = vector.shape_cast %get3A_715 : vector<1x1x16xf32> to vector<16xf32>
      %get3A_717 = arith.constant 0 : i32
      %get3A_718 = arith.index_cast %get3A_717 : i32 to index
      %get3A_719 = arith.index_cast %scan3A_626 : i32 to index
      %get3A_720 = arith.constant 240 : index
      %get3A_721 = tpu.vector_load %arg4[%get3A_718, %get3A_719, %get3A_720] {strides = array<i32>} : memref<2x64x512xf32, #tpu.memory_space<vmem>>, vector<1x1x16xf32>,
      %get3A_722 = vector.shape_cast %get3A_721 : vector<1x1x16xf32> to vector<16xf32>
      %get3A_723 = arith.constant 0 : i32
      %get3A_724 = arith.index_cast %get3A_723 : i32 to index
      %get3A_725 = arith.index_cast %scan3A_626 : i32 to index
      %get3A_726 = arith.constant 256 : index
      %get3A_727 = tpu.vector_load %arg4[%get3A_724, %get3A_725, %get3A_726] {strides = array<i32>} : memref<2x64x512xf32, #tpu.memory_space<vmem>>, vector<1x1x16xf32>,
      %get3A_728 = vector.shape_cast %get3A_727 : vector<1x1x16xf32> to vector<16xf32>
      %get3A_729 = arith.constant 0 : i32
      %get3A_730 = arith.index_cast %get3A_729 : i32 to index
      %get3A_731 = arith.index_cast %scan3A_626 : i32 to index
      %get3A_732 = arith.constant 272 : index
      %get3A_733 = tpu.vector_load %arg4[%get3A_730, %get3A_731, %get3A_732] {strides = array<i32>} : memref<2x64x512xf32, #tpu.memory_space<vmem>>, vector<1x1x16xf32>,
      %get3A_734 = vector.shape_cast %get3A_733 : vector<1x1x16xf32> to vector<16xf32>
      %get3A_735 = arith.constant 0 : i32
      %get3A_736 = arith.index_cast %get3A_735 : i32 to index
      %get3A_737 = arith.index_cast %scan3A_626 : i32 to index
      %get3A_738 = arith.constant 288 : index
      %get3A_739 = tpu.vector_load %arg4[%get3A_736, %get3A_737, %get3A_738] {strides = array<i32>} : memref<2x64x512xf32, #tpu.memory_space<vmem>>, vector<1x1x16xf32>,
      %get3A_740 = vector.shape_cast %get3A_739 : vector<1x1x16xf32> to vector<16xf32>
      %get3A_741 = arith.constant 0 : i32
      %get3A_742 = arith.index_cast %get3A_741 : i32 to index
      %get3A_743 = arith.index_cast %scan3A_626 : i32 to index
      %get3A_744 = arith.constant 304 : index
      %get3A_745 = tpu.vector_load %arg4[%get3A_742, %get3A_743, %get3A_744] {strides = array<i32>} : memref<2x64x512xf32, #tpu.memory_space<vmem>>, vector<1x1x16xf32>,
      %get3A_746 = vector.shape_cast %get3A_745 : vector<1x1x16xf32> to vector<16xf32>
      %get3A_747 = arith.constant 0 : i32
      %get3A_748 = arith.index_cast %get3A_747 : i32 to index
      %get3A_749 = arith.index_cast %scan3A_626 : i32 to index
      %get3A_750 = arith.constant 320 : index
      %get3A_751 = tpu.vector_load %arg4[%get3A_748, %get3A_749, %get3A_750] {strides = array<i32>} : memref<2x64x512xf32, #tpu.memory_space<vmem>>, vector<1x1x16xf32>,
      %get3A_752 = vector.shape_cast %get3A_751 : vector<1x1x16xf32> to vector<16xf32>
      %get3A_753 = arith.constant 0 : i32
      %get3A_754 = arith.index_cast %get3A_753 : i32 to index
      %get3A_755 = arith.index_cast %scan3A_626 : i32 to index
      %get3A_756 = arith.constant 336 : index
      %get3A_757 = tpu.vector_load %arg4[%get3A_754, %get3A_755, %get3A_756] {strides = array<i32>} : memref<2x64x512xf32, #tpu.memory_space<vmem>>, vector<1x1x16xf32>,
      %get3A_758 = vector.shape_cast %get3A_757 : vector<1x1x16xf32> to vector<16xf32>
      %get3A_759 = arith.constant 0 : i32
      %get3A_760 = arith.index_cast %get3A_759 : i32 to index
      %get3A_761 = arith.index_cast %scan3A_626 : i32 to index
      %get3A_762 = arith.constant 352 : index
      %get3A_763 = tpu.vector_load %arg4[%get3A_760, %get3A_761, %get3A_762] {strides = array<i32>} : memref<2x64x512xf32, #tpu.memory_space<vmem>>, vector<1x1x16xf32>,
      %get3A_764 = vector.shape_cast %get3A_763 : vector<1x1x16xf32> to vector<16xf32>
      %get3A_765 = arith.constant 0 : i32
      %get3A_766 = arith.index_cast %get3A_765 : i32 to index
      %get3A_767 = arith.index_cast %scan3A_626 : i32 to index
      %get3A_768 = arith.constant 368 : index
      %get3A_769 = tpu.vector_load %arg4[%get3A_766, %get3A_767, %get3A_768] {strides = array<i32>} : memref<2x64x512xf32, #tpu.memory_space<vmem>>, vector<1x1x16xf32>,
      %get3A_770 = vector.shape_cast %get3A_769 : vector<1x1x16xf32> to vector<16xf32>
      %get3A_771 = arith.constant 0 : i32
      %get3A_772 = arith.index_cast %get3A_771 : i32 to index
      %get3A_773 = arith.index_cast %scan3A_626 : i32 to index
      %get3A_774 = arith.constant 384 : index
      %get3A_775 = tpu.vector_load %arg4[%get3A_772, %get3A_773, %get3A_774] {strides = array<i32>} : memref<2x64x512xf32, #tpu.memory_space<vmem>>, vector<1x1x16xf32>,
      %get3A_776 = vector.shape_cast %get3A_775 : vector<1x1x16xf32> to vector<16xf32>
      %get3A_777 = arith.constant 0 : i32
      %get3A_778 = arith.index_cast %get3A_777 : i32 to index
      %get3A_779 = arith.index_cast %scan3A_626 : i32 to index
      %get3A_780 = arith.constant 400 : index
      %get3A_781 = tpu.vector_load %arg4[%get3A_778, %get3A_779, %get3A_780] {strides = array<i32>} : memref<2x64x512xf32, #tpu.memory_space<vmem>>, vector<1x1x16xf32>,
      %get3A_782 = vector.shape_cast %get3A_781 : vector<1x1x16xf32> to vector<16xf32>
      %get3A_783 = arith.constant 0 : i32
      %get3A_784 = arith.index_cast %get3A_783 : i32 to index
      %get3A_785 = arith.index_cast %scan3A_626 : i32 to index
      %get3A_786 = arith.constant 416 : index
      %get3A_787 = tpu.vector_load %arg4[%get3A_784, %get3A_785, %get3A_786] {strides = array<i32>} : memref<2x64x512xf32, #tpu.memory_space<vmem>>, vector<1x1x16xf32>,
      %get3A_788 = vector.shape_cast %get3A_787 : vector<1x1x16xf32> to vector<16xf32>
      %get3A_789 = arith.constant 0 : i32
      %get3A_790 = arith.index_cast %get3A_789 : i32 to index
      %get3A_791 = arith.index_cast %scan3A_626 : i32 to index
      %get3A_792 = arith.constant 432 : index
      %get3A_793 = tpu.vector_load %arg4[%get3A_790, %get3A_791, %get3A_792] {strides = array<i32>} : memref<2x64x512xf32, #tpu.memory_space<vmem>>, vector<1x1x16xf32>,
      %get3A_794 = vector.shape_cast %get3A_793 : vector<1x1x16xf32> to vector<16xf32>
      %get3A_795 = arith.constant 0 : i32
      %get3A_796 = arith.index_cast %get3A_795 : i32 to index
      %get3A_797 = arith.index_cast %scan3A_626 : i32 to index
      %get3A_798 = arith.constant 448 : index
      %get3A_799 = tpu.vector_load %arg4[%get3A_796, %get3A_797, %get3A_798] {strides = array<i32>} : memref<2x64x512xf32, #tpu.memory_space<vmem>>, vector<1x1x16xf32>,
      %get3A_800 = vector.shape_cast %get3A_799 : vector<1x1x16xf32> to vector<16xf32>
      %get3A_801 = arith.constant 0 : i32
      %get3A_802 = arith.index_cast %get3A_801 : i32 to index
      %get3A_803 = arith.index_cast %scan3A_626 : i32 to index
      %get3A_804 = arith.constant 464 : index
      %get3A_805 = tpu.vector_load %arg4[%get3A_802, %get3A_803, %get3A_804] {strides = array<i32>} : memref<2x64x512xf32, #tpu.memory_space<vmem>>, vector<1x1x16xf32>,
      %get3A_806 = vector.shape_cast %get3A_805 : vector<1x1x16xf32> to vector<16xf32>
      %get3A_807 = arith.constant 0 : i32
      %get3A_808 = arith.index_cast %get3A_807 : i32 to index
      %get3A_809 = arith.index_cast %scan3A_626 : i32 to index
      %get3A_810 = arith.constant 480 : index
      %get3A_811 = tpu.vector_load %arg4[%get3A_808, %get3A_809, %get3A_810] {strides = array<i32>} : memref<2x64x512xf32, #tpu.memory_space<vmem>>, vector<1x1x16xf32>,
      %get3A_812 = vector.shape_cast %get3A_811 : vector<1x1x16xf32> to vector<16xf32>
      %get3A_813 = arith.constant 0 : i32
      %get3A_814 = arith.index_cast %get3A_813 : i32 to index
      %get3A_815 = arith.index_cast %scan3A_626 : i32 to index
      %get3A_816 = arith.constant 496 : index
      %get3A_817 = tpu.vector_load %arg4[%get3A_814, %get3A_815, %get3A_816] {strides = array<i32>} : memref<2x64x512xf32, #tpu.memory_space<vmem>>, vector<1x1x16xf32>,
      %get3A_818 = vector.shape_cast %get3A_817 : vector<1x1x16xf32> to vector<16xf32>
      %max3A_819 = arith.maximumf %get3A_632, %get3A_638 : vector<16xf32>
      %max3A_820 = arith.maximumf %get3A_644, %get3A_650 : vector<16xf32>
      %max3A_821 = arith.maximumf %get3A_656, %get3A_662 : vector<16xf32>
      %max3A_822 = arith.maximumf %get3A_668, %get3A_674 : vector<16xf32>
      %max3A_823 = arith.maximumf %get3A_680, %get3A_686 : vector<16xf32>
      %max3A_824 = arith.maximumf %get3A_692, %get3A_698 : vector<16xf32>
      %max3A_825 = arith.maximumf %get3A_704, %get3A_710 : vector<16xf32>
      %max3A_826 = arith.maximumf %get3A_716, %get3A_722 : vector<16xf32>
      %max3A_827 = arith.maximumf %get3A_728, %get3A_734 : vector<16xf32>
      %max3A_828 = arith.maximumf %get3A_740, %get3A_746 : vector<16xf32>
      %max3A_829 = arith.maximumf %get3A_752, %get3A_758 : vector<16xf32>
      %max3A_830 = arith.maximumf %get3A_764, %get3A_770 : vector<16xf32>
      %max3A_831 = arith.maximumf %get3A_776, %get3A_782 : vector<16xf32>
      %max3A_832 = arith.maximumf %get3A_788, %get3A_794 : vector<16xf32>
      %max3A_833 = arith.maximumf %get3A_800, %get3A_806 : vector<16xf32>
      %max3A_834 = arith.maximumf %get3A_812, %get3A_818 : vector<16xf32>
      %max3A_835 = arith.maximumf %max3A_819, %max3A_820 : vector<16xf32>
      %max3A_836 = arith.maximumf %max3A_821, %max3A_822 : vector<16xf32>
      %max3A_837 = arith.maximumf %max3A_823, %max3A_824 : vector<16xf32>
      %max3A_838 = arith.maximumf %max3A_825, %max3A_826 : vector<16xf32>
      %max3A_839 = arith.maximumf %max3A_827, %max3A_828 : vector<16xf32>
      %max3A_840 = arith.maximumf %max3A_829, %max3A_830 : vector<16xf32>
      %max3A_841 = arith.maximumf %max3A_831, %max3A_832 : vector<16xf32>
      %max3A_842 = arith.maximumf %max3A_833, %max3A_834 : vector<16xf32>
      %max3A_843 = arith.maximumf %max3A_835, %max3A_836 : vector<16xf32>
      %max3A_844 = arith.maximumf %max3A_837, %max3A_838 : vector<16xf32>
      %max3A_845 = arith.maximumf %max3A_839, %max3A_840 : vector<16xf32>
      %max3A_846 = arith.maximumf %max3A_841, %max3A_842 : vector<16xf32>
      %max3A_847 = arith.maximumf %max3A_843, %max3A_844 : vector<16xf32>
      %max3A_848 = arith.maximumf %max3A_845, %max3A_846 : vector<16xf32>
      %max3A_849 = arith.maximumf %max3A_847, %max3A_848 : vector<16xf32>
      %swap3A_850 = arith.index_cast %scan3A_626 : i32 to index
      %swap3A_851 = arith.constant 0 : index
      %swap3A_852 = tpu.vector_load %arg5[%swap3A_850, %swap3A_851] {strides = array<i32>} : memref<64x16xf32, #tpu.memory_space<vmem>>, vector<1x16xf32>,
      %swap3A_853 = vector.shape_cast %swap3A_852 : vector<1x16xf32> to vector<16xf32>
      %swap3A_854 = vector.shape_cast %max3A_849 : vector<16xf32> to vector<1x16xf32>
      tpu.vector_store %arg5[%swap3A_850, %swap3A_851], %swap3A_854 {strides = array<i32>} : memref<64x16xf32, #tpu.memory_space<vmem>>, vector<1x16xf32>,
      %scan3A_855 = arith.constant 0 : i32
      %scan3A_856 = arith.constant 3 : i32
      %scan3A_857 = arith.addi %scan3A_166, %scan3A_856 : i32
      %get3A_858 = arith.constant 0 : i32
      %get3A_859 = arith.index_cast %get3A_858 : i32 to index
      %get3A_860 = arith.index_cast %scan3A_857 : i32 to index
      %get3A_861 = arith.constant 0 : index
      %get3A_862 = tpu.vector_load %arg4[%get3A_859, %get3A_860, %get3A_861] {strides = array<i32>} : memref<2x64x512xf32, #tpu.memory_space<vmem>>, vector<1x1x16xf32>,
      %get3A_863 = vector.shape_cast %get3A_862 : vector<1x1x16xf32> to vector<16xf32>
      %get3A_864 = arith.constant 0 : i32
      %get3A_865 = arith.index_cast %get3A_864 : i32 to index
      %get3A_866 = arith.index_cast %scan3A_857 : i32 to index
      %get3A_867 = arith.constant 16 : index
      %get3A_868 = tpu.vector_load %arg4[%get3A_865, %get3A_866, %get3A_867] {strides = array<i32>} : memref<2x64x512xf32, #tpu.memory_space<vmem>>, vector<1x1x16xf32>,
      %get3A_869 = vector.shape_cast %get3A_868 : vector<1x1x16xf32> to vector<16xf32>
      %get3A_870 = arith.constant 0 : i32
      %get3A_871 = arith.index_cast %get3A_870 : i32 to index
      %get3A_872 = arith.index_cast %scan3A_857 : i32 to index
      %get3A_873 = arith.constant 32 : index
      %get3A_874 = tpu.vector_load %arg4[%get3A_871, %get3A_872, %get3A_873] {strides = array<i32>} : memref<2x64x512xf32, #tpu.memory_space<vmem>>, vector<1x1x16xf32>,
      %get3A_875 = vector.shape_cast %get3A_874 : vector<1x1x16xf32> to vector<16xf32>
      %get3A_876 = arith.constant 0 : i32
      %get3A_877 = arith.index_cast %get3A_876 : i32 to index
      %get3A_878 = arith.index_cast %scan3A_857 : i32 to index
      %get3A_879 = arith.constant 48 : index
      %get3A_880 = tpu.vector_load %arg4[%get3A_877, %get3A_878, %get3A_879] {strides = array<i32>} : memref<2x64x512xf32, #tpu.memory_space<vmem>>, vector<1x1x16xf32>,
      %get3A_881 = vector.shape_cast %get3A_880 : vector<1x1x16xf32> to vector<16xf32>
      %get3A_882 = arith.constant 0 : i32
      %get3A_883 = arith.index_cast %get3A_882 : i32 to index
      %get3A_884 = arith.index_cast %scan3A_857 : i32 to index
      %get3A_885 = arith.constant 64 : index
      %get3A_886 = tpu.vector_load %arg4[%get3A_883, %get3A_884, %get3A_885] {strides = array<i32>} : memref<2x64x512xf32, #tpu.memory_space<vmem>>, vector<1x1x16xf32>,
      %get3A_887 = vector.shape_cast %get3A_886 : vector<1x1x16xf32> to vector<16xf32>
      %get3A_888 = arith.constant 0 : i32
      %get3A_889 = arith.index_cast %get3A_888 : i32 to index
      %get3A_890 = arith.index_cast %scan3A_857 : i32 to index
      %get3A_891 = arith.constant 80 : index
      %get3A_892 = tpu.vector_load %arg4[%get3A_889, %get3A_890, %get3A_891] {strides = array<i32>} : memref<2x64x512xf32, #tpu.memory_space<vmem>>, vector<1x1x16xf32>,
      %get3A_893 = vector.shape_cast %get3A_892 : vector<1x1x16xf32> to vector<16xf32>
      %get3A_894 = arith.constant 0 : i32
      %get3A_895 = arith.index_cast %get3A_894 : i32 to index
      %get3A_896 = arith.index_cast %scan3A_857 : i32 to index
      %get3A_897 = arith.constant 96 : index
      %get3A_898 = tpu.vector_load %arg4[%get3A_895, %get3A_896, %get3A_897] {strides = array<i32>} : memref<2x64x512xf32, #tpu.memory_space<vmem>>, vector<1x1x16xf32>,
      %get3A_899 = vector.shape_cast %get3A_898 : vector<1x1x16xf32> to vector<16xf32>
      %get3A_900 = arith.constant 0 : i32
      %get3A_901 = arith.index_cast %get3A_900 : i32 to index
      %get3A_902 = arith.index_cast %scan3A_857 : i32 to index
      %get3A_903 = arith.constant 112 : index
      %get3A_904 = tpu.vector_load %arg4[%get3A_901, %get3A_902, %get3A_903] {strides = array<i32>} : memref<2x64x512xf32, #tpu.memory_space<vmem>>, vector<1x1x16xf32>,
      %get3A_905 = vector.shape_cast %get3A_904 : vector<1x1x16xf32> to vector<16xf32>
      %get3A_906 = arith.constant 0 : i32
      %get3A_907 = arith.index_cast %get3A_906 : i32 to index
      %get3A_908 = arith.index_cast %scan3A_857 : i32 to index
      %get3A_909 = arith.constant 128 : index
      %get3A_910 = tpu.vector_load %arg4[%get3A_907, %get3A_908, %get3A_909] {strides = array<i32>} : memref<2x64x512xf32, #tpu.memory_space<vmem>>, vector<1x1x16xf32>,
      %get3A_911 = vector.shape_cast %get3A_910 : vector<1x1x16xf32> to vector<16xf32>
      %get3A_912 = arith.constant 0 : i32
      %get3A_913 = arith.index_cast %get3A_912 : i32 to index
      %get3A_914 = arith.index_cast %scan3A_857 : i32 to index
      %get3A_915 = arith.constant 144 : index
      %get3A_916 = tpu.vector_load %arg4[%get3A_913, %get3A_914, %get3A_915] {strides = array<i32>} : memref<2x64x512xf32, #tpu.memory_space<vmem>>, vector<1x1x16xf32>,
      %get3A_917 = vector.shape_cast %get3A_916 : vector<1x1x16xf32> to vector<16xf32>
      %get3A_918 = arith.constant 0 : i32
      %get3A_919 = arith.index_cast %get3A_918 : i32 to index
      %get3A_920 = arith.index_cast %scan3A_857 : i32 to index
      %get3A_921 = arith.constant 160 : index
      %get3A_922 = tpu.vector_load %arg4[%get3A_919, %get3A_920, %get3A_921] {strides = array<i32>} : memref<2x64x512xf32, #tpu.memory_space<vmem>>, vector<1x1x16xf32>,
      %get3A_923 = vector.shape_cast %get3A_922 : vector<1x1x16xf32> to vector<16xf32>
      %get3A_924 = arith.constant 0 : i32
      %get3A_925 = arith.index_cast %get3A_924 : i32 to index
      %get3A_926 = arith.index_cast %scan3A_857 : i32 to index
      %get3A_927 = arith.constant 176 : index
      %get3A_928 = tpu.vector_load %arg4[%get3A_925, %get3A_926, %get3A_927] {strides = array<i32>} : memref<2x64x512xf32, #tpu.memory_space<vmem>>, vector<1x1x16xf32>,
      %get3A_929 = vector.shape_cast %get3A_928 : vector<1x1x16xf32> to vector<16xf32>
      %get3A_930 = arith.constant 0 : i32
      %get3A_931 = arith.index_cast %get3A_930 : i32 to index
      %get3A_932 = arith.index_cast %scan3A_857 : i32 to index
      %get3A_933 = arith.constant 192 : index
      %get3A_934 = tpu.vector_load %arg4[%get3A_931, %get3A_932, %get3A_933] {strides = array<i32>} : memref<2x64x512xf32, #tpu.memory_space<vmem>>, vector<1x1x16xf32>,
      %get3A_935 = vector.shape_cast %get3A_934 : vector<1x1x16xf32> to vector<16xf32>
      %get3A_936 = arith.constant 0 : i32
      %get3A_937 = arith.index_cast %get3A_936 : i32 to index
      %get3A_938 = arith.index_cast %scan3A_857 : i32 to index
      %get3A_939 = arith.constant 208 : index
      %get3A_940 = tpu.vector_load %arg4[%get3A_937, %get3A_938, %get3A_939] {strides = array<i32>} : memref<2x64x512xf32, #tpu.memory_space<vmem>>, vector<1x1x16xf32>,
      %get3A_941 = vector.shape_cast %get3A_940 : vector<1x1x16xf32> to vector<16xf32>
      %get3A_942 = arith.constant 0 : i32
      %get3A_943 = arith.index_cast %get3A_942 : i32 to index
      %get3A_944 = arith.index_cast %scan3A_857 : i32 to index
      %get3A_945 = arith.constant 224 : index
      %get3A_946 = tpu.vector_load %arg4[%get3A_943, %get3A_944, %get3A_945] {strides = array<i32>} : memref<2x64x512xf32, #tpu.memory_space<vmem>>, vector<1x1x16xf32>,
      %get3A_947 = vector.shape_cast %get3A_946 : vector<1x1x16xf32> to vector<16xf32>
      %get3A_948 = arith.constant 0 : i32
      %get3A_949 = arith.index_cast %get3A_948 : i32 to index
      %get3A_950 = arith.index_cast %scan3A_857 : i32 to index
      %get3A_951 = arith.constant 240 : index
      %get3A_952 = tpu.vector_load %arg4[%get3A_949, %get3A_950, %get3A_951] {strides = array<i32>} : memref<2x64x512xf32, #tpu.memory_space<vmem>>, vector<1x1x16xf32>,
      %get3A_953 = vector.shape_cast %get3A_952 : vector<1x1x16xf32> to vector<16xf32>
      %get3A_954 = arith.constant 0 : i32
      %get3A_955 = arith.index_cast %get3A_954 : i32 to index
      %get3A_956 = arith.index_cast %scan3A_857 : i32 to index
      %get3A_957 = arith.constant 256 : index
      %get3A_958 = tpu.vector_load %arg4[%get3A_955, %get3A_956, %get3A_957] {strides = array<i32>} : memref<2x64x512xf32, #tpu.memory_space<vmem>>, vector<1x1x16xf32>,
      %get3A_959 = vector.shape_cast %get3A_958 : vector<1x1x16xf32> to vector<16xf32>
      %get3A_960 = arith.constant 0 : i32
      %get3A_961 = arith.index_cast %get3A_960 : i32 to index
      %get3A_962 = arith.index_cast %scan3A_857 : i32 to index
      %get3A_963 = arith.constant 272 : index
      %get3A_964 = tpu.vector_load %arg4[%get3A_961, %get3A_962, %get3A_963] {strides = array<i32>} : memref<2x64x512xf32, #tpu.memory_space<vmem>>, vector<1x1x16xf32>,
      %get3A_965 = vector.shape_cast %get3A_964 : vector<1x1x16xf32> to vector<16xf32>
      %get3A_966 = arith.constant 0 : i32
      %get3A_967 = arith.index_cast %get3A_966 : i32 to index
      %get3A_968 = arith.index_cast %scan3A_857 : i32 to index
      %get3A_969 = arith.constant 288 : index
      %get3A_970 = tpu.vector_load %arg4[%get3A_967, %get3A_968, %get3A_969] {strides = array<i32>} : memref<2x64x512xf32, #tpu.memory_space<vmem>>, vector<1x1x16xf32>,
      %get3A_971 = vector.shape_cast %get3A_970 : vector<1x1x16xf32> to vector<16xf32>
      %get3A_972 = arith.constant 0 : i32
      %get3A_973 = arith.index_cast %get3A_972 : i32 to index
      %get3A_974 = arith.index_cast %scan3A_857 : i32 to index
      %get3A_975 = arith.constant 304 : index
      %get3A_976 = tpu.vector_load %arg4[%get3A_973, %get3A_974, %get3A_975] {strides = array<i32>} : memref<2x64x512xf32, #tpu.memory_space<vmem>>, vector<1x1x16xf32>,
      %get3A_977 = vector.shape_cast %get3A_976 : vector<1x1x16xf32> to vector<16xf32>
      %get3A_978 = arith.constant 0 : i32
      %get3A_979 = arith.index_cast %get3A_978 : i32 to index
      %get3A_980 = arith.index_cast %scan3A_857 : i32 to index
      %get3A_981 = arith.constant 320 : index
      %get3A_982 = tpu.vector_load %arg4[%get3A_979, %get3A_980, %get3A_981] {strides = array<i32>} : memref<2x64x512xf32, #tpu.memory_space<vmem>>, vector<1x1x16xf32>,
      %get3A_983 = vector.shape_cast %get3A_982 : vector<1x1x16xf32> to vector<16xf32>
      %get3A_984 = arith.constant 0 : i32
      %get3A_985 = arith.index_cast %get3A_984 : i32 to index
      %get3A_986 = arith.index_cast %scan3A_857 : i32 to index
      %get3A_987 = arith.constant 336 : index
      %get3A_988 = tpu.vector_load %arg4[%get3A_985, %get3A_986, %get3A_987] {strides = array<i32>} : memref<2x64x512xf32, #tpu.memory_space<vmem>>, vector<1x1x16xf32>,
      %get3A_989 = vector.shape_cast %get3A_988 : vector<1x1x16xf32> to vector<16xf32>
      %get3A_990 = arith.constant 0 : i32
      %get3A_991 = arith.index_cast %get3A_990 : i32 to index
      %get3A_992 = arith.index_cast %scan3A_857 : i32 to index
      %get3A_993 = arith.constant 352 : index
      %get3A_994 = tpu.vector_load %arg4[%get3A_991, %get3A_992, %get3A_993] {strides = array<i32>} : memref<2x64x512xf32, #tpu.memory_space<vmem>>, vector<1x1x16xf32>,
      %get3A_995 = vector.shape_cast %get3A_994 : vector<1x1x16xf32> to vector<16xf32>
      %get3A_996 = arith.constant 0 : i32
      %get3A_997 = arith.index_cast %get3A_996 : i32 to index
      %get3A_998 = arith.index_cast %scan3A_857 : i32 to index
      %get3A_999 = arith.constant 368 : index
      %get3A_1000 = tpu.vector_load %arg4[%get3A_997, %get3A_998, %get3A_999] {strides = array<i32>} : memref<2x64x512xf32, #tpu.memory_space<vmem>>, vector<1x1x16xf32>,
      %get3A_1001 = vector.shape_cast %get3A_1000 : vector<1x1x16xf32> to vector<16xf32>
      %get3A_1002 = arith.constant 0 : i32
      %get3A_1003 = arith.index_cast %get3A_1002 : i32 to index
      %get3A_1004 = arith.index_cast %scan3A_857 : i32 to index
      %get3A_1005 = arith.constant 384 : index
      %get3A_1006 = tpu.vector_load %arg4[%get3A_1003, %get3A_1004, %get3A_1005] {strides = array<i32>} : memref<2x64x512xf32, #tpu.memory_space<vmem>>, vector<1x1x16xf32>,
      %get3A_1007 = vector.shape_cast %get3A_1006 : vector<1x1x16xf32> to vector<16xf32>
      %get3A_1008 = arith.constant 0 : i32
      %get3A_1009 = arith.index_cast %get3A_1008 : i32 to index
      %get3A_1010 = arith.index_cast %scan3A_857 : i32 to index
      %get3A_1011 = arith.constant 400 : index
      %get3A_1012 = tpu.vector_load %arg4[%get3A_1009, %get3A_1010, %get3A_1011] {strides = array<i32>} : memref<2x64x512xf32, #tpu.memory_space<vmem>>, vector<1x1x16xf32>,
      %get3A_1013 = vector.shape_cast %get3A_1012 : vector<1x1x16xf32> to vector<16xf32>
      %get3A_1014 = arith.constant 0 : i32
      %get3A_1015 = arith.index_cast %get3A_1014 : i32 to index
      %get3A_1016 = arith.index_cast %scan3A_857 : i32 to index
      %get3A_1017 = arith.constant 416 : index
      %get3A_1018 = tpu.vector_load %arg4[%get3A_1015, %get3A_1016, %get3A_1017] {strides = array<i32>} : memref<2x64x512xf32, #tpu.memory_space<vmem>>, vector<1x1x16xf32>,
      %get3A_1019 = vector.shape_cast %get3A_1018 : vector<1x1x16xf32> to vector<16xf32>
      %get3A_1020 = arith.constant 0 : i32
      %get3A_1021 = arith.index_cast %get3A_1020 : i32 to index
      %get3A_1022 = arith.index_cast %scan3A_857 : i32 to index
      %get3A_1023 = arith.constant 432 : index
      %get3A_1024 = tpu.vector_load %arg4[%get3A_1021, %get3A_1022, %get3A_1023] {strides = array<i32>} : memref<2x64x512xf32, #tpu.memory_space<vmem>>, vector<1x1x16xf32>,
      %get3A_1025 = vector.shape_cast %get3A_1024 : vector<1x1x16xf32> to vector<16xf32>
      %get3A_1026 = arith.constant 0 : i32
      %get3A_1027 = arith.index_cast %get3A_1026 : i32 to index
      %get3A_1028 = arith.index_cast %scan3A_857 : i32 to index
      %get3A_1029 = arith.constant 448 : index
      %get3A_1030 = tpu.vector_load %arg4[%get3A_1027, %get3A_1028, %get3A_1029] {strides = array<i32>} : memref<2x64x512xf32, #tpu.memory_space<vmem>>, vector<1x1x16xf32>,
      %get3A_1031 = vector.shape_cast %get3A_1030 : vector<1x1x16xf32> to vector<16xf32>
      %get3A_1032 = arith.constant 0 : i32
      %get3A_1033 = arith.index_cast %get3A_1032 : i32 to index
      %get3A_1034 = arith.index_cast %scan3A_857 : i32 to index
      %get3A_1035 = arith.constant 464 : index
      %get3A_1036 = tpu.vector_load %arg4[%get3A_1033, %get3A_1034, %get3A_1035] {strides = array<i32>} : memref<2x64x512xf32, #tpu.memory_space<vmem>>, vector<1x1x16xf32>,
      %get3A_1037 = vector.shape_cast %get3A_1036 : vector<1x1x16xf32> to vector<16xf32>
      %get3A_1038 = arith.constant 0 : i32
      %get3A_1039 = arith.index_cast %get3A_1038 : i32 to index
      %get3A_1040 = arith.index_cast %scan3A_857 : i32 to index
      %get3A_1041 = arith.constant 480 : index
      %get3A_1042 = tpu.vector_load %arg4[%get3A_1039, %get3A_1040, %get3A_1041] {strides = array<i32>} : memref<2x64x512xf32, #tpu.memory_space<vmem>>, vector<1x1x16xf32>,
      %get3A_1043 = vector.shape_cast %get3A_1042 : vector<1x1x16xf32> to vector<16xf32>
      %get3A_1044 = arith.constant 0 : i32
      %get3A_1045 = arith.index_cast %get3A_1044 : i32 to index
      %get3A_1046 = arith.index_cast %scan3A_857 : i32 to index
      %get3A_1047 = arith.constant 496 : index
      %get3A_1048 = tpu.vector_load %arg4[%get3A_1045, %get3A_1046, %get3A_1047] {strides = array<i32>} : memref<2x64x512xf32, #tpu.memory_space<vmem>>, vector<1x1x16xf32>,
      %get3A_1049 = vector.shape_cast %get3A_1048 : vector<1x1x16xf32> to vector<16xf32>
      %max3A_1050 = arith.maximumf %get3A_863, %get3A_869 : vector<16xf32>
      %max3A_1051 = arith.maximumf %get3A_875, %get3A_881 : vector<16xf32>
      %max3A_1052 = arith.maximumf %get3A_887, %get3A_893 : vector<16xf32>
      %max3A_1053 = arith.maximumf %get3A_899, %get3A_905 : vector<16xf32>
      %max3A_1054 = arith.maximumf %get3A_911, %get3A_917 : vector<16xf32>
      %max3A_1055 = arith.maximumf %get3A_923, %get3A_929 : vector<16xf32>
      %max3A_1056 = arith.maximumf %get3A_935, %get3A_941 : vector<16xf32>
      %max3A_1057 = arith.maximumf %get3A_947, %get3A_953 : vector<16xf32>
      %max3A_1058 = arith.maximumf %get3A_959, %get3A_965 : vector<16xf32>
      %max3A_1059 = arith.maximumf %get3A_971, %get3A_977 : vector<16xf32>
      %max3A_1060 = arith.maximumf %get3A_983, %get3A_989 : vector<16xf32>
      %max3A_1061 = arith.maximumf %get3A_995, %get3A_1001 : vector<16xf32>
      %max3A_1062 = arith.maximumf %get3A_1007, %get3A_1013 : vector<16xf32>
      %max3A_1063 = arith.maximumf %get3A_1019, %get3A_1025 : vector<16xf32>
      %max3A_1064 = arith.maximumf %get3A_1031, %get3A_1037 : vector<16xf32>
      %max3A_1065 = arith.maximumf %get3A_1043, %get3A_1049 : vector<16xf32>
      %max3A_1066 = arith.maximumf %max3A_1050, %max3A_1051 : vector<16xf32>
      %max3A_1067 = arith.maximumf %max3A_1052, %max3A_1053 : vector<16xf32>
      %max3A_1068 = arith.maximumf %max3A_1054, %max3A_1055 : vector<16xf32>
      %max3A_1069 = arith.maximumf %max3A_1056, %max3A_1057 : vector<16xf32>
      %max3A_1070 = arith.maximumf %max3A_1058, %max3A_1059 : vector<16xf32>
      %max3A_1071 = arith.maximumf %max3A_1060, %max3A_1061 : vector<16xf32>
      %max3A_1072 = arith.maximumf %max3A_1062, %max3A_1063 : vector<16xf32>
      %max3A_1073 = arith.maximumf %max3A_1064, %max3A_1065 : vector<16xf32>
      %max3A_1074 = arith.maximumf %max3A_1066, %max3A_1067 : vector<16xf32>
      %max3A_1075 = arith.maximumf %max3A_1068, %max3A_1069 : vector<16xf32>
      %max3A_1076 = arith.maximumf %max3A_1070, %max3A_1071 : vector<16xf32>
      %max3A_1077 = arith.maximumf %max3A_1072, %max3A_1073 : vector<16xf32>
      %max3A_1078 = arith.maximumf %max3A_1074, %max3A_1075 : vector<16xf32>
      %max3A_1079 = arith.maximumf %max3A_1076, %max3A_1077 : vector<16xf32>
      %max3A_1080 = arith.maximumf %max3A_1078, %max3A_1079 : vector<16xf32>
      %swap3A_1081 = arith.index_cast %scan3A_857 : i32 to index
      %swap3A_1082 = arith.constant 0 : index
      %swap3A_1083 = tpu.vector_load %arg5[%swap3A_1081, %swap3A_1082] {strides = array<i32>} : memref<64x16xf32, #tpu.memory_space<vmem>>, vector<1x16xf32>,
      %swap3A_1084 = vector.shape_cast %swap3A_1083 : vector<1x16xf32> to vector<16xf32>
      %swap3A_1085 = vector.shape_cast %max3A_1080 : vector<16xf32> to vector<1x16xf32>
      tpu.vector_store %arg5[%swap3A_1081, %swap3A_1082], %swap3A_1085 {strides = array<i32>} : memref<64x16xf32, #tpu.memory_space<vmem>>, vector<1x16xf32>,
      %scan3A_1086 = arith.constant 0 : i32
      scf.yield %scan3A_1086 : i32
    }
    %scan3A_135 = arith.constant 64 : i32
    %mul3A_136 = arith.constant 256 : i32
    %mul3A_137 = arith.muli %add3A, %mul3A_136 : i32
    %add3A_138 = arith.constant 128 : i32
    %add3A_139 = arith.addi %mul3A_137, %add3A_138 : i32
    "tpu.region"() ({
      %run_scoped3A = tpu.sem_alloc : memref<!tpu.dma_semaphore, #tpu.memory_space<semaphore_mem>>
      %dma_start3A_166 = arith.constant 0 : i32
      %dma_start3A_167 = tpu.memref_slice %arg3[%add3A_139, %dma_start3A_166] : memref<4096x16xf32, #tpu.memory_space<hbm>> -> memref<64x16xf32, #tpu.memory_space<hbm>>
      %dma_start3A_168 = arith.constant 0 : i32
      %dma_start3A_169 = tpu.memref_slice %arg3[%add3A_139, %dma_start3A_168] : memref<4096x16xf32, #tpu.memory_space<hbm>> -> memref<64x16xf32, #tpu.memory_space<hbm>>
      tpu.enqueue_dma source(%arg5 : memref<64x16xf32, #tpu.memory_space<vmem>>) target(%dma_start3A_169 : memref<64x16xf32, #tpu.memory_space<hbm>>) target_semaphore(%run_scoped3A : memref<!tpu.dma_semaphore, #tpu.memory_space<semaphore_mem>>)
      %dma_wait3A_170 = arith.constant 0 : i32
      %dma_wait3A_171 = tpu.memref_slice %arg3[%add3A_139, %dma_wait3A_170] : memref<4096x16xf32, #tpu.memory_space<hbm>> -> memref<64x16xf32, #tpu.memory_space<hbm>>
      %dma_wait3A_172 = arith.constant 0 : i32
      %dma_wait3A_173 = tpu.memref_slice %arg3[%add3A_139, %dma_wait3A_172] : memref<4096x16xf32, #tpu.memory_space<hbm>> -> memref<64x16xf32, #tpu.memory_space<hbm>>
      tpu.wait_dma2 semaphore(%run_scoped3A : memref<!tpu.dma_semaphore, #tpu.memory_space<semaphore_mem>>) src(%arg5 : memref<64x16xf32, #tpu.memory_space<vmem>>) dst(%dma_wait3A_173 : memref<64x16xf32, #tpu.memory_space<hbm>>)
      tpu.yield
    }) : () -> ()
    %dma_wait3A_140 = arith.constant 1 : i32
    %dma_wait3A_141 = arith.constant 0 : i32
    %dma_wait3A_142 = arith.constant 0 : i32
    %dma_wait3A_143 = tpu.memref_slice %arg4[%dma_wait3A_140, %dma_wait3A_141, %dma_wait3A_142] : memref<2x64x512xf32, #tpu.memory_space<vmem>> -> memref<1x64x512xf32, #tpu.memory_space<vmem>>
    %dma_wait3A_144 = tpu.memref_squeeze %dma_wait3A_143 : memref<1x64x512xf32, #tpu.memory_space<vmem>> -> memref<64x512xf32, #tpu.memory_space<vmem>>
    %dma_wait3A_145 = arith.constant 0 : i32
    %dma_wait3A_146 = arith.constant 0 : i32
    %dma_wait3A_147 = tpu.memref_slice %arg2[%dma_wait3A_145, %dma_wait3A_146] : memref<16384x512xf32, #tpu.memory_space<hbm>> -> memref<64x512xf32, #tpu.memory_space<hbm>>
    %dma_wait3A_148 = arith.constant 0 : i32
    %dma_wait3A_149 = arith.constant 0 : i32
    %dma_wait3A_150 = tpu.memref_slice %arg4[%dma_wait3A_140, %dma_wait3A_148, %dma_wait3A_149] : memref<2x64x512xf32, #tpu.memory_space<vmem>> -> memref<1x64x512xf32, #tpu.memory_space<vmem>>
    %dma_wait3A_151 = tpu.memref_squeeze %dma_wait3A_150 : memref<1x64x512xf32, #tpu.memory_space<vmem>> -> memref<64x512xf32, #tpu.memory_space<vmem>>
    %dma_wait3A_152 = arith.constant 0 : i32
    %dma_wait3A_153 = arith.constant 0 : i32
    %dma_wait3A_154 = tpu.memref_slice %arg2[%dma_wait3A_152, %dma_wait3A_153] : memref<16384x512xf32, #tpu.memory_space<hbm>> -> memref<64x512xf32, #tpu.memory_space<hbm>>
    tpu.wait_dma2 semaphore(%arg7 : memref<!tpu.dma_semaphore, #tpu.memory_space<semaphore_mem>>) src(%dma_wait3A_154 : memref<64x512xf32, #tpu.memory_space<hbm>>) dst(%dma_wait3A_151 : memref<64x512xf32, #tpu.memory_space<vmem>>)
    %scan3A_155 = arith.constant 0 : i32
    %scan3A_156 = arith.constant 0 : i32
    %scan3A_157 = arith.constant 64 : i32
    %scan3A_158 = arith.addi %scan3A_156, %scan3A_157 : i32
    %scan3A_159 = arith.constant 4 : i32
    %scan3A_160 = scf.for %scan3A_166 = %scan3A_156 to %scan3A_158 step %scan3A_159 iter_args(%scan3A_167 = %scan3A_155) -> (i32)  : i32 {
      %get3A = arith.constant 1 : i32
      %get3A_168 = arith.index_cast %get3A : i32 to index
      %get3A_169 = arith.index_cast %scan3A_166 : i32 to index
      %get3A_170 = arith.constant 0 : index
      %get3A_171 = tpu.vector_load %arg4[%get3A_168, %get3A_169, %get3A_170] {strides = array<i32>} : memref<2x64x512xf32, #tpu.memory_space<vmem>>, vector<1x1x16xf32>,
      %get3A_172 = vector.shape_cast %get3A_171 : vector<1x1x16xf32> to vector<16xf32>
      %get3A_173 = arith.constant 1 : i32
      %get3A_174 = arith.index_cast %get3A_173 : i32 to index
      %get3A_175 = arith.index_cast %scan3A_166 : i32 to index
      %get3A_176 = arith.constant 16 : index
      %get3A_177 = tpu.vector_load %arg4[%get3A_174, %get3A_175, %get3A_176] {strides = array<i32>} : memref<2x64x512xf32, #tpu.memory_space<vmem>>, vector<1x1x16xf32>,
      %get3A_178 = vector.shape_cast %get3A_177 : vector<1x1x16xf32> to vector<16xf32>
      %get3A_179 = arith.constant 1 : i32
      %get3A_180 = arith.index_cast %get3A_179 : i32 to index
      %get3A_181 = arith.index_cast %scan3A_166 : i32 to index
      %get3A_182 = arith.constant 32 : index
      %get3A_183 = tpu.vector_load %arg4[%get3A_180, %get3A_181, %get3A_182] {strides = array<i32>} : memref<2x64x512xf32, #tpu.memory_space<vmem>>, vector<1x1x16xf32>,
      %get3A_184 = vector.shape_cast %get3A_183 : vector<1x1x16xf32> to vector<16xf32>
      %get3A_185 = arith.constant 1 : i32
      %get3A_186 = arith.index_cast %get3A_185 : i32 to index
      %get3A_187 = arith.index_cast %scan3A_166 : i32 to index
      %get3A_188 = arith.constant 48 : index
      %get3A_189 = tpu.vector_load %arg4[%get3A_186, %get3A_187, %get3A_188] {strides = array<i32>} : memref<2x64x512xf32, #tpu.memory_space<vmem>>, vector<1x1x16xf32>,
      %get3A_190 = vector.shape_cast %get3A_189 : vector<1x1x16xf32> to vector<16xf32>
      %get3A_191 = arith.constant 1 : i32
      %get3A_192 = arith.index_cast %get3A_191 : i32 to index
      %get3A_193 = arith.index_cast %scan3A_166 : i32 to index
      %get3A_194 = arith.constant 64 : index
      %get3A_195 = tpu.vector_load %arg4[%get3A_192, %get3A_193, %get3A_194] {strides = array<i32>} : memref<2x64x512xf32, #tpu.memory_space<vmem>>, vector<1x1x16xf32>,
      %get3A_196 = vector.shape_cast %get3A_195 : vector<1x1x16xf32> to vector<16xf32>
      %get3A_197 = arith.constant 1 : i32
      %get3A_198 = arith.index_cast %get3A_197 : i32 to index
      %get3A_199 = arith.index_cast %scan3A_166 : i32 to index
      %get3A_200 = arith.constant 80 : index
      %get3A_201 = tpu.vector_load %arg4[%get3A_198, %get3A_199, %get3A_200] {strides = array<i32>} : memref<2x64x512xf32, #tpu.memory_space<vmem>>, vector<1x1x16xf32>,
      %get3A_202 = vector.shape_cast %get3A_201 : vector<1x1x16xf32> to vector<16xf32>
      %get3A_203 = arith.constant 1 : i32
      %get3A_204 = arith.index_cast %get3A_203 : i32 to index
      %get3A_205 = arith.index_cast %scan3A_166 : i32 to index
      %get3A_206 = arith.constant 96 : index
      %get3A_207 = tpu.vector_load %arg4[%get3A_204, %get3A_205, %get3A_206] {strides = array<i32>} : memref<2x64x512xf32, #tpu.memory_space<vmem>>, vector<1x1x16xf32>,
      %get3A_208 = vector.shape_cast %get3A_207 : vector<1x1x16xf32> to vector<16xf32>
      %get3A_209 = arith.constant 1 : i32
      %get3A_210 = arith.index_cast %get3A_209 : i32 to index
      %get3A_211 = arith.index_cast %scan3A_166 : i32 to index
      %get3A_212 = arith.constant 112 : index
      %get3A_213 = tpu.vector_load %arg4[%get3A_210, %get3A_211, %get3A_212] {strides = array<i32>} : memref<2x64x512xf32, #tpu.memory_space<vmem>>, vector<1x1x16xf32>,
      %get3A_214 = vector.shape_cast %get3A_213 : vector<1x1x16xf32> to vector<16xf32>
      %get3A_215 = arith.constant 1 : i32
      %get3A_216 = arith.index_cast %get3A_215 : i32 to index
      %get3A_217 = arith.index_cast %scan3A_166 : i32 to index
      %get3A_218 = arith.constant 128 : index
      %get3A_219 = tpu.vector_load %arg4[%get3A_216, %get3A_217, %get3A_218] {strides = array<i32>} : memref<2x64x512xf32, #tpu.memory_space<vmem>>, vector<1x1x16xf32>,
      %get3A_220 = vector.shape_cast %get3A_219 : vector<1x1x16xf32> to vector<16xf32>
      %get3A_221 = arith.constant 1 : i32
      %get3A_222 = arith.index_cast %get3A_221 : i32 to index
      %get3A_223 = arith.index_cast %scan3A_166 : i32 to index
      %get3A_224 = arith.constant 144 : index
      %get3A_225 = tpu.vector_load %arg4[%get3A_222, %get3A_223, %get3A_224] {strides = array<i32>} : memref<2x64x512xf32, #tpu.memory_space<vmem>>, vector<1x1x16xf32>,
      %get3A_226 = vector.shape_cast %get3A_225 : vector<1x1x16xf32> to vector<16xf32>
      %get3A_227 = arith.constant 1 : i32
      %get3A_228 = arith.index_cast %get3A_227 : i32 to index
      %get3A_229 = arith.index_cast %scan3A_166 : i32 to index
      %get3A_230 = arith.constant 160 : index
      %get3A_231 = tpu.vector_load %arg4[%get3A_228, %get3A_229, %get3A_230] {strides = array<i32>} : memref<2x64x512xf32, #tpu.memory_space<vmem>>, vector<1x1x16xf32>,
      %get3A_232 = vector.shape_cast %get3A_231 : vector<1x1x16xf32> to vector<16xf32>
      %get3A_233 = arith.constant 1 : i32
      %get3A_234 = arith.index_cast %get3A_233 : i32 to index
      %get3A_235 = arith.index_cast %scan3A_166 : i32 to index
      %get3A_236 = arith.constant 176 : index
      %get3A_237 = tpu.vector_load %arg4[%get3A_234, %get3A_235, %get3A_236] {strides = array<i32>} : memref<2x64x512xf32, #tpu.memory_space<vmem>>, vector<1x1x16xf32>,
      %get3A_238 = vector.shape_cast %get3A_237 : vector<1x1x16xf32> to vector<16xf32>
      %get3A_239 = arith.constant 1 : i32
      %get3A_240 = arith.index_cast %get3A_239 : i32 to index
      %get3A_241 = arith.index_cast %scan3A_166 : i32 to index
      %get3A_242 = arith.constant 192 : index
      %get3A_243 = tpu.vector_load %arg4[%get3A_240, %get3A_241, %get3A_242] {strides = array<i32>} : memref<2x64x512xf32, #tpu.memory_space<vmem>>, vector<1x1x16xf32>,
      %get3A_244 = vector.shape_cast %get3A_243 : vector<1x1x16xf32> to vector<16xf32>
      %get3A_245 = arith.constant 1 : i32
      %get3A_246 = arith.index_cast %get3A_245 : i32 to index
      %get3A_247 = arith.index_cast %scan3A_166 : i32 to index
      %get3A_248 = arith.constant 208 : index
      %get3A_249 = tpu.vector_load %arg4[%get3A_246, %get3A_247, %get3A_248] {strides = array<i32>} : memref<2x64x512xf32, #tpu.memory_space<vmem>>, vector<1x1x16xf32>,
      %get3A_250 = vector.shape_cast %get3A_249 : vector<1x1x16xf32> to vector<16xf32>
      %get3A_251 = arith.constant 1 : i32
      %get3A_252 = arith.index_cast %get3A_251 : i32 to index
      %get3A_253 = arith.index_cast %scan3A_166 : i32 to index
      %get3A_254 = arith.constant 224 : index
      %get3A_255 = tpu.vector_load %arg4[%get3A_252, %get3A_253, %get3A_254] {strides = array<i32>} : memref<2x64x512xf32, #tpu.memory_space<vmem>>, vector<1x1x16xf32>,
      %get3A_256 = vector.shape_cast %get3A_255 : vector<1x1x16xf32> to vector<16xf32>
      %get3A_257 = arith.constant 1 : i32
      %get3A_258 = arith.index_cast %get3A_257 : i32 to index
      %get3A_259 = arith.index_cast %scan3A_166 : i32 to index
      %get3A_260 = arith.constant 240 : index
      %get3A_261 = tpu.vector_load %arg4[%get3A_258, %get3A_259, %get3A_260] {strides = array<i32>} : memref<2x64x512xf32, #tpu.memory_space<vmem>>, vector<1x1x16xf32>,
      %get3A_262 = vector.shape_cast %get3A_261 : vector<1x1x16xf32> to vector<16xf32>
      %get3A_263 = arith.constant 1 : i32
      %get3A_264 = arith.index_cast %get3A_263 : i32 to index
      %get3A_265 = arith.index_cast %scan3A_166 : i32 to index
      %get3A_266 = arith.constant 256 : index
      %get3A_267 = tpu.vector_load %arg4[%get3A_264, %get3A_265, %get3A_266] {strides = array<i32>} : memref<2x64x512xf32, #tpu.memory_space<vmem>>, vector<1x1x16xf32>,
      %get3A_268 = vector.shape_cast %get3A_267 : vector<1x1x16xf32> to vector<16xf32>
      %get3A_269 = arith.constant 1 : i32
      %get3A_270 = arith.index_cast %get3A_269 : i32 to index
      %get3A_271 = arith.index_cast %scan3A_166 : i32 to index
      %get3A_272 = arith.constant 272 : index
      %get3A_273 = tpu.vector_load %arg4[%get3A_270, %get3A_271, %get3A_272] {strides = array<i32>} : memref<2x64x512xf32, #tpu.memory_space<vmem>>, vector<1x1x16xf32>,
      %get3A_274 = vector.shape_cast %get3A_273 : vector<1x1x16xf32> to vector<16xf32>
      %get3A_275 = arith.constant 1 : i32
      %get3A_276 = arith.index_cast %get3A_275 : i32 to index
      %get3A_277 = arith.index_cast %scan3A_166 : i32 to index
      %get3A_278 = arith.constant 288 : index
      %get3A_279 = tpu.vector_load %arg4[%get3A_276, %get3A_277, %get3A_278] {strides = array<i32>} : memref<2x64x512xf32, #tpu.memory_space<vmem>>, vector<1x1x16xf32>,
      %get3A_280 = vector.shape_cast %get3A_279 : vector<1x1x16xf32> to vector<16xf32>
      %get3A_281 = arith.constant 1 : i32
      %get3A_282 = arith.index_cast %get3A_281 : i32 to index
      %get3A_283 = arith.index_cast %scan3A_166 : i32 to index
      %get3A_284 = arith.constant 304 : index
      %get3A_285 = tpu.vector_load %arg4[%get3A_282, %get3A_283, %get3A_284] {strides = array<i32>} : memref<2x64x512xf32, #tpu.memory_space<vmem>>, vector<1x1x16xf32>,
      %get3A_286 = vector.shape_cast %get3A_285 : vector<1x1x16xf32> to vector<16xf32>
      %get3A_287 = arith.constant 1 : i32
      %get3A_288 = arith.index_cast %get3A_287 : i32 to index
      %get3A_289 = arith.index_cast %scan3A_166 : i32 to index
      %get3A_290 = arith.constant 320 : index
      %get3A_291 = tpu.vector_load %arg4[%get3A_288, %get3A_289, %get3A_290] {strides = array<i32>} : memref<2x64x512xf32, #tpu.memory_space<vmem>>, vector<1x1x16xf32>,
      %get3A_292 = vector.shape_cast %get3A_291 : vector<1x1x16xf32> to vector<16xf32>
      %get3A_293 = arith.constant 1 : i32
      %get3A_294 = arith.index_cast %get3A_293 : i32 to index
      %get3A_295 = arith.index_cast %scan3A_166 : i32 to index
      %get3A_296 = arith.constant 336 : index
      %get3A_297 = tpu.vector_load %arg4[%get3A_294, %get3A_295, %get3A_296] {strides = array<i32>} : memref<2x64x512xf32, #tpu.memory_space<vmem>>, vector<1x1x16xf32>,
      %get3A_298 = vector.shape_cast %get3A_297 : vector<1x1x16xf32> to vector<16xf32>
      %get3A_299 = arith.constant 1 : i32
      %get3A_300 = arith.index_cast %get3A_299 : i32 to index
      %get3A_301 = arith.index_cast %scan3A_166 : i32 to index
      %get3A_302 = arith.constant 352 : index
      %get3A_303 = tpu.vector_load %arg4[%get3A_300, %get3A_301, %get3A_302] {strides = array<i32>} : memref<2x64x512xf32, #tpu.memory_space<vmem>>, vector<1x1x16xf32>,
      %get3A_304 = vector.shape_cast %get3A_303 : vector<1x1x16xf32> to vector<16xf32>
      %get3A_305 = arith.constant 1 : i32
      %get3A_306 = arith.index_cast %get3A_305 : i32 to index
      %get3A_307 = arith.index_cast %scan3A_166 : i32 to index
      %get3A_308 = arith.constant 368 : index
      %get3A_309 = tpu.vector_load %arg4[%get3A_306, %get3A_307, %get3A_308] {strides = array<i32>} : memref<2x64x512xf32, #tpu.memory_space<vmem>>, vector<1x1x16xf32>,
      %get3A_310 = vector.shape_cast %get3A_309 : vector<1x1x16xf32> to vector<16xf32>
      %get3A_311 = arith.constant 1 : i32
      %get3A_312 = arith.index_cast %get3A_311 : i32 to index
      %get3A_313 = arith.index_cast %scan3A_166 : i32 to index
      %get3A_314 = arith.constant 384 : index
      %get3A_315 = tpu.vector_load %arg4[%get3A_312, %get3A_313, %get3A_314] {strides = array<i32>} : memref<2x64x512xf32, #tpu.memory_space<vmem>>, vector<1x1x16xf32>,
      %get3A_316 = vector.shape_cast %get3A_315 : vector<1x1x16xf32> to vector<16xf32>
      %get3A_317 = arith.constant 1 : i32
      %get3A_318 = arith.index_cast %get3A_317 : i32 to index
      %get3A_319 = arith.index_cast %scan3A_166 : i32 to index
      %get3A_320 = arith.constant 400 : index
      %get3A_321 = tpu.vector_load %arg4[%get3A_318, %get3A_319, %get3A_320] {strides = array<i32>} : memref<2x64x512xf32, #tpu.memory_space<vmem>>, vector<1x1x16xf32>,
      %get3A_322 = vector.shape_cast %get3A_321 : vector<1x1x16xf32> to vector<16xf32>
      %get3A_323 = arith.constant 1 : i32
      %get3A_324 = arith.index_cast %get3A_323 : i32 to index
      %get3A_325 = arith.index_cast %scan3A_166 : i32 to index
      %get3A_326 = arith.constant 416 : index
      %get3A_327 = tpu.vector_load %arg4[%get3A_324, %get3A_325, %get3A_326] {strides = array<i32>} : memref<2x64x512xf32, #tpu.memory_space<vmem>>, vector<1x1x16xf32>,
      %get3A_328 = vector.shape_cast %get3A_327 : vector<1x1x16xf32> to vector<16xf32>
      %get3A_329 = arith.constant 1 : i32
      %get3A_330 = arith.index_cast %get3A_329 : i32 to index
      %get3A_331 = arith.index_cast %scan3A_166 : i32 to index
      %get3A_332 = arith.constant 432 : index
      %get3A_333 = tpu.vector_load %arg4[%get3A_330, %get3A_331, %get3A_332] {strides = array<i32>} : memref<2x64x512xf32, #tpu.memory_space<vmem>>, vector<1x1x16xf32>,
      %get3A_334 = vector.shape_cast %get3A_333 : vector<1x1x16xf32> to vector<16xf32>
      %get3A_335 = arith.constant 1 : i32
      %get3A_336 = arith.index_cast %get3A_335 : i32 to index
      %get3A_337 = arith.index_cast %scan3A_166 : i32 to index
      %get3A_338 = arith.constant 448 : index
      %get3A_339 = tpu.vector_load %arg4[%get3A_336, %get3A_337, %get3A_338] {strides = array<i32>} : memref<2x64x512xf32, #tpu.memory_space<vmem>>, vector<1x1x16xf32>,
      %get3A_340 = vector.shape_cast %get3A_339 : vector<1x1x16xf32> to vector<16xf32>
      %get3A_341 = arith.constant 1 : i32
      %get3A_342 = arith.index_cast %get3A_341 : i32 to index
      %get3A_343 = arith.index_cast %scan3A_166 : i32 to index
      %get3A_344 = arith.constant 464 : index
      %get3A_345 = tpu.vector_load %arg4[%get3A_342, %get3A_343, %get3A_344] {strides = array<i32>} : memref<2x64x512xf32, #tpu.memory_space<vmem>>, vector<1x1x16xf32>,
      %get3A_346 = vector.shape_cast %get3A_345 : vector<1x1x16xf32> to vector<16xf32>
      %get3A_347 = arith.constant 1 : i32
      %get3A_348 = arith.index_cast %get3A_347 : i32 to index
      %get3A_349 = arith.index_cast %scan3A_166 : i32 to index
      %get3A_350 = arith.constant 480 : index
      %get3A_351 = tpu.vector_load %arg4[%get3A_348, %get3A_349, %get3A_350] {strides = array<i32>} : memref<2x64x512xf32, #tpu.memory_space<vmem>>, vector<1x1x16xf32>,
      %get3A_352 = vector.shape_cast %get3A_351 : vector<1x1x16xf32> to vector<16xf32>
      %get3A_353 = arith.constant 1 : i32
      %get3A_354 = arith.index_cast %get3A_353 : i32 to index
      %get3A_355 = arith.index_cast %scan3A_166 : i32 to index
      %get3A_356 = arith.constant 496 : index
      %get3A_357 = tpu.vector_load %arg4[%get3A_354, %get3A_355, %get3A_356] {strides = array<i32>} : memref<2x64x512xf32, #tpu.memory_space<vmem>>, vector<1x1x16xf32>,
      %get3A_358 = vector.shape_cast %get3A_357 : vector<1x1x16xf32> to vector<16xf32>
      %max3A = arith.maximumf %get3A_172, %get3A_178 : vector<16xf32>
      %max3A_359 = arith.maximumf %get3A_184, %get3A_190 : vector<16xf32>
      %max3A_360 = arith.maximumf %get3A_196, %get3A_202 : vector<16xf32>
      %max3A_361 = arith.maximumf %get3A_208, %get3A_214 : vector<16xf32>
      %max3A_362 = arith.maximumf %get3A_220, %get3A_226 : vector<16xf32>
      %max3A_363 = arith.maximumf %get3A_232, %get3A_238 : vector<16xf32>
      %max3A_364 = arith.maximumf %get3A_244, %get3A_250 : vector<16xf32>
      %max3A_365 = arith.maximumf %get3A_256, %get3A_262 : vector<16xf32>
      %max3A_366 = arith.maximumf %get3A_268, %get3A_274 : vector<16xf32>
      %max3A_367 = arith.maximumf %get3A_280, %get3A_286 : vector<16xf32>
      %max3A_368 = arith.maximumf %get3A_292, %get3A_298 : vector<16xf32>
      %max3A_369 = arith.maximumf %get3A_304, %get3A_310 : vector<16xf32>
      %max3A_370 = arith.maximumf %get3A_316, %get3A_322 : vector<16xf32>
      %max3A_371 = arith.maximumf %get3A_328, %get3A_334 : vector<16xf32>
      %max3A_372 = arith.maximumf %get3A_340, %get3A_346 : vector<16xf32>
      %max3A_373 = arith.maximumf %get3A_352, %get3A_358 : vector<16xf32>
      %max3A_374 = arith.maximumf %max3A, %max3A_359 : vector<16xf32>
      %max3A_375 = arith.maximumf %max3A_360, %max3A_361 : vector<16xf32>
      %max3A_376 = arith.maximumf %max3A_362, %max3A_363 : vector<16xf32>
      %max3A_377 = arith.maximumf %max3A_364, %max3A_365 : vector<16xf32>
      %max3A_378 = arith.maximumf %max3A_366, %max3A_367 : vector<16xf32>
      %max3A_379 = arith.maximumf %max3A_368, %max3A_369 : vector<16xf32>
      %max3A_380 = arith.maximumf %max3A_370, %max3A_371 : vector<16xf32>
      %max3A_381 = arith.maximumf %max3A_372, %max3A_373 : vector<16xf32>
      %max3A_382 = arith.maximumf %max3A_374, %max3A_375 : vector<16xf32>
      %max3A_383 = arith.maximumf %max3A_376, %max3A_377 : vector<16xf32>
      %max3A_384 = arith.maximumf %max3A_378, %max3A_379 : vector<16xf32>
      %max3A_385 = arith.maximumf %max3A_380, %max3A_381 : vector<16xf32>
      %max3A_386 = arith.maximumf %max3A_382, %max3A_383 : vector<16xf32>
      %max3A_387 = arith.maximumf %max3A_384, %max3A_385 : vector<16xf32>
      %max3A_388 = arith.maximumf %max3A_386, %max3A_387 : vector<16xf32>
      %swap3A = arith.index_cast %scan3A_166 : i32 to index
      %swap3A_389 = arith.constant 0 : index
      %swap3A_390 = tpu.vector_load %arg5[%swap3A, %swap3A_389] {strides = array<i32>} : memref<64x16xf32, #tpu.memory_space<vmem>>, vector<1x16xf32>,
      %swap3A_391 = vector.shape_cast %swap3A_390 : vector<1x16xf32> to vector<16xf32>
      %swap3A_392 = vector.shape_cast %max3A_388 : vector<16xf32> to vector<1x16xf32>
      tpu.vector_store %arg5[%swap3A, %swap3A_389], %swap3A_392 {strides = array<i32>} : memref<64x16xf32, #tpu.memory_space<vmem>>, vector<1x16xf32>,
      %scan3A_393 = arith.constant 0 : i32
      %scan3A_394 = arith.constant 1 : i32
      %scan3A_395 = arith.addi %scan3A_166, %scan3A_394 : i32
      %get3A_396 = arith.constant 1 : i32
      %get3A_397 = arith.index_cast %get3A_396 : i32 to index
      %get3A_398 = arith.index_cast %scan3A_395 : i32 to index
      %get3A_399 = arith.constant 0 : index
      %get3A_400 = tpu.vector_load %arg4[%get3A_397, %get3A_398, %get3A_399] {strides = array<i32>} : memref<2x64x512xf32, #tpu.memory_space<vmem>>, vector<1x1x16xf32>,
      %get3A_401 = vector.shape_cast %get3A_400 : vector<1x1x16xf32> to vector<16xf32>
      %get3A_402 = arith.constant 1 : i32
      %get3A_403 = arith.index_cast %get3A_402 : i32 to index
      %get3A_404 = arith.index_cast %scan3A_395 : i32 to index
      %get3A_405 = arith.constant 16 : index
      %get3A_406 = tpu.vector_load %arg4[%get3A_403, %get3A_404, %get3A_405] {strides = array<i32>} : memref<2x64x512xf32, #tpu.memory_space<vmem>>, vector<1x1x16xf32>,
      %get3A_407 = vector.shape_cast %get3A_406 : vector<1x1x16xf32> to vector<16xf32>
      %get3A_408 = arith.constant 1 : i32
      %get3A_409 = arith.index_cast %get3A_408 : i32 to index
      %get3A_410 = arith.index_cast %scan3A_395 : i32 to index
      %get3A_411 = arith.constant 32 : index
      %get3A_412 = tpu.vector_load %arg4[%get3A_409, %get3A_410, %get3A_411] {strides = array<i32>} : memref<2x64x512xf32, #tpu.memory_space<vmem>>, vector<1x1x16xf32>,
      %get3A_413 = vector.shape_cast %get3A_412 : vector<1x1x16xf32> to vector<16xf32>
      %get3A_414 = arith.constant 1 : i32
      %get3A_415 = arith.index_cast %get3A_414 : i32 to index
      %get3A_416 = arith.index_cast %scan3A_395 : i32 to index
      %get3A_417 = arith.constant 48 : index
      %get3A_418 = tpu.vector_load %arg4[%get3A_415, %get3A_416, %get3A_417] {strides = array<i32>} : memref<2x64x512xf32, #tpu.memory_space<vmem>>, vector<1x1x16xf32>,
      %get3A_419 = vector.shape_cast %get3A_418 : vector<1x1x16xf32> to vector<16xf32>
      %get3A_420 = arith.constant 1 : i32
      %get3A_421 = arith.index_cast %get3A_420 : i32 to index
      %get3A_422 = arith.index_cast %scan3A_395 : i32 to index
      %get3A_423 = arith.constant 64 : index
      %get3A_424 = tpu.vector_load %arg4[%get3A_421, %get3A_422, %get3A_423] {strides = array<i32>} : memref<2x64x512xf32, #tpu.memory_space<vmem>>, vector<1x1x16xf32>,
      %get3A_425 = vector.shape_cast %get3A_424 : vector<1x1x16xf32> to vector<16xf32>
      %get3A_426 = arith.constant 1 : i32
      %get3A_427 = arith.index_cast %get3A_426 : i32 to index
      %get3A_428 = arith.index_cast %scan3A_395 : i32 to index
      %get3A_429 = arith.constant 80 : index
      %get3A_430 = tpu.vector_load %arg4[%get3A_427, %get3A_428, %get3A_429] {strides = array<i32>} : memref<2x64x512xf32, #tpu.memory_space<vmem>>, vector<1x1x16xf32>,
      %get3A_431 = vector.shape_cast %get3A_430 : vector<1x1x16xf32> to vector<16xf32>
      %get3A_432 = arith.constant 1 : i32
      %get3A_433 = arith.index_cast %get3A_432 : i32 to index
      %get3A_434 = arith.index_cast %scan3A_395 : i32 to index
      %get3A_435 = arith.constant 96 : index
      %get3A_436 = tpu.vector_load %arg4[%get3A_433, %get3A_434, %get3A_435] {strides = array<i32>} : memref<2x64x512xf32, #tpu.memory_space<vmem>>, vector<1x1x16xf32>,
      %get3A_437 = vector.shape_cast %get3A_436 : vector<1x1x16xf32> to vector<16xf32>
      %get3A_438 = arith.constant 1 : i32
      %get3A_439 = arith.index_cast %get3A_438 : i32 to index
      %get3A_440 = arith.index_cast %scan3A_395 : i32 to index
      %get3A_441 = arith.constant 112 : index
      %get3A_442 = tpu.vector_load %arg4[%get3A_439, %get3A_440, %get3A_441] {strides = array<i32>} : memref<2x64x512xf32, #tpu.memory_space<vmem>>, vector<1x1x16xf32>,
      %get3A_443 = vector.shape_cast %get3A_442 : vector<1x1x16xf32> to vector<16xf32>
      %get3A_444 = arith.constant 1 : i32
      %get3A_445 = arith.index_cast %get3A_444 : i32 to index
      %get3A_446 = arith.index_cast %scan3A_395 : i32 to index
      %get3A_447 = arith.constant 128 : index
      %get3A_448 = tpu.vector_load %arg4[%get3A_445, %get3A_446, %get3A_447] {strides = array<i32>} : memref<2x64x512xf32, #tpu.memory_space<vmem>>, vector<1x1x16xf32>,
      %get3A_449 = vector.shape_cast %get3A_448 : vector<1x1x16xf32> to vector<16xf32>
      %get3A_450 = arith.constant 1 : i32
      %get3A_451 = arith.index_cast %get3A_450 : i32 to index
      %get3A_452 = arith.index_cast %scan3A_395 : i32 to index
      %get3A_453 = arith.constant 144 : index
      %get3A_454 = tpu.vector_load %arg4[%get3A_451, %get3A_452, %get3A_453] {strides = array<i32>} : memref<2x64x512xf32, #tpu.memory_space<vmem>>, vector<1x1x16xf32>,
      %get3A_455 = vector.shape_cast %get3A_454 : vector<1x1x16xf32> to vector<16xf32>
      %get3A_456 = arith.constant 1 : i32
      %get3A_457 = arith.index_cast %get3A_456 : i32 to index
      %get3A_458 = arith.index_cast %scan3A_395 : i32 to index
      %get3A_459 = arith.constant 160 : index
      %get3A_460 = tpu.vector_load %arg4[%get3A_457, %get3A_458, %get3A_459] {strides = array<i32>} : memref<2x64x512xf32, #tpu.memory_space<vmem>>, vector<1x1x16xf32>,
      %get3A_461 = vector.shape_cast %get3A_460 : vector<1x1x16xf32> to vector<16xf32>
      %get3A_462 = arith.constant 1 : i32
      %get3A_463 = arith.index_cast %get3A_462 : i32 to index
      %get3A_464 = arith.index_cast %scan3A_395 : i32 to index
      %get3A_465 = arith.constant 176 : index
      %get3A_466 = tpu.vector_load %arg4[%get3A_463, %get3A_464, %get3A_465] {strides = array<i32>} : memref<2x64x512xf32, #tpu.memory_space<vmem>>, vector<1x1x16xf32>,
      %get3A_467 = vector.shape_cast %get3A_466 : vector<1x1x16xf32> to vector<16xf32>
      %get3A_468 = arith.constant 1 : i32
      %get3A_469 = arith.index_cast %get3A_468 : i32 to index
      %get3A_470 = arith.index_cast %scan3A_395 : i32 to index
      %get3A_471 = arith.constant 192 : index
      %get3A_472 = tpu.vector_load %arg4[%get3A_469, %get3A_470, %get3A_471] {strides = array<i32>} : memref<2x64x512xf32, #tpu.memory_space<vmem>>, vector<1x1x16xf32>,
      %get3A_473 = vector.shape_cast %get3A_472 : vector<1x1x16xf32> to vector<16xf32>
      %get3A_474 = arith.constant 1 : i32
      %get3A_475 = arith.index_cast %get3A_474 : i32 to index
      %get3A_476 = arith.index_cast %scan3A_395 : i32 to index
      %get3A_477 = arith.constant 208 : index
      %get3A_478 = tpu.vector_load %arg4[%get3A_475, %get3A_476, %get3A_477] {strides = array<i32>} : memref<2x64x512xf32, #tpu.memory_space<vmem>>, vector<1x1x16xf32>,
      %get3A_479 = vector.shape_cast %get3A_478 : vector<1x1x16xf32> to vector<16xf32>
      %get3A_480 = arith.constant 1 : i32
      %get3A_481 = arith.index_cast %get3A_480 : i32 to index
      %get3A_482 = arith.index_cast %scan3A_395 : i32 to index
      %get3A_483 = arith.constant 224 : index
      %get3A_484 = tpu.vector_load %arg4[%get3A_481, %get3A_482, %get3A_483] {strides = array<i32>} : memref<2x64x512xf32, #tpu.memory_space<vmem>>, vector<1x1x16xf32>,
      %get3A_485 = vector.shape_cast %get3A_484 : vector<1x1x16xf32> to vector<16xf32>
      %get3A_486 = arith.constant 1 : i32
      %get3A_487 = arith.index_cast %get3A_486 : i32 to index
      %get3A_488 = arith.index_cast %scan3A_395 : i32 to index
      %get3A_489 = arith.constant 240 : index
      %get3A_490 = tpu.vector_load %arg4[%get3A_487, %get3A_488, %get3A_489] {strides = array<i32>} : memref<2x64x512xf32, #tpu.memory_space<vmem>>, vector<1x1x16xf32>,
      %get3A_491 = vector.shape_cast %get3A_490 : vector<1x1x16xf32> to vector<16xf32>
      %get3A_492 = arith.constant 1 : i32
      %get3A_493 = arith.index_cast %get3A_492 : i32 to index
      %get3A_494 = arith.index_cast %scan3A_395 : i32 to index
      %get3A_495 = arith.constant 256 : index
      %get3A_496 = tpu.vector_load %arg4[%get3A_493, %get3A_494, %get3A_495] {strides = array<i32>} : memref<2x64x512xf32, #tpu.memory_space<vmem>>, vector<1x1x16xf32>,
      %get3A_497 = vector.shape_cast %get3A_496 : vector<1x1x16xf32> to vector<16xf32>
      %get3A_498 = arith.constant 1 : i32
      %get3A_499 = arith.index_cast %get3A_498 : i32 to index
      %get3A_500 = arith.index_cast %scan3A_395 : i32 to index
      %get3A_501 = arith.constant 272 : index
      %get3A_502 = tpu.vector_load %arg4[%get3A_499, %get3A_500, %get3A_501] {strides = array<i32>} : memref<2x64x512xf32, #tpu.memory_space<vmem>>, vector<1x1x16xf32>,
      %get3A_503 = vector.shape_cast %get3A_502 : vector<1x1x16xf32> to vector<16xf32>
      %get3A_504 = arith.constant 1 : i32
      %get3A_505 = arith.index_cast %get3A_504 : i32 to index
      %get3A_506 = arith.index_cast %scan3A_395 : i32 to index
      %get3A_507 = arith.constant 288 : index
      %get3A_508 = tpu.vector_load %arg4[%get3A_505, %get3A_506, %get3A_507] {strides = array<i32>} : memref<2x64x512xf32, #tpu.memory_space<vmem>>, vector<1x1x16xf32>,
      %get3A_509 = vector.shape_cast %get3A_508 : vector<1x1x16xf32> to vector<16xf32>
      %get3A_510 = arith.constant 1 : i32
      %get3A_511 = arith.index_cast %get3A_510 : i32 to index
      %get3A_512 = arith.index_cast %scan3A_395 : i32 to index
      %get3A_513 = arith.constant 304 : index
      %get3A_514 = tpu.vector_load %arg4[%get3A_511, %get3A_512, %get3A_513] {strides = array<i32>} : memref<2x64x512xf32, #tpu.memory_space<vmem>>, vector<1x1x16xf32>,
      %get3A_515 = vector.shape_cast %get3A_514 : vector<1x1x16xf32> to vector<16xf32>
      %get3A_516 = arith.constant 1 : i32
      %get3A_517 = arith.index_cast %get3A_516 : i32 to index
      %get3A_518 = arith.index_cast %scan3A_395 : i32 to index
      %get3A_519 = arith.constant 320 : index
      %get3A_520 = tpu.vector_load %arg4[%get3A_517, %get3A_518, %get3A_519] {strides = array<i32>} : memref<2x64x512xf32, #tpu.memory_space<vmem>>, vector<1x1x16xf32>,
      %get3A_521 = vector.shape_cast %get3A_520 : vector<1x1x16xf32> to vector<16xf32>
      %get3A_522 = arith.constant 1 : i32
      %get3A_523 = arith.index_cast %get3A_522 : i32 to index
      %get3A_524 = arith.index_cast %scan3A_395 : i32 to index
      %get3A_525 = arith.constant 336 : index
      %get3A_526 = tpu.vector_load %arg4[%get3A_523, %get3A_524, %get3A_525] {strides = array<i32>} : memref<2x64x512xf32, #tpu.memory_space<vmem>>, vector<1x1x16xf32>,
      %get3A_527 = vector.shape_cast %get3A_526 : vector<1x1x16xf32> to vector<16xf32>
      %get3A_528 = arith.constant 1 : i32
      %get3A_529 = arith.index_cast %get3A_528 : i32 to index
      %get3A_530 = arith.index_cast %scan3A_395 : i32 to index
      %get3A_531 = arith.constant 352 : index
      %get3A_532 = tpu.vector_load %arg4[%get3A_529, %get3A_530, %get3A_531] {strides = array<i32>} : memref<2x64x512xf32, #tpu.memory_space<vmem>>, vector<1x1x16xf32>,
      %get3A_533 = vector.shape_cast %get3A_532 : vector<1x1x16xf32> to vector<16xf32>
      %get3A_534 = arith.constant 1 : i32
      %get3A_535 = arith.index_cast %get3A_534 : i32 to index
      %get3A_536 = arith.index_cast %scan3A_395 : i32 to index
      %get3A_537 = arith.constant 368 : index
      %get3A_538 = tpu.vector_load %arg4[%get3A_535, %get3A_536, %get3A_537] {strides = array<i32>} : memref<2x64x512xf32, #tpu.memory_space<vmem>>, vector<1x1x16xf32>,
      %get3A_539 = vector.shape_cast %get3A_538 : vector<1x1x16xf32> to vector<16xf32>
      %get3A_540 = arith.constant 1 : i32
      %get3A_541 = arith.index_cast %get3A_540 : i32 to index
      %get3A_542 = arith.index_cast %scan3A_395 : i32 to index
      %get3A_543 = arith.constant 384 : index
      %get3A_544 = tpu.vector_load %arg4[%get3A_541, %get3A_542, %get3A_543] {strides = array<i32>} : memref<2x64x512xf32, #tpu.memory_space<vmem>>, vector<1x1x16xf32>,
      %get3A_545 = vector.shape_cast %get3A_544 : vector<1x1x16xf32> to vector<16xf32>
      %get3A_546 = arith.constant 1 : i32
      %get3A_547 = arith.index_cast %get3A_546 : i32 to index
      %get3A_548 = arith.index_cast %scan3A_395 : i32 to index
      %get3A_549 = arith.constant 400 : index
      %get3A_550 = tpu.vector_load %arg4[%get3A_547, %get3A_548, %get3A_549] {strides = array<i32>} : memref<2x64x512xf32, #tpu.memory_space<vmem>>, vector<1x1x16xf32>,
      %get3A_551 = vector.shape_cast %get3A_550 : vector<1x1x16xf32> to vector<16xf32>
      %get3A_552 = arith.constant 1 : i32
      %get3A_553 = arith.index_cast %get3A_552 : i32 to index
      %get3A_554 = arith.index_cast %scan3A_395 : i32 to index
      %get3A_555 = arith.constant 416 : index
      %get3A_556 = tpu.vector_load %arg4[%get3A_553, %get3A_554, %get3A_555] {strides = array<i32>} : memref<2x64x512xf32, #tpu.memory_space<vmem>>, vector<1x1x16xf32>,
      %get3A_557 = vector.shape_cast %get3A_556 : vector<1x1x16xf32> to vector<16xf32>
      %get3A_558 = arith.constant 1 : i32
      %get3A_559 = arith.index_cast %get3A_558 : i32 to index
      %get3A_560 = arith.index_cast %scan3A_395 : i32 to index
      %get3A_561 = arith.constant 432 : index
      %get3A_562 = tpu.vector_load %arg4[%get3A_559, %get3A_560, %get3A_561] {strides = array<i32>} : memref<2x64x512xf32, #tpu.memory_space<vmem>>, vector<1x1x16xf32>,
      %get3A_563 = vector.shape_cast %get3A_562 : vector<1x1x16xf32> to vector<16xf32>
      %get3A_564 = arith.constant 1 : i32
      %get3A_565 = arith.index_cast %get3A_564 : i32 to index
      %get3A_566 = arith.index_cast %scan3A_395 : i32 to index
      %get3A_567 = arith.constant 448 : index
      %get3A_568 = tpu.vector_load %arg4[%get3A_565, %get3A_566, %get3A_567] {strides = array<i32>} : memref<2x64x512xf32, #tpu.memory_space<vmem>>, vector<1x1x16xf32>,
      %get3A_569 = vector.shape_cast %get3A_568 : vector<1x1x16xf32> to vector<16xf32>
      %get3A_570 = arith.constant 1 : i32
      %get3A_571 = arith.index_cast %get3A_570 : i32 to index
      %get3A_572 = arith.index_cast %scan3A_395 : i32 to index
      %get3A_573 = arith.constant 464 : index
      %get3A_574 = tpu.vector_load %arg4[%get3A_571, %get3A_572, %get3A_573] {strides = array<i32>} : memref<2x64x512xf32, #tpu.memory_space<vmem>>, vector<1x1x16xf32>,
      %get3A_575 = vector.shape_cast %get3A_574 : vector<1x1x16xf32> to vector<16xf32>
      %get3A_576 = arith.constant 1 : i32
      %get3A_577 = arith.index_cast %get3A_576 : i32 to index
      %get3A_578 = arith.index_cast %scan3A_395 : i32 to index
      %get3A_579 = arith.constant 480 : index
      %get3A_580 = tpu.vector_load %arg4[%get3A_577, %get3A_578, %get3A_579] {strides = array<i32>} : memref<2x64x512xf32, #tpu.memory_space<vmem>>, vector<1x1x16xf32>,
      %get3A_581 = vector.shape_cast %get3A_580 : vector<1x1x16xf32> to vector<16xf32>
      %get3A_582 = arith.constant 1 : i32
      %get3A_583 = arith.index_cast %get3A_582 : i32 to index
      %get3A_584 = arith.index_cast %scan3A_395 : i32 to index
      %get3A_585 = arith.constant 496 : index
      %get3A_586 = tpu.vector_load %arg4[%get3A_583, %get3A_584, %get3A_585] {strides = array<i32>} : memref<2x64x512xf32, #tpu.memory_space<vmem>>, vector<1x1x16xf32>,
      %get3A_587 = vector.shape_cast %get3A_586 : vector<1x1x16xf32> to vector<16xf32>
      %max3A_588 = arith.maximumf %get3A_401, %get3A_407 : vector<16xf32>
      %max3A_589 = arith.maximumf %get3A_413, %get3A_419 : vector<16xf32>
      %max3A_590 = arith.maximumf %get3A_425, %get3A_431 : vector<16xf32>
      %max3A_591 = arith.maximumf %get3A_437, %get3A_443 : vector<16xf32>
      %max3A_592 = arith.maximumf %get3A_449, %get3A_455 : vector<16xf32>
      %max3A_593 = arith.maximumf %get3A_461, %get3A_467 : vector<16xf32>
      %max3A_594 = arith.maximumf %get3A_473, %get3A_479 : vector<16xf32>
      %max3A_595 = arith.maximumf %get3A_485, %get3A_491 : vector<16xf32>
      %max3A_596 = arith.maximumf %get3A_497, %get3A_503 : vector<16xf32>
      %max3A_597 = arith.maximumf %get3A_509, %get3A_515 : vector<16xf32>
      %max3A_598 = arith.maximumf %get3A_521, %get3A_527 : vector<16xf32>
      %max3A_599 = arith.maximumf %get3A_533, %get3A_539 : vector<16xf32>
      %max3A_600 = arith.maximumf %get3A_545, %get3A_551 : vector<16xf32>
      %max3A_601 = arith.maximumf %get3A_557, %get3A_563 : vector<16xf32>
      %max3A_602 = arith.maximumf %get3A_569, %get3A_575 : vector<16xf32>
      %max3A_603 = arith.maximumf %get3A_581, %get3A_587 : vector<16xf32>
      %max3A_604 = arith.maximumf %max3A_588, %max3A_589 : vector<16xf32>
      %max3A_605 = arith.maximumf %max3A_590, %max3A_591 : vector<16xf32>
      %max3A_606 = arith.maximumf %max3A_592, %max3A_593 : vector<16xf32>
      %max3A_607 = arith.maximumf %max3A_594, %max3A_595 : vector<16xf32>
      %max3A_608 = arith.maximumf %max3A_596, %max3A_597 : vector<16xf32>
      %max3A_609 = arith.maximumf %max3A_598, %max3A_599 : vector<16xf32>
      %max3A_610 = arith.maximumf %max3A_600, %max3A_601 : vector<16xf32>
      %max3A_611 = arith.maximumf %max3A_602, %max3A_603 : vector<16xf32>
      %max3A_612 = arith.maximumf %max3A_604, %max3A_605 : vector<16xf32>
      %max3A_613 = arith.maximumf %max3A_606, %max3A_607 : vector<16xf32>
      %max3A_614 = arith.maximumf %max3A_608, %max3A_609 : vector<16xf32>
      %max3A_615 = arith.maximumf %max3A_610, %max3A_611 : vector<16xf32>
      %max3A_616 = arith.maximumf %max3A_612, %max3A_613 : vector<16xf32>
      %max3A_617 = arith.maximumf %max3A_614, %max3A_615 : vector<16xf32>
      %max3A_618 = arith.maximumf %max3A_616, %max3A_617 : vector<16xf32>
      %swap3A_619 = arith.index_cast %scan3A_395 : i32 to index
      %swap3A_620 = arith.constant 0 : index
      %swap3A_621 = tpu.vector_load %arg5[%swap3A_619, %swap3A_620] {strides = array<i32>} : memref<64x16xf32, #tpu.memory_space<vmem>>, vector<1x16xf32>,
      %swap3A_622 = vector.shape_cast %swap3A_621 : vector<1x16xf32> to vector<16xf32>
      %swap3A_623 = vector.shape_cast %max3A_618 : vector<16xf32> to vector<1x16xf32>
      tpu.vector_store %arg5[%swap3A_619, %swap3A_620], %swap3A_623 {strides = array<i32>} : memref<64x16xf32, #tpu.memory_space<vmem>>, vector<1x16xf32>,
      %scan3A_624 = arith.constant 0 : i32
      %scan3A_625 = arith.constant 2 : i32
      %scan3A_626 = arith.addi %scan3A_166, %scan3A_625 : i32
      %get3A_627 = arith.constant 1 : i32
      %get3A_628 = arith.index_cast %get3A_627 : i32 to index
      %get3A_629 = arith.index_cast %scan3A_626 : i32 to index
      %get3A_630 = arith.constant 0 : index
      %get3A_631 = tpu.vector_load %arg4[%get3A_628, %get3A_629, %get3A_630] {strides = array<i32>} : memref<2x64x512xf32, #tpu.memory_space<vmem>>, vector<1x1x16xf32>,
      %get3A_632 = vector.shape_cast %get3A_631 : vector<1x1x16xf32> to vector<16xf32>
      %get3A_633 = arith.constant 1 : i32
      %get3A_634 = arith.index_cast %get3A_633 : i32 to index
      %get3A_635 = arith.index_cast %scan3A_626 : i32 to index
      %get3A_636 = arith.constant 16 : index
      %get3A_637 = tpu.vector_load %arg4[%get3A_634, %get3A_635, %get3A_636] {strides = array<i32>} : memref<2x64x512xf32, #tpu.memory_space<vmem>>, vector<1x1x16xf32>,
      %get3A_638 = vector.shape_cast %get3A_637 : vector<1x1x16xf32> to vector<16xf32>
      %get3A_639 = arith.constant 1 : i32
      %get3A_640 = arith.index_cast %get3A_639 : i32 to index
      %get3A_641 = arith.index_cast %scan3A_626 : i32 to index
      %get3A_642 = arith.constant 32 : index
      %get3A_643 = tpu.vector_load %arg4[%get3A_640, %get3A_641, %get3A_642] {strides = array<i32>} : memref<2x64x512xf32, #tpu.memory_space<vmem>>, vector<1x1x16xf32>,
      %get3A_644 = vector.shape_cast %get3A_643 : vector<1x1x16xf32> to vector<16xf32>
      %get3A_645 = arith.constant 1 : i32
      %get3A_646 = arith.index_cast %get3A_645 : i32 to index
      %get3A_647 = arith.index_cast %scan3A_626 : i32 to index
      %get3A_648 = arith.constant 48 : index
      %get3A_649 = tpu.vector_load %arg4[%get3A_646, %get3A_647, %get3A_648] {strides = array<i32>} : memref<2x64x512xf32, #tpu.memory_space<vmem>>, vector<1x1x16xf32>,
      %get3A_650 = vector.shape_cast %get3A_649 : vector<1x1x16xf32> to vector<16xf32>
      %get3A_651 = arith.constant 1 : i32
      %get3A_652 = arith.index_cast %get3A_651 : i32 to index
      %get3A_653 = arith.index_cast %scan3A_626 : i32 to index
      %get3A_654 = arith.constant 64 : index
      %get3A_655 = tpu.vector_load %arg4[%get3A_652, %get3A_653, %get3A_654] {strides = array<i32>} : memref<2x64x512xf32, #tpu.memory_space<vmem>>, vector<1x1x16xf32>,
      %get3A_656 = vector.shape_cast %get3A_655 : vector<1x1x16xf32> to vector<16xf32>
      %get3A_657 = arith.constant 1 : i32
      %get3A_658 = arith.index_cast %get3A_657 : i32 to index
      %get3A_659 = arith.index_cast %scan3A_626 : i32 to index
      %get3A_660 = arith.constant 80 : index
      %get3A_661 = tpu.vector_load %arg4[%get3A_658, %get3A_659, %get3A_660] {strides = array<i32>} : memref<2x64x512xf32, #tpu.memory_space<vmem>>, vector<1x1x16xf32>,
      %get3A_662 = vector.shape_cast %get3A_661 : vector<1x1x16xf32> to vector<16xf32>
      %get3A_663 = arith.constant 1 : i32
      %get3A_664 = arith.index_cast %get3A_663 : i32 to index
      %get3A_665 = arith.index_cast %scan3A_626 : i32 to index
      %get3A_666 = arith.constant 96 : index
      %get3A_667 = tpu.vector_load %arg4[%get3A_664, %get3A_665, %get3A_666] {strides = array<i32>} : memref<2x64x512xf32, #tpu.memory_space<vmem>>, vector<1x1x16xf32>,
      %get3A_668 = vector.shape_cast %get3A_667 : vector<1x1x16xf32> to vector<16xf32>
      %get3A_669 = arith.constant 1 : i32
      %get3A_670 = arith.index_cast %get3A_669 : i32 to index
      %get3A_671 = arith.index_cast %scan3A_626 : i32 to index
      %get3A_672 = arith.constant 112 : index
      %get3A_673 = tpu.vector_load %arg4[%get3A_670, %get3A_671, %get3A_672] {strides = array<i32>} : memref<2x64x512xf32, #tpu.memory_space<vmem>>, vector<1x1x16xf32>,
      %get3A_674 = vector.shape_cast %get3A_673 : vector<1x1x16xf32> to vector<16xf32>
      %get3A_675 = arith.constant 1 : i32
      %get3A_676 = arith.index_cast %get3A_675 : i32 to index
      %get3A_677 = arith.index_cast %scan3A_626 : i32 to index
      %get3A_678 = arith.constant 128 : index
      %get3A_679 = tpu.vector_load %arg4[%get3A_676, %get3A_677, %get3A_678] {strides = array<i32>} : memref<2x64x512xf32, #tpu.memory_space<vmem>>, vector<1x1x16xf32>,
      %get3A_680 = vector.shape_cast %get3A_679 : vector<1x1x16xf32> to vector<16xf32>
      %get3A_681 = arith.constant 1 : i32
      %get3A_682 = arith.index_cast %get3A_681 : i32 to index
      %get3A_683 = arith.index_cast %scan3A_626 : i32 to index
      %get3A_684 = arith.constant 144 : index
      %get3A_685 = tpu.vector_load %arg4[%get3A_682, %get3A_683, %get3A_684] {strides = array<i32>} : memref<2x64x512xf32, #tpu.memory_space<vmem>>, vector<1x1x16xf32>,
      %get3A_686 = vector.shape_cast %get3A_685 : vector<1x1x16xf32> to vector<16xf32>
      %get3A_687 = arith.constant 1 : i32
      %get3A_688 = arith.index_cast %get3A_687 : i32 to index
      %get3A_689 = arith.index_cast %scan3A_626 : i32 to index
      %get3A_690 = arith.constant 160 : index
      %get3A_691 = tpu.vector_load %arg4[%get3A_688, %get3A_689, %get3A_690] {strides = array<i32>} : memref<2x64x512xf32, #tpu.memory_space<vmem>>, vector<1x1x16xf32>,
      %get3A_692 = vector.shape_cast %get3A_691 : vector<1x1x16xf32> to vector<16xf32>
      %get3A_693 = arith.constant 1 : i32
      %get3A_694 = arith.index_cast %get3A_693 : i32 to index
      %get3A_695 = arith.index_cast %scan3A_626 : i32 to index
      %get3A_696 = arith.constant 176 : index
      %get3A_697 = tpu.vector_load %arg4[%get3A_694, %get3A_695, %get3A_696] {strides = array<i32>} : memref<2x64x512xf32, #tpu.memory_space<vmem>>, vector<1x1x16xf32>,
      %get3A_698 = vector.shape_cast %get3A_697 : vector<1x1x16xf32> to vector<16xf32>
      %get3A_699 = arith.constant 1 : i32
      %get3A_700 = arith.index_cast %get3A_699 : i32 to index
      %get3A_701 = arith.index_cast %scan3A_626 : i32 to index
      %get3A_702 = arith.constant 192 : index
      %get3A_703 = tpu.vector_load %arg4[%get3A_700, %get3A_701, %get3A_702] {strides = array<i32>} : memref<2x64x512xf32, #tpu.memory_space<vmem>>, vector<1x1x16xf32>,
      %get3A_704 = vector.shape_cast %get3A_703 : vector<1x1x16xf32> to vector<16xf32>
      %get3A_705 = arith.constant 1 : i32
      %get3A_706 = arith.index_cast %get3A_705 : i32 to index
      %get3A_707 = arith.index_cast %scan3A_626 : i32 to index
      %get3A_708 = arith.constant 208 : index
      %get3A_709 = tpu.vector_load %arg4[%get3A_706, %get3A_707, %get3A_708] {strides = array<i32>} : memref<2x64x512xf32, #tpu.memory_space<vmem>>, vector<1x1x16xf32>,
      %get3A_710 = vector.shape_cast %get3A_709 : vector<1x1x16xf32> to vector<16xf32>
      %get3A_711 = arith.constant 1 : i32
      %get3A_712 = arith.index_cast %get3A_711 : i32 to index
      %get3A_713 = arith.index_cast %scan3A_626 : i32 to index
      %get3A_714 = arith.constant 224 : index
      %get3A_715 = tpu.vector_load %arg4[%get3A_712, %get3A_713, %get3A_714] {strides = array<i32>} : memref<2x64x512xf32, #tpu.memory_space<vmem>>, vector<1x1x16xf32>,
      %get3A_716 = vector.shape_cast %get3A_715 : vector<1x1x16xf32> to vector<16xf32>
      %get3A_717 = arith.constant 1 : i32
      %get3A_718 = arith.index_cast %get3A_717 : i32 to index
      %get3A_719 = arith.index_cast %scan3A_626 : i32 to index
      %get3A_720 = arith.constant 240 : index
      %get3A_721 = tpu.vector_load %arg4[%get3A_718, %get3A_719, %get3A_720] {strides = array<i32>} : memref<2x64x512xf32, #tpu.memory_space<vmem>>, vector<1x1x16xf32>,
      %get3A_722 = vector.shape_cast %get3A_721 : vector<1x1x16xf32> to vector<16xf32>
      %get3A_723 = arith.constant 1 : i32
      %get3A_724 = arith.index_cast %get3A_723 : i32 to index
      %get3A_725 = arith.index_cast %scan3A_626 : i32 to index
      %get3A_726 = arith.constant 256 : index
      %get3A_727 = tpu.vector_load %arg4[%get3A_724, %get3A_725, %get3A_726] {strides = array<i32>} : memref<2x64x512xf32, #tpu.memory_space<vmem>>, vector<1x1x16xf32>,
      %get3A_728 = vector.shape_cast %get3A_727 : vector<1x1x16xf32> to vector<16xf32>
      %get3A_729 = arith.constant 1 : i32
      %get3A_730 = arith.index_cast %get3A_729 : i32 to index
      %get3A_731 = arith.index_cast %scan3A_626 : i32 to index
      %get3A_732 = arith.constant 272 : index
      %get3A_733 = tpu.vector_load %arg4[%get3A_730, %get3A_731, %get3A_732] {strides = array<i32>} : memref<2x64x512xf32, #tpu.memory_space<vmem>>, vector<1x1x16xf32>,
      %get3A_734 = vector.shape_cast %get3A_733 : vector<1x1x16xf32> to vector<16xf32>
      %get3A_735 = arith.constant 1 : i32
      %get3A_736 = arith.index_cast %get3A_735 : i32 to index
      %get3A_737 = arith.index_cast %scan3A_626 : i32 to index
      %get3A_738 = arith.constant 288 : index
      %get3A_739 = tpu.vector_load %arg4[%get3A_736, %get3A_737, %get3A_738] {strides = array<i32>} : memref<2x64x512xf32, #tpu.memory_space<vmem>>, vector<1x1x16xf32>,
      %get3A_740 = vector.shape_cast %get3A_739 : vector<1x1x16xf32> to vector<16xf32>
      %get3A_741 = arith.constant 1 : i32
      %get3A_742 = arith.index_cast %get3A_741 : i32 to index
      %get3A_743 = arith.index_cast %scan3A_626 : i32 to index
      %get3A_744 = arith.constant 304 : index
      %get3A_745 = tpu.vector_load %arg4[%get3A_742, %get3A_743, %get3A_744] {strides = array<i32>} : memref<2x64x512xf32, #tpu.memory_space<vmem>>, vector<1x1x16xf32>,
      %get3A_746 = vector.shape_cast %get3A_745 : vector<1x1x16xf32> to vector<16xf32>
      %get3A_747 = arith.constant 1 : i32
      %get3A_748 = arith.index_cast %get3A_747 : i32 to index
      %get3A_749 = arith.index_cast %scan3A_626 : i32 to index
      %get3A_750 = arith.constant 320 : index
      %get3A_751 = tpu.vector_load %arg4[%get3A_748, %get3A_749, %get3A_750] {strides = array<i32>} : memref<2x64x512xf32, #tpu.memory_space<vmem>>, vector<1x1x16xf32>,
      %get3A_752 = vector.shape_cast %get3A_751 : vector<1x1x16xf32> to vector<16xf32>
      %get3A_753 = arith.constant 1 : i32
      %get3A_754 = arith.index_cast %get3A_753 : i32 to index
      %get3A_755 = arith.index_cast %scan3A_626 : i32 to index
      %get3A_756 = arith.constant 336 : index
      %get3A_757 = tpu.vector_load %arg4[%get3A_754, %get3A_755, %get3A_756] {strides = array<i32>} : memref<2x64x512xf32, #tpu.memory_space<vmem>>, vector<1x1x16xf32>,
      %get3A_758 = vector.shape_cast %get3A_757 : vector<1x1x16xf32> to vector<16xf32>
      %get3A_759 = arith.constant 1 : i32
      %get3A_760 = arith.index_cast %get3A_759 : i32 to index
      %get3A_761 = arith.index_cast %scan3A_626 : i32 to index
      %get3A_762 = arith.constant 352 : index
      %get3A_763 = tpu.vector_load %arg4[%get3A_760, %get3A_761, %get3A_762] {strides = array<i32>} : memref<2x64x512xf32, #tpu.memory_space<vmem>>, vector<1x1x16xf32>,
      %get3A_764 = vector.shape_cast %get3A_763 : vector<1x1x16xf32> to vector<16xf32>
      %get3A_765 = arith.constant 1 : i32
      %get3A_766 = arith.index_cast %get3A_765 : i32 to index
      %get3A_767 = arith.index_cast %scan3A_626 : i32 to index
      %get3A_768 = arith.constant 368 : index
      %get3A_769 = tpu.vector_load %arg4[%get3A_766, %get3A_767, %get3A_768] {strides = array<i32>} : memref<2x64x512xf32, #tpu.memory_space<vmem>>, vector<1x1x16xf32>,
      %get3A_770 = vector.shape_cast %get3A_769 : vector<1x1x16xf32> to vector<16xf32>
      %get3A_771 = arith.constant 1 : i32
      %get3A_772 = arith.index_cast %get3A_771 : i32 to index
      %get3A_773 = arith.index_cast %scan3A_626 : i32 to index
      %get3A_774 = arith.constant 384 : index
      %get3A_775 = tpu.vector_load %arg4[%get3A_772, %get3A_773, %get3A_774] {strides = array<i32>} : memref<2x64x512xf32, #tpu.memory_space<vmem>>, vector<1x1x16xf32>,
      %get3A_776 = vector.shape_cast %get3A_775 : vector<1x1x16xf32> to vector<16xf32>
      %get3A_777 = arith.constant 1 : i32
      %get3A_778 = arith.index_cast %get3A_777 : i32 to index
      %get3A_779 = arith.index_cast %scan3A_626 : i32 to index
      %get3A_780 = arith.constant 400 : index
      %get3A_781 = tpu.vector_load %arg4[%get3A_778, %get3A_779, %get3A_780] {strides = array<i32>} : memref<2x64x512xf32, #tpu.memory_space<vmem>>, vector<1x1x16xf32>,
      %get3A_782 = vector.shape_cast %get3A_781 : vector<1x1x16xf32> to vector<16xf32>
      %get3A_783 = arith.constant 1 : i32
      %get3A_784 = arith.index_cast %get3A_783 : i32 to index
      %get3A_785 = arith.index_cast %scan3A_626 : i32 to index
      %get3A_786 = arith.constant 416 : index
      %get3A_787 = tpu.vector_load %arg4[%get3A_784, %get3A_785, %get3A_786] {strides = array<i32>} : memref<2x64x512xf32, #tpu.memory_space<vmem>>, vector<1x1x16xf32>,
      %get3A_788 = vector.shape_cast %get3A_787 : vector<1x1x16xf32> to vector<16xf32>
      %get3A_789 = arith.constant 1 : i32
      %get3A_790 = arith.index_cast %get3A_789 : i32 to index
      %get3A_791 = arith.index_cast %scan3A_626 : i32 to index
      %get3A_792 = arith.constant 432 : index
      %get3A_793 = tpu.vector_load %arg4[%get3A_790, %get3A_791, %get3A_792] {strides = array<i32>} : memref<2x64x512xf32, #tpu.memory_space<vmem>>, vector<1x1x16xf32>,
      %get3A_794 = vector.shape_cast %get3A_793 : vector<1x1x16xf32> to vector<16xf32>
      %get3A_795 = arith.constant 1 : i32
      %get3A_796 = arith.index_cast %get3A_795 : i32 to index
      %get3A_797 = arith.index_cast %scan3A_626 : i32 to index
      %get3A_798 = arith.constant 448 : index
      %get3A_799 = tpu.vector_load %arg4[%get3A_796, %get3A_797, %get3A_798] {strides = array<i32>} : memref<2x64x512xf32, #tpu.memory_space<vmem>>, vector<1x1x16xf32>,
      %get3A_800 = vector.shape_cast %get3A_799 : vector<1x1x16xf32> to vector<16xf32>
      %get3A_801 = arith.constant 1 : i32
      %get3A_802 = arith.index_cast %get3A_801 : i32 to index
      %get3A_803 = arith.index_cast %scan3A_626 : i32 to index
      %get3A_804 = arith.constant 464 : index
      %get3A_805 = tpu.vector_load %arg4[%get3A_802, %get3A_803, %get3A_804] {strides = array<i32>} : memref<2x64x512xf32, #tpu.memory_space<vmem>>, vector<1x1x16xf32>,
      %get3A_806 = vector.shape_cast %get3A_805 : vector<1x1x16xf32> to vector<16xf32>
      %get3A_807 = arith.constant 1 : i32
      %get3A_808 = arith.index_cast %get3A_807 : i32 to index
      %get3A_809 = arith.index_cast %scan3A_626 : i32 to index
      %get3A_810 = arith.constant 480 : index
      %get3A_811 = tpu.vector_load %arg4[%get3A_808, %get3A_809, %get3A_810] {strides = array<i32>} : memref<2x64x512xf32, #tpu.memory_space<vmem>>, vector<1x1x16xf32>,
      %get3A_812 = vector.shape_cast %get3A_811 : vector<1x1x16xf32> to vector<16xf32>
      %get3A_813 = arith.constant 1 : i32
      %get3A_814 = arith.index_cast %get3A_813 : i32 to index
      %get3A_815 = arith.index_cast %scan3A_626 : i32 to index
      %get3A_816 = arith.constant 496 : index
      %get3A_817 = tpu.vector_load %arg4[%get3A_814, %get3A_815, %get3A_816] {strides = array<i32>} : memref<2x64x512xf32, #tpu.memory_space<vmem>>, vector<1x1x16xf32>,
      %get3A_818 = vector.shape_cast %get3A_817 : vector<1x1x16xf32> to vector<16xf32>
      %max3A_819 = arith.maximumf %get3A_632, %get3A_638 : vector<16xf32>
      %max3A_820 = arith.maximumf %get3A_644, %get3A_650 : vector<16xf32>
      %max3A_821 = arith.maximumf %get3A_656, %get3A_662 : vector<16xf32>
      %max3A_822 = arith.maximumf %get3A_668, %get3A_674 : vector<16xf32>
      %max3A_823 = arith.maximumf %get3A_680, %get3A_686 : vector<16xf32>
      %max3A_824 = arith.maximumf %get3A_692, %get3A_698 : vector<16xf32>
      %max3A_825 = arith.maximumf %get3A_704, %get3A_710 : vector<16xf32>
      %max3A_826 = arith.maximumf %get3A_716, %get3A_722 : vector<16xf32>
      %max3A_827 = arith.maximumf %get3A_728, %get3A_734 : vector<16xf32>
      %max3A_828 = arith.maximumf %get3A_740, %get3A_746 : vector<16xf32>
      %max3A_829 = arith.maximumf %get3A_752, %get3A_758 : vector<16xf32>
      %max3A_830 = arith.maximumf %get3A_764, %get3A_770 : vector<16xf32>
      %max3A_831 = arith.maximumf %get3A_776, %get3A_782 : vector<16xf32>
      %max3A_832 = arith.maximumf %get3A_788, %get3A_794 : vector<16xf32>
      %max3A_833 = arith.maximumf %get3A_800, %get3A_806 : vector<16xf32>
      %max3A_834 = arith.maximumf %get3A_812, %get3A_818 : vector<16xf32>
      %max3A_835 = arith.maximumf %max3A_819, %max3A_820 : vector<16xf32>
      %max3A_836 = arith.maximumf %max3A_821, %max3A_822 : vector<16xf32>
      %max3A_837 = arith.maximumf %max3A_823, %max3A_824 : vector<16xf32>
      %max3A_838 = arith.maximumf %max3A_825, %max3A_826 : vector<16xf32>
      %max3A_839 = arith.maximumf %max3A_827, %max3A_828 : vector<16xf32>
      %max3A_840 = arith.maximumf %max3A_829, %max3A_830 : vector<16xf32>
      %max3A_841 = arith.maximumf %max3A_831, %max3A_832 : vector<16xf32>
      %max3A_842 = arith.maximumf %max3A_833, %max3A_834 : vector<16xf32>
      %max3A_843 = arith.maximumf %max3A_835, %max3A_836 : vector<16xf32>
      %max3A_844 = arith.maximumf %max3A_837, %max3A_838 : vector<16xf32>
      %max3A_845 = arith.maximumf %max3A_839, %max3A_840 : vector<16xf32>
      %max3A_846 = arith.maximumf %max3A_841, %max3A_842 : vector<16xf32>
      %max3A_847 = arith.maximumf %max3A_843, %max3A_844 : vector<16xf32>
      %max3A_848 = arith.maximumf %max3A_845, %max3A_846 : vector<16xf32>
      %max3A_849 = arith.maximumf %max3A_847, %max3A_848 : vector<16xf32>
      %swap3A_850 = arith.index_cast %scan3A_626 : i32 to index
      %swap3A_851 = arith.constant 0 : index
      %swap3A_852 = tpu.vector_load %arg5[%swap3A_850, %swap3A_851] {strides = array<i32>} : memref<64x16xf32, #tpu.memory_space<vmem>>, vector<1x16xf32>,
      %swap3A_853 = vector.shape_cast %swap3A_852 : vector<1x16xf32> to vector<16xf32>
      %swap3A_854 = vector.shape_cast %max3A_849 : vector<16xf32> to vector<1x16xf32>
      tpu.vector_store %arg5[%swap3A_850, %swap3A_851], %swap3A_854 {strides = array<i32>} : memref<64x16xf32, #tpu.memory_space<vmem>>, vector<1x16xf32>,
      %scan3A_855 = arith.constant 0 : i32
      %scan3A_856 = arith.constant 3 : i32
      %scan3A_857 = arith.addi %scan3A_166, %scan3A_856 : i32
      %get3A_858 = arith.constant 1 : i32
      %get3A_859 = arith.index_cast %get3A_858 : i32 to index
      %get3A_860 = arith.index_cast %scan3A_857 : i32 to index
      %get3A_861 = arith.constant 0 : index
      %get3A_862 = tpu.vector_load %arg4[%get3A_859, %get3A_860, %get3A_861] {strides = array<i32>} : memref<2x64x512xf32, #tpu.memory_space<vmem>>, vector<1x1x16xf32>,
      %get3A_863 = vector.shape_cast %get3A_862 : vector<1x1x16xf32> to vector<16xf32>
      %get3A_864 = arith.constant 1 : i32
      %get3A_865 = arith.index_cast %get3A_864 : i32 to index
      %get3A_866 = arith.index_cast %scan3A_857 : i32 to index
      %get3A_867 = arith.constant 16 : index
      %get3A_868 = tpu.vector_load %arg4[%get3A_865, %get3A_866, %get3A_867] {strides = array<i32>} : memref<2x64x512xf32, #tpu.memory_space<vmem>>, vector<1x1x16xf32>,
      %get3A_869 = vector.shape_cast %get3A_868 : vector<1x1x16xf32> to vector<16xf32>
      %get3A_870 = arith.constant 1 : i32
      %get3A_871 = arith.index_cast %get3A_870 : i32 to index
      %get3A_872 = arith.index_cast %scan3A_857 : i32 to index
      %get3A_873 = arith.constant 32 : index
      %get3A_874 = tpu.vector_load %arg4[%get3A_871, %get3A_872, %get3A_873] {strides = array<i32>} : memref<2x64x512xf32, #tpu.memory_space<vmem>>, vector<1x1x16xf32>,
      %get3A_875 = vector.shape_cast %get3A_874 : vector<1x1x16xf32> to vector<16xf32>
      %get3A_876 = arith.constant 1 : i32
      %get3A_877 = arith.index_cast %get3A_876 : i32 to index
      %get3A_878 = arith.index_cast %scan3A_857 : i32 to index
      %get3A_879 = arith.constant 48 : index
      %get3A_880 = tpu.vector_load %arg4[%get3A_877, %get3A_878, %get3A_879] {strides = array<i32>} : memref<2x64x512xf32, #tpu.memory_space<vmem>>, vector<1x1x16xf32>,
      %get3A_881 = vector.shape_cast %get3A_880 : vector<1x1x16xf32> to vector<16xf32>
      %get3A_882 = arith.constant 1 : i32
      %get3A_883 = arith.index_cast %get3A_882 : i32 to index
      %get3A_884 = arith.index_cast %scan3A_857 : i32 to index
      %get3A_885 = arith.constant 64 : index
      %get3A_886 = tpu.vector_load %arg4[%get3A_883, %get3A_884, %get3A_885] {strides = array<i32>} : memref<2x64x512xf32, #tpu.memory_space<vmem>>, vector<1x1x16xf32>,
      %get3A_887 = vector.shape_cast %get3A_886 : vector<1x1x16xf32> to vector<16xf32>
      %get3A_888 = arith.constant 1 : i32
      %get3A_889 = arith.index_cast %get3A_888 : i32 to index
      %get3A_890 = arith.index_cast %scan3A_857 : i32 to index
      %get3A_891 = arith.constant 80 : index
      %get3A_892 = tpu.vector_load %arg4[%get3A_889, %get3A_890, %get3A_891] {strides = array<i32>} : memref<2x64x512xf32, #tpu.memory_space<vmem>>, vector<1x1x16xf32>,
      %get3A_893 = vector.shape_cast %get3A_892 : vector<1x1x16xf32> to vector<16xf32>
      %get3A_894 = arith.constant 1 : i32
      %get3A_895 = arith.index_cast %get3A_894 : i32 to index
      %get3A_896 = arith.index_cast %scan3A_857 : i32 to index
      %get3A_897 = arith.constant 96 : index
      %get3A_898 = tpu.vector_load %arg4[%get3A_895, %get3A_896, %get3A_897] {strides = array<i32>} : memref<2x64x512xf32, #tpu.memory_space<vmem>>, vector<1x1x16xf32>,
      %get3A_899 = vector.shape_cast %get3A_898 : vector<1x1x16xf32> to vector<16xf32>
      %get3A_900 = arith.constant 1 : i32
      %get3A_901 = arith.index_cast %get3A_900 : i32 to index
      %get3A_902 = arith.index_cast %scan3A_857 : i32 to index
      %get3A_903 = arith.constant 112 : index
      %get3A_904 = tpu.vector_load %arg4[%get3A_901, %get3A_902, %get3A_903] {strides = array<i32>} : memref<2x64x512xf32, #tpu.memory_space<vmem>>, vector<1x1x16xf32>,
      %get3A_905 = vector.shape_cast %get3A_904 : vector<1x1x16xf32> to vector<16xf32>
      %get3A_906 = arith.constant 1 : i32
      %get3A_907 = arith.index_cast %get3A_906 : i32 to index
      %get3A_908 = arith.index_cast %scan3A_857 : i32 to index
      %get3A_909 = arith.constant 128 : index
      %get3A_910 = tpu.vector_load %arg4[%get3A_907, %get3A_908, %get3A_909] {strides = array<i32>} : memref<2x64x512xf32, #tpu.memory_space<vmem>>, vector<1x1x16xf32>,
      %get3A_911 = vector.shape_cast %get3A_910 : vector<1x1x16xf32> to vector<16xf32>
      %get3A_912 = arith.constant 1 : i32
      %get3A_913 = arith.index_cast %get3A_912 : i32 to index
      %get3A_914 = arith.index_cast %scan3A_857 : i32 to index
      %get3A_915 = arith.constant 144 : index
      %get3A_916 = tpu.vector_load %arg4[%get3A_913, %get3A_914, %get3A_915] {strides = array<i32>} : memref<2x64x512xf32, #tpu.memory_space<vmem>>, vector<1x1x16xf32>,
      %get3A_917 = vector.shape_cast %get3A_916 : vector<1x1x16xf32> to vector<16xf32>
      %get3A_918 = arith.constant 1 : i32
      %get3A_919 = arith.index_cast %get3A_918 : i32 to index
      %get3A_920 = arith.index_cast %scan3A_857 : i32 to index
      %get3A_921 = arith.constant 160 : index
      %get3A_922 = tpu.vector_load %arg4[%get3A_919, %get3A_920, %get3A_921] {strides = array<i32>} : memref<2x64x512xf32, #tpu.memory_space<vmem>>, vector<1x1x16xf32>,
      %get3A_923 = vector.shape_cast %get3A_922 : vector<1x1x16xf32> to vector<16xf32>
      %get3A_924 = arith.constant 1 : i32
      %get3A_925 = arith.index_cast %get3A_924 : i32 to index
      %get3A_926 = arith.index_cast %scan3A_857 : i32 to index
      %get3A_927 = arith.constant 176 : index
      %get3A_928 = tpu.vector_load %arg4[%get3A_925, %get3A_926, %get3A_927] {strides = array<i32>} : memref<2x64x512xf32, #tpu.memory_space<vmem>>, vector<1x1x16xf32>,
      %get3A_929 = vector.shape_cast %get3A_928 : vector<1x1x16xf32> to vector<16xf32>
      %get3A_930 = arith.constant 1 : i32
      %get3A_931 = arith.index_cast %get3A_930 : i32 to index
      %get3A_932 = arith.index_cast %scan3A_857 : i32 to index
      %get3A_933 = arith.constant 192 : index
      %get3A_934 = tpu.vector_load %arg4[%get3A_931, %get3A_932, %get3A_933] {strides = array<i32>} : memref<2x64x512xf32, #tpu.memory_space<vmem>>, vector<1x1x16xf32>,
      %get3A_935 = vector.shape_cast %get3A_934 : vector<1x1x16xf32> to vector<16xf32>
      %get3A_936 = arith.constant 1 : i32
      %get3A_937 = arith.index_cast %get3A_936 : i32 to index
      %get3A_938 = arith.index_cast %scan3A_857 : i32 to index
      %get3A_939 = arith.constant 208 : index
      %get3A_940 = tpu.vector_load %arg4[%get3A_937, %get3A_938, %get3A_939] {strides = array<i32>} : memref<2x64x512xf32, #tpu.memory_space<vmem>>, vector<1x1x16xf32>,
      %get3A_941 = vector.shape_cast %get3A_940 : vector<1x1x16xf32> to vector<16xf32>
      %get3A_942 = arith.constant 1 : i32
      %get3A_943 = arith.index_cast %get3A_942 : i32 to index
      %get3A_944 = arith.index_cast %scan3A_857 : i32 to index
      %get3A_945 = arith.constant 224 : index
      %get3A_946 = tpu.vector_load %arg4[%get3A_943, %get3A_944, %get3A_945] {strides = array<i32>} : memref<2x64x512xf32, #tpu.memory_space<vmem>>, vector<1x1x16xf32>,
      %get3A_947 = vector.shape_cast %get3A_946 : vector<1x1x16xf32> to vector<16xf32>
      %get3A_948 = arith.constant 1 : i32
      %get3A_949 = arith.index_cast %get3A_948 : i32 to index
      %get3A_950 = arith.index_cast %scan3A_857 : i32 to index
      %get3A_951 = arith.constant 240 : index
      %get3A_952 = tpu.vector_load %arg4[%get3A_949, %get3A_950, %get3A_951] {strides = array<i32>} : memref<2x64x512xf32, #tpu.memory_space<vmem>>, vector<1x1x16xf32>,
      %get3A_953 = vector.shape_cast %get3A_952 : vector<1x1x16xf32> to vector<16xf32>
      %get3A_954 = arith.constant 1 : i32
      %get3A_955 = arith.index_cast %get3A_954 : i32 to index
      %get3A_956 = arith.index_cast %scan3A_857 : i32 to index
      %get3A_957 = arith.constant 256 : index
      %get3A_958 = tpu.vector_load %arg4[%get3A_955, %get3A_956, %get3A_957] {strides = array<i32>} : memref<2x64x512xf32, #tpu.memory_space<vmem>>, vector<1x1x16xf32>,
      %get3A_959 = vector.shape_cast %get3A_958 : vector<1x1x16xf32> to vector<16xf32>
      %get3A_960 = arith.constant 1 : i32
      %get3A_961 = arith.index_cast %get3A_960 : i32 to index
      %get3A_962 = arith.index_cast %scan3A_857 : i32 to index
      %get3A_963 = arith.constant 272 : index
      %get3A_964 = tpu.vector_load %arg4[%get3A_961, %get3A_962, %get3A_963] {strides = array<i32>} : memref<2x64x512xf32, #tpu.memory_space<vmem>>, vector<1x1x16xf32>,
      %get3A_965 = vector.shape_cast %get3A_964 : vector<1x1x16xf32> to vector<16xf32>
      %get3A_966 = arith.constant 1 : i32
      %get3A_967 = arith.index_cast %get3A_966 : i32 to index
      %get3A_968 = arith.index_cast %scan3A_857 : i32 to index
      %get3A_969 = arith.constant 288 : index
      %get3A_970 = tpu.vector_load %arg4[%get3A_967, %get3A_968, %get3A_969] {strides = array<i32>} : memref<2x64x512xf32, #tpu.memory_space<vmem>>, vector<1x1x16xf32>,
      %get3A_971 = vector.shape_cast %get3A_970 : vector<1x1x16xf32> to vector<16xf32>
      %get3A_972 = arith.constant 1 : i32
      %get3A_973 = arith.index_cast %get3A_972 : i32 to index
      %get3A_974 = arith.index_cast %scan3A_857 : i32 to index
      %get3A_975 = arith.constant 304 : index
      %get3A_976 = tpu.vector_load %arg4[%get3A_973, %get3A_974, %get3A_975] {strides = array<i32>} : memref<2x64x512xf32, #tpu.memory_space<vmem>>, vector<1x1x16xf32>,
      %get3A_977 = vector.shape_cast %get3A_976 : vector<1x1x16xf32> to vector<16xf32>
      %get3A_978 = arith.constant 1 : i32
      %get3A_979 = arith.index_cast %get3A_978 : i32 to index
      %get3A_980 = arith.index_cast %scan3A_857 : i32 to index
      %get3A_981 = arith.constant 320 : index
      %get3A_982 = tpu.vector_load %arg4[%get3A_979, %get3A_980, %get3A_981] {strides = array<i32>} : memref<2x64x512xf32, #tpu.memory_space<vmem>>, vector<1x1x16xf32>,
      %get3A_983 = vector.shape_cast %get3A_982 : vector<1x1x16xf32> to vector<16xf32>
      %get3A_984 = arith.constant 1 : i32
      %get3A_985 = arith.index_cast %get3A_984 : i32 to index
      %get3A_986 = arith.index_cast %scan3A_857 : i32 to index
      %get3A_987 = arith.constant 336 : index
      %get3A_988 = tpu.vector_load %arg4[%get3A_985, %get3A_986, %get3A_987] {strides = array<i32>} : memref<2x64x512xf32, #tpu.memory_space<vmem>>, vector<1x1x16xf32>,
      %get3A_989 = vector.shape_cast %get3A_988 : vector<1x1x16xf32> to vector<16xf32>
      %get3A_990 = arith.constant 1 : i32
      %get3A_991 = arith.index_cast %get3A_990 : i32 to index
      %get3A_992 = arith.index_cast %scan3A_857 : i32 to index
      %get3A_993 = arith.constant 352 : index
      %get3A_994 = tpu.vector_load %arg4[%get3A_991, %get3A_992, %get3A_993] {strides = array<i32>} : memref<2x64x512xf32, #tpu.memory_space<vmem>>, vector<1x1x16xf32>,
      %get3A_995 = vector.shape_cast %get3A_994 : vector<1x1x16xf32> to vector<16xf32>
      %get3A_996 = arith.constant 1 : i32
      %get3A_997 = arith.index_cast %get3A_996 : i32 to index
      %get3A_998 = arith.index_cast %scan3A_857 : i32 to index
      %get3A_999 = arith.constant 368 : index
      %get3A_1000 = tpu.vector_load %arg4[%get3A_997, %get3A_998, %get3A_999] {strides = array<i32>} : memref<2x64x512xf32, #tpu.memory_space<vmem>>, vector<1x1x16xf32>,
      %get3A_1001 = vector.shape_cast %get3A_1000 : vector<1x1x16xf32> to vector<16xf32>
      %get3A_1002 = arith.constant 1 : i32
      %get3A_1003 = arith.index_cast %get3A_1002 : i32 to index
      %get3A_1004 = arith.index_cast %scan3A_857 : i32 to index
      %get3A_1005 = arith.constant 384 : index
      %get3A_1006 = tpu.vector_load %arg4[%get3A_1003, %get3A_1004, %get3A_1005] {strides = array<i32>} : memref<2x64x512xf32, #tpu.memory_space<vmem>>, vector<1x1x16xf32>,
      %get3A_1007 = vector.shape_cast %get3A_1006 : vector<1x1x16xf32> to vector<16xf32>
      %get3A_1008 = arith.constant 1 : i32
      %get3A_1009 = arith.index_cast %get3A_1008 : i32 to index
      %get3A_1010 = arith.index_cast %scan3A_857 : i32 to index
      %get3A_1011 = arith.constant 400 : index
      %get3A_1012 = tpu.vector_load %arg4[%get3A_1009, %get3A_1010, %get3A_1011] {strides = array<i32>} : memref<2x64x512xf32, #tpu.memory_space<vmem>>, vector<1x1x16xf32>,
      %get3A_1013 = vector.shape_cast %get3A_1012 : vector<1x1x16xf32> to vector<16xf32>
      %get3A_1014 = arith.constant 1 : i32
      %get3A_1015 = arith.index_cast %get3A_1014 : i32 to index
      %get3A_1016 = arith.index_cast %scan3A_857 : i32 to index
      %get3A_1017 = arith.constant 416 : index
      %get3A_1018 = tpu.vector_load %arg4[%get3A_1015, %get3A_1016, %get3A_1017] {strides = array<i32>} : memref<2x64x512xf32, #tpu.memory_space<vmem>>, vector<1x1x16xf32>,
      %get3A_1019 = vector.shape_cast %get3A_1018 : vector<1x1x16xf32> to vector<16xf32>
      %get3A_1020 = arith.constant 1 : i32
      %get3A_1021 = arith.index_cast %get3A_1020 : i32 to index
      %get3A_1022 = arith.index_cast %scan3A_857 : i32 to index
      %get3A_1023 = arith.constant 432 : index
      %get3A_1024 = tpu.vector_load %arg4[%get3A_1021, %get3A_1022, %get3A_1023] {strides = array<i32>} : memref<2x64x512xf32, #tpu.memory_space<vmem>>, vector<1x1x16xf32>,
      %get3A_1025 = vector.shape_cast %get3A_1024 : vector<1x1x16xf32> to vector<16xf32>
      %get3A_1026 = arith.constant 1 : i32
      %get3A_1027 = arith.index_cast %get3A_1026 : i32 to index
      %get3A_1028 = arith.index_cast %scan3A_857 : i32 to index
      %get3A_1029 = arith.constant 448 : index
      %get3A_1030 = tpu.vector_load %arg4[%get3A_1027, %get3A_1028, %get3A_1029] {strides = array<i32>} : memref<2x64x512xf32, #tpu.memory_space<vmem>>, vector<1x1x16xf32>,
      %get3A_1031 = vector.shape_cast %get3A_1030 : vector<1x1x16xf32> to vector<16xf32>
      %get3A_1032 = arith.constant 1 : i32
      %get3A_1033 = arith.index_cast %get3A_1032 : i32 to index
      %get3A_1034 = arith.index_cast %scan3A_857 : i32 to index
      %get3A_1035 = arith.constant 464 : index
      %get3A_1036 = tpu.vector_load %arg4[%get3A_1033, %get3A_1034, %get3A_1035] {strides = array<i32>} : memref<2x64x512xf32, #tpu.memory_space<vmem>>, vector<1x1x16xf32>,
      %get3A_1037 = vector.shape_cast %get3A_1036 : vector<1x1x16xf32> to vector<16xf32>
      %get3A_1038 = arith.constant 1 : i32
      %get3A_1039 = arith.index_cast %get3A_1038 : i32 to index
      %get3A_1040 = arith.index_cast %scan3A_857 : i32 to index
      %get3A_1041 = arith.constant 480 : index
      %get3A_1042 = tpu.vector_load %arg4[%get3A_1039, %get3A_1040, %get3A_1041] {strides = array<i32>} : memref<2x64x512xf32, #tpu.memory_space<vmem>>, vector<1x1x16xf32>,
      %get3A_1043 = vector.shape_cast %get3A_1042 : vector<1x1x16xf32> to vector<16xf32>
      %get3A_1044 = arith.constant 1 : i32
      %get3A_1045 = arith.index_cast %get3A_1044 : i32 to index
      %get3A_1046 = arith.index_cast %scan3A_857 : i32 to index
      %get3A_1047 = arith.constant 496 : index
      %get3A_1048 = tpu.vector_load %arg4[%get3A_1045, %get3A_1046, %get3A_1047] {strides = array<i32>} : memref<2x64x512xf32, #tpu.memory_space<vmem>>, vector<1x1x16xf32>,
      %get3A_1049 = vector.shape_cast %get3A_1048 : vector<1x1x16xf32> to vector<16xf32>
      %max3A_1050 = arith.maximumf %get3A_863, %get3A_869 : vector<16xf32>
      %max3A_1051 = arith.maximumf %get3A_875, %get3A_881 : vector<16xf32>
      %max3A_1052 = arith.maximumf %get3A_887, %get3A_893 : vector<16xf32>
      %max3A_1053 = arith.maximumf %get3A_899, %get3A_905 : vector<16xf32>
      %max3A_1054 = arith.maximumf %get3A_911, %get3A_917 : vector<16xf32>
      %max3A_1055 = arith.maximumf %get3A_923, %get3A_929 : vector<16xf32>
      %max3A_1056 = arith.maximumf %get3A_935, %get3A_941 : vector<16xf32>
      %max3A_1057 = arith.maximumf %get3A_947, %get3A_953 : vector<16xf32>
      %max3A_1058 = arith.maximumf %get3A_959, %get3A_965 : vector<16xf32>
      %max3A_1059 = arith.maximumf %get3A_971, %get3A_977 : vector<16xf32>
      %max3A_1060 = arith.maximumf %get3A_983, %get3A_989 : vector<16xf32>
      %max3A_1061 = arith.maximumf %get3A_995, %get3A_1001 : vector<16xf32>
      %max3A_1062 = arith.maximumf %get3A_1007, %get3A_1013 : vector<16xf32>
      %max3A_1063 = arith.maximumf %get3A_1019, %get3A_1025 : vector<16xf32>
      %max3A_1064 = arith.maximumf %get3A_1031, %get3A_1037 : vector<16xf32>
      %max3A_1065 = arith.maximumf %get3A_1043, %get3A_1049 : vector<16xf32>
      %max3A_1066 = arith.maximumf %max3A_1050, %max3A_1051 : vector<16xf32>
      %max3A_1067 = arith.maximumf %max3A_1052, %max3A_1053 : vector<16xf32>
      %max3A_1068 = arith.maximumf %max3A_1054, %max3A_1055 : vector<16xf32>
      %max3A_1069 = arith.maximumf %max3A_1056, %max3A_1057 : vector<16xf32>
      %max3A_1070 = arith.maximumf %max3A_1058, %max3A_1059 : vector<16xf32>
      %max3A_1071 = arith.maximumf %max3A_1060, %max3A_1061 : vector<16xf32>
      %max3A_1072 = arith.maximumf %max3A_1062, %max3A_1063 : vector<16xf32>
      %max3A_1073 = arith.maximumf %max3A_1064, %max3A_1065 : vector<16xf32>
      %max3A_1074 = arith.maximumf %max3A_1066, %max3A_1067 : vector<16xf32>
      %max3A_1075 = arith.maximumf %max3A_1068, %max3A_1069 : vector<16xf32>
      %max3A_1076 = arith.maximumf %max3A_1070, %max3A_1071 : vector<16xf32>
      %max3A_1077 = arith.maximumf %max3A_1072, %max3A_1073 : vector<16xf32>
      %max3A_1078 = arith.maximumf %max3A_1074, %max3A_1075 : vector<16xf32>
      %max3A_1079 = arith.maximumf %max3A_1076, %max3A_1077 : vector<16xf32>
      %max3A_1080 = arith.maximumf %max3A_1078, %max3A_1079 : vector<16xf32>
      %swap3A_1081 = arith.index_cast %scan3A_857 : i32 to index
      %swap3A_1082 = arith.constant 0 : index
      %swap3A_1083 = tpu.vector_load %arg5[%swap3A_1081, %swap3A_1082] {strides = array<i32>} : memref<64x16xf32, #tpu.memory_space<vmem>>, vector<1x16xf32>,
      %swap3A_1084 = vector.shape_cast %swap3A_1083 : vector<1x16xf32> to vector<16xf32>
      %swap3A_1085 = vector.shape_cast %max3A_1080 : vector<16xf32> to vector<1x16xf32>
      tpu.vector_store %arg5[%swap3A_1081, %swap3A_1082], %swap3A_1085 {strides = array<i32>} : memref<64x16xf32, #tpu.memory_space<vmem>>, vector<1x16xf32>,
      %scan3A_1086 = arith.constant 0 : i32
      scf.yield %scan3A_1086 : i32
    }
    %scan3A_161 = arith.constant 64 : i32
    %mul3A_162 = arith.constant 256 : i32
    %mul3A_163 = arith.muli %add3A, %mul3A_162 : i32
    %add3A_164 = arith.constant 192 : i32
    %add3A_165 = arith.addi %mul3A_163, %add3A_164 : i32
    "tpu.region"() ({
      %run_scoped3A = tpu.sem_alloc : memref<!tpu.dma_semaphore, #tpu.memory_space<semaphore_mem>>
      %dma_start3A_166 = arith.constant 0 : i32
      %dma_start3A_167 = tpu.memref_slice %arg3[%add3A_165, %dma_start3A_166] : memref<4096x16xf32, #tpu.memory_space<hbm>> -> memref<64x16xf32, #tpu.memory_space<hbm>>
      %dma_start3A_168 = arith.constant 0 : i32
      %dma_start3A_169 = tpu.memref_slice %arg3[%add3A_165, %dma_start3A_168] : memref<4096x16xf32, #tpu.memory_space<hbm>> -> memref<64x16xf32, #tpu.memory_space<hbm>>
      tpu.enqueue_dma source(%arg5 : memref<64x16xf32, #tpu.memory_space<vmem>>) target(%dma_start3A_169 : memref<64x16xf32, #tpu.memory_space<hbm>>) target_semaphore(%run_scoped3A : memref<!tpu.dma_semaphore, #tpu.memory_space<semaphore_mem>>)
      %dma_wait3A_170 = arith.constant 0 : i32
      %dma_wait3A_171 = tpu.memref_slice %arg3[%add3A_165, %dma_wait3A_170] : memref<4096x16xf32, #tpu.memory_space<hbm>> -> memref<64x16xf32, #tpu.memory_space<hbm>>
      %dma_wait3A_172 = arith.constant 0 : i32
      %dma_wait3A_173 = tpu.memref_slice %arg3[%add3A_165, %dma_wait3A_172] : memref<4096x16xf32, #tpu.memory_space<hbm>> -> memref<64x16xf32, #tpu.memory_space<hbm>>
      tpu.wait_dma2 semaphore(%run_scoped3A : memref<!tpu.dma_semaphore, #tpu.memory_space<semaphore_mem>>) src(%arg5 : memref<64x16xf32, #tpu.memory_space<vmem>>) dst(%dma_wait3A_173 : memref<64x16xf32, #tpu.memory_space<hbm>>)
      tpu.yield
    }) : () -> ()
    return
  }
}

module attributes {stable_mosaic.version = 14 : i64} {
  func.func @_tc_body(%arg0: i32, %arg1: memref<2048x512xf32, #tpu.memory_space<vmem>>, %arg2: memref<2048x16xf32, #tpu.memory_space<vmem>>) attributes {dimension_semantics = [#tpu.dimension_semantics<arbitrary>], iteration_bounds = array<i64: 6>, scalar_prefetch = 0 : i64, scratch_operands = 0 : i64, tpu.core_type = #tpu.core_type<tc>, window_params = [{transform_indices = @transform_0, window_bounds = array<i64: 2048, 512>}, {transform_indices = @transform_1, window_bounds = array<i64: 2048, 16>}]} {
    %get3A = arith.constant 0 : index
    %get3A_0 = arith.constant 0 : index
    %get3A_1 = vector.load %arg1[%get3A, %get3A_0] : memref<2048x512xf32, #tpu.memory_space<vmem>>, vector<2048x128xf32>
    %get3A_2 = arith.constant 0 : index
    %get3A_3 = arith.constant 128 : index
    %get3A_4 = vector.load %arg1[%get3A_2, %get3A_3] : memref<2048x512xf32, #tpu.memory_space<vmem>>, vector<2048x128xf32>
    %max3A = arith.maximumf %get3A_1, %get3A_4 : vector<2048x128xf32>
    %get3A_5 = arith.constant 0 : index
    %get3A_6 = arith.constant 256 : index
    %get3A_7 = vector.load %arg1[%get3A_5, %get3A_6] : memref<2048x512xf32, #tpu.memory_space<vmem>>, vector<2048x128xf32>
    %get3A_8 = arith.constant 0 : index
    %get3A_9 = arith.constant 384 : index
    %get3A_10 = vector.load %arg1[%get3A_8, %get3A_9] : memref<2048x512xf32, #tpu.memory_space<vmem>>, vector<2048x128xf32>
    %max3A_11 = arith.maximumf %get3A_7, %get3A_10 : vector<2048x128xf32>
    %max3A_12 = arith.maximumf %max3A, %max3A_11 : vector<2048x128xf32>
    %slice3A = vector.extract_strided_slice %max3A_12 {offsets = [0, 0], sizes = [2048, 64], strides = [1, 1]} : vector<2048x128xf32> to vector<2048x64xf32>
    %slice3A_13 = vector.extract_strided_slice %max3A_12 {offsets = [0, 64], sizes = [2048, 64], strides = [1, 1]} : vector<2048x128xf32> to vector<2048x64xf32>
    %max3A_14 = arith.maximumf %slice3A, %slice3A_13 : vector<2048x64xf32>
    %slice3A_15 = vector.extract_strided_slice %max3A_14 {offsets = [0, 0], sizes = [2048, 32], strides = [1, 1]} : vector<2048x64xf32> to vector<2048x32xf32>
    %slice3A_16 = vector.extract_strided_slice %max3A_14 {offsets = [0, 32], sizes = [2048, 32], strides = [1, 1]} : vector<2048x64xf32> to vector<2048x32xf32>
    %max3A_17 = arith.maximumf %slice3A_15, %slice3A_16 : vector<2048x32xf32>
    %slice3A_18 = vector.extract_strided_slice %max3A_17 {offsets = [0, 0], sizes = [2048, 16], strides = [1, 1]} : vector<2048x32xf32> to vector<2048x16xf32>
    %slice3A_19 = vector.extract_strided_slice %max3A_17 {offsets = [0, 16], sizes = [2048, 16], strides = [1, 1]} : vector<2048x32xf32> to vector<2048x16xf32>
    %max3A_20 = arith.maximumf %slice3A_18, %slice3A_19 : vector<2048x16xf32>
    %swap3A = arith.constant 0 : index
    %swap3A_21 = arith.constant 0 : index
    %swap3A_22 = vector.load %arg2[%swap3A, %swap3A_21] : memref<2048x16xf32, #tpu.memory_space<vmem>>, vector<2048x16xf32>
    tpu.vector_store %arg2[%swap3A, %swap3A_21], %max3A_20 {strides = array<i32>} : memref<2048x16xf32, #tpu.memory_space<vmem>>, vector<2048x16xf32>,
    return
  }
  func.func @transform_0(%arg0: i32) -> (i32, i32) {
    %c0_i32 = arith.constant 0 : i32
    %c0_i32_0 = arith.constant 0 : i32
    return %arg0, %c0_i32 : i32, i32
  }
  func.func @transform_1(%arg0: i32) -> (i32, i32) {
    %c0_i32 = arith.constant 0 : i32
    %c0_i32_0 = arith.constant 0 : i32
    return %arg0, %c0_i32 : i32, i32
  }
}

</mosaic_0001>

<sc_bundles>
// kernel: kernel.4.cloned.1.call-start
scs
__scs_entry_jumppad:
0x0: {  	(pc) =	sbr.rel $0x88, $3  }
0x1: {  	(tag) =	ssettag $0x0;
	lr =	simm.s32 $0x1  }
0x2: {  	[smem:$0x3FA0] =	sst lr;
	_ =	strace $0xD0000000  }
0x3: {  	_ = 	snop  }
0x4: {  	_ = 	snop  }
0x5: {  	_ = 	snop  }
0x6: {  	_ = 	snop  }
0x7: {  	_ = 	snop  }
__scs_overlays_trampoline_lowered:
0x8: {  	[smem:$0x3FAF] =	sst s0  }
0x9: {  	[smem:$0x3FB0] =	sst s1  }
0xa: {  	[smem:$0x3FB1] =	sst s2  }
0xb: {  	[smem:$0x3FB2] =	sst s3  }
0xc: {  	[smem:$0x3FB3] =	sst s4  }
0xd: {  	[smem:$0x3FB4] =	sst s5  }
0xe: {  	[smem:$0x3FB5] =	sst s6  }
0xf: {  	[smem:$0x3FB6] =	sst s7  }
0x10: {  	[smem:$0x3FB7] =	sst s8  }
0x11: {  	[smem:$0x3FB8] =	sst s9;
	s0 =	simm.s32 @!p0 $0x0  }
0x12: {  	s1 =	sld [smem:$0x3F9E];
	s0 =	simm.s32 @p0 $0x1  }
0x13: {  	[smem:$0x3FB9] =	sst s0;
	s0 =	simm.s32 @!p1 $0x0  }
0x14: {  	s2 =	sld [smem:$0x3F9D];
	s0 =	simm.s32 @p1 $0x1  }
0x15: {  	[smem:$0x3FBA] =	sst s0;
	s0 =	simm.s32 @!p2 $0x0  }
0x16: {  	s3 =	sld [smem:$0x3FDB];
	s0 =	simm.s32 @p2 $0x1  }
0x17: {  	s4 =	simm.s32 $0x1BF5;
	[smem:$0x3FBC] =	sst s0  }
0x18: {  	s0 =	sld [smem:$0x3F9F];
	_ =	swait.ge [sflag:s4], $0x0  }
0x19: {  	s7 =	sld [smem:$0x3FA0]  }
0x1a: {  	s8 =	sadd.s32 $0xFFFFE003, lr  }
0x1b: {  	s9 =	sadd.s32 $0xFFFFFEF7, lr;
	s5 =	simm.s32 $0xFFFFFFFF;
	p2 =	slt.u32 s8, $0xFFFFF086  }
0x1c: {  	p1 =	slt.u32 s9, $0xF7A;
	s5 =	simm.s32 @!p2 $0x0  }
0x1d: {  	s5 =	simm.s32 @p1 $0x1;
	p0 =	seq.s32 s7, s2  }
0x1e: {  	s7 =	smul.u32 @!p0 $0xF7A, s2;
	p2 =	seq.s32 @!p0 s5, $0x0  }
0x1f: {  	s9 =	smul.u32 $0xF7A, s1;
	s8 =	simm.s32 @!p0 $0x1BF5;
	p2 =	por !p2, p0  }
0x20: {  	[sflag:s8] =	ssyncset.s32 @!p0 $0xFFFFF086;
	s6 =	sadd.s32 @!p0 s3, s7;
	s7 =	simm.s32 @!p0 $0x108  }
0x21: {  	s3 =	sadd.s32 s3, s9;
	s6 =	sadd.s32 @!p0 $0x88, s6;
	s7 =	simm.s32 @p2 $0x1082  }
0x22: {  	[simem:s7], [sflag:s8] =	dma.local @!p0 [hbm:s6], $0xF7A  }
0x23: {  	s9 =	sor.u32 $0xD0000000, s2;
	s6 =	simm.s32 $0x108;
	_ =	swait.ge @!p0 [sflag:s8], $0x0  }
0x24: {  	s3 =	sadd.s32 $0x88, s3;
	s6 =	simm.s32 @!p1 $0x1082;
	[sflag:s4] =	ssyncset.s32 $0xFFFFF086  }
0x25: {  	[simem:s6], [sflag:s4] =	dma.local [hbm:s3], $0xF7A  }
0x26: {  	[smem:$0x3FA0] =	sst s1;
	(tag) =	ssettag s2;
	_ =	strace s9  }
0x27: {  	s1 =	sld [smem:$0x3FB0]  }
0x28: {  	s2 =	sld [smem:$0x3FB1]  }
0x29: {  	s4 =	sld [smem:$0x3FB3]  }
0x2a: {  	p0 =	seq.s32 s5, $0x0;
	s5 =	sld [smem:$0x3FB4]  }
0x2b: {  	s6 =	sld [smem:$0x3FB5]  }
0x2c: {  	s7 =	sld [smem:$0x3FB6]  }
0x2d: {  	s3 =	simm.s32 $0x108;
	s8 =	sld [smem:$0x3FB7]  }
0x2e: {  	s3 =	simm.s32 @!p0 $0x1082;
	s9 =	sld [smem:$0x3FB8]  }
0x2f: {  	lr =	sadd.s32 s0, s3;
	s0 =	sld [smem:$0x3FAF]  }
0x30: {  	s3 =	sld [smem:$0x3FB2]  }
0x31: {  	[smem:$0x3FBB] =	sst s10  }
0x32: {  	s10 =	sld [smem:$0x3FB9];
	_ =	sdelay $0x3  }
0x33: {  	p0 =	seq.s32 s10, $0x1;
	s10 =	sld [smem:$0x3FBB];
	_ =	sdelay $0x3  }
0x34: {  	[smem:$0x3FBB] =	sst s10  }
0x35: {  	s10 =	sld [smem:$0x3FBA];
	_ =	sdelay $0x3  }
0x36: {  	p1 =	seq.s32 s10, $0x1;
	s10 =	sld [smem:$0x3FBB];
	_ =	sdelay $0x3  }
0x37: {  	[smem:$0x3FBB] =	sst s10  }
0x38: {  	s10 =	sld [smem:$0x3FBC]  }
0x39: {  	_ = 	snop;
	(pc) =	sbr.ind lr, $3  }
0x3a: {  	_ = 	snop  }
0x3b: {  	_ = 	snop  }
0x3c: {  	p2 =	seq.s32 s10, $0x1;
	s10 =	sld [smem:$0x3FBB]  }
0x3d: {  	_ =	shalt  }
0x3e: {  	_ =	shalt  }
0x3f: {  	_ =	shalt  }
0x40: {  	_ =	shalt  }
0x41: {  	_ =	shalt  }
0x42: {  	_ =	shalt  }
0x43: {  	_ =	shalt  }
0x44: {  	_ =	shalt  }
0x45: {  	_ =	shalt  }
0x46: {  	_ =	shalt  }
0x47: {  	_ =	shalt  }
0x48: {  	_ =	shalt  }
0x49: {  	_ =	shalt  }
0x4a: {  	_ =	shalt  }
0x4b: {  	_ =	shalt  }
0x4c: {  	_ =	shalt  }
0x4d: {  	_ =	shalt  }
0x4e: {  	_ =	shalt  }
0x4f: {  	_ =	shalt  }
0x50: {  	_ =	shalt  }
0x51: {  	_ =	shalt  }
0x52: {  	_ =	shalt  }
0x53: {  	_ =	shalt  }
0x54: {  	_ =	shalt  }
0x55: {  	_ =	shalt  }
0x56: {  	_ =	shalt  }
0x57: {  	_ =	shalt  }
0x58: {  	_ =	shalt  }
0x59: {  	_ =	shalt  }
0x5a: {  	_ =	shalt  }
0x5b: {  	_ =	shalt  }
0x5c: {  	_ =	shalt  }
0x5d: {  	_ =	shalt  }
0x5e: {  	_ =	shalt  }
0x5f: {  	_ =	shalt  }
0x60: {  	_ =	shalt  }
0x61: {  	_ =	shalt  }
0x62: {  	_ =	shalt  }
0x63: {  	_ =	shalt  }
0x64: {  	_ =	shalt  }
0x65: {  	_ =	shalt  }
0x66: {  	_ =	shalt  }
0x67: {  	_ =	shalt  }
0x68: {  	_ =	shalt  }
0x69: {  	_ =	shalt  }
0x6a: {  	_ =	shalt  }
0x6b: {  	_ =	shalt  }
0x6c: {  	_ =	shalt  }
0x6d: {  	_ =	shalt  }
0x6e: {  	_ =	shalt  }
0x6f: {  	_ =	shalt  }
0x70: {  	_ =	shalt  }
0x71: {  	_ =	shalt  }
0x72: {  	_ =	shalt  }
0x73: {  	_ =	shalt  }
0x74: {  	_ =	shalt  }
0x75: {  	_ =	shalt  }
0x76: {  	_ =	shalt  }
0x77: {  	_ =	shalt  }
0x78: {  	_ =	shalt  }
0x79: {  	_ =	shalt  }
0x7a: {  	_ =	shalt  }
0x7b: {  	_ =	shalt  }
0x7c: {  	_ =	shalt  }
0x7d: {  	_ =	shalt  }
0x7e: {  	_ =	shalt  }
0x7f: {  	_ =	shalt  }
0x80: {  	_ =	shalt  }
0x81: {  	_ =	shalt  }
0x82: {  	_ =	shalt  }
0x83: {  	_ =	shalt  }
0x84: {  	_ =	shalt  }
0x85: {  	_ =	shalt  }
0x86: {  	_ =	shalt  }
0x87: {  	_ =	shalt  }
.Lfunc_end0:
.L_simem_size_0:
called_computation_lowered:
.L_overlay_start_0:
0x88: {  	s0 =	sld [smem:$0x3FD9]  }
0x89: {  	s1 =	sld [smem:$0x3FFE];
	_ =	sdelay $0x3  }
0x8a: {  	s0 =	sadd.s32 s1, s0  }
0x8b: {  	[smem:$0x3FC7] =	sst s0  }
0x8c: {  	_ = 	snop  }
0x8d: {  	s0 =	sld [smem:$0x3FC9];
	(tm) =	ssettm $0x1  }
0x8e: {  	s16 =	sld [smem:$0x3FFB];
	_ =	sdelay $0x3  }
0x8f: {  	_ =	strace s16  }
0x90: {  	s1 =	sld [smem:$0x3FFC];
	_ =	sdelay $0x3  }
0x91: {  	_ =	strace s1  }
0x92: {  	s1 =	sld [smem:$0x3FFD];
	_ =	sdelay $0x3  }
0x93: {  	_ =	strace s1  }
0x94: {  	_ =	strace $0x8FFFFFFF  }
0x95: {  	s17 =	sld [smem:$0x3FDB];
	_ =	sdelay $0x1  }
0x96: {  	s2 =	simm.s32 $_scs_section_size  }
0x97: {  	s3 =	simm.s32 $_size__tile_overlayer_lowered;
	s4 =	simm.s32 $_tile_overlayer_lowered  }
0x98: {  	s20 =	simm.s32 $0x1BFF;
	s19 =	sshll.u32 s4, $0x1;
	s1 =	sadd.s32 s2, s17  }
0x99: {  	s5 =	simm.s32 $0x0;
	s18 =	sshll.u32 s3, $0x1;
	s3 =	sadd.s32 s19, s1  }
0x9a: {  	[timem:s5], [sflag:s20] =	dma.local [hbm:s3], s18  }
0x9b: {  	_ =	swait.ge [sflag:s20], s18  }
0x9c: {  	s2 =	ssub.s32 $0x0, s18;
	[sflag:s20] =	ssyncset.done $0x0  }
0x9d: {  	[sflag:s20] =	ssyncadd.s32 s2;
	_ =	sdelay $0x1  }
0x9e: {  	s21 =	simm.s32 $0x1B8B  }
0x9f: {  	_ =	swait.ge [sflag:s21], $0x1  }
0xa0: {  	[sflag:s21] =	ssyncset.done $0x0  }
0xa1: {  	s23 =	simm.s32 $0x1B8E;
	s22 =	sld [smem:$0x3FFE];
	[sflag:s21] =	ssyncadd.s32 $0xFFFFFFFF  }
0xa2: {  	s24 =	simm.s32 $execute0_lowered;
	[smem:$0x3FD2] =	sst s23  }
0xa3: {  	s3 =	sshll.u32 s24, $0x1;
	_ =	strace $0x80000046;
	[dreg:$0x1] =	wrdreg $0xFFFFFFFF  }
0xa4: {  	s25 =	simm.s32 $_size_execute0_lowered;
	s1 =	sadd.s32 s1, s3;
	[dreg:$0x0] =	wrdreg $0x0  }
0xa5: {  	s3 =	sshll.u32 s25, $0x1;
	[dreg:$0x2] =	wrdreg s1  }
0xa6: {  	[dreg:$0x3] =	wrdreg s3  }
0xa7: {  	[dreg:$0x4] =	wrdreg $0xC0  }
0xa8: {  	_ =	task [dreg:s5], $0x5FFFF  }
0xa9: {  	[dreg:$0x1] =	wrdreg $0xFFFFFFFF  }
0xaa: {  	[dreg:$0x0] =	wrdreg $0x60  }
0xab: {  	[dreg:$0x2] =	wrdreg s0  }
0xac: {  	[dreg:$0x3] =	wrdreg s22  }
0xad: {  	[dreg:$0x4] =	wrdreg $0x9  }
0xae: {  	_ =	task.clear_ibuf [dreg:s5], $0x5FFFF;
	_ =	strace $0x90000046  }
0xaf: {  	s26 =	simm.s32 $0x9;
	_ =	strace $0x80000048  }
0xb0: {  	_ =	swait.ge [sflag:s26], $0x1  }
0xb1: {  	[sflag:s26] =	ssyncadd.s32 $0xFFFFFFFF  }
0xb2: {  	_ =	strace $0x90000048  }
0xb3: {  	_ =	sfence  }
0xb4: {  	s28 =	sld [smem:$0x0];
	_ =	sdelay $0x1  }
0xb5: {  	s29 =	srdreg.scid  }
0xb6: {  	s30 =	sshll.u32 s29, $0xD;
	s31 =	sshrl.u32 s29, $0x2  }
0xb7: {  	s2 =	sand.u32 $0x4000, s30;
	s1 =	sand.u32 $0x1, s29;
	s0 =	sadd.s32 s31, s28  }
0xb8: {  	s1 =	sor.u32 s2, s1;
	s0 =	sshll.u32 s0, $0x11  }
0xb9: {  	s0 =	sor.u32 s0, s1  }
0xba: {  	s0 =	sadd.s32 $0x8F2B, s0  }
0xbb: {  	[sflag:s0] =	ssyncadd.remote.s32 $0x1  }
0xbc: {  	_ =	sfence.sel $0xFFFF  }
0xbd: {  	[dreg:$0x0] =	wrdreg $0xFFFFFFFF;
	(pc) =	sbr.abs _section_cstart, $3  }
0xbe: {  	[dreg:$0x1] =	wrdreg $0xFFFFFFFF  }
0xbf: {  	_ =	task.clear_ibuf [dreg:s5], $0x2FFFF;
	_ =	strace $0x9FFFFFFF  }
0xc0: {  	(tm) =	ssettm $0x7FFFFFFF  }
0xc1: {  	_ =	shalt  }
tec
execute0_lowered:
.L_overlay_start_1:
0x0: {  	(tag) =	ssettag $0x1  }
0x1: {  	s2 =	rddreg [dreg:$0x0];
	s1 =	stileid.u32  }
0x2: {  	s3 =	rddreg [dreg:$0x1];
	s4 =	simm.s32 $0x0;
	s5 =	sshll.u32 s1, $0xE  }
0x3: {  	[smem:$0x7FF] =	sst s4;
	s2 =	sadd.s32 s5, s2  }
0x4: {  	s0 =	rddreg [dreg:$0x2];
	_ =	strace $0x80000047;
	s5 =	sadd.s32 $0xC0000, s2  }
0x5: {  	[tilespmem:s4], [sflag:$0x1] =	stream.linear.gather [hbm4b:s5+s4], $0x8000, $0x38;
	[tilespmem:$0x12000] =	vst v63  }
0x6: {  	s6 =	simm.s32 $0x8000;
	s31 =	simm.s32 $0x1;
	s30 =	sadd.s32 $0xC1000, s2  }
0x7: {  	[tilespmem:s6], [sflag:$0x2] =	stream.linear.gather [hbm4b:s30+s4], $0x8000, $0x38;
	[tilespmem:$0x12000] =	vst v63  }
0x8: {  	p0 =	por $0x0, $0x0;
	s7 =	simm.s32 $0x0;
	_ =	swait.ge [sflag:s31], $0x8000  }
0x9: {  	s8 =	simm.s32 $0x0;
	s3 =	sadd.s32 $0x400, s3;
	[sflag:s31] =	ssyncset.done $0x0  }
0xa: {  	s5 =	simm.s32 $0xFFFFFFFC;
	s6 =	simm.s32 $0x180;
	[sflag:s31] =	ssyncadd.s32 $0xFFFF8000  }
.LBB2_1:
0xb: {  	s10 =	sadd.s32 $0xFFFFFE80, s6  }
0xc: {  	s9 =	sand.u32 $0x7000, s8;
	s10 =	sand.u32 $0x200, s10  }
0xd: {  	s10 =	sor.u32 s10, s9  }
0xe: {  	v0 =	vld [tilespmem:s10+$0x0]  }
0xf: {  	v1 =	vld [tilespmem:s10+$0x10]  }
0x10: {  	v2 =	vld [tilespmem:s10+$0x20]  }
0x11: {  	v3 =	vld [tilespmem:s10+$0x30]  }
0x12: {  	v4 =	vld [tilespmem:s10+$0x40]  }
0x13: {  	v5 =	vld [tilespmem:s10+$0x50]  }
0x14: {  	v6 =	vld [tilespmem:s10+$0x60]  }
0x15: {  	v7 =	vld [tilespmem:s10+$0x70]  }
0x16: {  	v8 =	vld [tilespmem:s10+$0x400]  }
0x17: {  	v9 =	vld [tilespmem:s10+$0x410]  }
0x18: {  	v10 =	vld [tilespmem:s10+$0x420]  }
0x19: {  	s11 =	simm.s32 $0x1;
	v11 =	vld [tilespmem:s10+$0x430]  }
0x1a: {  	s11 =	simm.s32 @!p0 $0x0;
	v12 =	vld [tilespmem:s10+$0x440]  }
0x1b: {  	s11 =	sshll.u32 s11, $0x9;
	v13 =	vld [tilespmem:s10+$0x450]  }
0x1c: {  	v14 =	vld [tilespmem:s10+$0x460];
	s11 =	sadd.s32 s11, s8  }
0x1d: {  	v15 =	vld [tilespmem:s10+$0x470];
	s17 =	sor.u32 $0x800, s11  }
0x1e: {  	s18 =	sor.u32 $0x810, s11;
	v16 =	vld [tilespmem:s17+$0x0]  }
0x1f: {  	s19 =	sor.u32 $0x820, s11;
	v17 =	vld [tilespmem:s18+$0x0]  }
0x20: {  	s20 =	sor.u32 $0x830, s11;
	v18 =	vld [tilespmem:s19+$0x0]  }
0x21: {  	s21 =	sor.u32 $0x840, s11;
	v19 =	vld [tilespmem:s20+$0x0]  }
0x22: {  	s22 =	sor.u32 $0x850, s11;
	v20 =	vld [tilespmem:s21+$0x0]  }
0x23: {  	s23 =	sor.u32 $0x860, s11;
	v21 =	vld [tilespmem:s22+$0x0]  }
0x24: {  	s24 =	sor.u32 $0x870, s11;
	v22 =	vld [tilespmem:s23+$0x0]  }
0x25: {  	s25 =	sor.u32 $0xC00, s11;
	v23 =	vld [tilespmem:s24+$0x0]  }
0x26: {  	s26 =	sor.u32 $0xC10, s11;
	v24 =	vld [tilespmem:s25+$0x0]  }
0x27: {  	s28 =	sor.u32 $0xC20, s11;
	v25 =	vld [tilespmem:s26+$0x0]  }
0x28: {  	s29 =	sor.u32 $0xC30, s11;
	v26 =	vld [tilespmem:s28+$0x0]  }
0x29: {  	s30 =	sor.u32 $0xC40, s11;
	v27 =	vld [tilespmem:s29+$0x0]  }
0x2a: {  	s31 =	sor.u32 $0xC50, s11;
	v28 =	vld [tilespmem:s30+$0x0]  }
0x2b: {  	s12 =	sor.u32 $0xC60, s11;
	v29 =	vld [tilespmem:s31+$0x0];
	v0 =	vmax.f32 v0, v1  }
0x2c: {  	s13 =	sor.u32 $0xC70, s11;
	v30 =	vld [tilespmem:s12+$0x0];
	v36 =	vmax.f32 v2, v3;
	v37 =	vmax.f32 v4, v5;
	v38 =	vmax.f32 v6, v7  }
0x2d: {  	v31 =	vld [tilespmem:s13+$0x0];
	v39 =	vmax.f32 v8, v9;
	v40 =	vmax.f32 v10, v11;
	v41 =	vmax.f32 v12, v13  }
0x2e: {  	v42 =	vmax.f32 v14, v15;
	v0 =	vmax.f32 v0, v36;
	v51 =	vmax.f32 v37, v38  }
0x2f: {  	v52 =	vmax.f32 v39, v40;
	v53 =	vmax.f32 v41, v42;
	v43 =	vmax.f32 v16, v17  }
0x30: {  	v44 =	vmax.f32 v18, v19;
	v45 =	vmax.f32 v20, v21;
	v46 =	vmax.f32 v22, v23  }
0x31: {  	v47 =	vmax.f32 v24, v25;
	v48 =	vmax.f32 v26, v27;
	v49 =	vmax.f32 v28, v29  }
0x32: {  	v50 =	vmax.f32 v30, v31;
	v0 =	vmax.f32 v0, v51;
	v54 =	vmax.f32 v43, v44  }
0x33: {  	v55 =	vmax.f32 v45, v46;
	v56 =	vmax.f32 v47, v48;
	v57 =	vmax.f32 v49, v50  }
0x34: {  	v58 =	vmax.f32 v52, v53;
	v59 =	vmax.f32 v54, v55;
	v60 =	vmax.f32 v56, v57  }
0x35: {  	s14 =	sadd.s32 $0xFFFFFF00, s6;
	v0 =	vmax.f32 v0, v58;
	v61 =	vmax.f32 v59, v60  }
0x36: {  	s10 =	sshra.s32 s8, $0x2;
	s11 =	sand.u32 $0x280, s14;
	v0 =	vmax.f32 v0, v61  }
0x37: {  	s12 =	sor.u32 s11, s9;
	[tilespmem:s10+$0x10000] =	vst v0  }
0x38: {  	v0 =	vld [tilespmem:s12+$0x0]  }
0x39: {  	v62 =	vld [tilespmem:s12+$0x10]  }
0x3a: {  	v63 =	vld [tilespmem:s12+$0x20]  }
0x3b: {  	v33 =	vld [tilespmem:s12+$0x30]  }
0x3c: {  	v34 =	vld [tilespmem:s12+$0x40]  }
0x3d: {  	v35 =	vld [tilespmem:s12+$0x50]  }
0x3e: {  	v36 =	vld [tilespmem:s12+$0x60]  }
0x3f: {  	v37 =	vld [tilespmem:s12+$0x70]  }
0x40: {  	v38 =	vld [tilespmem:s12+$0x400]  }
0x41: {  	v39 =	vld [tilespmem:s12+$0x410]  }
0x42: {  	v40 =	vld [tilespmem:s12+$0x420]  }
0x43: {  	s15 =	sand.u32 $0x7, s7;
	v41 =	vld [tilespmem:s12+$0x430]  }
0x44: {  	s11 =	sshll.u32 s15, $0x7;
	v42 =	vld [tilespmem:s12+$0x440]  }
0x45: {  	s11 =	sadd.s32 s8, s11;
	v43 =	vld [tilespmem:s12+$0x450]  }
0x46: {  	s13 =	sadd.s32 $0x80, s11;
	v44 =	vld [tilespmem:s12+$0x460]  }
0x47: {  	s16 =	sor.u32 $0x800, s13;
	v45 =	vld [tilespmem:s12+$0x470]  }
0x48: {  	s17 =	sor.u32 $0x810, s13;
	v46 =	vld [tilespmem:s16+$0x0]  }
0x49: {  	s18 =	sor.u32 $0x820, s13;
	v47 =	vld [tilespmem:s17+$0x0]  }
0x4a: {  	s19 =	sor.u32 $0x830, s13;
	v48 =	vld [tilespmem:s18+$0x0]  }
0x4b: {  	s20 =	sor.u32 $0x840, s13;
	v49 =	vld [tilespmem:s19+$0x0]  }
0x4c: {  	s21 =	sor.u32 $0x850, s13;
	v50 =	vld [tilespmem:s20+$0x0]  }
0x4d: {  	s22 =	sor.u32 $0x860, s13;
	v51 =	vld [tilespmem:s21+$0x0]  }
0x4e: {  	s23 =	sor.u32 $0x870, s13;
	v52 =	vld [tilespmem:s22+$0x0]  }
0x4f: {  	s24 =	sor.u32 $0xC00, s13;
	v53 =	vld [tilespmem:s23+$0x0]  }
0x50: {  	s25 =	sor.u32 $0xC10, s13;
	v54 =	vld [tilespmem:s24+$0x0]  }
0x51: {  	s26 =	sor.u32 $0xC20, s13;
	v55 =	vld [tilespmem:s25+$0x0]  }
0x52: {  	s28 =	sor.u32 $0xC30, s13;
	v56 =	vld [tilespmem:s26+$0x0]  }
0x53: {  	s29 =	sor.u32 $0xC40, s13;
	v57 =	vld [tilespmem:s28+$0x0]  }
0x54: {  	s30 =	sor.u32 $0xC50, s13;
	v58 =	vld [tilespmem:s29+$0x0]  }
0x55: {  	s31 =	sor.u32 $0xC60, s13;
	v59 =	vld [tilespmem:s30+$0x0]  }
0x56: {  	s13 =	sor.u32 $0xC70, s13;
	v60 =	vld [tilespmem:s31+$0x0]  }
0x57: {  	v61 =	vld [tilespmem:s13+$0x0];
	v0 =	vmax.f32 v0, v62  }
0x58: {  	v62 =	vmax.f32 v63, v33;
	v63 =	vmax.f32 v34, v35;
	v32 =	vmax.f32 v36, v37  }
0x59: {  	v33 =	vmax.f32 v38, v39;
	v34 =	vmax.f32 v40, v41;
	v35 =	vmax.f32 v42, v43  }
0x5a: {  	v36 =	vmax.f32 v44, v45;
	v37 =	vmax.f32 v46, v47;
	v38 =	vmax.f32 v48, v49  }
0x5b: {  	v39 =	vmax.f32 v50, v51;
	v40 =	vmax.f32 v52, v53;
	v41 =	vmax.f32 v54, v55  }
0x5c: {  	v42 =	vmax.f32 v56, v57;
	v43 =	vmax.f32 v58, v59;
	v44 =	vmax.f32 v60, v61  }
0x5d: {  	v0 =	vmax.f32 v0, v62;
	v45 =	vmax.f32 v63, v32;
	v46 =	vmax.f32 v33, v34  }
0x5e: {  	v47 =	vmax.f32 v35, v36;
	v48 =	vmax.f32 v37, v38;
	v49 =	vmax.f32 v39, v40  }
0x5f: {  	v50 =	vmax.f32 v41, v42;
	v51 =	vmax.f32 v43, v44;
	v0 =	vmax.f32 v0, v45  }
0x60: {  	v52 =	vmax.f32 v46, v47;
	v53 =	vmax.f32 v48, v49;
	v54 =	vmax.f32 v50, v51  }
0x61: {  	s14 =	sadd.s32 $0xFFFFFF80, s6;
	v0 =	vmax.f32 v0, v52;
	v55 =	vmax.f32 v53, v54  }
0x62: {  	s12 =	sand.u32 $0x300, s14;
	v0 =	vmax.f32 v0, v55  }
0x63: {  	s12 =	sor.u32 s12, s9;
	[tilespmem:s10+$0x10080] =	vst v0  }
0x64: {  	v0 =	vld [tilespmem:s12+$0x0]  }
0x65: {  	v56 =	vld [tilespmem:s12+$0x10]  }
0x66: {  	v57 =	vld [tilespmem:s12+$0x20]  }
0x67: {  	v58 =	vld [tilespmem:s12+$0x30]  }
0x68: {  	v59 =	vld [tilespmem:s12+$0x40]  }
0x69: {  	v60 =	vld [tilespmem:s12+$0x50]  }
0x6a: {  	v61 =	vld [tilespmem:s12+$0x60]  }
0x6b: {  	v62 =	vld [tilespmem:s12+$0x70]  }
0x6c: {  	v63 =	vld [tilespmem:s12+$0x400]  }
0x6d: {  	v33 =	vld [tilespmem:s12+$0x410]  }
0x6e: {  	v34 =	vld [tilespmem:s12+$0x420]  }
0x6f: {  	s15 =	sand.u32 $0x3, s4;
	v35 =	vld [tilespmem:s12+$0x430]  }
0x70: {  	s13 =	sshll.u32 s15, $0x8;
	v36 =	vld [tilespmem:s12+$0x440]  }
0x71: {  	s13 =	sadd.s32 s8, s13;
	v37 =	vld [tilespmem:s12+$0x450]  }
0x72: {  	s13 =	sadd.s32 $0x100, s13;
	v38 =	vld [tilespmem:s12+$0x460]  }
0x73: {  	s16 =	sor.u32 $0x800, s13;
	v39 =	vld [tilespmem:s12+$0x470]  }
0x74: {  	s17 =	sor.u32 $0x810, s13;
	v40 =	vld [tilespmem:s16+$0x0]  }
0x75: {  	s18 =	sor.u32 $0x820, s13;
	v41 =	vld [tilespmem:s17+$0x0]  }
0x76: {  	s19 =	sor.u32 $0x830, s13;
	v42 =	vld [tilespmem:s18+$0x0]  }
0x77: {  	s20 =	sor.u32 $0x840, s13;
	v43 =	vld [tilespmem:s19+$0x0]  }
0x78: {  	s21 =	sor.u32 $0x850, s13;
	v44 =	vld [tilespmem:s20+$0x0]  }
0x79: {  	s22 =	sor.u32 $0x860, s13;
	v45 =	vld [tilespmem:s21+$0x0]  }
0x7a: {  	s23 =	sor.u32 $0x870, s13;
	v46 =	vld [tilespmem:s22+$0x0]  }
0x7b: {  	s24 =	sor.u32 $0xC00, s13;
	v47 =	vld [tilespmem:s23+$0x0]  }
0x7c: {  	s25 =	sor.u32 $0xC10, s13;
	v48 =	vld [tilespmem:s24+$0x0]  }
0x7d: {  	s26 =	sor.u32 $0xC20, s13;
	v49 =	vld [tilespmem:s25+$0x0]  }
0x7e: {  	s28 =	sor.u32 $0xC30, s13;
	v50 =	vld [tilespmem:s26+$0x0]  }
0x7f: {  	s29 =	sor.u32 $0xC40, s13;
	v51 =	vld [tilespmem:s28+$0x0]  }
0x80: {  	s30 =	sor.u32 $0xC50, s13;
	v52 =	vld [tilespmem:s29+$0x0]  }
0x81: {  	s31 =	sor.u32 $0xC60, s13;
	v53 =	vld [tilespmem:s30+$0x0]  }
0x82: {  	s13 =	sor.u32 $0xC70, s13;
	v54 =	vld [tilespmem:s31+$0x0]  }
0x83: {  	v55 =	vld [tilespmem:s13+$0x0];
	v0 =	vmax.f32 v0, v56  }
0x84: {  	v56 =	vmax.f32 v57, v58;
	v57 =	vmax.f32 v59, v60;
	v58 =	vmax.f32 v61, v62  }
0x85: {  	v59 =	vmax.f32 v63, v33;
	v60 =	vmax.f32 v34, v35;
	v61 =	vmax.f32 v36, v37  }
0x86: {  	v62 =	vmax.f32 v38, v39;
	v63 =	vmax.f32 v40, v41;
	v19 =	vmax.f32 v42, v43  }
0x87: {  	v21 =	vmax.f32 v44, v45;
	v22 =	vmax.f32 v46, v47;
	v23 =	vmax.f32 v48, v49  }
0x88: {  	v24 =	vmax.f32 v50, v51;
	v25 =	vmax.f32 v52, v53;
	v26 =	vmax.f32 v54, v55  }
0x89: {  	v0 =	vmax.f32 v0, v56;
	v27 =	vmax.f32 v57, v58;
	v28 =	vmax.f32 v59, v60  }
0x8a: {  	v29 =	vmax.f32 v61, v62;
	v30 =	vmax.f32 v63, v19;
	v31 =	vmax.f32 v21, v22  }
0x8b: {  	v32 =	vmax.f32 v23, v24;
	v33 =	vmax.f32 v25, v26;
	v0 =	vmax.f32 v0, v27  }
0x8c: {  	v34 =	vmax.f32 v28, v29;
	v35 =	vmax.f32 v30, v31;
	v36 =	vmax.f32 v32, v33  }
0x8d: {  	v0 =	vmax.f32 v0, v34;
	v37 =	vmax.f32 v35, v36  }
0x8e: {  	s14 =	sand.u32 $0x380, s6;
	v0 =	vmax.f32 v0, v37  }
0x8f: {  	s9 =	sor.u32 s14, s9;
	[tilespmem:s10+$0x10100] =	vst v0  }
0x90: {  	v0 =	vld [tilespmem:s9+$0x0]  }
0x91: {  	v38 =	vld [tilespmem:s9+$0x10]  }
0x92: {  	v39 =	vld [tilespmem:s9+$0x20]  }
0x93: {  	v40 =	vld [tilespmem:s9+$0x30]  }
0x94: {  	v41 =	vld [tilespmem:s9+$0x40]  }
0x95: {  	v42 =	vld [tilespmem:s9+$0x50]  }
0x96: {  	v43 =	vld [tilespmem:s9+$0x60]  }
0x97: {  	v44 =	vld [tilespmem:s9+$0x70]  }
0x98: {  	v45 =	vld [tilespmem:s9+$0x400]  }
0x99: {  	v46 =	vld [tilespmem:s9+$0x410]  }
0x9a: {  	v47 =	vld [tilespmem:s9+$0x420]  }
0x9b: {  	v48 =	vld [tilespmem:s9+$0x430]  }
0x9c: {  	v49 =	vld [tilespmem:s9+$0x440]  }
0x9d: {  	v50 =	vld [tilespmem:s9+$0x450]  }
0x9e: {  	s11 =	sadd.s32 $0x180, s11;
	v51 =	vld [tilespmem:s9+$0x460]  }
0x9f: {  	s15 =	sor.u32 $0x800, s11;
	v52 =	vld [tilespmem:s9+$0x470]  }
0xa0: {  	s16 =	sor.u32 $0x810, s11;
	v53 =	vld [tilespmem:s15+$0x0]  }
0xa1: {  	s17 =	sor.u32 $0x820, s11;
	v54 =	vld [tilespmem:s16+$0x0]  }
0xa2: {  	s18 =	sor.u32 $0x830, s11;
	v55 =	vld [tilespmem:s17+$0x0]  }
0xa3: {  	s19 =	sor.u32 $0x840, s11;
	v56 =	vld [tilespmem:s18+$0x0]  }
0xa4: {  	s20 =	sor.u32 $0x850, s11;
	v57 =	vld [tilespmem:s19+$0x0]  }
0xa5: {  	s21 =	sor.u32 $0x860, s11;
	v58 =	vld [tilespmem:s20+$0x0]  }
0xa6: {  	s22 =	sor.u32 $0x870, s11;
	v59 =	vld [tilespmem:s21+$0x0]  }
0xa7: {  	s23 =	sor.u32 $0xC00, s11;
	v60 =	vld [tilespmem:s22+$0x0]  }
0xa8: {  	s24 =	sor.u32 $0xC10, s11;
	v61 =	vld [tilespmem:s23+$0x0]  }
0xa9: {  	s25 =	sor.u32 $0xC20, s11;
	v62 =	vld [tilespmem:s24+$0x0]  }
0xaa: {  	s26 =	sor.u32 $0xC30, s11;
	v63 =	vld [tilespmem:s25+$0x0]  }
0xab: {  	s28 =	sor.u32 $0xC40, s11;
	v33 =	vld [tilespmem:s26+$0x0]  }
0xac: {  	s29 =	sor.u32 $0xC50, s11;
	v34 =	vld [tilespmem:s28+$0x0]  }
0xad: {  	s30 =	sor.u32 $0xC60, s11;
	v35 =	vld [tilespmem:s29+$0x0]  }
0xae: {  	s31 =	sor.u32 $0xC70, s11;
	v36 =	vld [tilespmem:s30+$0x0]  }
0xaf: {  	v37 =	vld [tilespmem:s31+$0x0];
	v0 =	vmax.f32 v0, v38  }
0xb0: {  	v38 =	vmax.f32 v39, v40;
	v39 =	vmax.f32 v41, v42;
	v40 =	vmax.f32 v43, v44  }
0xb1: {  	v41 =	vmax.f32 v45, v46;
	v42 =	vmax.f32 v47, v48;
	v43 =	vmax.f32 v49, v50  }
0xb2: {  	v44 =	vmax.f32 v51, v52;
	v45 =	vmax.f32 v53, v54;
	v46 =	vmax.f32 v55, v56  }
0xb3: {  	v47 =	vmax.f32 v57, v58;
	v48 =	vmax.f32 v59, v60;
	v49 =	vmax.f32 v61, v62  }
0xb4: {  	v50 =	vmax.f32 v63, v33;
	v51 =	vmax.f32 v34, v35;
	v52 =	vmax.f32 v36, v37  }
0xb5: {  	s5 =	sadd.s32 $0x4, s5;
	v0 =	vmax.f32 v0, v38;
	v53 =	vmax.f32 v39, v40;
	v54 =	vmax.f32 v41, v42  }
0xb6: {  	p1 =	slt.u32 s5, $0x3C;
	v55 =	vmax.f32 v43, v44;
	v56 =	vmax.f32 v45, v46;
	v57 =	vmax.f32 v47, v48  }
.Ltmp0:
0xb7: {  	v58 =	vmax.f32 v49, v50;
	v59 =	vmax.f32 v51, v52;
	v0 =	vmax.f32 v0, v53;
	(pc) =	sbr.rel @p1 .LBB2_1-.Ltmp0, $4  }
0xb8: {  	v60 =	vmax.f32 v54, v55;
	v61 =	vmax.f32 v56, v57;
	v62 =	vmax.f32 v58, v59  }
0xb9: {  	v0 =	vmax.f32 v0, v60;
	v63 =	vmax.f32 v61, v62  }
0xba: {  	s7 =	sadd.s32 $0x4, s7;
	p0 =	por !p0, !p0;
	v0 =	vmax.f32 v0, v63  }
0xbb: {  	s4 =	sadd.s32 $0x2, s4;
	s6 =	sadd.s32 $0x200, s6;
	s8 =	sadd.s32 $0x800, s8;
	[tilespmem:s10+$0x10180] =	vst v0  }
0xbc: {  	s6 =	sadd.s32 $0xC2000, s2;
	s4 =	sshll.u32 s1, $0xC;
	s5 =	simm.s32 $0x0  }
0xbd: {  	[tilespmem:s5], [sflag:$0x1] =	stream.linear.gather [hbm4b:s6+s5], $0x8000, $0x38;
	[tilespmem:$0x12000] =	vst v63  }
0xbe: {  	s7 =	simm.s32 $0x10000;
	s30 =	simm.s32 $0x3;
	s29 =	sadd.s32 s3, s4  }
0xbf: {  	[hbm4b:s29+s5] =	stream.linear.scatter [tilespmem:s7], [sflag:$0x3], $0x2000, $0x38;
	[tilespmem:$0x12000] =	vst v63  }
0xc0: {  	_ =	swait.ge [sflag:s30], $0x2000  }
0xc1: {  	[sflag:s30] =	ssyncset.done $0x0  }
0xc2: {  	s31 =	simm.s32 $0x2;
	p0 =	por $0x0, $0x0;
	[sflag:s30] =	ssyncadd.s32 $0xFFFFE000  }
0xc3: {  	s8 =	simm.s32 $0x1;
	s9 =	simm.s32 $0x0;
	_ =	swait.ge [sflag:s31], $0x8000  }
0xc4: {  	s6 =	simm.s32 $0xFFFFFFFC;
	s7 =	simm.s32 $0x180;
	[sflag:s31] =	ssyncset.done $0x0  }
0xc5: {  	[dreg:$0x3] =	wrdreg s8;
	s8 =	simm.s32 $0x0;
	[sflag:s31] =	ssyncadd.s32 $0xFFFF8000  }
.LBB2_3:
0xc6: {  	s11 =	sadd.s32 $0xFFFFFE80, s7  }
0xc7: {  	s10 =	sand.u32 $0x7000, s9;
	s11 =	sand.u32 $0x200, s11  }
0xc8: {  	s11 =	sor.u32 s11, s10  }
0xc9: {  	v0 =	vld [tilespmem:s11+$0x8000]  }
0xca: {  	v1 =	vld [tilespmem:s11+$0x8010]  }
0xcb: {  	v2 =	vld [tilespmem:s11+$0x8020]  }
0xcc: {  	v3 =	vld [tilespmem:s11+$0x8030]  }
0xcd: {  	v4 =	vld [tilespmem:s11+$0x8040]  }
0xce: {  	v5 =	vld [tilespmem:s11+$0x8050]  }
0xcf: {  	v6 =	vld [tilespmem:s11+$0x8060]  }
0xd0: {  	v7 =	vld [tilespmem:s11+$0x8070]  }
0xd1: {  	v8 =	vld [tilespmem:s11+$0x8400]  }
0xd2: {  	v9 =	vld [tilespmem:s11+$0x8410]  }
0xd3: {  	v10 =	vld [tilespmem:s11+$0x8420]  }
0xd4: {  	s12 =	rddreg [dreg:$0x3];
	v11 =	vld [tilespmem:s11+$0x8430]  }
0xd5: {  	s12 =	simm.s32 @!p0 $0x0;
	v12 =	vld [tilespmem:s11+$0x8440]  }
0xd6: {  	s12 =	sshll.u32 s12, $0x9;
	v13 =	vld [tilespmem:s11+$0x8450]  }
0xd7: {  	v14 =	vld [tilespmem:s11+$0x8460];
	s12 =	sadd.s32 s12, s9  }
0xd8: {  	v15 =	vld [tilespmem:s11+$0x8470];
	s17 =	sor.u32 $0x8800, s12  }
0xd9: {  	v16 =	vld [tilespmem:s17+$0x0]  }
0xda: {  	v17 =	vld [tilespmem:s17+$0x10]  }
0xdb: {  	v18 =	vld [tilespmem:s17+$0x20]  }
0xdc: {  	v19 =	vld [tilespmem:s17+$0x30]  }
0xdd: {  	v20 =	vld [tilespmem:s17+$0x40]  }
0xde: {  	v21 =	vld [tilespmem:s17+$0x50]  }
0xdf: {  	v22 =	vld [tilespmem:s17+$0x60]  }
0xe0: {  	s18 =	sor.u32 $0x8C00, s12;
	v23 =	vld [tilespmem:s17+$0x70]  }
0xe1: {  	v24 =	vld [tilespmem:s18+$0x0]  }
0xe2: {  	v25 =	vld [tilespmem:s18+$0x10]  }
0xe3: {  	v26 =	vld [tilespmem:s18+$0x20]  }
0xe4: {  	v27 =	vld [tilespmem:s18+$0x30]  }
0xe5: {  	v28 =	vld [tilespmem:s18+$0x40]  }
0xe6: {  	v29 =	vld [tilespmem:s18+$0x50];
	v0 =	vmax.f32 v0, v1  }
0xe7: {  	v30 =	vld [tilespmem:s18+$0x60];
	v36 =	vmax.f32 v2, v3;
	v37 =	vmax.f32 v4, v5;
	v38 =	vmax.f32 v6, v7  }
0xe8: {  	v31 =	vld [tilespmem:s18+$0x70];
	v39 =	vmax.f32 v8, v9;
	v40 =	vmax.f32 v10, v11;
	v41 =	vmax.f32 v12, v13  }
0xe9: {  	v42 =	vmax.f32 v14, v15;
	v0 =	vmax.f32 v0, v36;
	v51 =	vmax.f32 v37, v38  }
0xea: {  	v52 =	vmax.f32 v39, v40;
	v53 =	vmax.f32 v41, v42;
	v43 =	vmax.f32 v16, v17  }
0xeb: {  	v44 =	vmax.f32 v18, v19;
	v45 =	vmax.f32 v20, v21;
	v46 =	vmax.f32 v22, v23  }
0xec: {  	v47 =	vmax.f32 v24, v25;
	v48 =	vmax.f32 v26, v27;
	v49 =	vmax.f32 v28, v29  }
0xed: {  	v50 =	vmax.f32 v30, v31;
	v0 =	vmax.f32 v0, v51;
	v54 =	vmax.f32 v43, v44  }
0xee: {  	v55 =	vmax.f32 v45, v46;
	v56 =	vmax.f32 v47, v48;
	v57 =	vmax.f32 v49, v50  }
0xef: {  	v58 =	vmax.f32 v52, v53;
	v59 =	vmax.f32 v54, v55;
	v60 =	vmax.f32 v56, v57  }
0xf0: {  	s19 =	sadd.s32 $0xFFFFFF00, s7;
	v0 =	vmax.f32 v0, v58;
	v61 =	vmax.f32 v59, v60  }
0xf1: {  	s20 =	sshra.s32 s9, $0x2;
	s12 =	sand.u32 $0x280, s19;
	v0 =	vmax.f32 v0, v61  }
0xf2: {  	s13 =	sor.u32 s10, s12;
	[tilespmem:s20+$0x10000] =	vst v0  }
0xf3: {  	v0 =	vld [tilespmem:s13+$0x8000]  }
0xf4: {  	v62 =	vld [tilespmem:s13+$0x8010]  }
0xf5: {  	v63 =	vld [tilespmem:s13+$0x8020]  }
0xf6: {  	v33 =	vld [tilespmem:s13+$0x8030]  }
0xf7: {  	v34 =	vld [tilespmem:s13+$0x8040]  }
0xf8: {  	v35 =	vld [tilespmem:s13+$0x8050]  }
0xf9: {  	v36 =	vld [tilespmem:s13+$0x8060]  }
0xfa: {  	v37 =	vld [tilespmem:s13+$0x8070]  }
0xfb: {  	v38 =	vld [tilespmem:s13+$0x8400]  }
0xfc: {  	v39 =	vld [tilespmem:s13+$0x8410]  }
0xfd: {  	v40 =	vld [tilespmem:s13+$0x8420]  }
0xfe: {  	s21 =	sand.u32 $0x7, s8;
	v41 =	vld [tilespmem:s13+$0x8430]  }
0xff: {  	s12 =	sshll.u32 s21, $0x7;
	v42 =	vld [tilespmem:s13+$0x8440]  }
0x100: {  	s12 =	sadd.s32 s9, s12;
	v43 =	vld [tilespmem:s13+$0x8450]  }
0x101: {  	s14 =	sadd.s32 $0x80, s12;
	v44 =	vld [tilespmem:s13+$0x8460]  }
0x102: {  	s22 =	sor.u32 $0x8800, s14;
	v45 =	vld [tilespmem:s13+$0x8470]  }
0x103: {  	v46 =	vld [tilespmem:s22+$0x0]  }
0x104: {  	v47 =	vld [tilespmem:s22+$0x10]  }
0x105: {  	v48 =	vld [tilespmem:s22+$0x20]  }
0x106: {  	v49 =	vld [tilespmem:s22+$0x30]  }
0x107: {  	v50 =	vld [tilespmem:s22+$0x40]  }
0x108: {  	v51 =	vld [tilespmem:s22+$0x50]  }
0x109: {  	v52 =	vld [tilespmem:s22+$0x60]  }
0x10a: {  	s23 =	sor.u32 $0x8C00, s14;
	v53 =	vld [tilespmem:s22+$0x70]  }
0x10b: {  	v54 =	vld [tilespmem:s23+$0x0]  }
0x10c: {  	v55 =	vld [tilespmem:s23+$0x10]  }
0x10d: {  	v56 =	vld [tilespmem:s23+$0x20]  }
0x10e: {  	v57 =	vld [tilespmem:s23+$0x30]  }
0x10f: {  	v58 =	vld [tilespmem:s23+$0x40]  }
0x110: {  	v59 =	vld [tilespmem:s23+$0x50]  }
0x111: {  	v60 =	vld [tilespmem:s23+$0x60]  }
0x112: {  	v61 =	vld [tilespmem:s23+$0x70];
	v0 =	vmax.f32 v0, v62  }
0x113: {  	v62 =	vmax.f32 v63, v33;
	v63 =	vmax.f32 v34, v35;
	v32 =	vmax.f32 v36, v37  }
0x114: {  	v33 =	vmax.f32 v38, v39;
	v34 =	vmax.f32 v40, v41;
	v35 =	vmax.f32 v42, v43  }
0x115: {  	v36 =	vmax.f32 v44, v45;
	v37 =	vmax.f32 v46, v47;
	v38 =	vmax.f32 v48, v49  }
0x116: {  	v39 =	vmax.f32 v50, v51;
	v40 =	vmax.f32 v52, v53;
	v41 =	vmax.f32 v54, v55  }
0x117: {  	v42 =	vmax.f32 v56, v57;
	v43 =	vmax.f32 v58, v59;
	v44 =	vmax.f32 v60, v61  }
0x118: {  	v0 =	vmax.f32 v0, v62;
	v45 =	vmax.f32 v63, v32;
	v46 =	vmax.f32 v33, v34  }
0x119: {  	v47 =	vmax.f32 v35, v36;
	v48 =	vmax.f32 v37, v38;
	v49 =	vmax.f32 v39, v40  }
0x11a: {  	v50 =	vmax.f32 v41, v42;
	v51 =	vmax.f32 v43, v44;
	v0 =	vmax.f32 v0, v45  }
0x11b: {  	v52 =	vmax.f32 v46, v47;
	v53 =	vmax.f32 v48, v49;
	v54 =	vmax.f32 v50, v51  }
0x11c: {  	s24 =	sadd.s32 $0xFFFFFF80, s7;
	v0 =	vmax.f32 v0, v52;
	v55 =	vmax.f32 v53, v54  }
0x11d: {  	s13 =	sand.u32 $0x300, s24;
	v0 =	vmax.f32 v0, v55  }
0x11e: {  	s13 =	sor.u32 s10, s13;
	[tilespmem:s20+$0x10080] =	vst v0  }
0x11f: {  	v0 =	vld [tilespmem:s13+$0x8000]  }
0x120: {  	v56 =	vld [tilespmem:s13+$0x8010]  }
0x121: {  	v57 =	vld [tilespmem:s13+$0x8020]  }
0x122: {  	v58 =	vld [tilespmem:s13+$0x8030]  }
0x123: {  	v59 =	vld [tilespmem:s13+$0x8040]  }
0x124: {  	v60 =	vld [tilespmem:s13+$0x8050]  }
0x125: {  	v61 =	vld [tilespmem:s13+$0x8060]  }
0x126: {  	v62 =	vld [tilespmem:s13+$0x8070]  }
0x127: {  	v63 =	vld [tilespmem:s13+$0x8400]  }
0x128: {  	v33 =	vld [tilespmem:s13+$0x8410]  }
0x129: {  	v34 =	vld [tilespmem:s13+$0x8420]  }
0x12a: {  	s25 =	sand.u32 $0x3, s5;
	v35 =	vld [tilespmem:s13+$0x8430]  }
0x12b: {  	s14 =	sshll.u32 s25, $0x8;
	v36 =	vld [tilespmem:s13+$0x8440]  }
0x12c: {  	s14 =	sadd.s32 s9, s14;
	v37 =	vld [tilespmem:s13+$0x8450]  }
0x12d: {  	s14 =	sadd.s32 $0x100, s14;
	v38 =	vld [tilespmem:s13+$0x8460]  }
0x12e: {  	s26 =	sor.u32 $0x8800, s14;
	v39 =	vld [tilespmem:s13+$0x8470]  }
0x12f: {  	v40 =	vld [tilespmem:s26+$0x0]  }
0x130: {  	v41 =	vld [tilespmem:s26+$0x10]  }
0x131: {  	v42 =	vld [tilespmem:s26+$0x20]  }
0x132: {  	v43 =	vld [tilespmem:s26+$0x30]  }
0x133: {  	v44 =	vld [tilespmem:s26+$0x40]  }
0x134: {  	v45 =	vld [tilespmem:s26+$0x50]  }
0x135: {  	v46 =	vld [tilespmem:s26+$0x60]  }
0x136: {  	s28 =	sor.u32 $0x8C00, s14;
	v47 =	vld [tilespmem:s26+$0x70]  }
0x137: {  	v48 =	vld [tilespmem:s28+$0x0]  }
0x138: {  	v49 =	vld [tilespmem:s28+$0x10]  }
0x139: {  	v50 =	vld [tilespmem:s28+$0x20]  }
0x13a: {  	v51 =	vld [tilespmem:s28+$0x30]  }
0x13b: {  	v52 =	vld [tilespmem:s28+$0x40]  }
0x13c: {  	v53 =	vld [tilespmem:s28+$0x50]  }
0x13d: {  	v54 =	vld [tilespmem:s28+$0x60]  }
0x13e: {  	v55 =	vld [tilespmem:s28+$0x70];
	v0 =	vmax.f32 v0, v56  }
0x13f: {  	v56 =	vmax.f32 v57, v58;
	v57 =	vmax.f32 v59, v60;
	v58 =	vmax.f32 v61, v62  }
0x140: {  	v59 =	vmax.f32 v63, v33;
	v60 =	vmax.f32 v34, v35;
	v61 =	vmax.f32 v36, v37  }
0x141: {  	v62 =	vmax.f32 v38, v39;
	v63 =	vmax.f32 v40, v41;
	v19 =	vmax.f32 v42, v43  }
0x142: {  	v21 =	vmax.f32 v44, v45;
	v22 =	vmax.f32 v46, v47;
	v23 =	vmax.f32 v48, v49  }
0x143: {  	v24 =	vmax.f32 v50, v51;
	v25 =	vmax.f32 v52, v53;
	v26 =	vmax.f32 v54, v55  }
0x144: {  	v0 =	vmax.f32 v0, v56;
	v27 =	vmax.f32 v57, v58;
	v28 =	vmax.f32 v59, v60  }
0x145: {  	v29 =	vmax.f32 v61, v62;
	v30 =	vmax.f32 v63, v19;
	v31 =	vmax.f32 v21, v22  }
0x146: {  	v32 =	vmax.f32 v23, v24;
	v33 =	vmax.f32 v25, v26;
	v0 =	vmax.f32 v0, v27  }
0x147: {  	v34 =	vmax.f32 v28, v29;
	v35 =	vmax.f32 v30, v31;
	v36 =	vmax.f32 v32, v33  }
0x148: {  	v0 =	vmax.f32 v0, v34;
	v37 =	vmax.f32 v35, v36  }
0x149: {  	s29 =	sand.u32 $0x380, s7;
	v0 =	vmax.f32 v0, v37  }
0x14a: {  	s10 =	sor.u32 s10, s29;
	[tilespmem:s20+$0x10100] =	vst v0  }
0x14b: {  	v0 =	vld [tilespmem:s10+$0x8000]  }
0x14c: {  	v38 =	vld [tilespmem:s10+$0x8010]  }
0x14d: {  	v39 =	vld [tilespmem:s10+$0x8020]  }
0x14e: {  	v40 =	vld [tilespmem:s10+$0x8030]  }
0x14f: {  	v41 =	vld [tilespmem:s10+$0x8040]  }
0x150: {  	v42 =	vld [tilespmem:s10+$0x8050]  }
0x151: {  	v43 =	vld [tilespmem:s10+$0x8060]  }
0x152: {  	v44 =	vld [tilespmem:s10+$0x8070]  }
0x153: {  	v45 =	vld [tilespmem:s10+$0x8400]  }
0x154: {  	v46 =	vld [tilespmem:s10+$0x8410]  }
0x155: {  	v47 =	vld [tilespmem:s10+$0x8420]  }
0x156: {  	v48 =	vld [tilespmem:s10+$0x8430]  }
0x157: {  	v49 =	vld [tilespmem:s10+$0x8440]  }
0x158: {  	v50 =	vld [tilespmem:s10+$0x8450]  }
0x159: {  	s12 =	sadd.s32 $0x180, s12;
	v51 =	vld [tilespmem:s10+$0x8460]  }
0x15a: {  	s30 =	sor.u32 $0x8800, s12;
	v52 =	vld [tilespmem:s10+$0x8470]  }
0x15b: {  	v53 =	vld [tilespmem:s30+$0x0]  }
0x15c: {  	v54 =	vld [tilespmem:s30+$0x10]  }
0x15d: {  	v55 =	vld [tilespmem:s30+$0x20]  }
0x15e: {  	v56 =	vld [tilespmem:s30+$0x30]  }
0x15f: {  	v57 =	vld [tilespmem:s30+$0x40]  }
0x160: {  	v58 =	vld [tilespmem:s30+$0x50]  }
0x161: {  	v59 =	vld [tilespmem:s30+$0x60]  }
0x162: {  	s31 =	sor.u32 $0x8C00, s12;
	v60 =	vld [tilespmem:s30+$0x70]  }
0x163: {  	v61 =	vld [tilespmem:s31+$0x0]  }
0x164: {  	v62 =	vld [tilespmem:s31+$0x10]  }
0x165: {  	v63 =	vld [tilespmem:s31+$0x20]  }
0x166: {  	v33 =	vld [tilespmem:s31+$0x30]  }
0x167: {  	v34 =	vld [tilespmem:s31+$0x40]  }
0x168: {  	v35 =	vld [tilespmem:s31+$0x50]  }
0x169: {  	v36 =	vld [tilespmem:s31+$0x60]  }
0x16a: {  	v37 =	vld [tilespmem:s31+$0x70];
	v0 =	vmax.f32 v0, v38  }
0x16b: {  	v38 =	vmax.f32 v39, v40;
	v39 =	vmax.f32 v41, v42;
	v40 =	vmax.f32 v43, v44  }
0x16c: {  	v41 =	vmax.f32 v45, v46;
	v42 =	vmax.f32 v47, v48;
	v43 =	vmax.f32 v49, v50  }
0x16d: {  	v44 =	vmax.f32 v51, v52;
	v45 =	vmax.f32 v53, v54;
	v46 =	vmax.f32 v55, v56  }
0x16e: {  	v47 =	vmax.f32 v57, v58;
	v48 =	vmax.f32 v59, v60;
	v49 =	vmax.f32 v61, v62  }
0x16f: {  	v50 =	vmax.f32 v63, v33;
	v51 =	vmax.f32 v34, v35;
	v52 =	vmax.f32 v36, v37  }
0x170: {  	s6 =	sadd.s32 $0x4, s6;
	v0 =	vmax.f32 v0, v38;
	v53 =	vmax.f32 v39, v40;
	v54 =	vmax.f32 v41, v42  }
0x171: {  	p1 =	slt.u32 s6, $0x3C;
	v55 =	vmax.f32 v43, v44;
	v56 =	vmax.f32 v45, v46;
	v57 =	vmax.f32 v47, v48  }
.Ltmp1:
0x172: {  	v58 =	vmax.f32 v49, v50;
	v59 =	vmax.f32 v51, v52;
	v0 =	vmax.f32 v0, v53;
	(pc) =	sbr.rel @p1 .LBB2_3-.Ltmp1, $4  }
0x173: {  	v60 =	vmax.f32 v54, v55;
	v61 =	vmax.f32 v56, v57;
	v62 =	vmax.f32 v58, v59  }
0x174: {  	v0 =	vmax.f32 v0, v60;
	v63 =	vmax.f32 v61, v62  }
0x175: {  	s7 =	sadd.s32 $0x200, s7;
	s8 =	sadd.s32 $0x4, s8;
	v0 =	vmax.f32 v0, v63  }
0x176: {  	s5 =	sadd.s32 $0x2, s5;
	p0 =	por !p0, !p0;
	s9 =	sadd.s32 $0x800, s9;
	[tilespmem:s20+$0x10180] =	vst v0  }
0x177: {  	s5 =	sadd.s32 $0xC3000, s2  }
0x178: {  	s2 =	sadd.s32 s4, s3;
	s3 =	simm.s32 $0x0;
	s26 =	simm.s32 $0x8000  }
0x179: {  	[tilespmem:s26], [sflag:$0x2] =	stream.linear.gather [hbm4b:s5+s3], $0x8000, $0x38;
	[tilespmem:$0x12000] =	vst v63  }
0x17a: {  	s29 =	simm.s32 $0x10000;
	s30 =	simm.s32 $0x3;
	s28 =	sadd.s32 $0x400, s2  }
0x17b: {  	[hbm4b:s28+s3] =	stream.linear.scatter [tilespmem:s29], [sflag:$0x3], $0x2000, $0x38;
	[tilespmem:$0x12000] =	vst v63  }
0x17c: {  	_ =	swait.ge [sflag:s30], $0x2000  }
0x17d: {  	[sflag:s30] =	ssyncset.done $0x0  }
0x17e: {  	s31 =	simm.s32 $0x1;
	[sflag:s30] =	ssyncadd.s32 $0xFFFFE000  }
0x17f: {  	s4 =	simm.s32 $0xFFFFFFFC;
	_ =	swait.ge [sflag:s31], $0x8000  }
0x180: {  	p0 =	por $0x0, $0x0;
	s6 =	simm.s32 $0x0;
	[sflag:s31] =	ssyncset.done $0x0  }
0x181: {  	s7 =	simm.s32 $0x0;
	s5 =	simm.s32 $0x180;
	[sflag:s31] =	ssyncadd.s32 $0xFFFF8000  }
.LBB2_5:
0x182: {  	s9 =	sadd.s32 $0xFFFFFE80, s5  }
0x183: {  	s8 =	sand.u32 $0x7000, s7;
	s9 =	sand.u32 $0x200, s9  }
0x184: {  	s9 =	sor.u32 s9, s8  }
0x185: {  	v0 =	vld [tilespmem:s9+$0x0]  }
0x186: {  	v1 =	vld [tilespmem:s9+$0x10]  }
0x187: {  	v2 =	vld [tilespmem:s9+$0x20]  }
0x188: {  	v3 =	vld [tilespmem:s9+$0x30]  }
0x189: {  	v4 =	vld [tilespmem:s9+$0x40]  }
0x18a: {  	v5 =	vld [tilespmem:s9+$0x50]  }
0x18b: {  	v6 =	vld [tilespmem:s9+$0x60]  }
0x18c: {  	v7 =	vld [tilespmem:s9+$0x70]  }
0x18d: {  	v8 =	vld [tilespmem:s9+$0x400]  }
0x18e: {  	v9 =	vld [tilespmem:s9+$0x410]  }
0x18f: {  	v10 =	vld [tilespmem:s9+$0x420]  }
0x190: {  	s10 =	simm.s32 $0x1;
	v11 =	vld [tilespmem:s9+$0x430]  }
0x191: {  	s10 =	simm.s32 @!p0 $0x0;
	v12 =	vld [tilespmem:s9+$0x440]  }
0x192: {  	s10 =	sshll.u32 s10, $0x9;
	v13 =	vld [tilespmem:s9+$0x450]  }
0x193: {  	v14 =	vld [tilespmem:s9+$0x460];
	s10 =	sadd.s32 s10, s7  }
0x194: {  	v15 =	vld [tilespmem:s9+$0x470];
	s18 =	sor.u32 $0x800, s10  }
0x195: {  	s19 =	sor.u32 $0x810, s10;
	v16 =	vld [tilespmem:s18+$0x0]  }
0x196: {  	s20 =	sor.u32 $0x820, s10;
	v17 =	vld [tilespmem:s19+$0x0]  }
0x197: {  	s21 =	sor.u32 $0x830, s10;
	v18 =	vld [tilespmem:s20+$0x0]  }
0x198: {  	s22 =	sor.u32 $0x840, s10;
	v19 =	vld [tilespmem:s21+$0x0]  }
0x199: {  	s23 =	sor.u32 $0x850, s10;
	v20 =	vld [tilespmem:s22+$0x0]  }
0x19a: {  	s24 =	sor.u32 $0x860, s10;
	v21 =	vld [tilespmem:s23+$0x0]  }
0x19b: {  	s25 =	sor.u32 $0x870, s10;
	v22 =	vld [tilespmem:s24+$0x0]  }
0x19c: {  	s26 =	sor.u32 $0xC00, s10;
	v23 =	vld [tilespmem:s25+$0x0]  }
0x19d: {  	s28 =	sor.u32 $0xC10, s10;
	v24 =	vld [tilespmem:s26+$0x0]  }
0x19e: {  	s29 =	sor.u32 $0xC20, s10;
	v25 =	vld [tilespmem:s28+$0x0]  }
0x19f: {  	s30 =	sor.u32 $0xC30, s10;
	v26 =	vld [tilespmem:s29+$0x0]  }
0x1a0: {  	s31 =	sor.u32 $0xC40, s10;
	v27 =	vld [tilespmem:s30+$0x0]  }
0x1a1: {  	s11 =	sor.u32 $0xC50, s10;
	v28 =	vld [tilespmem:s31+$0x0]  }
0x1a2: {  	s12 =	sor.u32 $0xC60, s10;
	v29 =	vld [tilespmem:s11+$0x0];
	v0 =	vmax.f32 v0, v1  }
0x1a3: {  	s13 =	sor.u32 $0xC70, s10;
	v30 =	vld [tilespmem:s12+$0x0];
	v36 =	vmax.f32 v2, v3;
	v37 =	vmax.f32 v4, v5;
	v38 =	vmax.f32 v6, v7  }
0x1a4: {  	v31 =	vld [tilespmem:s13+$0x0];
	v39 =	vmax.f32 v8, v9;
	v40 =	vmax.f32 v10, v11;
	v41 =	vmax.f32 v12, v13  }
0x1a5: {  	v42 =	vmax.f32 v14, v15;
	v0 =	vmax.f32 v0, v36;
	v51 =	vmax.f32 v37, v38  }
0x1a6: {  	v52 =	vmax.f32 v39, v40;
	v53 =	vmax.f32 v41, v42;
	v43 =	vmax.f32 v16, v17  }
0x1a7: {  	v44 =	vmax.f32 v18, v19;
	v45 =	vmax.f32 v20, v21;
	v46 =	vmax.f32 v22, v23  }
0x1a8: {  	v47 =	vmax.f32 v24, v25;
	v48 =	vmax.f32 v26, v27;
	v49 =	vmax.f32 v28, v29  }
0x1a9: {  	v50 =	vmax.f32 v30, v31;
	v0 =	vmax.f32 v0, v51;
	v54 =	vmax.f32 v43, v44  }
0x1aa: {  	v55 =	vmax.f32 v45, v46;
	v56 =	vmax.f32 v47, v48;
	v57 =	vmax.f32 v49, v50  }
0x1ab: {  	v58 =	vmax.f32 v52, v53;
	v59 =	vmax.f32 v54, v55;
	v60 =	vmax.f32 v56, v57  }
0x1ac: {  	s14 =	sadd.s32 $0xFFFFFF00, s5;
	v0 =	vmax.f32 v0, v58;
	v61 =	vmax.f32 v59, v60  }
0x1ad: {  	s9 =	sshra.s32 s7, $0x2;
	s10 =	sand.u32 $0x280, s14;
	v0 =	vmax.f32 v0, v61  }
0x1ae: {  	s11 =	sor.u32 s10, s8;
	[tilespmem:s9+$0x10000] =	vst v0  }
0x1af: {  	v0 =	vld [tilespmem:s11+$0x0]  }
0x1b0: {  	v62 =	vld [tilespmem:s11+$0x10]  }
0x1b1: {  	v63 =	vld [tilespmem:s11+$0x20]  }
0x1b2: {  	v33 =	vld [tilespmem:s11+$0x30]  }
0x1b3: {  	v34 =	vld [tilespmem:s11+$0x40]  }
0x1b4: {  	v35 =	vld [tilespmem:s11+$0x50]  }
0x1b5: {  	v36 =	vld [tilespmem:s11+$0x60]  }
0x1b6: {  	v37 =	vld [tilespmem:s11+$0x70]  }
0x1b7: {  	v38 =	vld [tilespmem:s11+$0x400]  }
0x1b8: {  	v39 =	vld [tilespmem:s11+$0x410]  }
0x1b9: {  	v40 =	vld [tilespmem:s11+$0x420]  }
0x1ba: {  	s15 =	sand.u32 $0x7, s6;
	v41 =	vld [tilespmem:s11+$0x430]  }
0x1bb: {  	s10 =	sshll.u32 s15, $0x7;
	v42 =	vld [tilespmem:s11+$0x440]  }
0x1bc: {  	s10 =	sadd.s32 s7, s10;
	v43 =	vld [tilespmem:s11+$0x450]  }
0x1bd: {  	s12 =	sadd.s32 $0x80, s10;
	v44 =	vld [tilespmem:s11+$0x460]  }
0x1be: {  	s16 =	sor.u32 $0x800, s12;
	v45 =	vld [tilespmem:s11+$0x470]  }
0x1bf: {  	s17 =	sor.u32 $0x810, s12;
	v46 =	vld [tilespmem:s16+$0x0]  }
0x1c0: {  	s18 =	sor.u32 $0x820, s12;
	v47 =	vld [tilespmem:s17+$0x0]  }
0x1c1: {  	s19 =	sor.u32 $0x830, s12;
	v48 =	vld [tilespmem:s18+$0x0]  }
0x1c2: {  	s20 =	sor.u32 $0x840, s12;
	v49 =	vld [tilespmem:s19+$0x0]  }
0x1c3: {  	s21 =	sor.u32 $0x850, s12;
	v50 =	vld [tilespmem:s20+$0x0]  }
0x1c4: {  	s22 =	sor.u32 $0x860, s12;
	v51 =	vld [tilespmem:s21+$0x0]  }
0x1c5: {  	s23 =	sor.u32 $0x870, s12;
	v52 =	vld [tilespmem:s22+$0x0]  }
0x1c6: {  	s24 =	sor.u32 $0xC00, s12;
	v53 =	vld [tilespmem:s23+$0x0]  }
0x1c7: {  	s25 =	sor.u32 $0xC10, s12;
	v54 =	vld [tilespmem:s24+$0x0]  }
0x1c8: {  	s26 =	sor.u32 $0xC20, s12;
	v55 =	vld [tilespmem:s25+$0x0]  }
0x1c9: {  	s28 =	sor.u32 $0xC30, s12;
	v56 =	vld [tilespmem:s26+$0x0]  }
0x1ca: {  	s29 =	sor.u32 $0xC40, s12;
	v57 =	vld [tilespmem:s28+$0x0]  }
0x1cb: {  	s30 =	sor.u32 $0xC50, s12;
	v58 =	vld [tilespmem:s29+$0x0]  }
0x1cc: {  	s31 =	sor.u32 $0xC60, s12;
	v59 =	vld [tilespmem:s30+$0x0]  }
0x1cd: {  	s13 =	sor.u32 $0xC70, s12;
	v60 =	vld [tilespmem:s31+$0x0]  }
0x1ce: {  	v61 =	vld [tilespmem:s13+$0x0];
	v0 =	vmax.f32 v0, v62  }
0x1cf: {  	v62 =	vmax.f32 v63, v33;
	v63 =	vmax.f32 v34, v35;
	v32 =	vmax.f32 v36, v37  }
0x1d0: {  	v33 =	vmax.f32 v38, v39;
	v34 =	vmax.f32 v40, v41;
	v35 =	vmax.f32 v42, v43  }
0x1d1: {  	v36 =	vmax.f32 v44, v45;
	v37 =	vmax.f32 v46, v47;
	v38 =	vmax.f32 v48, v49  }
0x1d2: {  	v39 =	vmax.f32 v50, v51;
	v40 =	vmax.f32 v52, v53;
	v41 =	vmax.f32 v54, v55  }
0x1d3: {  	v42 =	vmax.f32 v56, v57;
	v43 =	vmax.f32 v58, v59;
	v44 =	vmax.f32 v60, v61  }
0x1d4: {  	v0 =	vmax.f32 v0, v62;
	v45 =	vmax.f32 v63, v32;
	v46 =	vmax.f32 v33, v34  }
0x1d5: {  	v47 =	vmax.f32 v35, v36;
	v48 =	vmax.f32 v37, v38;
	v49 =	vmax.f32 v39, v40  }
0x1d6: {  	v50 =	vmax.f32 v41, v42;
	v51 =	vmax.f32 v43, v44;
	v0 =	vmax.f32 v0, v45  }
0x1d7: {  	v52 =	vmax.f32 v46, v47;
	v53 =	vmax.f32 v48, v49;
	v54 =	vmax.f32 v50, v51  }
0x1d8: {  	s14 =	sadd.s32 $0xFFFFFF80, s5;
	v0 =	vmax.f32 v0, v52;
	v55 =	vmax.f32 v53, v54  }
0x1d9: {  	s11 =	sand.u32 $0x300, s14;
	v0 =	vmax.f32 v0, v55  }
0x1da: {  	s11 =	sor.u32 s11, s8;
	[tilespmem:s9+$0x10080] =	vst v0  }
0x1db: {  	v0 =	vld [tilespmem:s11+$0x0]  }
0x1dc: {  	v56 =	vld [tilespmem:s11+$0x10]  }
0x1dd: {  	v57 =	vld [tilespmem:s11+$0x20]  }
0x1de: {  	v58 =	vld [tilespmem:s11+$0x30]  }
0x1df: {  	v59 =	vld [tilespmem:s11+$0x40]  }
0x1e0: {  	v60 =	vld [tilespmem:s11+$0x50]  }
0x1e1: {  	v61 =	vld [tilespmem:s11+$0x60]  }
0x1e2: {  	v62 =	vld [tilespmem:s11+$0x70]  }
0x1e3: {  	v63 =	vld [tilespmem:s11+$0x400]  }
0x1e4: {  	v33 =	vld [tilespmem:s11+$0x410]  }
0x1e5: {  	v34 =	vld [tilespmem:s11+$0x420]  }
0x1e6: {  	s15 =	sand.u32 $0x3, s3;
	v35 =	vld [tilespmem:s11+$0x430]  }
0x1e7: {  	s12 =	sshll.u32 s15, $0x8;
	v36 =	vld [tilespmem:s11+$0x440]  }
0x1e8: {  	s12 =	sadd.s32 s7, s12;
	v37 =	vld [tilespmem:s11+$0x450]  }
0x1e9: {  	s12 =	sadd.s32 $0x100, s12;
	v38 =	vld [tilespmem:s11+$0x460]  }
0x1ea: {  	s16 =	sor.u32 $0x800, s12;
	v39 =	vld [tilespmem:s11+$0x470]  }
0x1eb: {  	s17 =	sor.u32 $0x810, s12;
	v40 =	vld [tilespmem:s16+$0x0]  }
0x1ec: {  	s18 =	sor.u32 $0x820, s12;
	v41 =	vld [tilespmem:s17+$0x0]  }
0x1ed: {  	s19 =	sor.u32 $0x830, s12;
	v42 =	vld [tilespmem:s18+$0x0]  }
0x1ee: {  	s20 =	sor.u32 $0x840, s12;
	v43 =	vld [tilespmem:s19+$0x0]  }
0x1ef: {  	s21 =	sor.u32 $0x850, s12;
	v44 =	vld [tilespmem:s20+$0x0]  }
0x1f0: {  	s22 =	sor.u32 $0x860, s12;
	v45 =	vld [tilespmem:s21+$0x0]  }
0x1f1: {  	s23 =	sor.u32 $0x870, s12;
	v46 =	vld [tilespmem:s22+$0x0]  }
0x1f2: {  	s24 =	sor.u32 $0xC00, s12;
	v47 =	vld [tilespmem:s23+$0x0]  }
0x1f3: {  	s25 =	sor.u32 $0xC10, s12;
	v48 =	vld [tilespmem:s24+$0x0]  }
0x1f4: {  	s26 =	sor.u32 $0xC20, s12;
	v49 =	vld [tilespmem:s25+$0x0]  }
0x1f5: {  	s28 =	sor.u32 $0xC30, s12;
	v50 =	vld [tilespmem:s26+$0x0]  }
0x1f6: {  	s29 =	sor.u32 $0xC40, s12;
	v51 =	vld [tilespmem:s28+$0x0]  }
0x1f7: {  	s30 =	sor.u32 $0xC50, s12;
	v52 =	vld [tilespmem:s29+$0x0]  }
0x1f8: {  	s31 =	sor.u32 $0xC60, s12;
	v53 =	vld [tilespmem:s30+$0x0]  }
0x1f9: {  	s13 =	sor.u32 $0xC70, s12;
	v54 =	vld [tilespmem:s31+$0x0]  }
0x1fa: {  	v55 =	vld [tilespmem:s13+$0x0];
	v0 =	vmax.f32 v0, v56  }
0x1fb: {  	v56 =	vmax.f32 v57, v58;
	v57 =	vmax.f32 v59, v60;
	v58 =	vmax.f32 v61, v62  }
0x1fc: {  	v59 =	vmax.f32 v63, v33;
	v60 =	vmax.f32 v34, v35;
	v61 =	vmax.f32 v36, v37  }
0x1fd: {  	v62 =	vmax.f32 v38, v39;
	v63 =	vmax.f32 v40, v41;
	v19 =	vmax.f32 v42, v43  }
0x1fe: {  	v21 =	vmax.f32 v44, v45;
	v22 =	vmax.f32 v46, v47;
	v23 =	vmax.f32 v48, v49  }
0x1ff: {  	v24 =	vmax.f32 v50, v51;
	v25 =	vmax.f32 v52, v53;
	v26 =	vmax.f32 v54, v55  }
0x200: {  	v0 =	vmax.f32 v0, v56;
	v27 =	vmax.f32 v57, v58;
	v28 =	vmax.f32 v59, v60  }
0x201: {  	v29 =	vmax.f32 v61, v62;
	v30 =	vmax.f32 v63, v19;
	v31 =	vmax.f32 v21, v22  }
0x202: {  	v32 =	vmax.f32 v23, v24;
	v33 =	vmax.f32 v25, v26;
	v0 =	vmax.f32 v0, v27  }
0x203: {  	v34 =	vmax.f32 v28, v29;
	v35 =	vmax.f32 v30, v31;
	v36 =	vmax.f32 v32, v33  }
0x204: {  	v0 =	vmax.f32 v0, v34;
	v37 =	vmax.f32 v35, v36  }
0x205: {  	s14 =	sand.u32 $0x380, s5;
	v0 =	vmax.f32 v0, v37  }
0x206: {  	s8 =	sor.u32 s14, s8;
	[tilespmem:s9+$0x10100] =	vst v0  }
0x207: {  	v0 =	vld [tilespmem:s8+$0x0]  }
0x208: {  	v38 =	vld [tilespmem:s8+$0x10]  }
0x209: {  	v39 =	vld [tilespmem:s8+$0x20]  }
0x20a: {  	v40 =	vld [tilespmem:s8+$0x30]  }
0x20b: {  	v41 =	vld [tilespmem:s8+$0x40]  }
0x20c: {  	v42 =	vld [tilespmem:s8+$0x50]  }
0x20d: {  	v43 =	vld [tilespmem:s8+$0x60]  }
0x20e: {  	v44 =	vld [tilespmem:s8+$0x70]  }
0x20f: {  	v45 =	vld [tilespmem:s8+$0x400]  }
0x210: {  	v46 =	vld [tilespmem:s8+$0x410]  }
0x211: {  	v47 =	vld [tilespmem:s8+$0x420]  }
0x212: {  	v48 =	vld [tilespmem:s8+$0x430]  }
0x213: {  	v49 =	vld [tilespmem:s8+$0x440]  }
0x214: {  	v50 =	vld [tilespmem:s8+$0x450]  }
0x215: {  	s10 =	sadd.s32 $0x180, s10;
	v51 =	vld [tilespmem:s8+$0x460]  }
0x216: {  	s15 =	sor.u32 $0x800, s10;
	v52 =	vld [tilespmem:s8+$0x470]  }
0x217: {  	s16 =	sor.u32 $0x810, s10;
	v53 =	vld [tilespmem:s15+$0x0]  }
0x218: {  	s17 =	sor.u32 $0x820, s10;
	v54 =	vld [tilespmem:s16+$0x0]  }
0x219: {  	s18 =	sor.u32 $0x830, s10;
	v55 =	vld [tilespmem:s17+$0x0]  }
0x21a: {  	s19 =	sor.u32 $0x840, s10;
	v56 =	vld [tilespmem:s18+$0x0]  }
0x21b: {  	s20 =	sor.u32 $0x850, s10;
	v57 =	vld [tilespmem:s19+$0x0]  }
0x21c: {  	s21 =	sor.u32 $0x860, s10;
	v58 =	vld [tilespmem:s20+$0x0]  }
0x21d: {  	s22 =	sor.u32 $0x870, s10;
	v59 =	vld [tilespmem:s21+$0x0]  }
0x21e: {  	s23 =	sor.u32 $0xC00, s10;
	v60 =	vld [tilespmem:s22+$0x0]  }
0x21f: {  	s24 =	sor.u32 $0xC10, s10;
	v61 =	vld [tilespmem:s23+$0x0]  }
0x220: {  	s25 =	sor.u32 $0xC20, s10;
	v62 =	vld [tilespmem:s24+$0x0]  }
0x221: {  	s26 =	sor.u32 $0xC30, s10;
	v63 =	vld [tilespmem:s25+$0x0]  }
0x222: {  	s28 =	sor.u32 $0xC40, s10;
	v33 =	vld [tilespmem:s26+$0x0]  }
0x223: {  	s29 =	sor.u32 $0xC50, s10;
	v34 =	vld [tilespmem:s28+$0x0]  }
0x224: {  	s30 =	sor.u32 $0xC60, s10;
	v35 =	vld [tilespmem:s29+$0x0]  }
0x225: {  	s31 =	sor.u32 $0xC70, s10;
	v36 =	vld [tilespmem:s30+$0x0]  }
0x226: {  	v37 =	vld [tilespmem:s31+$0x0];
	v0 =	vmax.f32 v0, v38  }
0x227: {  	v38 =	vmax.f32 v39, v40;
	v39 =	vmax.f32 v41, v42;
	v40 =	vmax.f32 v43, v44  }
0x228: {  	v41 =	vmax.f32 v45, v46;
	v42 =	vmax.f32 v47, v48;
	v43 =	vmax.f32 v49, v50  }
0x229: {  	v44 =	vmax.f32 v51, v52;
	v45 =	vmax.f32 v53, v54;
	v46 =	vmax.f32 v55, v56  }
0x22a: {  	v47 =	vmax.f32 v57, v58;
	v48 =	vmax.f32 v59, v60;
	v49 =	vmax.f32 v61, v62  }
0x22b: {  	v50 =	vmax.f32 v63, v33;
	v51 =	vmax.f32 v34, v35;
	v52 =	vmax.f32 v36, v37  }
0x22c: {  	s4 =	sadd.s32 $0x4, s4;
	v0 =	vmax.f32 v0, v38;
	v53 =	vmax.f32 v39, v40;
	v54 =	vmax.f32 v41, v42  }
0x22d: {  	p1 =	slt.u32 s4, $0x3C;
	v55 =	vmax.f32 v43, v44;
	v56 =	vmax.f32 v45, v46;
	v57 =	vmax.f32 v47, v48  }
.Ltmp2:
0x22e: {  	v58 =	vmax.f32 v49, v50;
	v59 =	vmax.f32 v51, v52;
	v0 =	vmax.f32 v0, v53;
	(pc) =	sbr.rel @p1 .LBB2_5-.Ltmp2, $4  }
0x22f: {  	v60 =	vmax.f32 v54, v55;
	v61 =	vmax.f32 v56, v57;
	v62 =	vmax.f32 v58, v59  }
0x230: {  	v0 =	vmax.f32 v0, v60;
	v63 =	vmax.f32 v61, v62  }
0x231: {  	s6 =	sadd.s32 $0x4, s6;
	p0 =	por !p0, !p0;
	v0 =	vmax.f32 v0, v63  }
0x232: {  	s3 =	sadd.s32 $0x2, s3;
	s7 =	sadd.s32 $0x800, s7;
	s5 =	sadd.s32 $0x200, s5;
	[tilespmem:s9+$0x10180] =	vst v0  }
0x233: {  	s4 =	sadd.s32 $0x800, s2  }
0x234: {  	s3 =	simm.s32 $0x0;
	s5 =	simm.s32 $0x10000;
	s30 =	simm.s32 $0x3  }
0x235: {  	[hbm4b:s4+s3] =	stream.linear.scatter [tilespmem:s5], [sflag:$0x3], $0x2000, $0x38;
	[tilespmem:$0x12000] =	vst v63  }
0x236: {  	_ =	swait.ge [sflag:s30], $0x2000  }
0x237: {  	[sflag:s30] =	ssyncset.done $0x0  }
0x238: {  	s31 =	simm.s32 $0x2;
	p0 =	por $0x0, $0x0;
	[sflag:s30] =	ssyncadd.s32 $0xFFFFE000  }
0x239: {  	s6 =	simm.s32 $0x1;
	s7 =	simm.s32 $0x0;
	_ =	swait.ge [sflag:s31], $0x8000  }
0x23a: {  	s4 =	simm.s32 $0xFFFFFFFC;
	s5 =	simm.s32 $0x180;
	[sflag:s31] =	ssyncset.done $0x0  }
0x23b: {  	[dreg:$0x4] =	wrdreg s6;
	s6 =	simm.s32 $0x0;
	[sflag:s31] =	ssyncadd.s32 $0xFFFF8000  }
.LBB2_7:
0x23c: {  	s9 =	sadd.s32 $0xFFFFFE80, s5  }
0x23d: {  	s8 =	sand.u32 $0x7000, s7;
	s9 =	sand.u32 $0x200, s9  }
0x23e: {  	s9 =	sor.u32 s9, s8  }
0x23f: {  	v0 =	vld [tilespmem:s9+$0x8000]  }
0x240: {  	v1 =	vld [tilespmem:s9+$0x8010]  }
0x241: {  	v2 =	vld [tilespmem:s9+$0x8020]  }
0x242: {  	v3 =	vld [tilespmem:s9+$0x8030]  }
0x243: {  	v4 =	vld [tilespmem:s9+$0x8040]  }
0x244: {  	v5 =	vld [tilespmem:s9+$0x8050]  }
0x245: {  	v6 =	vld [tilespmem:s9+$0x8060]  }
0x246: {  	v7 =	vld [tilespmem:s9+$0x8070]  }
0x247: {  	v8 =	vld [tilespmem:s9+$0x8400]  }
0x248: {  	v9 =	vld [tilespmem:s9+$0x8410]  }
0x249: {  	v10 =	vld [tilespmem:s9+$0x8420]  }
0x24a: {  	s10 =	rddreg [dreg:$0x4];
	v11 =	vld [tilespmem:s9+$0x8430]  }
0x24b: {  	s10 =	simm.s32 @!p0 $0x0;
	v12 =	vld [tilespmem:s9+$0x8440]  }
0x24c: {  	s10 =	sshll.u32 s10, $0x9;
	v13 =	vld [tilespmem:s9+$0x8450]  }
0x24d: {  	v14 =	vld [tilespmem:s9+$0x8460];
	s10 =	sadd.s32 s10, s7  }
0x24e: {  	v15 =	vld [tilespmem:s9+$0x8470];
	s17 =	sor.u32 $0x8800, s10  }
0x24f: {  	v16 =	vld [tilespmem:s17+$0x0]  }
0x250: {  	v17 =	vld [tilespmem:s17+$0x10]  }
0x251: {  	v18 =	vld [tilespmem:s17+$0x20]  }
0x252: {  	v19 =	vld [tilespmem:s17+$0x30]  }
0x253: {  	v20 =	vld [tilespmem:s17+$0x40]  }
0x254: {  	v21 =	vld [tilespmem:s17+$0x50]  }
0x255: {  	v22 =	vld [tilespmem:s17+$0x60]  }
0x256: {  	s18 =	sor.u32 $0x8C00, s10;
	v23 =	vld [tilespmem:s17+$0x70]  }
0x257: {  	v24 =	vld [tilespmem:s18+$0x0]  }
0x258: {  	v25 =	vld [tilespmem:s18+$0x10]  }
0x259: {  	v26 =	vld [tilespmem:s18+$0x20]  }
0x25a: {  	v27 =	vld [tilespmem:s18+$0x30]  }
0x25b: {  	v28 =	vld [tilespmem:s18+$0x40]  }
0x25c: {  	v29 =	vld [tilespmem:s18+$0x50];
	v0 =	vmax.f32 v0, v1  }
0x25d: {  	v30 =	vld [tilespmem:s18+$0x60];
	v36 =	vmax.f32 v2, v3;
	v37 =	vmax.f32 v4, v5;
	v38 =	vmax.f32 v6, v7  }
0x25e: {  	v31 =	vld [tilespmem:s18+$0x70];
	v39 =	vmax.f32 v8, v9;
	v40 =	vmax.f32 v10, v11;
	v41 =	vmax.f32 v12, v13  }
0x25f: {  	v42 =	vmax.f32 v14, v15;
	v0 =	vmax.f32 v0, v36;
	v51 =	vmax.f32 v37, v38  }
0x260: {  	v52 =	vmax.f32 v39, v40;
	v53 =	vmax.f32 v41, v42;
	v43 =	vmax.f32 v16, v17  }
0x261: {  	v44 =	vmax.f32 v18, v19;
	v45 =	vmax.f32 v20, v21;
	v46 =	vmax.f32 v22, v23  }
0x262: {  	v47 =	vmax.f32 v24, v25;
	v48 =	vmax.f32 v26, v27;
	v49 =	vmax.f32 v28, v29  }
0x263: {  	v50 =	vmax.f32 v30, v31;
	v0 =	vmax.f32 v0, v51;
	v54 =	vmax.f32 v43, v44  }
0x264: {  	v55 =	vmax.f32 v45, v46;
	v56 =	vmax.f32 v47, v48;
	v57 =	vmax.f32 v49, v50  }
0x265: {  	v58 =	vmax.f32 v52, v53;
	v59 =	vmax.f32 v54, v55;
	v60 =	vmax.f32 v56, v57  }
0x266: {  	s19 =	sadd.s32 $0xFFFFFF00, s5;
	v0 =	vmax.f32 v0, v58;
	v61 =	vmax.f32 v59, v60  }
0x267: {  	s20 =	sshra.s32 s7, $0x2;
	s10 =	sand.u32 $0x280, s19;
	v0 =	vmax.f32 v0, v61  }
0x268: {  	s11 =	sor.u32 s8, s10;
	[tilespmem:s20+$0x10000] =	vst v0  }
0x269: {  	v0 =	vld [tilespmem:s11+$0x8000]  }
0x26a: {  	v62 =	vld [tilespmem:s11+$0x8010]  }
0x26b: {  	v63 =	vld [tilespmem:s11+$0x8020]  }
0x26c: {  	v33 =	vld [tilespmem:s11+$0x8030]  }
0x26d: {  	v34 =	vld [tilespmem:s11+$0x8040]  }
0x26e: {  	v35 =	vld [tilespmem:s11+$0x8050]  }
0x26f: {  	v36 =	vld [tilespmem:s11+$0x8060]  }
0x270: {  	v37 =	vld [tilespmem:s11+$0x8070]  }
0x271: {  	v38 =	vld [tilespmem:s11+$0x8400]  }
0x272: {  	v39 =	vld [tilespmem:s11+$0x8410]  }
0x273: {  	v40 =	vld [tilespmem:s11+$0x8420]  }
0x274: {  	s21 =	sand.u32 $0x7, s6;
	v41 =	vld [tilespmem:s11+$0x8430]  }
0x275: {  	s10 =	sshll.u32 s21, $0x7;
	v42 =	vld [tilespmem:s11+$0x8440]  }
0x276: {  	s10 =	sadd.s32 s7, s10;
	v43 =	vld [tilespmem:s11+$0x8450]  }
0x277: {  	s12 =	sadd.s32 $0x80, s10;
	v44 =	vld [tilespmem:s11+$0x8460]  }
0x278: {  	s22 =	sor.u32 $0x8800, s12;
	v45 =	vld [tilespmem:s11+$0x8470]  }
0x279: {  	v46 =	vld [tilespmem:s22+$0x0]  }
0x27a: {  	v47 =	vld [tilespmem:s22+$0x10]  }
0x27b: {  	v48 =	vld [tilespmem:s22+$0x20]  }
0x27c: {  	v49 =	vld [tilespmem:s22+$0x30]  }
0x27d: {  	v50 =	vld [tilespmem:s22+$0x40]  }
0x27e: {  	v51 =	vld [tilespmem:s22+$0x50]  }
0x27f: {  	v52 =	vld [tilespmem:s22+$0x60]  }
0x280: {  	s23 =	sor.u32 $0x8C00, s12;
	v53 =	vld [tilespmem:s22+$0x70]  }
0x281: {  	v54 =	vld [tilespmem:s23+$0x0]  }
0x282: {  	v55 =	vld [tilespmem:s23+$0x10]  }
0x283: {  	v56 =	vld [tilespmem:s23+$0x20]  }
0x284: {  	v57 =	vld [tilespmem:s23+$0x30]  }
0x285: {  	v58 =	vld [tilespmem:s23+$0x40]  }
0x286: {  	v59 =	vld [tilespmem:s23+$0x50]  }
0x287: {  	v60 =	vld [tilespmem:s23+$0x60]  }
0x288: {  	v61 =	vld [tilespmem:s23+$0x70];
	v0 =	vmax.f32 v0, v62  }
0x289: {  	v62 =	vmax.f32 v63, v33;
	v63 =	vmax.f32 v34, v35;
	v32 =	vmax.f32 v36, v37  }
0x28a: {  	v33 =	vmax.f32 v38, v39;
	v34 =	vmax.f32 v40, v41;
	v35 =	vmax.f32 v42, v43  }
0x28b: {  	v36 =	vmax.f32 v44, v45;
	v37 =	vmax.f32 v46, v47;
	v38 =	vmax.f32 v48, v49  }
0x28c: {  	v39 =	vmax.f32 v50, v51;
	v40 =	vmax.f32 v52, v53;
	v41 =	vmax.f32 v54, v55  }
0x28d: {  	v42 =	vmax.f32 v56, v57;
	v43 =	vmax.f32 v58, v59;
	v44 =	vmax.f32 v60, v61  }
0x28e: {  	v0 =	vmax.f32 v0, v62;
	v45 =	vmax.f32 v63, v32;
	v46 =	vmax.f32 v33, v34  }
0x28f: {  	v47 =	vmax.f32 v35, v36;
	v48 =	vmax.f32 v37, v38;
	v49 =	vmax.f32 v39, v40  }
0x290: {  	v50 =	vmax.f32 v41, v42;
	v51 =	vmax.f32 v43, v44;
	v0 =	vmax.f32 v0, v45  }
0x291: {  	v52 =	vmax.f32 v46, v47;
	v53 =	vmax.f32 v48, v49;
	v54 =	vmax.f32 v50, v51  }
0x292: {  	s24 =	sadd.s32 $0xFFFFFF80, s5;
	v0 =	vmax.f32 v0, v52;
	v55 =	vmax.f32 v53, v54  }
0x293: {  	s11 =	sand.u32 $0x300, s24;
	v0 =	vmax.f32 v0, v55  }
0x294: {  	s11 =	sor.u32 s8, s11;
	[tilespmem:s20+$0x10080] =	vst v0  }
0x295: {  	v0 =	vld [tilespmem:s11+$0x8000]  }
0x296: {  	v56 =	vld [tilespmem:s11+$0x8010]  }
0x297: {  	v57 =	vld [tilespmem:s11+$0x8020]  }
0x298: {  	v58 =	vld [tilespmem:s11+$0x8030]  }
0x299: {  	v59 =	vld [tilespmem:s11+$0x8040]  }
0x29a: {  	v60 =	vld [tilespmem:s11+$0x8050]  }
0x29b: {  	v61 =	vld [tilespmem:s11+$0x8060]  }
0x29c: {  	v62 =	vld [tilespmem:s11+$0x8070]  }
0x29d: {  	v63 =	vld [tilespmem:s11+$0x8400]  }
0x29e: {  	v33 =	vld [tilespmem:s11+$0x8410]  }
0x29f: {  	v34 =	vld [tilespmem:s11+$0x8420]  }
0x2a0: {  	s25 =	sand.u32 $0x3, s3;
	v35 =	vld [tilespmem:s11+$0x8430]  }
0x2a1: {  	s12 =	sshll.u32 s25, $0x8;
	v36 =	vld [tilespmem:s11+$0x8440]  }
0x2a2: {  	s12 =	sadd.s32 s7, s12;
	v37 =	vld [tilespmem:s11+$0x8450]  }
0x2a3: {  	s12 =	sadd.s32 $0x100, s12;
	v38 =	vld [tilespmem:s11+$0x8460]  }
0x2a4: {  	s26 =	sor.u32 $0x8800, s12;
	v39 =	vld [tilespmem:s11+$0x8470]  }
0x2a5: {  	v40 =	vld [tilespmem:s26+$0x0]  }
0x2a6: {  	v41 =	vld [tilespmem:s26+$0x10]  }
0x2a7: {  	v42 =	vld [tilespmem:s26+$0x20]  }
0x2a8: {  	v43 =	vld [tilespmem:s26+$0x30]  }
0x2a9: {  	v44 =	vld [tilespmem:s26+$0x40]  }
0x2aa: {  	v45 =	vld [tilespmem:s26+$0x50]  }
0x2ab: {  	v46 =	vld [tilespmem:s26+$0x60]  }
0x2ac: {  	s28 =	sor.u32 $0x8C00, s12;
	v47 =	vld [tilespmem:s26+$0x70]  }
0x2ad: {  	v48 =	vld [tilespmem:s28+$0x0]  }
0x2ae: {  	v49 =	vld [tilespmem:s28+$0x10]  }
0x2af: {  	v50 =	vld [tilespmem:s28+$0x20]  }
0x2b0: {  	v51 =	vld [tilespmem:s28+$0x30]  }
0x2b1: {  	v52 =	vld [tilespmem:s28+$0x40]  }
0x2b2: {  	v53 =	vld [tilespmem:s28+$0x50]  }
0x2b3: {  	v54 =	vld [tilespmem:s28+$0x60]  }
0x2b4: {  	v55 =	vld [tilespmem:s28+$0x70];
	v0 =	vmax.f32 v0, v56  }
0x2b5: {  	v56 =	vmax.f32 v57, v58;
	v57 =	vmax.f32 v59, v60;
	v58 =	vmax.f32 v61, v62  }
0x2b6: {  	v59 =	vmax.f32 v63, v33;
	v60 =	vmax.f32 v34, v35;
	v61 =	vmax.f32 v36, v37  }
0x2b7: {  	v62 =	vmax.f32 v38, v39;
	v63 =	vmax.f32 v40, v41;
	v19 =	vmax.f32 v42, v43  }
0x2b8: {  	v21 =	vmax.f32 v44, v45;
	v22 =	vmax.f32 v46, v47;
	v23 =	vmax.f32 v48, v49  }
0x2b9: {  	v24 =	vmax.f32 v50, v51;
	v25 =	vmax.f32 v52, v53;
	v26 =	vmax.f32 v54, v55  }
0x2ba: {  	v0 =	vmax.f32 v0, v56;
	v27 =	vmax.f32 v57, v58;
	v28 =	vmax.f32 v59, v60  }
0x2bb: {  	v29 =	vmax.f32 v61, v62;
	v30 =	vmax.f32 v63, v19;
	v31 =	vmax.f32 v21, v22  }
0x2bc: {  	v32 =	vmax.f32 v23, v24;
	v33 =	vmax.f32 v25, v26;
	v0 =	vmax.f32 v0, v27  }
0x2bd: {  	v34 =	vmax.f32 v28, v29;
	v35 =	vmax.f32 v30, v31;
	v36 =	vmax.f32 v32, v33  }
0x2be: {  	v0 =	vmax.f32 v0, v34;
	v37 =	vmax.f32 v35, v36  }
0x2bf: {  	s29 =	sand.u32 $0x380, s5;
	v0 =	vmax.f32 v0, v37  }
0x2c0: {  	s8 =	sor.u32 s8, s29;
	[tilespmem:s20+$0x10100] =	vst v0  }
0x2c1: {  	v0 =	vld [tilespmem:s8+$0x8000]  }
0x2c2: {  	v38 =	vld [tilespmem:s8+$0x8010]  }
0x2c3: {  	v39 =	vld [tilespmem:s8+$0x8020]  }
0x2c4: {  	v40 =	vld [tilespmem:s8+$0x8030]  }
0x2c5: {  	v41 =	vld [tilespmem:s8+$0x8040]  }
0x2c6: {  	v42 =	vld [tilespmem:s8+$0x8050]  }
0x2c7: {  	v43 =	vld [tilespmem:s8+$0x8060]  }
0x2c8: {  	v44 =	vld [tilespmem:s8+$0x8070]  }
0x2c9: {  	v45 =	vld [tilespmem:s8+$0x8400]  }
0x2ca: {  	v46 =	vld [tilespmem:s8+$0x8410]  }
0x2cb: {  	v47 =	vld [tilespmem:s8+$0x8420]  }
0x2cc: {  	v48 =	vld [tilespmem:s8+$0x8430]  }
0x2cd: {  	v49 =	vld [tilespmem:s8+$0x8440]  }
0x2ce: {  	v50 =	vld [tilespmem:s8+$0x8450]  }
0x2cf: {  	s10 =	sadd.s32 $0x180, s10;
	v51 =	vld [tilespmem:s8+$0x8460]  }
0x2d0: {  	s30 =	sor.u32 $0x8800, s10;
	v52 =	vld [tilespmem:s8+$0x8470]  }
0x2d1: {  	v53 =	vld [tilespmem:s30+$0x0]  }
0x2d2: {  	v54 =	vld [tilespmem:s30+$0x10]  }
0x2d3: {  	v55 =	vld [tilespmem:s30+$0x20]  }
0x2d4: {  	v56 =	vld [tilespmem:s30+$0x30]  }
0x2d5: {  	v57 =	vld [tilespmem:s30+$0x40]  }
0x2d6: {  	v58 =	vld [tilespmem:s30+$0x50]  }
0x2d7: {  	v59 =	vld [tilespmem:s30+$0x60]  }
0x2d8: {  	s31 =	sor.u32 $0x8C00, s10;
	v60 =	vld [tilespmem:s30+$0x70]  }
0x2d9: {  	v61 =	vld [tilespmem:s31+$0x0]  }
0x2da: {  	v62 =	vld [tilespmem:s31+$0x10]  }
0x2db: {  	v63 =	vld [tilespmem:s31+$0x20]  }
0x2dc: {  	v33 =	vld [tilespmem:s31+$0x30]  }
0x2dd: {  	v34 =	vld [tilespmem:s31+$0x40]  }
0x2de: {  	v35 =	vld [tilespmem:s31+$0x50]  }
0x2df: {  	v36 =	vld [tilespmem:s31+$0x60]  }
0x2e0: {  	v37 =	vld [tilespmem:s31+$0x70];
	v0 =	vmax.f32 v0, v38  }
0x2e1: {  	v38 =	vmax.f32 v39, v40;
	v39 =	vmax.f32 v41, v42;
	v40 =	vmax.f32 v43, v44  }
0x2e2: {  	v41 =	vmax.f32 v45, v46;
	v42 =	vmax.f32 v47, v48;
	v43 =	vmax.f32 v49, v50  }
0x2e3: {  	v44 =	vmax.f32 v51, v52;
	v45 =	vmax.f32 v53, v54;
	v46 =	vmax.f32 v55, v56  }
0x2e4: {  	v47 =	vmax.f32 v57, v58;
	v48 =	vmax.f32 v59, v60;
	v49 =	vmax.f32 v61, v62  }
0x2e5: {  	v50 =	vmax.f32 v63, v33;
	v51 =	vmax.f32 v34, v35;
	v52 =	vmax.f32 v36, v37  }
0x2e6: {  	s4 =	sadd.s32 $0x4, s4;
	v0 =	vmax.f32 v0, v38;
	v53 =	vmax.f32 v39, v40;
	v54 =	vmax.f32 v41, v42  }
0x2e7: {  	p1 =	slt.u32 s4, $0x3C;
	v55 =	vmax.f32 v43, v44;
	v56 =	vmax.f32 v45, v46;
	v57 =	vmax.f32 v47, v48  }
.Ltmp3:
0x2e8: {  	v58 =	vmax.f32 v49, v50;
	v59 =	vmax.f32 v51, v52;
	v0 =	vmax.f32 v0, v53;
	(pc) =	sbr.rel @p1 .LBB2_7-.Ltmp3, $4  }
0x2e9: {  	v60 =	vmax.f32 v54, v55;
	v61 =	vmax.f32 v56, v57;
	v62 =	vmax.f32 v58, v59  }
0x2ea: {  	v0 =	vmax.f32 v0, v60;
	v63 =	vmax.f32 v61, v62  }
0x2eb: {  	s5 =	sadd.s32 $0x200, s5;
	s6 =	sadd.s32 $0x4, s6;
	v0 =	vmax.f32 v0, v63  }
0x2ec: {  	s3 =	sadd.s32 $0x2, s3;
	p0 =	por !p0, !p0;
	s7 =	sadd.s32 $0x800, s7;
	[tilespmem:s20+$0x10180] =	vst v0  }
0x2ed: {  	s2 =	sadd.s32 $0xC00, s2  }
0x2ee: {  	s3 =	simm.s32 $0x0;
	s4 =	simm.s32 $0x10000;
	s31 =	simm.s32 $0x3  }
0x2ef: {  	[hbm4b:s2+s3] =	stream.linear.scatter [tilespmem:s4], [sflag:$0x3], $0x2000, $0x38;
	[tilespmem:$0x12000] =	vst v63  }
0x2f0: {  	_ =	swait.ge [sflag:s31], $0x2000  }
0x2f1: {  	[sflag:s31] =	ssyncset.done $0x0  }
0x2f2: {  	[sflag:s31] =	ssyncadd.s32 $0xFFFFE000  }
0x2f3: {  	_ =	sfence.sel $0x180000  }
0x2f4: {  	[bflag:$0x0] =	sbarrier.arrive $0xFFFF  }
0x2f5: {  	p0 =	sne.s32 s1, $0x0;
	_ =	strace $0x90000047  }
0x2f6: {  	s0 =	sadd.s32 @!p0 $0x100000, s0;
	[bflag:$0x2] =	sbarrier.arrive $0xFFFF  }
0x2f7: {  	[sflag:s0] =	ssyncadd.tile.s32 @!p0 $0x1;
	_ =	shalt  }
.Lfunc_end2:
_tile_overlayer_lowered:
.L_overlay_start_2:
0x2f8: {  	(tag) =	ssettag $0x2  }
0x2f9: {  	s0 =	rddreg [dreg:$0x0];
	s2 =	stileid.u32  }
0x2fa: {  	s1 =	rddreg [dreg:$0x1];
	p0 =	sne.s32 s2, $0x0  }
0x2fb: {  	s3 =	rddreg [dreg:$0x2];
	[bflag:$0x3] =	sbarrier.arrive $0xFFFF;
	s2 =	simm.s32 @!p0 $0x1C03  }
0x2fc: {  	[timem:s3], [sflag:s2] =	dma.local @!p0 [hbm:s0], s1  }
0x2fd: {  	s0 =	simm.s32 @!p0 $0x3  }
0x2fe: {  	_ =	swait.ge @!p0 [sflag:s0], s1  }
0x2ff: {  	s1 =	ssub.s32 @!p0 $0x0, s1;
	[sflag:s0] =	ssyncset.done @!p0 $0x0  }
0x300: {  	[sflag:s0] =	ssyncadd.s32 @!p0 s1  }
0x301: {  	[bflag:$0x3] =	sbarrier.arrive $0xFFFF  }
0x302: {  	_ =	shalt  }

</sc_bundles>
